<compile_context>
chip_gen: v7x
topology: tpu7x:2x2x1
jax: 0.10.2.dev20260603
libtpu: 0.0.44.dev20260713+nightly
codegen_flags: <defaults>
</compile_context>

<pallas_src>
import jax
import jax.numpy as jnp
from jax import lax
from jax.experimental import pallas as pl
from jax.experimental.pallas import tpu as pltpu
from jax.experimental.pallas import tpu_sc as plsc

N_NODES = 10000
N_EDGES = 320000
D = 128
D_E = 16
D_AUG = 32

NC = 2
NS = 16
CHUNK = 80

STRIPE = 640
LAST_STRIPE = N_NODES - 15 * STRIPE


def _stripe_zero(zsrc, table, sid):
    zbase = sid * STRIPE
    for t in range(STRIPE // CHUNK):
        @pl.when(zbase + t * CHUNK < N_NODES)
        def _():
            pltpu.sync_copy(zsrc, table.at[pl.ds(zbase + t * CHUNK, CHUNK)])


def _stripe_out(table, out, cid, sid):
    zbase = sid * STRIPE

    @pl.when(sid < NS - 1)
    def _():
        pltpu.sync_copy(table.at[pl.ds(zbase, STRIPE)],
                        out.at[cid, pl.ds(zbase, STRIPE)])

    @pl.when(sid == NS - 1)
    def _():
        pltpu.sync_copy(table.at[pl.ds(15 * STRIPE, LAST_STRIPE)],
                        out.at[cid, pl.ds(15 * STRIPE, LAST_STRIPE)])



DH = D // NC
NCHUNK_ALL = N_EDGES // CHUNK
TCHUNK = 256
LAST_TCHUNK = NCHUNK_ALL - 15 * TCHUNK
GRP = 8


def _gather_body(nodes2_hbm, send2_hbm, recv2_hbm, out128,
                 sidxb, ridxb, rows0, rows1, gsem0, gsem1, ssem0, ssem1,
                 s128):
    cid = lax.axis_index("c")
    sid = lax.axis_index("s")
    tbase = sid * TCHUNK
    nchunk = jnp.where(sid < NS - 1, TCHUNK, LAST_TCHUNK)
    rows = (rows0, rows1)
    gsems = (gsem0, gsem1)
    ssems = (ssem0, ssem1)

    @pl.loop(0, CHUNK)
    def _z(i):
        for k in range(DH // 16):
            rows0[i, pl.ds(k * 16, 16)] = jnp.zeros((16,), jnp.float32)

    _stripe_zero(rows0, s128, sid)
    plsc.subcore_barrier()

    def i_group_load(j):
        pltpu.sync_copy(send2_hbm.at[pl.ds(tbase + j, GRP)], sidxb)
        pltpu.sync_copy(recv2_hbm.at[pl.ds(tbase + j, GRP)], ridxb)

    def g_desc(j, b):
        slot = lax.rem(j, GRP)
        return pltpu.make_async_copy(
            nodes2_hbm.at[cid].at[sidxb.at[slot]], rows[b], gsems[b])

    def s_desc(j, b):
        slot = lax.rem(j, GRP)
        return pltpu.make_async_copy(rows[b], s128.at[ridxb.at[slot]],
                                     ssems[b])

    def g_start(j, b):
        slot = lax.rem(j, GRP)
        pltpu.async_copy(nodes2_hbm.at[cid].at[sidxb.at[slot]], rows[b],
                         gsems[b])

    def s_start(j, b):
        slot = lax.rem(j, GRP)
        pltpu.async_copy(rows[b], s128.at[ridxb.at[slot]], ssems[b],
                         add=True)

    i_group_load(0)
    g_start(0, 0)
    g_start(1, 1)

    @pl.loop(0, nchunk, step=GRP)
    def _group(g0):
        for q in range(GRP // 2):
            c0 = g0 + 2 * q
            c1 = c0 + 1
            g_desc(c0, 0).wait()
            s_start(c0, 0)
            g_desc(c1, 1).wait()
            s_start(c1, 1)
            if q < GRP // 2 - 1:
                s_desc(c0, 0).wait()
                g_start(c0 + 2, 0)
                s_desc(c1, 1).wait()
                g_start(c1 + 2, 1)
            else:
                s_desc(c0, 0).wait()
                s_desc(c1, 1).wait()

                @pl.when(g0 + GRP < nchunk)
                def _():
                    i_group_load(g0 + GRP)
                    g_start(c0 + 2, 0)
                    g_start(c1 + 2, 1)

    plsc.subcore_barrier()
    _stripe_out(s128, out128, cid, sid)


_gather_call = pl.kernel(
    _gather_body,
    out_type=jax.ShapeDtypeStruct((NC, N_NODES, DH), jnp.float32),
    mesh=plsc.VectorSubcoreMesh(core_axis_name="c", subcore_axis_name="s"),
    scratch_types=[
        pltpu.VMEM((GRP, CHUNK), jnp.int32),
        pltpu.VMEM((GRP, CHUNK), jnp.int32),
        pltpu.VMEM((CHUNK, DH), jnp.float32),
        pltpu.VMEM((CHUNK, DH), jnp.float32),
        pltpu.SemaphoreType.DMA,
        pltpu.SemaphoreType.DMA,
        pltpu.SemaphoreType.DMA,
        pltpu.SemaphoreType.DMA,
        pltpu.VMEM_SHARED((N_NODES, DH), jnp.float32),
    ],
    compiler_params=pltpu.CompilerParams(use_tc_tiling_on_sc=False),
)



ECHUNK_C = NCHUNK_ALL // NC
ETCHUNK = 128
LAST_ETCHUNK = ECHUNK_C - 15 * ETCHUNK


def _edge_body(eattr_hbm, recv2_hbm, out16, outcnt,
               ridxb, eb0, eb1, ones_b, esem0, esem1, fsem0, fsem1,
               csem0, csem1, s16, scnt):
    cid = lax.axis_index("c")
    sid = lax.axis_index("s")
    tbase = cid * ECHUNK_C + sid * ETCHUNK
    nchunk = jnp.where(sid < NS - 1, ETCHUNK, LAST_ETCHUNK)
    ebs = (eb0, eb1)
    esems = (esem0, esem1)
    fsems = (fsem0, fsem1)
    csems = (csem0, csem1)

    @pl.loop(0, CHUNK)
    def _z(i):
        eb0[i, :] = jnp.zeros((16,), jnp.float32)
        ones_b[i, :] = jnp.full((16,), 1.0, jnp.float32)

    _stripe_zero(eb0, s16, sid)
    _stripe_zero(eb0, scnt, sid)
    plsc.subcore_barrier()

    def i_group_load(j):
        pltpu.sync_copy(recv2_hbm.at[pl.ds(tbase + j, GRP)], ridxb)

    def e_desc(j, b):
        return pltpu.make_async_copy(
            eattr_hbm.at[pl.ds((tbase + j) * CHUNK, CHUNK)], ebs[b],
            esems[b])

    def e_start(j, b):
        pltpu.async_copy(eattr_hbm.at[pl.ds((tbase + j) * CHUNK, CHUNK)],
                         ebs[b], esems[b])

    def s_start(j, b):
        slot = lax.rem(j, GRP)
        pltpu.async_copy(ebs[b], s16.at[ridxb.at[slot]], fsems[b], add=True)
        pltpu.async_copy(ones_b, scnt.at[ridxb.at[slot]], csems[b], add=True)

    def s_wait(j, b):
        slot = lax.rem(j, GRP)
        pltpu.make_async_copy(ebs[b], s16.at[ridxb.at[slot]],
                              fsems[b]).wait()
        pltpu.make_async_copy(ones_b, scnt.at[ridxb.at[slot]],
                              csems[b]).wait()

    i_group_load(0)
    e_start(0, 0)
    e_start(1, 1)

    @pl.loop(0, nchunk, step=GRP)
    def _group(g0):
        for q in range(GRP // 2):
            c0 = g0 + 2 * q
            c1 = c0 + 1
            e_desc(c0, 0).wait()
            s_start(c0, 0)
            e_desc(c1, 1).wait()
            s_start(c1, 1)
            if q < GRP // 2 - 1:
                s_wait(c0, 0)
                e_start(c0 + 2, 0)
                s_wait(c1, 1)
                e_start(c1 + 2, 1)
            else:
                s_wait(c0, 0)
                s_wait(c1, 1)

                @pl.when(g0 + GRP < nchunk)
                def _():
                    i_group_load(g0 + GRP)
                    e_start(c0 + 2, 0)
                    e_start(c1 + 2, 1)

    plsc.subcore_barrier()
    _stripe_out(s16, out16, cid, sid)
    _stripe_out(scnt, outcnt, cid, sid)


_edge_call = pl.kernel(
    _edge_body,
    out_type=(
        jax.ShapeDtypeStruct((NC, N_NODES, D_E), jnp.float32),
        jax.ShapeDtypeStruct((NC, N_NODES, D_E), jnp.float32),
    ),
    mesh=plsc.VectorSubcoreMesh(core_axis_name="c", subcore_axis_name="s"),
    scratch_types=[
        pltpu.VMEM((GRP, CHUNK), jnp.int32),
        pltpu.VMEM((CHUNK, D_E), jnp.float32),
        pltpu.VMEM((CHUNK, D_E), jnp.float32),
        pltpu.VMEM((CHUNK, D_E), jnp.float32),
        pltpu.SemaphoreType.DMA,
        pltpu.SemaphoreType.DMA,
        pltpu.SemaphoreType.DMA,
        pltpu.SemaphoreType.DMA,
        pltpu.SemaphoreType.DMA,
        pltpu.SemaphoreType.DMA,
        pltpu.VMEM_SHARED((N_NODES, D_E), jnp.float32),
        pltpu.VMEM_SHARED((N_NODES, D_E), jnp.float32),
    ],
    compiler_params=pltpu.CompilerParams(use_tc_tiling_on_sc=False),
)



ROWS_TC = 1000


def _tc_body(eps_ref, nodes_ref, recv_ref, aux_ref,
             wbig_ref, w1_ref, b1_ref, w2_ref, b2_ref, out_ref):
    r = jnp.dot(aux_ref[...], wbig_ref[...],
                preferred_element_type=jnp.float32)
    h0 = (1.0 + eps_ref[0, 0]) * nodes_ref[...] + r + recv_ref[...]
    h1 = jnp.dot(h0, w1_ref[...], preferred_element_type=jnp.float32) + b1_ref[...]
    h1 = jnp.maximum(h1, 0.0)
    out_ref[...] = (jnp.dot(h1, w2_ref[...], preferred_element_type=jnp.float32)
                    + b2_ref[...])


_tc_call = pl.pallas_call(
    _tc_body,
    out_shape=jax.ShapeDtypeStruct((N_NODES, D), jnp.float32),
    grid=(N_NODES // ROWS_TC,),
    in_specs=[
        pl.BlockSpec((1, 1), lambda i: (0, 0)),
        pl.BlockSpec((ROWS_TC, D), lambda i: (i, 0)),
        pl.BlockSpec((ROWS_TC, D), lambda i: (i, 0)),
        pl.BlockSpec((ROWS_TC, D_AUG), lambda i: (i, 0)),
        pl.BlockSpec((D_AUG, D), lambda i: (0, 0)),
        pl.BlockSpec((D, D), lambda i: (0, 0)),
        pl.BlockSpec((1, D), lambda i: (0, 0)),
        pl.BlockSpec((D, D), lambda i: (0, 0)),
        pl.BlockSpec((1, D), lambda i: (0, 0)),
    ],
    out_specs=pl.BlockSpec((ROWS_TC, D), lambda i: (i, 0)),
)


@jax.jit
def _impl(nodes, edge_attr, senders, receivers, W_e, b_e, epsilon, W1, b1, W2, b2):
    send = senders.astype(jnp.int32)
    recv = receivers.astype(jnp.int32)
    nodes2 = jnp.stack([nodes[:, :DH], nodes[:, DH:]])
    send2 = send.reshape(NCHUNK_ALL, CHUNK)
    recv2 = recv.reshape(NCHUNK_ALL, CHUNK)
    p128 = _gather_call(nodes2, send2, recv2)
    p16, pcnt = _edge_call(edge_attr, recv2)
    received = p128.transpose(1, 0, 2).reshape(N_NODES, D)
    aux = jnp.concatenate([p16[0] + p16[1], pcnt[0] + pcnt[1]], axis=1)
    wbig = jnp.concatenate(
        [W_e, b_e.reshape(1, D), jnp.zeros((D_AUG - D_E - 1, D), jnp.float32)],
        axis=0)
    return _tc_call(epsilon, nodes, received, aux,
                    wbig, W1, b1.reshape(1, D), W2, b2.reshape(1, D))


def kernel(nodes, edge_attr, senders, receivers, W_e, b_e, epsilon, W1, b1, W2, b2):
    return _impl(nodes, edge_attr, senders, receivers, W_e, b_e, epsilon,
                 W1, b1, W2, b2)

# --- scband reference (transcript-rebuilt; emitter-appended) ---
"""Pipeline reference for scband-gin-27530740367365 (READ-ONLY COPY).

The authoritative reference and input builder live on the scoring server;
editing this copy changes nothing except your own understanding.
"""

import jax, jax.numpy as jnp
import numpy as np

N_NODES = 10000
N_EDGES = 320000
D_FEAT = 128
D_EDGE = 16

def setup_inputs(seed: int = 0) -> dict:
    key = jax.random.key(seed)
    ks = jax.random.split(key, 12)
    nodes = jax.random.normal(ks[0], (N_NODES, D_FEAT), dtype=jnp.float32)
    edge_attr = jax.random.normal(ks[1], (N_EDGES, D_EDGE), dtype=jnp.float32)
    senders = jax.random.randint(ks[2], (N_EDGES,), 0, N_NODES)
    receivers = jax.random.randint(ks[3], (N_EDGES,), 0, N_NODES)
    # Learned parameters
    # W_e: Dense mapping edge features -> embed dim (matches sent_attributes last dim)
    W_e = jax.random.normal(ks[4], (D_EDGE, D_FEAT), dtype=jnp.float32) * (1.0 / np.sqrt(D_EDGE))
    b_e = jnp.zeros((D_FEAT,), dtype=jnp.float32)
    # epsilon param (init zeros, shape (1,1)) as in GIN
    epsilon = jnp.zeros((1, 1), dtype=jnp.float32)
    # 2-layer MLP: Dense(128) -> relu -> Dense(128)
    W1 = jax.random.normal(ks[5], (D_FEAT, 128), dtype=jnp.float32) * (1.0 / np.sqrt(D_FEAT))
    b1 = jnp.zeros((128,), dtype=jnp.float32)
    W2 = jax.random.normal(ks[6], (128, 128), dtype=jnp.float32) * (1.0 / np.sqrt(128))
    b2 = jnp.zeros((128,), dtype=jnp.float32)
    return {
        "nodes": nodes,
        "edge_attr": edge_attr,
        "senders": senders,
        "receivers": receivers,
        "W_e": W_e,
        "b_e": b_e,
        "epsilon": epsilon,
        "W1": W1,
        "b1": b1,
        "W2": W2,
        "b2": b2,
    }


def reference(nodes, edge_attr, senders, receivers, W_e, b_e, epsilon, W1, b1, W2, b2):
    # --- update_edge_fn ---
    # sent_attributes = nodes gathered at senders (jraph GraphNetwork semantics)
    sent_attributes = jnp.take(nodes, senders, axis=0)
    # edge_attributes present (no global edge attributes) -> sent += W_e(edge_attr)
    sent_attributes = sent_attributes + (edge_attr @ W_e + b_e)
    # --- aggregate_edges_for_nodes_fn = segment_sum over receivers ---
    received_attributes = jax.ops.segment_sum(
        sent_attributes, receivers, num_segments=nodes.shape[0])
    # --- update_node_fn ---
    # epsilon tiled to (*nodes.shape[:-2], 1, 1) == (1, 1) for 2D nodes
    eps = jnp.tile(epsilon, (1, 1))
    h = (1.0 + eps) * nodes + received_attributes
    # mlp: Dense -> relu -> Dense
    h = jax.nn.relu(h @ W1 + b1)
    h = h @ W2 + b2
    return h

if __name__ == "__main__":
    import jax
    _d = setup_inputs()
    print(jax.jit(kernel)(*tuple(_d.values())))

</pallas_src>

<mosaic_0001>
#map = affine_map<(d0, d1) -> (0, 0)>
#map1 = affine_map<(d0, d1) -> (0, 0, 0)>
module attributes {stable_mosaic.version = 14 : i64} {
  func.func @_edge_body(%arg0: i32, %arg1: i32, %arg2: memref<320000x16xf32, #tpu.memory_space<hbm>>, %arg3: memref<4000x80xi32, #tpu.memory_space<hbm>>, %arg4: memref<2x10000x16xf32, #tpu.memory_space<hbm>>, %arg5: memref<2x10000x16xf32, #tpu.memory_space<hbm>>, %arg6: memref<8x80xi32, #tpu.memory_space<vmem>>, %arg7: memref<80x16xf32, #tpu.memory_space<vmem>>, %arg8: memref<80x16xf32, #tpu.memory_space<vmem>>, %arg9: memref<80x16xf32, #tpu.memory_space<vmem>>, %arg10: memref<!tpu.dma_semaphore, #tpu.memory_space<semaphore_mem>>, %arg11: memref<!tpu.dma_semaphore, #tpu.memory_space<semaphore_mem>>, %arg12: memref<!tpu.dma_semaphore, #tpu.memory_space<semaphore_mem>>, %arg13: memref<!tpu.dma_semaphore, #tpu.memory_space<semaphore_mem>>, %arg14: memref<!tpu.dma_semaphore, #tpu.memory_space<semaphore_mem>>, %arg15: memref<!tpu.dma_semaphore, #tpu.memory_space<semaphore_mem>>, %arg16: memref<10000x16xf32, #tpu.memory_space<vmem_shared>>, %arg17: memref<10000x16xf32, #tpu.memory_space<vmem_shared>>) attributes {dimension_semantics = [#tpu.dimension_semantics<core_parallel>, #tpu.dimension_semantics<subcore_parallel>], iteration_bounds = array<i64: 2, 16>, scalar_prefetch = 0 : i64, scratch_operands = 12 : i64, tpu.core_type = #tpu.core_type<sc_vector_subcore>, window_params = [{transform_indices = #map}, {transform_indices = #map}, {transform_indices = #map1}, {transform_indices = #map1}]} {
    %mul3A = arith.constant 2000 : i32
    %mul3A_0 = arith.muli %arg0, %mul3A : i32
    %mul3A_1 = arith.constant 128 : i32
    %mul3A_2 = arith.muli %arg1, %mul3A_1 : i32
    %add3A = arith.addi %mul3A_0, %mul3A_2 : i32
    %lt3A = arith.constant 15 : i32
    %lt3A_3 = arith.cmpi slt, %arg1, %lt3A : i32
    %jit3A = arith.constant 128 : i32
    %jit3A_4 = arith.constant 80 : i32
    %select_n3A = arith.select %lt3A_3, %jit3A, %jit3A_4 : i32
    %scan3A = arith.constant 0 : i32
    %scan3A_5 = arith.constant 80 : i32
    %scan3A_6 = arith.addi %scan3A, %scan3A_5 : i32
    %scan3A_7 = arith.constant 1 : i32
    scf.for %scan3A_180 = %scan3A to %scan3A_6 step %scan3A_7  : i32 {
      %mul3A_181 = arith.constant 1 : i32
      %mul3A_182 = arith.muli %scan3A_180, %mul3A_181 : i32
      %add3A_183 = arith.constant 0 : i32
      %add3A_184 = arith.addi %add3A_183, %mul3A_182 : i32
      %broadcast_in_dim3A = arith.constant 0.000000e+00 : f32
      %broadcast_in_dim3A_185 = vector.broadcast %broadcast_in_dim3A : f32 to vector<16xf32>
      %swap3A = arith.index_cast %add3A_184 : i32 to index
      %swap3A_186 = arith.constant 0 : index
      %swap3A_187 = tpu.vector_load %arg7[%swap3A, %swap3A_186] {strides = array<i32>} : memref<80x16xf32, #tpu.memory_space<vmem>>, vector<1x16xf32>,
      %swap3A_188 = vector.shape_cast %swap3A_187 : vector<1x16xf32> to vector<16xf32>
      %swap3A_189 = vector.shape_cast %broadcast_in_dim3A_185 : vector<16xf32> to vector<1x16xf32>
      tpu.vector_store %arg7[%swap3A, %swap3A_186], %swap3A_189 {strides = array<i32>} : memref<80x16xf32, #tpu.memory_space<vmem>>, vector<1x16xf32>,
      %broadcast_in_dim3A_190 = arith.constant 1.000000e+00 : f32
      %broadcast_in_dim3A_191 = vector.broadcast %broadcast_in_dim3A_190 : f32 to vector<16xf32>
      %swap3A_192 = arith.index_cast %add3A_184 : i32 to index
      %swap3A_193 = arith.constant 0 : index
      %swap3A_194 = tpu.vector_load %arg9[%swap3A_192, %swap3A_193] {strides = array<i32>} : memref<80x16xf32, #tpu.memory_space<vmem>>, vector<1x16xf32>,
      %swap3A_195 = vector.shape_cast %swap3A_194 : vector<1x16xf32> to vector<16xf32>
      %swap3A_196 = vector.shape_cast %broadcast_in_dim3A_191 : vector<16xf32> to vector<1x16xf32>
      tpu.vector_store %arg9[%swap3A_192, %swap3A_193], %swap3A_196 {strides = array<i32>} : memref<80x16xf32, #tpu.memory_space<vmem>>, vector<1x16xf32>,
    }
    %scan3A_8 = arith.constant 80 : i32
    %mul3A_9 = arith.constant 640 : i32
    %mul3A_10 = arith.muli %arg1, %mul3A_9 : i32
    %add3A_11 = arith.constant 0 : i32
    %add3A_12 = arith.addi %mul3A_10, %add3A_11 : i32
    %lt3A_13 = arith.constant 10000 : i32
    %lt3A_14 = arith.cmpi slt, %add3A_12, %lt3A_13 : i32
    %convert_element_type3A = arith.extui %lt3A_14 : i1 to i32
    %cond3A = arith.constant 0 : i32
    %cond3A_15 = arith.cmpi ne, %convert_element_type3A, %cond3A : i32
    scf.if %cond3A_15 {
      %add3A_180 = arith.constant 0 : i32
      %add3A_181 = arith.addi %mul3A_10, %add3A_180 : i32
      "tpu.region"() ({
        %run_scoped3A = tpu.sem_alloc : memref<!tpu.dma_semaphore, #tpu.memory_space<semaphore_mem>>
        %dma_start3A_182 = arith.constant 0 : i32
        %dma_start3A_183 = tpu.memref_slice %arg16[%add3A_181, %dma_start3A_182] : memref<10000x16xf32, #tpu.memory_space<vmem_shared>> -> memref<80x16xf32, #tpu.memory_space<vmem_shared>>
        %dma_start3A_184 = arith.constant 0 : i32
        %dma_start3A_185 = tpu.memref_slice %arg16[%add3A_181, %dma_start3A_184] : memref<10000x16xf32, #tpu.memory_space<vmem_shared>> -> memref<80x16xf32, #tpu.memory_space<vmem_shared>>
        tpu.enqueue_dma source(%arg7 : memref<80x16xf32, #tpu.memory_space<vmem>>) target(%dma_start3A_185 : memref<80x16xf32, #tpu.memory_space<vmem_shared>>) target_semaphore(%run_scoped3A : memref<!tpu.dma_semaphore, #tpu.memory_space<semaphore_mem>>)
        %dma_wait3A = arith.constant 0 : i32
        %dma_wait3A_186 = tpu.memref_slice %arg16[%add3A_181, %dma_wait3A] : memref<10000x16xf32, #tpu.memory_space<vmem_shared>> -> memref<80x16xf32, #tpu.memory_space<vmem_shared>>
        %dma_wait3A_187 = arith.constant 0 : i32
        %dma_wait3A_188 = tpu.memref_slice %arg16[%add3A_181, %dma_wait3A_187] : memref<10000x16xf32, #tpu.memory_space<vmem_shared>> -> memref<80x16xf32, #tpu.memory_space<vmem_shared>>
        tpu.wait_dma2 semaphore(%run_scoped3A : memref<!tpu.dma_semaphore, #tpu.memory_space<semaphore_mem>>) src(%arg7 : memref<80x16xf32, #tpu.memory_space<vmem>>) dst(%dma_wait3A_188 : memref<80x16xf32, #tpu.memory_space<vmem_shared>>)
        tpu.yield
      }) : () -> ()
    } else {
    }
    %add3A_16 = arith.constant 80 : i32
    %add3A_17 = arith.addi %mul3A_10, %add3A_16 : i32
    %lt3A_18 = arith.constant 10000 : i32
    %lt3A_19 = arith.cmpi slt, %add3A_17, %lt3A_18 : i32
    %convert_element_type3A_20 = arith.extui %lt3A_19 : i1 to i32
    %cond3A_21 = arith.constant 0 : i32
    %cond3A_22 = arith.cmpi ne, %convert_element_type3A_20, %cond3A_21 : i32
    scf.if %cond3A_22 {
      %add3A_180 = arith.constant 80 : i32
      %add3A_181 = arith.addi %mul3A_10, %add3A_180 : i32
      "tpu.region"() ({
        %run_scoped3A = tpu.sem_alloc : memref<!tpu.dma_semaphore, #tpu.memory_space<semaphore_mem>>
        %dma_start3A_182 = arith.constant 0 : i32
        %dma_start3A_183 = tpu.memref_slice %arg16[%add3A_181, %dma_start3A_182] : memref<10000x16xf32, #tpu.memory_space<vmem_shared>> -> memref<80x16xf32, #tpu.memory_space<vmem_shared>>
        %dma_start3A_184 = arith.constant 0 : i32
        %dma_start3A_185 = tpu.memref_slice %arg16[%add3A_181, %dma_start3A_184] : memref<10000x16xf32, #tpu.memory_space<vmem_shared>> -> memref<80x16xf32, #tpu.memory_space<vmem_shared>>
        tpu.enqueue_dma source(%arg7 : memref<80x16xf32, #tpu.memory_space<vmem>>) target(%dma_start3A_185 : memref<80x16xf32, #tpu.memory_space<vmem_shared>>) target_semaphore(%run_scoped3A : memref<!tpu.dma_semaphore, #tpu.memory_space<semaphore_mem>>)
        %dma_wait3A = arith.constant 0 : i32
        %dma_wait3A_186 = tpu.memref_slice %arg16[%add3A_181, %dma_wait3A] : memref<10000x16xf32, #tpu.memory_space<vmem_shared>> -> memref<80x16xf32, #tpu.memory_space<vmem_shared>>
        %dma_wait3A_187 = arith.constant 0 : i32
        %dma_wait3A_188 = tpu.memref_slice %arg16[%add3A_181, %dma_wait3A_187] : memref<10000x16xf32, #tpu.memory_space<vmem_shared>> -> memref<80x16xf32, #tpu.memory_space<vmem_shared>>
        tpu.wait_dma2 semaphore(%run_scoped3A : memref<!tpu.dma_semaphore, #tpu.memory_space<semaphore_mem>>) src(%arg7 : memref<80x16xf32, #tpu.memory_space<vmem>>) dst(%dma_wait3A_188 : memref<80x16xf32, #tpu.memory_space<vmem_shared>>)
        tpu.yield
      }) : () -> ()
    } else {
    }
    %add3A_23 = arith.constant 160 : i32
    %add3A_24 = arith.addi %mul3A_10, %add3A_23 : i32
    %lt3A_25 = arith.constant 10000 : i32
    %lt3A_26 = arith.cmpi slt, %add3A_24, %lt3A_25 : i32
    %convert_element_type3A_27 = arith.extui %lt3A_26 : i1 to i32
    %cond3A_28 = arith.constant 0 : i32
    %cond3A_29 = arith.cmpi ne, %convert_element_type3A_27, %cond3A_28 : i32
    scf.if %cond3A_29 {
      %add3A_180 = arith.constant 160 : i32
      %add3A_181 = arith.addi %mul3A_10, %add3A_180 : i32
      "tpu.region"() ({
        %run_scoped3A = tpu.sem_alloc : memref<!tpu.dma_semaphore, #tpu.memory_space<semaphore_mem>>
        %dma_start3A_182 = arith.constant 0 : i32
        %dma_start3A_183 = tpu.memref_slice %arg16[%add3A_181, %dma_start3A_182] : memref<10000x16xf32, #tpu.memory_space<vmem_shared>> -> memref<80x16xf32, #tpu.memory_space<vmem_shared>>
        %dma_start3A_184 = arith.constant 0 : i32
        %dma_start3A_185 = tpu.memref_slice %arg16[%add3A_181, %dma_start3A_184] : memref<10000x16xf32, #tpu.memory_space<vmem_shared>> -> memref<80x16xf32, #tpu.memory_space<vmem_shared>>
        tpu.enqueue_dma source(%arg7 : memref<80x16xf32, #tpu.memory_space<vmem>>) target(%dma_start3A_185 : memref<80x16xf32, #tpu.memory_space<vmem_shared>>) target_semaphore(%run_scoped3A : memref<!tpu.dma_semaphore, #tpu.memory_space<semaphore_mem>>)
        %dma_wait3A = arith.constant 0 : i32
        %dma_wait3A_186 = tpu.memref_slice %arg16[%add3A_181, %dma_wait3A] : memref<10000x16xf32, #tpu.memory_space<vmem_shared>> -> memref<80x16xf32, #tpu.memory_space<vmem_shared>>
        %dma_wait3A_187 = arith.constant 0 : i32
        %dma_wait3A_188 = tpu.memref_slice %arg16[%add3A_181, %dma_wait3A_187] : memref<10000x16xf32, #tpu.memory_space<vmem_shared>> -> memref<80x16xf32, #tpu.memory_space<vmem_shared>>
        tpu.wait_dma2 semaphore(%run_scoped3A : memref<!tpu.dma_semaphore, #tpu.memory_space<semaphore_mem>>) src(%arg7 : memref<80x16xf32, #tpu.memory_space<vmem>>) dst(%dma_wait3A_188 : memref<80x16xf32, #tpu.memory_space<vmem_shared>>)
        tpu.yield
      }) : () -> ()
    } else {
    }
    %add3A_30 = arith.constant 240 : i32
    %add3A_31 = arith.addi %mul3A_10, %add3A_30 : i32
    %lt3A_32 = arith.constant 10000 : i32
    %lt3A_33 = arith.cmpi slt, %add3A_31, %lt3A_32 : i32
    %convert_element_type3A_34 = arith.extui %lt3A_33 : i1 to i32
    %cond3A_35 = arith.constant 0 : i32
    %cond3A_36 = arith.cmpi ne, %convert_element_type3A_34, %cond3A_35 : i32
    scf.if %cond3A_36 {
      %add3A_180 = arith.constant 240 : i32
      %add3A_181 = arith.addi %mul3A_10, %add3A_180 : i32
      "tpu.region"() ({
        %run_scoped3A = tpu.sem_alloc : memref<!tpu.dma_semaphore, #tpu.memory_space<semaphore_mem>>
        %dma_start3A_182 = arith.constant 0 : i32
        %dma_start3A_183 = tpu.memref_slice %arg16[%add3A_181, %dma_start3A_182] : memref<10000x16xf32, #tpu.memory_space<vmem_shared>> -> memref<80x16xf32, #tpu.memory_space<vmem_shared>>
        %dma_start3A_184 = arith.constant 0 : i32
        %dma_start3A_185 = tpu.memref_slice %arg16[%add3A_181, %dma_start3A_184] : memref<10000x16xf32, #tpu.memory_space<vmem_shared>> -> memref<80x16xf32, #tpu.memory_space<vmem_shared>>
        tpu.enqueue_dma source(%arg7 : memref<80x16xf32, #tpu.memory_space<vmem>>) target(%dma_start3A_185 : memref<80x16xf32, #tpu.memory_space<vmem_shared>>) target_semaphore(%run_scoped3A : memref<!tpu.dma_semaphore, #tpu.memory_space<semaphore_mem>>)
        %dma_wait3A = arith.constant 0 : i32
        %dma_wait3A_186 = tpu.memref_slice %arg16[%add3A_181, %dma_wait3A] : memref<10000x16xf32, #tpu.memory_space<vmem_shared>> -> memref<80x16xf32, #tpu.memory_space<vmem_shared>>
        %dma_wait3A_187 = arith.constant 0 : i32
        %dma_wait3A_188 = tpu.memref_slice %arg16[%add3A_181, %dma_wait3A_187] : memref<10000x16xf32, #tpu.memory_space<vmem_shared>> -> memref<80x16xf32, #tpu.memory_space<vmem_shared>>
        tpu.wait_dma2 semaphore(%run_scoped3A : memref<!tpu.dma_semaphore, #tpu.memory_space<semaphore_mem>>) src(%arg7 : memref<80x16xf32, #tpu.memory_space<vmem>>) dst(%dma_wait3A_188 : memref<80x16xf32, #tpu.memory_space<vmem_shared>>)
        tpu.yield
      }) : () -> ()
    } else {
    }
    %add3A_37 = arith.constant 320 : i32
    %add3A_38 = arith.addi %mul3A_10, %add3A_37 : i32
    %lt3A_39 = arith.constant 10000 : i32
    %lt3A_40 = arith.cmpi slt, %add3A_38, %lt3A_39 : i32
    %convert_element_type3A_41 = arith.extui %lt3A_40 : i1 to i32
    %cond3A_42 = arith.constant 0 : i32
    %cond3A_43 = arith.cmpi ne, %convert_element_type3A_41, %cond3A_42 : i32
    scf.if %cond3A_43 {
      %add3A_180 = arith.constant 320 : i32
      %add3A_181 = arith.addi %mul3A_10, %add3A_180 : i32
      "tpu.region"() ({
        %run_scoped3A = tpu.sem_alloc : memref<!tpu.dma_semaphore, #tpu.memory_space<semaphore_mem>>
        %dma_start3A_182 = arith.constant 0 : i32
        %dma_start3A_183 = tpu.memref_slice %arg16[%add3A_181, %dma_start3A_182] : memref<10000x16xf32, #tpu.memory_space<vmem_shared>> -> memref<80x16xf32, #tpu.memory_space<vmem_shared>>
        %dma_start3A_184 = arith.constant 0 : i32
        %dma_start3A_185 = tpu.memref_slice %arg16[%add3A_181, %dma_start3A_184] : memref<10000x16xf32, #tpu.memory_space<vmem_shared>> -> memref<80x16xf32, #tpu.memory_space<vmem_shared>>
        tpu.enqueue_dma source(%arg7 : memref<80x16xf32, #tpu.memory_space<vmem>>) target(%dma_start3A_185 : memref<80x16xf32, #tpu.memory_space<vmem_shared>>) target_semaphore(%run_scoped3A : memref<!tpu.dma_semaphore, #tpu.memory_space<semaphore_mem>>)
        %dma_wait3A = arith.constant 0 : i32
        %dma_wait3A_186 = tpu.memref_slice %arg16[%add3A_181, %dma_wait3A] : memref<10000x16xf32, #tpu.memory_space<vmem_shared>> -> memref<80x16xf32, #tpu.memory_space<vmem_shared>>
        %dma_wait3A_187 = arith.constant 0 : i32
        %dma_wait3A_188 = tpu.memref_slice %arg16[%add3A_181, %dma_wait3A_187] : memref<10000x16xf32, #tpu.memory_space<vmem_shared>> -> memref<80x16xf32, #tpu.memory_space<vmem_shared>>
        tpu.wait_dma2 semaphore(%run_scoped3A : memref<!tpu.dma_semaphore, #tpu.memory_space<semaphore_mem>>) src(%arg7 : memref<80x16xf32, #tpu.memory_space<vmem>>) dst(%dma_wait3A_188 : memref<80x16xf32, #tpu.memory_space<vmem_shared>>)
        tpu.yield
      }) : () -> ()
    } else {
    }
    %add3A_44 = arith.constant 400 : i32
    %add3A_45 = arith.addi %mul3A_10, %add3A_44 : i32
    %lt3A_46 = arith.constant 10000 : i32
    %lt3A_47 = arith.cmpi slt, %add3A_45, %lt3A_46 : i32
    %convert_element_type3A_48 = arith.extui %lt3A_47 : i1 to i32
    %cond3A_49 = arith.constant 0 : i32
    %cond3A_50 = arith.cmpi ne, %convert_element_type3A_48, %cond3A_49 : i32
    scf.if %cond3A_50 {
      %add3A_180 = arith.constant 400 : i32
      %add3A_181 = arith.addi %mul3A_10, %add3A_180 : i32
      "tpu.region"() ({
        %run_scoped3A = tpu.sem_alloc : memref<!tpu.dma_semaphore, #tpu.memory_space<semaphore_mem>>
        %dma_start3A_182 = arith.constant 0 : i32
        %dma_start3A_183 = tpu.memref_slice %arg16[%add3A_181, %dma_start3A_182] : memref<10000x16xf32, #tpu.memory_space<vmem_shared>> -> memref<80x16xf32, #tpu.memory_space<vmem_shared>>
        %dma_start3A_184 = arith.constant 0 : i32
        %dma_start3A_185 = tpu.memref_slice %arg16[%add3A_181, %dma_start3A_184] : memref<10000x16xf32, #tpu.memory_space<vmem_shared>> -> memref<80x16xf32, #tpu.memory_space<vmem_shared>>
        tpu.enqueue_dma source(%arg7 : memref<80x16xf32, #tpu.memory_space<vmem>>) target(%dma_start3A_185 : memref<80x16xf32, #tpu.memory_space<vmem_shared>>) target_semaphore(%run_scoped3A : memref<!tpu.dma_semaphore, #tpu.memory_space<semaphore_mem>>)
        %dma_wait3A = arith.constant 0 : i32
        %dma_wait3A_186 = tpu.memref_slice %arg16[%add3A_181, %dma_wait3A] : memref<10000x16xf32, #tpu.memory_space<vmem_shared>> -> memref<80x16xf32, #tpu.memory_space<vmem_shared>>
        %dma_wait3A_187 = arith.constant 0 : i32
        %dma_wait3A_188 = tpu.memref_slice %arg16[%add3A_181, %dma_wait3A_187] : memref<10000x16xf32, #tpu.memory_space<vmem_shared>> -> memref<80x16xf32, #tpu.memory_space<vmem_shared>>
        tpu.wait_dma2 semaphore(%run_scoped3A : memref<!tpu.dma_semaphore, #tpu.memory_space<semaphore_mem>>) src(%arg7 : memref<80x16xf32, #tpu.memory_space<vmem>>) dst(%dma_wait3A_188 : memref<80x16xf32, #tpu.memory_space<vmem_shared>>)
        tpu.yield
      }) : () -> ()
    } else {
    }
    %add3A_51 = arith.constant 480 : i32
    %add3A_52 = arith.addi %mul3A_10, %add3A_51 : i32
    %lt3A_53 = arith.constant 10000 : i32
    %lt3A_54 = arith.cmpi slt, %add3A_52, %lt3A_53 : i32
    %convert_element_type3A_55 = arith.extui %lt3A_54 : i1 to i32
    %cond3A_56 = arith.constant 0 : i32
    %cond3A_57 = arith.cmpi ne, %convert_element_type3A_55, %cond3A_56 : i32
    scf.if %cond3A_57 {
      %add3A_180 = arith.constant 480 : i32
      %add3A_181 = arith.addi %mul3A_10, %add3A_180 : i32
      "tpu.region"() ({
        %run_scoped3A = tpu.sem_alloc : memref<!tpu.dma_semaphore, #tpu.memory_space<semaphore_mem>>
        %dma_start3A_182 = arith.constant 0 : i32
        %dma_start3A_183 = tpu.memref_slice %arg16[%add3A_181, %dma_start3A_182] : memref<10000x16xf32, #tpu.memory_space<vmem_shared>> -> memref<80x16xf32, #tpu.memory_space<vmem_shared>>
        %dma_start3A_184 = arith.constant 0 : i32
        %dma_start3A_185 = tpu.memref_slice %arg16[%add3A_181, %dma_start3A_184] : memref<10000x16xf32, #tpu.memory_space<vmem_shared>> -> memref<80x16xf32, #tpu.memory_space<vmem_shared>>
        tpu.enqueue_dma source(%arg7 : memref<80x16xf32, #tpu.memory_space<vmem>>) target(%dma_start3A_185 : memref<80x16xf32, #tpu.memory_space<vmem_shared>>) target_semaphore(%run_scoped3A : memref<!tpu.dma_semaphore, #tpu.memory_space<semaphore_mem>>)
        %dma_wait3A = arith.constant 0 : i32
        %dma_wait3A_186 = tpu.memref_slice %arg16[%add3A_181, %dma_wait3A] : memref<10000x16xf32, #tpu.memory_space<vmem_shared>> -> memref<80x16xf32, #tpu.memory_space<vmem_shared>>
        %dma_wait3A_187 = arith.constant 0 : i32
        %dma_wait3A_188 = tpu.memref_slice %arg16[%add3A_181, %dma_wait3A_187] : memref<10000x16xf32, #tpu.memory_space<vmem_shared>> -> memref<80x16xf32, #tpu.memory_space<vmem_shared>>
        tpu.wait_dma2 semaphore(%run_scoped3A : memref<!tpu.dma_semaphore, #tpu.memory_space<semaphore_mem>>) src(%arg7 : memref<80x16xf32, #tpu.memory_space<vmem>>) dst(%dma_wait3A_188 : memref<80x16xf32, #tpu.memory_space<vmem_shared>>)
        tpu.yield
      }) : () -> ()
    } else {
    }
    %add3A_58 = arith.constant 560 : i32
    %add3A_59 = arith.addi %mul3A_10, %add3A_58 : i32
    %lt3A_60 = arith.constant 10000 : i32
    %lt3A_61 = arith.cmpi slt, %add3A_59, %lt3A_60 : i32
    %convert_element_type3A_62 = arith.extui %lt3A_61 : i1 to i32
    %cond3A_63 = arith.constant 0 : i32
    %cond3A_64 = arith.cmpi ne, %convert_element_type3A_62, %cond3A_63 : i32
    scf.if %cond3A_64 {
      %add3A_180 = arith.constant 560 : i32
      %add3A_181 = arith.addi %mul3A_10, %add3A_180 : i32
      "tpu.region"() ({
        %run_scoped3A = tpu.sem_alloc : memref<!tpu.dma_semaphore, #tpu.memory_space<semaphore_mem>>
        %dma_start3A_182 = arith.constant 0 : i32
        %dma_start3A_183 = tpu.memref_slice %arg16[%add3A_181, %dma_start3A_182] : memref<10000x16xf32, #tpu.memory_space<vmem_shared>> -> memref<80x16xf32, #tpu.memory_space<vmem_shared>>
        %dma_start3A_184 = arith.constant 0 : i32
        %dma_start3A_185 = tpu.memref_slice %arg16[%add3A_181, %dma_start3A_184] : memref<10000x16xf32, #tpu.memory_space<vmem_shared>> -> memref<80x16xf32, #tpu.memory_space<vmem_shared>>
        tpu.enqueue_dma source(%arg7 : memref<80x16xf32, #tpu.memory_space<vmem>>) target(%dma_start3A_185 : memref<80x16xf32, #tpu.memory_space<vmem_shared>>) target_semaphore(%run_scoped3A : memref<!tpu.dma_semaphore, #tpu.memory_space<semaphore_mem>>)
        %dma_wait3A = arith.constant 0 : i32
        %dma_wait3A_186 = tpu.memref_slice %arg16[%add3A_181, %dma_wait3A] : memref<10000x16xf32, #tpu.memory_space<vmem_shared>> -> memref<80x16xf32, #tpu.memory_space<vmem_shared>>
        %dma_wait3A_187 = arith.constant 0 : i32
        %dma_wait3A_188 = tpu.memref_slice %arg16[%add3A_181, %dma_wait3A_187] : memref<10000x16xf32, #tpu.memory_space<vmem_shared>> -> memref<80x16xf32, #tpu.memory_space<vmem_shared>>
        tpu.wait_dma2 semaphore(%run_scoped3A : memref<!tpu.dma_semaphore, #tpu.memory_space<semaphore_mem>>) src(%arg7 : memref<80x16xf32, #tpu.memory_space<vmem>>) dst(%dma_wait3A_188 : memref<80x16xf32, #tpu.memory_space<vmem_shared>>)
        tpu.yield
      }) : () -> ()
    } else {
    }
    %mul3A_65 = arith.constant 640 : i32
    %mul3A_66 = arith.muli %arg1, %mul3A_65 : i32
    %add3A_67 = arith.constant 0 : i32
    %add3A_68 = arith.addi %mul3A_66, %add3A_67 : i32
    %lt3A_69 = arith.constant 10000 : i32
    %lt3A_70 = arith.cmpi slt, %add3A_68, %lt3A_69 : i32
    %convert_element_type3A_71 = arith.extui %lt3A_70 : i1 to i32
    %cond3A_72 = arith.constant 0 : i32
    %cond3A_73 = arith.cmpi ne, %convert_element_type3A_71, %cond3A_72 : i32
    scf.if %cond3A_73 {
      %add3A_180 = arith.constant 0 : i32
      %add3A_181 = arith.addi %mul3A_66, %add3A_180 : i32
      "tpu.region"() ({
        %run_scoped3A = tpu.sem_alloc : memref<!tpu.dma_semaphore, #tpu.memory_space<semaphore_mem>>
        %dma_start3A_182 = arith.constant 0 : i32
        %dma_start3A_183 = tpu.memref_slice %arg17[%add3A_181, %dma_start3A_182] : memref<10000x16xf32, #tpu.memory_space<vmem_shared>> -> memref<80x16xf32, #tpu.memory_space<vmem_shared>>
        %dma_start3A_184 = arith.constant 0 : i32
        %dma_start3A_185 = tpu.memref_slice %arg17[%add3A_181, %dma_start3A_184] : memref<10000x16xf32, #tpu.memory_space<vmem_shared>> -> memref<80x16xf32, #tpu.memory_space<vmem_shared>>
        tpu.enqueue_dma source(%arg7 : memref<80x16xf32, #tpu.memory_space<vmem>>) target(%dma_start3A_185 : memref<80x16xf32, #tpu.memory_space<vmem_shared>>) target_semaphore(%run_scoped3A : memref<!tpu.dma_semaphore, #tpu.memory_space<semaphore_mem>>)
        %dma_wait3A = arith.constant 0 : i32
        %dma_wait3A_186 = tpu.memref_slice %arg17[%add3A_181, %dma_wait3A] : memref<10000x16xf32, #tpu.memory_space<vmem_shared>> -> memref<80x16xf32, #tpu.memory_space<vmem_shared>>
        %dma_wait3A_187 = arith.constant 0 : i32
        %dma_wait3A_188 = tpu.memref_slice %arg17[%add3A_181, %dma_wait3A_187] : memref<10000x16xf32, #tpu.memory_space<vmem_shared>> -> memref<80x16xf32, #tpu.memory_space<vmem_shared>>
        tpu.wait_dma2 semaphore(%run_scoped3A : memref<!tpu.dma_semaphore, #tpu.memory_space<semaphore_mem>>) src(%arg7 : memref<80x16xf32, #tpu.memory_space<vmem>>) dst(%dma_wait3A_188 : memref<80x16xf32, #tpu.memory_space<vmem_shared>>)
        tpu.yield
      }) : () -> ()
    } else {
    }
    %add3A_74 = arith.constant 80 : i32
    %add3A_75 = arith.addi %mul3A_66, %add3A_74 : i32
    %lt3A_76 = arith.constant 10000 : i32
    %lt3A_77 = arith.cmpi slt, %add3A_75, %lt3A_76 : i32
    %convert_element_type3A_78 = arith.extui %lt3A_77 : i1 to i32
    %cond3A_79 = arith.constant 0 : i32
    %cond3A_80 = arith.cmpi ne, %convert_element_type3A_78, %cond3A_79 : i32
    scf.if %cond3A_80 {
      %add3A_180 = arith.constant 80 : i32
      %add3A_181 = arith.addi %mul3A_66, %add3A_180 : i32
      "tpu.region"() ({
        %run_scoped3A = tpu.sem_alloc : memref<!tpu.dma_semaphore, #tpu.memory_space<semaphore_mem>>
        %dma_start3A_182 = arith.constant 0 : i32
        %dma_start3A_183 = tpu.memref_slice %arg17[%add3A_181, %dma_start3A_182] : memref<10000x16xf32, #tpu.memory_space<vmem_shared>> -> memref<80x16xf32, #tpu.memory_space<vmem_shared>>
        %dma_start3A_184 = arith.constant 0 : i32
        %dma_start3A_185 = tpu.memref_slice %arg17[%add3A_181, %dma_start3A_184] : memref<10000x16xf32, #tpu.memory_space<vmem_shared>> -> memref<80x16xf32, #tpu.memory_space<vmem_shared>>
        tpu.enqueue_dma source(%arg7 : memref<80x16xf32, #tpu.memory_space<vmem>>) target(%dma_start3A_185 : memref<80x16xf32, #tpu.memory_space<vmem_shared>>) target_semaphore(%run_scoped3A : memref<!tpu.dma_semaphore, #tpu.memory_space<semaphore_mem>>)
        %dma_wait3A = arith.constant 0 : i32
        %dma_wait3A_186 = tpu.memref_slice %arg17[%add3A_181, %dma_wait3A] : memref<10000x16xf32, #tpu.memory_space<vmem_shared>> -> memref<80x16xf32, #tpu.memory_space<vmem_shared>>
        %dma_wait3A_187 = arith.constant 0 : i32
        %dma_wait3A_188 = tpu.memref_slice %arg17[%add3A_181, %dma_wait3A_187] : memref<10000x16xf32, #tpu.memory_space<vmem_shared>> -> memref<80x16xf32, #tpu.memory_space<vmem_shared>>
        tpu.wait_dma2 semaphore(%run_scoped3A : memref<!tpu.dma_semaphore, #tpu.memory_space<semaphore_mem>>) src(%arg7 : memref<80x16xf32, #tpu.memory_space<vmem>>) dst(%dma_wait3A_188 : memref<80x16xf32, #tpu.memory_space<vmem_shared>>)
        tpu.yield
      }) : () -> ()
    } else {
    }
    %add3A_81 = arith.constant 160 : i32
    %add3A_82 = arith.addi %mul3A_66, %add3A_81 : i32
    %lt3A_83 = arith.constant 10000 : i32
    %lt3A_84 = arith.cmpi slt, %add3A_82, %lt3A_83 : i32
    %convert_element_type3A_85 = arith.extui %lt3A_84 : i1 to i32
    %cond3A_86 = arith.constant 0 : i32
    %cond3A_87 = arith.cmpi ne, %convert_element_type3A_85, %cond3A_86 : i32
    scf.if %cond3A_87 {
      %add3A_180 = arith.constant 160 : i32
      %add3A_181 = arith.addi %mul3A_66, %add3A_180 : i32
      "tpu.region"() ({
        %run_scoped3A = tpu.sem_alloc : memref<!tpu.dma_semaphore, #tpu.memory_space<semaphore_mem>>
        %dma_start3A_182 = arith.constant 0 : i32
        %dma_start3A_183 = tpu.memref_slice %arg17[%add3A_181, %dma_start3A_182] : memref<10000x16xf32, #tpu.memory_space<vmem_shared>> -> memref<80x16xf32, #tpu.memory_space<vmem_shared>>
        %dma_start3A_184 = arith.constant 0 : i32
        %dma_start3A_185 = tpu.memref_slice %arg17[%add3A_181, %dma_start3A_184] : memref<10000x16xf32, #tpu.memory_space<vmem_shared>> -> memref<80x16xf32, #tpu.memory_space<vmem_shared>>
        tpu.enqueue_dma source(%arg7 : memref<80x16xf32, #tpu.memory_space<vmem>>) target(%dma_start3A_185 : memref<80x16xf32, #tpu.memory_space<vmem_shared>>) target_semaphore(%run_scoped3A : memref<!tpu.dma_semaphore, #tpu.memory_space<semaphore_mem>>)
        %dma_wait3A = arith.constant 0 : i32
        %dma_wait3A_186 = tpu.memref_slice %arg17[%add3A_181, %dma_wait3A] : memref<10000x16xf32, #tpu.memory_space<vmem_shared>> -> memref<80x16xf32, #tpu.memory_space<vmem_shared>>
        %dma_wait3A_187 = arith.constant 0 : i32
        %dma_wait3A_188 = tpu.memref_slice %arg17[%add3A_181, %dma_wait3A_187] : memref<10000x16xf32, #tpu.memory_space<vmem_shared>> -> memref<80x16xf32, #tpu.memory_space<vmem_shared>>
        tpu.wait_dma2 semaphore(%run_scoped3A : memref<!tpu.dma_semaphore, #tpu.memory_space<semaphore_mem>>) src(%arg7 : memref<80x16xf32, #tpu.memory_space<vmem>>) dst(%dma_wait3A_188 : memref<80x16xf32, #tpu.memory_space<vmem_shared>>)
        tpu.yield
      }) : () -> ()
    } else {
    }
    %add3A_88 = arith.constant 240 : i32
    %add3A_89 = arith.addi %mul3A_66, %add3A_88 : i32
    %lt3A_90 = arith.constant 10000 : i32
    %lt3A_91 = arith.cmpi slt, %add3A_89, %lt3A_90 : i32
    %convert_element_type3A_92 = arith.extui %lt3A_91 : i1 to i32
    %cond3A_93 = arith.constant 0 : i32
    %cond3A_94 = arith.cmpi ne, %convert_element_type3A_92, %cond3A_93 : i32
    scf.if %cond3A_94 {
      %add3A_180 = arith.constant 240 : i32
      %add3A_181 = arith.addi %mul3A_66, %add3A_180 : i32
      "tpu.region"() ({
        %run_scoped3A = tpu.sem_alloc : memref<!tpu.dma_semaphore, #tpu.memory_space<semaphore_mem>>
        %dma_start3A_182 = arith.constant 0 : i32
        %dma_start3A_183 = tpu.memref_slice %arg17[%add3A_181, %dma_start3A_182] : memref<10000x16xf32, #tpu.memory_space<vmem_shared>> -> memref<80x16xf32, #tpu.memory_space<vmem_shared>>
        %dma_start3A_184 = arith.constant 0 : i32
        %dma_start3A_185 = tpu.memref_slice %arg17[%add3A_181, %dma_start3A_184] : memref<10000x16xf32, #tpu.memory_space<vmem_shared>> -> memref<80x16xf32, #tpu.memory_space<vmem_shared>>
        tpu.enqueue_dma source(%arg7 : memref<80x16xf32, #tpu.memory_space<vmem>>) target(%dma_start3A_185 : memref<80x16xf32, #tpu.memory_space<vmem_shared>>) target_semaphore(%run_scoped3A : memref<!tpu.dma_semaphore, #tpu.memory_space<semaphore_mem>>)
        %dma_wait3A = arith.constant 0 : i32
        %dma_wait3A_186 = tpu.memref_slice %arg17[%add3A_181, %dma_wait3A] : memref<10000x16xf32, #tpu.memory_space<vmem_shared>> -> memref<80x16xf32, #tpu.memory_space<vmem_shared>>
        %dma_wait3A_187 = arith.constant 0 : i32
        %dma_wait3A_188 = tpu.memref_slice %arg17[%add3A_181, %dma_wait3A_187] : memref<10000x16xf32, #tpu.memory_space<vmem_shared>> -> memref<80x16xf32, #tpu.memory_space<vmem_shared>>
        tpu.wait_dma2 semaphore(%run_scoped3A : memref<!tpu.dma_semaphore, #tpu.memory_space<semaphore_mem>>) src(%arg7 : memref<80x16xf32, #tpu.memory_space<vmem>>) dst(%dma_wait3A_188 : memref<80x16xf32, #tpu.memory_space<vmem_shared>>)
        tpu.yield
      }) : () -> ()
    } else {
    }
    %add3A_95 = arith.constant 320 : i32
    %add3A_96 = arith.addi %mul3A_66, %add3A_95 : i32
    %lt3A_97 = arith.constant 10000 : i32
    %lt3A_98 = arith.cmpi slt, %add3A_96, %lt3A_97 : i32
    %convert_element_type3A_99 = arith.extui %lt3A_98 : i1 to i32
    %cond3A_100 = arith.constant 0 : i32
    %cond3A_101 = arith.cmpi ne, %convert_element_type3A_99, %cond3A_100 : i32
    scf.if %cond3A_101 {
      %add3A_180 = arith.constant 320 : i32
      %add3A_181 = arith.addi %mul3A_66, %add3A_180 : i32
      "tpu.region"() ({
        %run_scoped3A = tpu.sem_alloc : memref<!tpu.dma_semaphore, #tpu.memory_space<semaphore_mem>>
        %dma_start3A_182 = arith.constant 0 : i32
        %dma_start3A_183 = tpu.memref_slice %arg17[%add3A_181, %dma_start3A_182] : memref<10000x16xf32, #tpu.memory_space<vmem_shared>> -> memref<80x16xf32, #tpu.memory_space<vmem_shared>>
        %dma_start3A_184 = arith.constant 0 : i32
        %dma_start3A_185 = tpu.memref_slice %arg17[%add3A_181, %dma_start3A_184] : memref<10000x16xf32, #tpu.memory_space<vmem_shared>> -> memref<80x16xf32, #tpu.memory_space<vmem_shared>>
        tpu.enqueue_dma source(%arg7 : memref<80x16xf32, #tpu.memory_space<vmem>>) target(%dma_start3A_185 : memref<80x16xf32, #tpu.memory_space<vmem_shared>>) target_semaphore(%run_scoped3A : memref<!tpu.dma_semaphore, #tpu.memory_space<semaphore_mem>>)
        %dma_wait3A = arith.constant 0 : i32
        %dma_wait3A_186 = tpu.memref_slice %arg17[%add3A_181, %dma_wait3A] : memref<10000x16xf32, #tpu.memory_space<vmem_shared>> -> memref<80x16xf32, #tpu.memory_space<vmem_shared>>
        %dma_wait3A_187 = arith.constant 0 : i32
        %dma_wait3A_188 = tpu.memref_slice %arg17[%add3A_181, %dma_wait3A_187] : memref<10000x16xf32, #tpu.memory_space<vmem_shared>> -> memref<80x16xf32, #tpu.memory_space<vmem_shared>>
        tpu.wait_dma2 semaphore(%run_scoped3A : memref<!tpu.dma_semaphore, #tpu.memory_space<semaphore_mem>>) src(%arg7 : memref<80x16xf32, #tpu.memory_space<vmem>>) dst(%dma_wait3A_188 : memref<80x16xf32, #tpu.memory_space<vmem_shared>>)
        tpu.yield
      }) : () -> ()
    } else {
    }
    %add3A_102 = arith.constant 400 : i32
    %add3A_103 = arith.addi %mul3A_66, %add3A_102 : i32
    %lt3A_104 = arith.constant 10000 : i32
    %lt3A_105 = arith.cmpi slt, %add3A_103, %lt3A_104 : i32
    %convert_element_type3A_106 = arith.extui %lt3A_105 : i1 to i32
    %cond3A_107 = arith.constant 0 : i32
    %cond3A_108 = arith.cmpi ne, %convert_element_type3A_106, %cond3A_107 : i32
    scf.if %cond3A_108 {
      %add3A_180 = arith.constant 400 : i32
      %add3A_181 = arith.addi %mul3A_66, %add3A_180 : i32
      "tpu.region"() ({
        %run_scoped3A = tpu.sem_alloc : memref<!tpu.dma_semaphore, #tpu.memory_space<semaphore_mem>>
        %dma_start3A_182 = arith.constant 0 : i32
        %dma_start3A_183 = tpu.memref_slice %arg17[%add3A_181, %dma_start3A_182] : memref<10000x16xf32, #tpu.memory_space<vmem_shared>> -> memref<80x16xf32, #tpu.memory_space<vmem_shared>>
        %dma_start3A_184 = arith.constant 0 : i32
        %dma_start3A_185 = tpu.memref_slice %arg17[%add3A_181, %dma_start3A_184] : memref<10000x16xf32, #tpu.memory_space<vmem_shared>> -> memref<80x16xf32, #tpu.memory_space<vmem_shared>>
        tpu.enqueue_dma source(%arg7 : memref<80x16xf32, #tpu.memory_space<vmem>>) target(%dma_start3A_185 : memref<80x16xf32, #tpu.memory_space<vmem_shared>>) target_semaphore(%run_scoped3A : memref<!tpu.dma_semaphore, #tpu.memory_space<semaphore_mem>>)
        %dma_wait3A = arith.constant 0 : i32
        %dma_wait3A_186 = tpu.memref_slice %arg17[%add3A_181, %dma_wait3A] : memref<10000x16xf32, #tpu.memory_space<vmem_shared>> -> memref<80x16xf32, #tpu.memory_space<vmem_shared>>
        %dma_wait3A_187 = arith.constant 0 : i32
        %dma_wait3A_188 = tpu.memref_slice %arg17[%add3A_181, %dma_wait3A_187] : memref<10000x16xf32, #tpu.memory_space<vmem_shared>> -> memref<80x16xf32, #tpu.memory_space<vmem_shared>>
        tpu.wait_dma2 semaphore(%run_scoped3A : memref<!tpu.dma_semaphore, #tpu.memory_space<semaphore_mem>>) src(%arg7 : memref<80x16xf32, #tpu.memory_space<vmem>>) dst(%dma_wait3A_188 : memref<80x16xf32, #tpu.memory_space<vmem_shared>>)
        tpu.yield
      }) : () -> ()
    } else {
    }
    %add3A_109 = arith.constant 480 : i32
    %add3A_110 = arith.addi %mul3A_66, %add3A_109 : i32
    %lt3A_111 = arith.constant 10000 : i32
    %lt3A_112 = arith.cmpi slt, %add3A_110, %lt3A_111 : i32
    %convert_element_type3A_113 = arith.extui %lt3A_112 : i1 to i32
    %cond3A_114 = arith.constant 0 : i32
    %cond3A_115 = arith.cmpi ne, %convert_element_type3A_113, %cond3A_114 : i32
    scf.if %cond3A_115 {
      %add3A_180 = arith.constant 480 : i32
      %add3A_181 = arith.addi %mul3A_66, %add3A_180 : i32
      "tpu.region"() ({
        %run_scoped3A = tpu.sem_alloc : memref<!tpu.dma_semaphore, #tpu.memory_space<semaphore_mem>>
        %dma_start3A_182 = arith.constant 0 : i32
        %dma_start3A_183 = tpu.memref_slice %arg17[%add3A_181, %dma_start3A_182] : memref<10000x16xf32, #tpu.memory_space<vmem_shared>> -> memref<80x16xf32, #tpu.memory_space<vmem_shared>>
        %dma_start3A_184 = arith.constant 0 : i32
        %dma_start3A_185 = tpu.memref_slice %arg17[%add3A_181, %dma_start3A_184] : memref<10000x16xf32, #tpu.memory_space<vmem_shared>> -> memref<80x16xf32, #tpu.memory_space<vmem_shared>>
        tpu.enqueue_dma source(%arg7 : memref<80x16xf32, #tpu.memory_space<vmem>>) target(%dma_start3A_185 : memref<80x16xf32, #tpu.memory_space<vmem_shared>>) target_semaphore(%run_scoped3A : memref<!tpu.dma_semaphore, #tpu.memory_space<semaphore_mem>>)
        %dma_wait3A = arith.constant 0 : i32
        %dma_wait3A_186 = tpu.memref_slice %arg17[%add3A_181, %dma_wait3A] : memref<10000x16xf32, #tpu.memory_space<vmem_shared>> -> memref<80x16xf32, #tpu.memory_space<vmem_shared>>
        %dma_wait3A_187 = arith.constant 0 : i32
        %dma_wait3A_188 = tpu.memref_slice %arg17[%add3A_181, %dma_wait3A_187] : memref<10000x16xf32, #tpu.memory_space<vmem_shared>> -> memref<80x16xf32, #tpu.memory_space<vmem_shared>>
        tpu.wait_dma2 semaphore(%run_scoped3A : memref<!tpu.dma_semaphore, #tpu.memory_space<semaphore_mem>>) src(%arg7 : memref<80x16xf32, #tpu.memory_space<vmem>>) dst(%dma_wait3A_188 : memref<80x16xf32, #tpu.memory_space<vmem_shared>>)
        tpu.yield
      }) : () -> ()
    } else {
    }
    %add3A_116 = arith.constant 560 : i32
    %add3A_117 = arith.addi %mul3A_66, %add3A_116 : i32
    %lt3A_118 = arith.constant 10000 : i32
    %lt3A_119 = arith.cmpi slt, %add3A_117, %lt3A_118 : i32
    %convert_element_type3A_120 = arith.extui %lt3A_119 : i1 to i32
    %cond3A_121 = arith.constant 0 : i32
    %cond3A_122 = arith.cmpi ne, %convert_element_type3A_120, %cond3A_121 : i32
    scf.if %cond3A_122 {
      %add3A_180 = arith.constant 560 : i32
      %add3A_181 = arith.addi %mul3A_66, %add3A_180 : i32
      "tpu.region"() ({
        %run_scoped3A = tpu.sem_alloc : memref<!tpu.dma_semaphore, #tpu.memory_space<semaphore_mem>>
        %dma_start3A_182 = arith.constant 0 : i32
        %dma_start3A_183 = tpu.memref_slice %arg17[%add3A_181, %dma_start3A_182] : memref<10000x16xf32, #tpu.memory_space<vmem_shared>> -> memref<80x16xf32, #tpu.memory_space<vmem_shared>>
        %dma_start3A_184 = arith.constant 0 : i32
        %dma_start3A_185 = tpu.memref_slice %arg17[%add3A_181, %dma_start3A_184] : memref<10000x16xf32, #tpu.memory_space<vmem_shared>> -> memref<80x16xf32, #tpu.memory_space<vmem_shared>>
        tpu.enqueue_dma source(%arg7 : memref<80x16xf32, #tpu.memory_space<vmem>>) target(%dma_start3A_185 : memref<80x16xf32, #tpu.memory_space<vmem_shared>>) target_semaphore(%run_scoped3A : memref<!tpu.dma_semaphore, #tpu.memory_space<semaphore_mem>>)
        %dma_wait3A = arith.constant 0 : i32
        %dma_wait3A_186 = tpu.memref_slice %arg17[%add3A_181, %dma_wait3A] : memref<10000x16xf32, #tpu.memory_space<vmem_shared>> -> memref<80x16xf32, #tpu.memory_space<vmem_shared>>
        %dma_wait3A_187 = arith.constant 0 : i32
        %dma_wait3A_188 = tpu.memref_slice %arg17[%add3A_181, %dma_wait3A_187] : memref<10000x16xf32, #tpu.memory_space<vmem_shared>> -> memref<80x16xf32, #tpu.memory_space<vmem_shared>>
        tpu.wait_dma2 semaphore(%run_scoped3A : memref<!tpu.dma_semaphore, #tpu.memory_space<semaphore_mem>>) src(%arg7 : memref<80x16xf32, #tpu.memory_space<vmem>>) dst(%dma_wait3A_188 : memref<80x16xf32, #tpu.memory_space<vmem_shared>>)
        tpu.yield
      }) : () -> ()
    } else {
    }
    %barrier3A = arith.constant 0 : index
    tpu.barrier barrier_id(%barrier3A)
    %add3A_123 = arith.constant 0 : i32
    %add3A_124 = arith.addi %add3A, %add3A_123 : i32
    "tpu.region"() ({
      %run_scoped3A = tpu.sem_alloc : memref<!tpu.dma_semaphore, #tpu.memory_space<semaphore_mem>>
      %dma_start3A_180 = arith.constant 0 : i32
      %dma_start3A_181 = tpu.memref_slice %arg3[%add3A_124, %dma_start3A_180] : memref<4000x80xi32, #tpu.memory_space<hbm>> -> memref<8x80xi32, #tpu.memory_space<hbm>>
      %dma_start3A_182 = arith.constant 0 : i32
      %dma_start3A_183 = tpu.memref_slice %arg3[%add3A_124, %dma_start3A_182] : memref<4000x80xi32, #tpu.memory_space<hbm>> -> memref<8x80xi32, #tpu.memory_space<hbm>>
      tpu.enqueue_dma source(%dma_start3A_183 : memref<8x80xi32, #tpu.memory_space<hbm>>) target(%arg6 : memref<8x80xi32, #tpu.memory_space<vmem>>) target_semaphore(%run_scoped3A : memref<!tpu.dma_semaphore, #tpu.memory_space<semaphore_mem>>)
      %dma_wait3A = arith.constant 0 : i32
      %dma_wait3A_184 = tpu.memref_slice %arg3[%add3A_124, %dma_wait3A] : memref<4000x80xi32, #tpu.memory_space<hbm>> -> memref<8x80xi32, #tpu.memory_space<hbm>>
      %dma_wait3A_185 = arith.constant 0 : i32
      %dma_wait3A_186 = tpu.memref_slice %arg3[%add3A_124, %dma_wait3A_185] : memref<4000x80xi32, #tpu.memory_space<hbm>> -> memref<8x80xi32, #tpu.memory_space<hbm>>
      tpu.wait_dma2 semaphore(%run_scoped3A : memref<!tpu.dma_semaphore, #tpu.memory_space<semaphore_mem>>) src(%dma_wait3A_186 : memref<8x80xi32, #tpu.memory_space<hbm>>) dst(%arg6 : memref<8x80xi32, #tpu.memory_space<vmem>>)
      tpu.yield
    }) : () -> ()
    %add3A_125 = arith.constant 0 : i32
    %add3A_126 = arith.addi %add3A, %add3A_125 : i32
    %mul3A_127 = arith.constant 80 : i32
    %mul3A_128 = arith.muli %add3A_126, %mul3A_127 : i32
    %dma_start3A = arith.constant 0 : i32
    %dma_start3A_129 = tpu.memref_slice %arg2[%mul3A_128, %dma_start3A] : memref<320000x16xf32, #tpu.memory_space<hbm>> -> memref<80x16xf32, #tpu.memory_space<hbm>>
    %dma_start3A_130 = arith.constant 0 : i32
    %dma_start3A_131 = tpu.memref_slice %arg2[%mul3A_128, %dma_start3A_130] : memref<320000x16xf32, #tpu.memory_space<hbm>> -> memref<80x16xf32, #tpu.memory_space<hbm>>
    tpu.enqueue_dma source(%dma_start3A_131 : memref<80x16xf32, #tpu.memory_space<hbm>>) target(%arg7 : memref<80x16xf32, #tpu.memory_space<vmem>>) target_semaphore(%arg10 : memref<!tpu.dma_semaphore, #tpu.memory_space<semaphore_mem>>)
    %add3A_132 = arith.constant 1 : i32
    %add3A_133 = arith.addi %add3A, %add3A_132 : i32
    %mul3A_134 = arith.constant 80 : i32
    %mul3A_135 = arith.muli %add3A_133, %mul3A_134 : i32
    %dma_start3A_136 = arith.constant 0 : i32
    %dma_start3A_137 = tpu.memref_slice %arg2[%mul3A_135, %dma_start3A_136] : memref<320000x16xf32, #tpu.memory_space<hbm>> -> memref<80x16xf32, #tpu.memory_space<hbm>>
    %dma_start3A_138 = arith.constant 0 : i32
    %dma_start3A_139 = tpu.memref_slice %arg2[%mul3A_135, %dma_start3A_138] : memref<320000x16xf32, #tpu.memory_space<hbm>> -> memref<80x16xf32, #tpu.memory_space<hbm>>
    tpu.enqueue_dma source(%dma_start3A_139 : memref<80x16xf32, #tpu.memory_space<hbm>>) target(%arg8 : memref<80x16xf32, #tpu.memory_space<vmem>>) target_semaphore(%arg11 : memref<!tpu.dma_semaphore, #tpu.memory_space<semaphore_mem>>)
    %sub3A = arith.constant 0 : i32
    %sub3A_140 = arith.subi %select_n3A, %sub3A : i32
    %sub3A_141 = arith.constant 8 : i32
    %sub3A_142 = arith.constant 1 : i32
    %sub3A_143 = arith.subi %sub3A_141, %sub3A_142 : i32
    %add3A_144 = arith.addi %sub3A_140, %sub3A_143 : i32
    %div3A = arith.constant 8 : i32
    %div3A_145 = arith.divsi %add3A_144, %div3A : i32
    %while3A = arith.constant 8 : i32
    %while3A_146 = arith.constant 0 : i32
    %while3A_147 = arith.constant 0 : i32
    %while3A_148 = arith.subi %div3A_145, %while3A_147 : i32
    %while3A_149 = arith.addi %while3A_147, %while3A_148 : i32
    %while3A_150 = arith.constant 1 : i32
    %while3A_151 = arith.divsi %while3A_148, %while3A_150 : i32
    %while3A_152 = arith.muli %while3A_151, %while3A_150 : i32
    %while3A_153 = arith.addi %while3A_147, %while3A_152 : i32
    %while3A_154 = arith.constant 1 : i32
    scf.for %while3A_180 = %while3A_147 to %while3A_153 step %while3A_154  : i32 {
      %mul3A_181 = arith.muli %while3A_180, %while3A : i32
      %add3A_182 = arith.addi %while3A_146, %mul3A_181 : i32
      %add3A_183 = arith.constant 0 : i32
      %add3A_184 = arith.addi %add3A_182, %add3A_183 : i32
      %add3A_185 = arith.constant 1 : i32
      %add3A_186 = arith.addi %add3A_184, %add3A_185 : i32
      %add3A_187 = arith.addi %add3A, %add3A_184 : i32
      %mul3A_188 = arith.constant 80 : i32
      %mul3A_189 = arith.muli %add3A_187, %mul3A_188 : i32
      %dma_wait3A = arith.constant 0 : i32
      %dma_wait3A_190 = tpu.memref_slice %arg2[%mul3A_189, %dma_wait3A] : memref<320000x16xf32, #tpu.memory_space<hbm>> -> memref<80x16xf32, #tpu.memory_space<hbm>>
      %dma_wait3A_191 = arith.constant 0 : i32
      %dma_wait3A_192 = tpu.memref_slice %arg2[%mul3A_189, %dma_wait3A_191] : memref<320000x16xf32, #tpu.memory_space<hbm>> -> memref<80x16xf32, #tpu.memory_space<hbm>>
      tpu.wait_dma2 semaphore(%arg10 : memref<!tpu.dma_semaphore, #tpu.memory_space<semaphore_mem>>) src(%dma_wait3A_192 : memref<80x16xf32, #tpu.memory_space<hbm>>) dst(%arg7 : memref<80x16xf32, #tpu.memory_space<vmem>>)
      %rem3A = arith.constant 8 : i32
      %rem3A_193 = arith.remsi %add3A_184, %rem3A : i32
      %dma_start3A_194 = arith.constant 0 : i32
      %dma_start3A_195 = tpu.memref_slice %arg6[%rem3A_193, %dma_start3A_194] : memref<8x80xi32, #tpu.memory_space<vmem>> -> memref<1x80xi32, #tpu.memory_space<vmem>>
      %dma_start3A_196 = tpu.memref_squeeze %dma_start3A_195 : memref<1x80xi32, #tpu.memory_space<vmem>> -> memref<80xi32, #tpu.memory_space<vmem>>
      %dma_start3A_197 = arith.constant 0 : i32
      %dma_start3A_198 = arith.constant 0 : i32
      %dma_start3A_199 = tpu.memref_slice %arg16[%dma_start3A_197, %dma_start3A_198] : memref<10000x16xf32, #tpu.memory_space<vmem_shared>> -> memref<10000x16xf32, #tpu.memory_space<vmem_shared>>
      tpu.enqueue_indirect_dma source(%arg7 : memref<80x16xf32, #tpu.memory_space<vmem>>) target(%dma_start3A_199 : memref<10000x16xf32, #tpu.memory_space<vmem_shared>>) offsets(%dma_start3A_196 : memref<80xi32, #tpu.memory_space<vmem>>) semaphore(%arg12 : memref<!tpu.dma_semaphore, #tpu.memory_space<semaphore_mem>>) {add = true}
      %dma_start3A_200 = arith.constant 0 : i32
      %dma_start3A_201 = tpu.memref_slice %arg6[%rem3A_193, %dma_start3A_200] : memref<8x80xi32, #tpu.memory_space<vmem>> -> memref<1x80xi32, #tpu.memory_space<vmem>>
      %dma_start3A_202 = tpu.memref_squeeze %dma_start3A_201 : memref<1x80xi32, #tpu.memory_space<vmem>> -> memref<80xi32, #tpu.memory_space<vmem>>
      %dma_start3A_203 = arith.constant 0 : i32
      %dma_start3A_204 = arith.constant 0 : i32
      %dma_start3A_205 = tpu.memref_slice %arg17[%dma_start3A_203, %dma_start3A_204] : memref<10000x16xf32, #tpu.memory_space<vmem_shared>> -> memref<10000x16xf32, #tpu.memory_space<vmem_shared>>
      tpu.enqueue_indirect_dma source(%arg9 : memref<80x16xf32, #tpu.memory_space<vmem>>) target(%dma_start3A_205 : memref<10000x16xf32, #tpu.memory_space<vmem_shared>>) offsets(%dma_start3A_202 : memref<80xi32, #tpu.memory_space<vmem>>) semaphore(%arg14 : memref<!tpu.dma_semaphore, #tpu.memory_space<semaphore_mem>>) {add = true}
      %add3A_206 = arith.addi %add3A, %add3A_186 : i32
      %mul3A_207 = arith.constant 80 : i32
      %mul3A_208 = arith.muli %add3A_206, %mul3A_207 : i32
      %dma_wait3A_209 = arith.constant 0 : i32
      %dma_wait3A_210 = tpu.memref_slice %arg2[%mul3A_208, %dma_wait3A_209] : memref<320000x16xf32, #tpu.memory_space<hbm>> -> memref<80x16xf32, #tpu.memory_space<hbm>>
      %dma_wait3A_211 = arith.constant 0 : i32
      %dma_wait3A_212 = tpu.memref_slice %arg2[%mul3A_208, %dma_wait3A_211] : memref<320000x16xf32, #tpu.memory_space<hbm>> -> memref<80x16xf32, #tpu.memory_space<hbm>>
      tpu.wait_dma2 semaphore(%arg11 : memref<!tpu.dma_semaphore, #tpu.memory_space<semaphore_mem>>) src(%dma_wait3A_212 : memref<80x16xf32, #tpu.memory_space<hbm>>) dst(%arg8 : memref<80x16xf32, #tpu.memory_space<vmem>>)
      %rem3A_213 = arith.constant 8 : i32
      %rem3A_214 = arith.remsi %add3A_186, %rem3A_213 : i32
      %dma_start3A_215 = arith.constant 0 : i32
      %dma_start3A_216 = tpu.memref_slice %arg6[%rem3A_214, %dma_start3A_215] : memref<8x80xi32, #tpu.memory_space<vmem>> -> memref<1x80xi32, #tpu.memory_space<vmem>>
      %dma_start3A_217 = tpu.memref_squeeze %dma_start3A_216 : memref<1x80xi32, #tpu.memory_space<vmem>> -> memref<80xi32, #tpu.memory_space<vmem>>
      %dma_start3A_218 = arith.constant 0 : i32
      %dma_start3A_219 = arith.constant 0 : i32
      %dma_start3A_220 = tpu.memref_slice %arg16[%dma_start3A_218, %dma_start3A_219] : memref<10000x16xf32, #tpu.memory_space<vmem_shared>> -> memref<10000x16xf32, #tpu.memory_space<vmem_shared>>
      tpu.enqueue_indirect_dma source(%arg8 : memref<80x16xf32, #tpu.memory_space<vmem>>) target(%dma_start3A_220 : memref<10000x16xf32, #tpu.memory_space<vmem_shared>>) offsets(%dma_start3A_217 : memref<80xi32, #tpu.memory_space<vmem>>) semaphore(%arg13 : memref<!tpu.dma_semaphore, #tpu.memory_space<semaphore_mem>>) {add = true}
      %dma_start3A_221 = arith.constant 0 : i32
      %dma_start3A_222 = tpu.memref_slice %arg6[%rem3A_214, %dma_start3A_221] : memref<8x80xi32, #tpu.memory_space<vmem>> -> memref<1x80xi32, #tpu.memory_space<vmem>>
      %dma_start3A_223 = tpu.memref_squeeze %dma_start3A_222 : memref<1x80xi32, #tpu.memory_space<vmem>> -> memref<80xi32, #tpu.memory_space<vmem>>
      %dma_start3A_224 = arith.constant 0 : i32
      %dma_start3A_225 = arith.constant 0 : i32
      %dma_start3A_226 = tpu.memref_slice %arg17[%dma_start3A_224, %dma_start3A_225] : memref<10000x16xf32, #tpu.memory_space<vmem_shared>> -> memref<10000x16xf32, #tpu.memory_space<vmem_shared>>
      tpu.enqueue_indirect_dma source(%arg9 : memref<80x16xf32, #tpu.memory_space<vmem>>) target(%dma_start3A_226 : memref<10000x16xf32, #tpu.memory_space<vmem_shared>>) offsets(%dma_start3A_223 : memref<80xi32, #tpu.memory_space<vmem>>) semaphore(%arg15 : memref<!tpu.dma_semaphore, #tpu.memory_space<semaphore_mem>>) {add = true}
      %rem3A_227 = arith.constant 8 : i32
      %rem3A_228 = arith.remsi %add3A_184, %rem3A_227 : i32
      %dma_wait3A_229 = arith.constant 0 : i32
      %dma_wait3A_230 = tpu.memref_slice %arg6[%rem3A_228, %dma_wait3A_229] : memref<8x80xi32, #tpu.memory_space<vmem>> -> memref<1x80xi32, #tpu.memory_space<vmem>>
      %dma_wait3A_231 = tpu.memref_squeeze %dma_wait3A_230 : memref<1x80xi32, #tpu.memory_space<vmem>> -> memref<80xi32, #tpu.memory_space<vmem>>
      %dma_wait3A_232 = arith.constant 0 : i32
      %dma_wait3A_233 = arith.constant 0 : i32
      %dma_wait3A_234 = tpu.memref_slice %arg16[%dma_wait3A_232, %dma_wait3A_233] : memref<10000x16xf32, #tpu.memory_space<vmem_shared>> -> memref<10000x16xf32, #tpu.memory_space<vmem_shared>>
      tpu.wait_indirect_dma semaphore(%arg12 : memref<!tpu.dma_semaphore, #tpu.memory_space<semaphore_mem>>) src(%arg7 : memref<80x16xf32, #tpu.memory_space<vmem>>) dst(%dma_wait3A_234 : memref<10000x16xf32, #tpu.memory_space<vmem_shared>>)
      %dma_wait3A_235 = arith.constant 0 : i32
      %dma_wait3A_236 = tpu.memref_slice %arg6[%rem3A_228, %dma_wait3A_235] : memref<8x80xi32, #tpu.memory_space<vmem>> -> memref<1x80xi32, #tpu.memory_space<vmem>>
      %dma_wait3A_237 = tpu.memref_squeeze %dma_wait3A_236 : memref<1x80xi32, #tpu.memory_space<vmem>> -> memref<80xi32, #tpu.memory_space<vmem>>
      %dma_wait3A_238 = arith.constant 0 : i32
      %dma_wait3A_239 = arith.constant 0 : i32
      %dma_wait3A_240 = tpu.memref_slice %arg17[%dma_wait3A_238, %dma_wait3A_239] : memref<10000x16xf32, #tpu.memory_space<vmem_shared>> -> memref<10000x16xf32, #tpu.memory_space<vmem_shared>>
      tpu.wait_indirect_dma semaphore(%arg14 : memref<!tpu.dma_semaphore, #tpu.memory_space<semaphore_mem>>) src(%arg9 : memref<80x16xf32, #tpu.memory_space<vmem>>) dst(%dma_wait3A_240 : memref<10000x16xf32, #tpu.memory_space<vmem_shared>>)
      %add3A_241 = arith.constant 2 : i32
      %add3A_242 = arith.addi %add3A_184, %add3A_241 : i32
      %add3A_243 = arith.addi %add3A, %add3A_242 : i32
      %mul3A_244 = arith.constant 80 : i32
      %mul3A_245 = arith.muli %add3A_243, %mul3A_244 : i32
      %dma_start3A_246 = arith.constant 0 : i32
      %dma_start3A_247 = tpu.memref_slice %arg2[%mul3A_245, %dma_start3A_246] : memref<320000x16xf32, #tpu.memory_space<hbm>> -> memref<80x16xf32, #tpu.memory_space<hbm>>
      %dma_start3A_248 = arith.constant 0 : i32
      %dma_start3A_249 = tpu.memref_slice %arg2[%mul3A_245, %dma_start3A_248] : memref<320000x16xf32, #tpu.memory_space<hbm>> -> memref<80x16xf32, #tpu.memory_space<hbm>>
      tpu.enqueue_dma source(%dma_start3A_249 : memref<80x16xf32, #tpu.memory_space<hbm>>) target(%arg7 : memref<80x16xf32, #tpu.memory_space<vmem>>) target_semaphore(%arg10 : memref<!tpu.dma_semaphore, #tpu.memory_space<semaphore_mem>>)
      %rem3A_250 = arith.constant 8 : i32
      %rem3A_251 = arith.remsi %add3A_186, %rem3A_250 : i32
      %dma_wait3A_252 = arith.constant 0 : i32
      %dma_wait3A_253 = tpu.memref_slice %arg6[%rem3A_251, %dma_wait3A_252] : memref<8x80xi32, #tpu.memory_space<vmem>> -> memref<1x80xi32, #tpu.memory_space<vmem>>
      %dma_wait3A_254 = tpu.memref_squeeze %dma_wait3A_253 : memref<1x80xi32, #tpu.memory_space<vmem>> -> memref<80xi32, #tpu.memory_space<vmem>>
      %dma_wait3A_255 = arith.constant 0 : i32
      %dma_wait3A_256 = arith.constant 0 : i32
      %dma_wait3A_257 = tpu.memref_slice %arg16[%dma_wait3A_255, %dma_wait3A_256] : memref<10000x16xf32, #tpu.memory_space<vmem_shared>> -> memref<10000x16xf32, #tpu.memory_space<vmem_shared>>
      tpu.wait_indirect_dma semaphore(%arg13 : memref<!tpu.dma_semaphore, #tpu.memory_space<semaphore_mem>>) src(%arg8 : memref<80x16xf32, #tpu.memory_space<vmem>>) dst(%dma_wait3A_257 : memref<10000x16xf32, #tpu.memory_space<vmem_shared>>)
      %dma_wait3A_258 = arith.constant 0 : i32
      %dma_wait3A_259 = tpu.memref_slice %arg6[%rem3A_251, %dma_wait3A_258] : memref<8x80xi32, #tpu.memory_space<vmem>> -> memref<1x80xi32, #tpu.memory_space<vmem>>
      %dma_wait3A_260 = tpu.memref_squeeze %dma_wait3A_259 : memref<1x80xi32, #tpu.memory_space<vmem>> -> memref<80xi32, #tpu.memory_space<vmem>>
      %dma_wait3A_261 = arith.constant 0 : i32
      %dma_wait3A_262 = arith.constant 0 : i32
      %dma_wait3A_263 = tpu.memref_slice %arg17[%dma_wait3A_261, %dma_wait3A_262] : memref<10000x16xf32, #tpu.memory_space<vmem_shared>> -> memref<10000x16xf32, #tpu.memory_space<vmem_shared>>
      tpu.wait_indirect_dma semaphore(%arg15 : memref<!tpu.dma_semaphore, #tpu.memory_space<semaphore_mem>>) src(%arg9 : memref<80x16xf32, #tpu.memory_space<vmem>>) dst(%dma_wait3A_263 : memref<10000x16xf32, #tpu.memory_space<vmem_shared>>)
      %add3A_264 = arith.constant 2 : i32
      %add3A_265 = arith.addi %add3A_186, %add3A_264 : i32
      %add3A_266 = arith.addi %add3A, %add3A_265 : i32
      %mul3A_267 = arith.constant 80 : i32
      %mul3A_268 = arith.muli %add3A_266, %mul3A_267 : i32
      %dma_start3A_269 = arith.constant 0 : i32
      %dma_start3A_270 = tpu.memref_slice %arg2[%mul3A_268, %dma_start3A_269] : memref<320000x16xf32, #tpu.memory_space<hbm>> -> memref<80x16xf32, #tpu.memory_space<hbm>>
      %dma_start3A_271 = arith.constant 0 : i32
      %dma_start3A_272 = tpu.memref_slice %arg2[%mul3A_268, %dma_start3A_271] : memref<320000x16xf32, #tpu.memory_space<hbm>> -> memref<80x16xf32, #tpu.memory_space<hbm>>
      tpu.enqueue_dma source(%dma_start3A_272 : memref<80x16xf32, #tpu.memory_space<hbm>>) target(%arg8 : memref<80x16xf32, #tpu.memory_space<vmem>>) target_semaphore(%arg11 : memref<!tpu.dma_semaphore, #tpu.memory_space<semaphore_mem>>)
      %add3A_273 = arith.constant 2 : i32
      %add3A_274 = arith.addi %add3A_182, %add3A_273 : i32
      %add3A_275 = arith.constant 1 : i32
      %add3A_276 = arith.addi %add3A_274, %add3A_275 : i32
      %add3A_277 = arith.addi %add3A, %add3A_274 : i32
      %mul3A_278 = arith.constant 80 : i32
      %mul3A_279 = arith.muli %add3A_277, %mul3A_278 : i32
      %dma_wait3A_280 = arith.constant 0 : i32
      %dma_wait3A_281 = tpu.memref_slice %arg2[%mul3A_279, %dma_wait3A_280] : memref<320000x16xf32, #tpu.memory_space<hbm>> -> memref<80x16xf32, #tpu.memory_space<hbm>>
      %dma_wait3A_282 = arith.constant 0 : i32
      %dma_wait3A_283 = tpu.memref_slice %arg2[%mul3A_279, %dma_wait3A_282] : memref<320000x16xf32, #tpu.memory_space<hbm>> -> memref<80x16xf32, #tpu.memory_space<hbm>>
      tpu.wait_dma2 semaphore(%arg10 : memref<!tpu.dma_semaphore, #tpu.memory_space<semaphore_mem>>) src(%dma_wait3A_283 : memref<80x16xf32, #tpu.memory_space<hbm>>) dst(%arg7 : memref<80x16xf32, #tpu.memory_space<vmem>>)
      %rem3A_284 = arith.constant 8 : i32
      %rem3A_285 = arith.remsi %add3A_274, %rem3A_284 : i32
      %dma_start3A_286 = arith.constant 0 : i32
      %dma_start3A_287 = tpu.memref_slice %arg6[%rem3A_285, %dma_start3A_286] : memref<8x80xi32, #tpu.memory_space<vmem>> -> memref<1x80xi32, #tpu.memory_space<vmem>>
      %dma_start3A_288 = tpu.memref_squeeze %dma_start3A_287 : memref<1x80xi32, #tpu.memory_space<vmem>> -> memref<80xi32, #tpu.memory_space<vmem>>
      %dma_start3A_289 = arith.constant 0 : i32
      %dma_start3A_290 = arith.constant 0 : i32
      %dma_start3A_291 = tpu.memref_slice %arg16[%dma_start3A_289, %dma_start3A_290] : memref<10000x16xf32, #tpu.memory_space<vmem_shared>> -> memref<10000x16xf32, #tpu.memory_space<vmem_shared>>
      tpu.enqueue_indirect_dma source(%arg7 : memref<80x16xf32, #tpu.memory_space<vmem>>) target(%dma_start3A_291 : memref<10000x16xf32, #tpu.memory_space<vmem_shared>>) offsets(%dma_start3A_288 : memref<80xi32, #tpu.memory_space<vmem>>) semaphore(%arg12 : memref<!tpu.dma_semaphore, #tpu.memory_space<semaphore_mem>>) {add = true}
      %dma_start3A_292 = arith.constant 0 : i32
      %dma_start3A_293 = tpu.memref_slice %arg6[%rem3A_285, %dma_start3A_292] : memref<8x80xi32, #tpu.memory_space<vmem>> -> memref<1x80xi32, #tpu.memory_space<vmem>>
      %dma_start3A_294 = tpu.memref_squeeze %dma_start3A_293 : memref<1x80xi32, #tpu.memory_space<vmem>> -> memref<80xi32, #tpu.memory_space<vmem>>
      %dma_start3A_295 = arith.constant 0 : i32
      %dma_start3A_296 = arith.constant 0 : i32
      %dma_start3A_297 = tpu.memref_slice %arg17[%dma_start3A_295, %dma_start3A_296] : memref<10000x16xf32, #tpu.memory_space<vmem_shared>> -> memref<10000x16xf32, #tpu.memory_space<vmem_shared>>
      tpu.enqueue_indirect_dma source(%arg9 : memref<80x16xf32, #tpu.memory_space<vmem>>) target(%dma_start3A_297 : memref<10000x16xf32, #tpu.memory_space<vmem_shared>>) offsets(%dma_start3A_294 : memref<80xi32, #tpu.memory_space<vmem>>) semaphore(%arg14 : memref<!tpu.dma_semaphore, #tpu.memory_space<semaphore_mem>>) {add = true}
      %add3A_298 = arith.addi %add3A, %add3A_276 : i32
      %mul3A_299 = arith.constant 80 : i32
      %mul3A_300 = arith.muli %add3A_298, %mul3A_299 : i32
      %dma_wait3A_301 = arith.constant 0 : i32
      %dma_wait3A_302 = tpu.memref_slice %arg2[%mul3A_300, %dma_wait3A_301] : memref<320000x16xf32, #tpu.memory_space<hbm>> -> memref<80x16xf32, #tpu.memory_space<hbm>>
      %dma_wait3A_303 = arith.constant 0 : i32
      %dma_wait3A_304 = tpu.memref_slice %arg2[%mul3A_300, %dma_wait3A_303] : memref<320000x16xf32, #tpu.memory_space<hbm>> -> memref<80x16xf32, #tpu.memory_space<hbm>>
      tpu.wait_dma2 semaphore(%arg11 : memref<!tpu.dma_semaphore, #tpu.memory_space<semaphore_mem>>) src(%dma_wait3A_304 : memref<80x16xf32, #tpu.memory_space<hbm>>) dst(%arg8 : memref<80x16xf32, #tpu.memory_space<vmem>>)
      %rem3A_305 = arith.constant 8 : i32
      %rem3A_306 = arith.remsi %add3A_276, %rem3A_305 : i32
      %dma_start3A_307 = arith.constant 0 : i32
      %dma_start3A_308 = tpu.memref_slice %arg6[%rem3A_306, %dma_start3A_307] : memref<8x80xi32, #tpu.memory_space<vmem>> -> memref<1x80xi32, #tpu.memory_space<vmem>>
      %dma_start3A_309 = tpu.memref_squeeze %dma_start3A_308 : memref<1x80xi32, #tpu.memory_space<vmem>> -> memref<80xi32, #tpu.memory_space<vmem>>
      %dma_start3A_310 = arith.constant 0 : i32
      %dma_start3A_311 = arith.constant 0 : i32
      %dma_start3A_312 = tpu.memref_slice %arg16[%dma_start3A_310, %dma_start3A_311] : memref<10000x16xf32, #tpu.memory_space<vmem_shared>> -> memref<10000x16xf32, #tpu.memory_space<vmem_shared>>
      tpu.enqueue_indirect_dma source(%arg8 : memref<80x16xf32, #tpu.memory_space<vmem>>) target(%dma_start3A_312 : memref<10000x16xf32, #tpu.memory_space<vmem_shared>>) offsets(%dma_start3A_309 : memref<80xi32, #tpu.memory_space<vmem>>) semaphore(%arg13 : memref<!tpu.dma_semaphore, #tpu.memory_space<semaphore_mem>>) {add = true}
      %dma_start3A_313 = arith.constant 0 : i32
      %dma_start3A_314 = tpu.memref_slice %arg6[%rem3A_306, %dma_start3A_313] : memref<8x80xi32, #tpu.memory_space<vmem>> -> memref<1x80xi32, #tpu.memory_space<vmem>>
      %dma_start3A_315 = tpu.memref_squeeze %dma_start3A_314 : memref<1x80xi32, #tpu.memory_space<vmem>> -> memref<80xi32, #tpu.memory_space<vmem>>
      %dma_start3A_316 = arith.constant 0 : i32
      %dma_start3A_317 = arith.constant 0 : i32
      %dma_start3A_318 = tpu.memref_slice %arg17[%dma_start3A_316, %dma_start3A_317] : memref<10000x16xf32, #tpu.memory_space<vmem_shared>> -> memref<10000x16xf32, #tpu.memory_space<vmem_shared>>
      tpu.enqueue_indirect_dma source(%arg9 : memref<80x16xf32, #tpu.memory_space<vmem>>) target(%dma_start3A_318 : memref<10000x16xf32, #tpu.memory_space<vmem_shared>>) offsets(%dma_start3A_315 : memref<80xi32, #tpu.memory_space<vmem>>) semaphore(%arg15 : memref<!tpu.dma_semaphore, #tpu.memory_space<semaphore_mem>>) {add = true}
      %rem3A_319 = arith.constant 8 : i32
      %rem3A_320 = arith.remsi %add3A_274, %rem3A_319 : i32
      %dma_wait3A_321 = arith.constant 0 : i32
      %dma_wait3A_322 = tpu.memref_slice %arg6[%rem3A_320, %dma_wait3A_321] : memref<8x80xi32, #tpu.memory_space<vmem>> -> memref<1x80xi32, #tpu.memory_space<vmem>>
      %dma_wait3A_323 = tpu.memref_squeeze %dma_wait3A_322 : memref<1x80xi32, #tpu.memory_space<vmem>> -> memref<80xi32, #tpu.memory_space<vmem>>
      %dma_wait3A_324 = arith.constant 0 : i32
      %dma_wait3A_325 = arith.constant 0 : i32
      %dma_wait3A_326 = tpu.memref_slice %arg16[%dma_wait3A_324, %dma_wait3A_325] : memref<10000x16xf32, #tpu.memory_space<vmem_shared>> -> memref<10000x16xf32, #tpu.memory_space<vmem_shared>>
      tpu.wait_indirect_dma semaphore(%arg12 : memref<!tpu.dma_semaphore, #tpu.memory_space<semaphore_mem>>) src(%arg7 : memref<80x16xf32, #tpu.memory_space<vmem>>) dst(%dma_wait3A_326 : memref<10000x16xf32, #tpu.memory_space<vmem_shared>>)
      %dma_wait3A_327 = arith.constant 0 : i32
      %dma_wait3A_328 = tpu.memref_slice %arg6[%rem3A_320, %dma_wait3A_327] : memref<8x80xi32, #tpu.memory_space<vmem>> -> memref<1x80xi32, #tpu.memory_space<vmem>>
      %dma_wait3A_329 = tpu.memref_squeeze %dma_wait3A_328 : memref<1x80xi32, #tpu.memory_space<vmem>> -> memref<80xi32, #tpu.memory_space<vmem>>
      %dma_wait3A_330 = arith.constant 0 : i32
      %dma_wait3A_331 = arith.constant 0 : i32
      %dma_wait3A_332 = tpu.memref_slice %arg17[%dma_wait3A_330, %dma_wait3A_331] : memref<10000x16xf32, #tpu.memory_space<vmem_shared>> -> memref<10000x16xf32, #tpu.memory_space<vmem_shared>>
      tpu.wait_indirect_dma semaphore(%arg14 : memref<!tpu.dma_semaphore, #tpu.memory_space<semaphore_mem>>) src(%arg9 : memref<80x16xf32, #tpu.memory_space<vmem>>) dst(%dma_wait3A_332 : memref<10000x16xf32, #tpu.memory_space<vmem_shared>>)
      %add3A_333 = arith.constant 2 : i32
      %add3A_334 = arith.addi %add3A_274, %add3A_333 : i32
      %add3A_335 = arith.addi %add3A, %add3A_334 : i32
      %mul3A_336 = arith.constant 80 : i32
      %mul3A_337 = arith.muli %add3A_335, %mul3A_336 : i32
      %dma_start3A_338 = arith.constant 0 : i32
      %dma_start3A_339 = tpu.memref_slice %arg2[%mul3A_337, %dma_start3A_338] : memref<320000x16xf32, #tpu.memory_space<hbm>> -> memref<80x16xf32, #tpu.memory_space<hbm>>
      %dma_start3A_340 = arith.constant 0 : i32
      %dma_start3A_341 = tpu.memref_slice %arg2[%mul3A_337, %dma_start3A_340] : memref<320000x16xf32, #tpu.memory_space<hbm>> -> memref<80x16xf32, #tpu.memory_space<hbm>>
      tpu.enqueue_dma source(%dma_start3A_341 : memref<80x16xf32, #tpu.memory_space<hbm>>) target(%arg7 : memref<80x16xf32, #tpu.memory_space<vmem>>) target_semaphore(%arg10 : memref<!tpu.dma_semaphore, #tpu.memory_space<semaphore_mem>>)
      %rem3A_342 = arith.constant 8 : i32
      %rem3A_343 = arith.remsi %add3A_276, %rem3A_342 : i32
      %dma_wait3A_344 = arith.constant 0 : i32
      %dma_wait3A_345 = tpu.memref_slice %arg6[%rem3A_343, %dma_wait3A_344] : memref<8x80xi32, #tpu.memory_space<vmem>> -> memref<1x80xi32, #tpu.memory_space<vmem>>
      %dma_wait3A_346 = tpu.memref_squeeze %dma_wait3A_345 : memref<1x80xi32, #tpu.memory_space<vmem>> -> memref<80xi32, #tpu.memory_space<vmem>>
      %dma_wait3A_347 = arith.constant 0 : i32
      %dma_wait3A_348 = arith.constant 0 : i32
      %dma_wait3A_349 = tpu.memref_slice %arg16[%dma_wait3A_347, %dma_wait3A_348] : memref<10000x16xf32, #tpu.memory_space<vmem_shared>> -> memref<10000x16xf32, #tpu.memory_space<vmem_shared>>
      tpu.wait_indirect_dma semaphore(%arg13 : memref<!tpu.dma_semaphore, #tpu.memory_space<semaphore_mem>>) src(%arg8 : memref<80x16xf32, #tpu.memory_space<vmem>>) dst(%dma_wait3A_349 : memref<10000x16xf32, #tpu.memory_space<vmem_shared>>)
      %dma_wait3A_350 = arith.constant 0 : i32
      %dma_wait3A_351 = tpu.memref_slice %arg6[%rem3A_343, %dma_wait3A_350] : memref<8x80xi32, #tpu.memory_space<vmem>> -> memref<1x80xi32, #tpu.memory_space<vmem>>
      %dma_wait3A_352 = tpu.memref_squeeze %dma_wait3A_351 : memref<1x80xi32, #tpu.memory_space<vmem>> -> memref<80xi32, #tpu.memory_space<vmem>>
      %dma_wait3A_353 = arith.constant 0 : i32
      %dma_wait3A_354 = arith.constant 0 : i32
      %dma_wait3A_355 = tpu.memref_slice %arg17[%dma_wait3A_353, %dma_wait3A_354] : memref<10000x16xf32, #tpu.memory_space<vmem_shared>> -> memref<10000x16xf32, #tpu.memory_space<vmem_shared>>
      tpu.wait_indirect_dma semaphore(%arg15 : memref<!tpu.dma_semaphore, #tpu.memory_space<semaphore_mem>>) src(%arg9 : memref<80x16xf32, #tpu.memory_space<vmem>>) dst(%dma_wait3A_355 : memref<10000x16xf32, #tpu.memory_space<vmem_shared>>)
      %add3A_356 = arith.constant 2 : i32
      %add3A_357 = arith.addi %add3A_276, %add3A_356 : i32
      %add3A_358 = arith.addi %add3A, %add3A_357 : i32
      %mul3A_359 = arith.constant 80 : i32
      %mul3A_360 = arith.muli %add3A_358, %mul3A_359 : i32
      %dma_start3A_361 = arith.constant 0 : i32
      %dma_start3A_362 = tpu.memref_slice %arg2[%mul3A_360, %dma_start3A_361] : memref<320000x16xf32, #tpu.memory_space<hbm>> -> memref<80x16xf32, #tpu.memory_space<hbm>>
      %dma_start3A_363 = arith.constant 0 : i32
      %dma_start3A_364 = tpu.memref_slice %arg2[%mul3A_360, %dma_start3A_363] : memref<320000x16xf32, #tpu.memory_space<hbm>> -> memref<80x16xf32, #tpu.memory_space<hbm>>
      tpu.enqueue_dma source(%dma_start3A_364 : memref<80x16xf32, #tpu.memory_space<hbm>>) target(%arg8 : memref<80x16xf32, #tpu.memory_space<vmem>>) target_semaphore(%arg11 : memref<!tpu.dma_semaphore, #tpu.memory_space<semaphore_mem>>)
      %add3A_365 = arith.constant 4 : i32
      %add3A_366 = arith.addi %add3A_182, %add3A_365 : i32
      %add3A_367 = arith.constant 1 : i32
      %add3A_368 = arith.addi %add3A_366, %add3A_367 : i32
      %add3A_369 = arith.addi %add3A, %add3A_366 : i32
      %mul3A_370 = arith.constant 80 : i32
      %mul3A_371 = arith.muli %add3A_369, %mul3A_370 : i32
      %dma_wait3A_372 = arith.constant 0 : i32
      %dma_wait3A_373 = tpu.memref_slice %arg2[%mul3A_371, %dma_wait3A_372] : memref<320000x16xf32, #tpu.memory_space<hbm>> -> memref<80x16xf32, #tpu.memory_space<hbm>>
      %dma_wait3A_374 = arith.constant 0 : i32
      %dma_wait3A_375 = tpu.memref_slice %arg2[%mul3A_371, %dma_wait3A_374] : memref<320000x16xf32, #tpu.memory_space<hbm>> -> memref<80x16xf32, #tpu.memory_space<hbm>>
      tpu.wait_dma2 semaphore(%arg10 : memref<!tpu.dma_semaphore, #tpu.memory_space<semaphore_mem>>) src(%dma_wait3A_375 : memref<80x16xf32, #tpu.memory_space<hbm>>) dst(%arg7 : memref<80x16xf32, #tpu.memory_space<vmem>>)
      %rem3A_376 = arith.constant 8 : i32
      %rem3A_377 = arith.remsi %add3A_366, %rem3A_376 : i32
      %dma_start3A_378 = arith.constant 0 : i32
      %dma_start3A_379 = tpu.memref_slice %arg6[%rem3A_377, %dma_start3A_378] : memref<8x80xi32, #tpu.memory_space<vmem>> -> memref<1x80xi32, #tpu.memory_space<vmem>>
      %dma_start3A_380 = tpu.memref_squeeze %dma_start3A_379 : memref<1x80xi32, #tpu.memory_space<vmem>> -> memref<80xi32, #tpu.memory_space<vmem>>
      %dma_start3A_381 = arith.constant 0 : i32
      %dma_start3A_382 = arith.constant 0 : i32
      %dma_start3A_383 = tpu.memref_slice %arg16[%dma_start3A_381, %dma_start3A_382] : memref<10000x16xf32, #tpu.memory_space<vmem_shared>> -> memref<10000x16xf32, #tpu.memory_space<vmem_shared>>
      tpu.enqueue_indirect_dma source(%arg7 : memref<80x16xf32, #tpu.memory_space<vmem>>) target(%dma_start3A_383 : memref<10000x16xf32, #tpu.memory_space<vmem_shared>>) offsets(%dma_start3A_380 : memref<80xi32, #tpu.memory_space<vmem>>) semaphore(%arg12 : memref<!tpu.dma_semaphore, #tpu.memory_space<semaphore_mem>>) {add = true}
      %dma_start3A_384 = arith.constant 0 : i32
      %dma_start3A_385 = tpu.memref_slice %arg6[%rem3A_377, %dma_start3A_384] : memref<8x80xi32, #tpu.memory_space<vmem>> -> memref<1x80xi32, #tpu.memory_space<vmem>>
      %dma_start3A_386 = tpu.memref_squeeze %dma_start3A_385 : memref<1x80xi32, #tpu.memory_space<vmem>> -> memref<80xi32, #tpu.memory_space<vmem>>
      %dma_start3A_387 = arith.constant 0 : i32
      %dma_start3A_388 = arith.constant 0 : i32
      %dma_start3A_389 = tpu.memref_slice %arg17[%dma_start3A_387, %dma_start3A_388] : memref<10000x16xf32, #tpu.memory_space<vmem_shared>> -> memref<10000x16xf32, #tpu.memory_space<vmem_shared>>
      tpu.enqueue_indirect_dma source(%arg9 : memref<80x16xf32, #tpu.memory_space<vmem>>) target(%dma_start3A_389 : memref<10000x16xf32, #tpu.memory_space<vmem_shared>>) offsets(%dma_start3A_386 : memref<80xi32, #tpu.memory_space<vmem>>) semaphore(%arg14 : memref<!tpu.dma_semaphore, #tpu.memory_space<semaphore_mem>>) {add = true}
      %add3A_390 = arith.addi %add3A, %add3A_368 : i32
      %mul3A_391 = arith.constant 80 : i32
      %mul3A_392 = arith.muli %add3A_390, %mul3A_391 : i32
      %dma_wait3A_393 = arith.constant 0 : i32
      %dma_wait3A_394 = tpu.memref_slice %arg2[%mul3A_392, %dma_wait3A_393] : memref<320000x16xf32, #tpu.memory_space<hbm>> -> memref<80x16xf32, #tpu.memory_space<hbm>>
      %dma_wait3A_395 = arith.constant 0 : i32
      %dma_wait3A_396 = tpu.memref_slice %arg2[%mul3A_392, %dma_wait3A_395] : memref<320000x16xf32, #tpu.memory_space<hbm>> -> memref<80x16xf32, #tpu.memory_space<hbm>>
      tpu.wait_dma2 semaphore(%arg11 : memref<!tpu.dma_semaphore, #tpu.memory_space<semaphore_mem>>) src(%dma_wait3A_396 : memref<80x16xf32, #tpu.memory_space<hbm>>) dst(%arg8 : memref<80x16xf32, #tpu.memory_space<vmem>>)
      %rem3A_397 = arith.constant 8 : i32
      %rem3A_398 = arith.remsi %add3A_368, %rem3A_397 : i32
      %dma_start3A_399 = arith.constant 0 : i32
      %dma_start3A_400 = tpu.memref_slice %arg6[%rem3A_398, %dma_start3A_399] : memref<8x80xi32, #tpu.memory_space<vmem>> -> memref<1x80xi32, #tpu.memory_space<vmem>>
      %dma_start3A_401 = tpu.memref_squeeze %dma_start3A_400 : memref<1x80xi32, #tpu.memory_space<vmem>> -> memref<80xi32, #tpu.memory_space<vmem>>
      %dma_start3A_402 = arith.constant 0 : i32
      %dma_start3A_403 = arith.constant 0 : i32
      %dma_start3A_404 = tpu.memref_slice %arg16[%dma_start3A_402, %dma_start3A_403] : memref<10000x16xf32, #tpu.memory_space<vmem_shared>> -> memref<10000x16xf32, #tpu.memory_space<vmem_shared>>
      tpu.enqueue_indirect_dma source(%arg8 : memref<80x16xf32, #tpu.memory_space<vmem>>) target(%dma_start3A_404 : memref<10000x16xf32, #tpu.memory_space<vmem_shared>>) offsets(%dma_start3A_401 : memref<80xi32, #tpu.memory_space<vmem>>) semaphore(%arg13 : memref<!tpu.dma_semaphore, #tpu.memory_space<semaphore_mem>>) {add = true}
      %dma_start3A_405 = arith.constant 0 : i32
      %dma_start3A_406 = tpu.memref_slice %arg6[%rem3A_398, %dma_start3A_405] : memref<8x80xi32, #tpu.memory_space<vmem>> -> memref<1x80xi32, #tpu.memory_space<vmem>>
      %dma_start3A_407 = tpu.memref_squeeze %dma_start3A_406 : memref<1x80xi32, #tpu.memory_space<vmem>> -> memref<80xi32, #tpu.memory_space<vmem>>
      %dma_start3A_408 = arith.constant 0 : i32
      %dma_start3A_409 = arith.constant 0 : i32
      %dma_start3A_410 = tpu.memref_slice %arg17[%dma_start3A_408, %dma_start3A_409] : memref<10000x16xf32, #tpu.memory_space<vmem_shared>> -> memref<10000x16xf32, #tpu.memory_space<vmem_shared>>
      tpu.enqueue_indirect_dma source(%arg9 : memref<80x16xf32, #tpu.memory_space<vmem>>) target(%dma_start3A_410 : memref<10000x16xf32, #tpu.memory_space<vmem_shared>>) offsets(%dma_start3A_407 : memref<80xi32, #tpu.memory_space<vmem>>) semaphore(%arg15 : memref<!tpu.dma_semaphore, #tpu.memory_space<semaphore_mem>>) {add = true}
      %rem3A_411 = arith.constant 8 : i32
      %rem3A_412 = arith.remsi %add3A_366, %rem3A_411 : i32
      %dma_wait3A_413 = arith.constant 0 : i32
      %dma_wait3A_414 = tpu.memref_slice %arg6[%rem3A_412, %dma_wait3A_413] : memref<8x80xi32, #tpu.memory_space<vmem>> -> memref<1x80xi32, #tpu.memory_space<vmem>>
      %dma_wait3A_415 = tpu.memref_squeeze %dma_wait3A_414 : memref<1x80xi32, #tpu.memory_space<vmem>> -> memref<80xi32, #tpu.memory_space<vmem>>
      %dma_wait3A_416 = arith.constant 0 : i32
      %dma_wait3A_417 = arith.constant 0 : i32
      %dma_wait3A_418 = tpu.memref_slice %arg16[%dma_wait3A_416, %dma_wait3A_417] : memref<10000x16xf32, #tpu.memory_space<vmem_shared>> -> memref<10000x16xf32, #tpu.memory_space<vmem_shared>>
      tpu.wait_indirect_dma semaphore(%arg12 : memref<!tpu.dma_semaphore, #tpu.memory_space<semaphore_mem>>) src(%arg7 : memref<80x16xf32, #tpu.memory_space<vmem>>) dst(%dma_wait3A_418 : memref<10000x16xf32, #tpu.memory_space<vmem_shared>>)
      %dma_wait3A_419 = arith.constant 0 : i32
      %dma_wait3A_420 = tpu.memref_slice %arg6[%rem3A_412, %dma_wait3A_419] : memref<8x80xi32, #tpu.memory_space<vmem>> -> memref<1x80xi32, #tpu.memory_space<vmem>>
      %dma_wait3A_421 = tpu.memref_squeeze %dma_wait3A_420 : memref<1x80xi32, #tpu.memory_space<vmem>> -> memref<80xi32, #tpu.memory_space<vmem>>
      %dma_wait3A_422 = arith.constant 0 : i32
      %dma_wait3A_423 = arith.constant 0 : i32
      %dma_wait3A_424 = tpu.memref_slice %arg17[%dma_wait3A_422, %dma_wait3A_423] : memref<10000x16xf32, #tpu.memory_space<vmem_shared>> -> memref<10000x16xf32, #tpu.memory_space<vmem_shared>>
      tpu.wait_indirect_dma semaphore(%arg14 : memref<!tpu.dma_semaphore, #tpu.memory_space<semaphore_mem>>) src(%arg9 : memref<80x16xf32, #tpu.memory_space<vmem>>) dst(%dma_wait3A_424 : memref<10000x16xf32, #tpu.memory_space<vmem_shared>>)
      %add3A_425 = arith.constant 2 : i32
      %add3A_426 = arith.addi %add3A_366, %add3A_425 : i32
      %add3A_427 = arith.addi %add3A, %add3A_426 : i32
      %mul3A_428 = arith.constant 80 : i32
      %mul3A_429 = arith.muli %add3A_427, %mul3A_428 : i32
      %dma_start3A_430 = arith.constant 0 : i32
      %dma_start3A_431 = tpu.memref_slice %arg2[%mul3A_429, %dma_start3A_430] : memref<320000x16xf32, #tpu.memory_space<hbm>> -> memref<80x16xf32, #tpu.memory_space<hbm>>
      %dma_start3A_432 = arith.constant 0 : i32
      %dma_start3A_433 = tpu.memref_slice %arg2[%mul3A_429, %dma_start3A_432] : memref<320000x16xf32, #tpu.memory_space<hbm>> -> memref<80x16xf32, #tpu.memory_space<hbm>>
      tpu.enqueue_dma source(%dma_start3A_433 : memref<80x16xf32, #tpu.memory_space<hbm>>) target(%arg7 : memref<80x16xf32, #tpu.memory_space<vmem>>) target_semaphore(%arg10 : memref<!tpu.dma_semaphore, #tpu.memory_space<semaphore_mem>>)
      %rem3A_434 = arith.constant 8 : i32
      %rem3A_435 = arith.remsi %add3A_368, %rem3A_434 : i32
      %dma_wait3A_436 = arith.constant 0 : i32
      %dma_wait3A_437 = tpu.memref_slice %arg6[%rem3A_435, %dma_wait3A_436] : memref<8x80xi32, #tpu.memory_space<vmem>> -> memref<1x80xi32, #tpu.memory_space<vmem>>
      %dma_wait3A_438 = tpu.memref_squeeze %dma_wait3A_437 : memref<1x80xi32, #tpu.memory_space<vmem>> -> memref<80xi32, #tpu.memory_space<vmem>>
      %dma_wait3A_439 = arith.constant 0 : i32
      %dma_wait3A_440 = arith.constant 0 : i32
      %dma_wait3A_441 = tpu.memref_slice %arg16[%dma_wait3A_439, %dma_wait3A_440] : memref<10000x16xf32, #tpu.memory_space<vmem_shared>> -> memref<10000x16xf32, #tpu.memory_space<vmem_shared>>
      tpu.wait_indirect_dma semaphore(%arg13 : memref<!tpu.dma_semaphore, #tpu.memory_space<semaphore_mem>>) src(%arg8 : memref<80x16xf32, #tpu.memory_space<vmem>>) dst(%dma_wait3A_441 : memref<10000x16xf32, #tpu.memory_space<vmem_shared>>)
      %dma_wait3A_442 = arith.constant 0 : i32
      %dma_wait3A_443 = tpu.memref_slice %arg6[%rem3A_435, %dma_wait3A_442] : memref<8x80xi32, #tpu.memory_space<vmem>> -> memref<1x80xi32, #tpu.memory_space<vmem>>
      %dma_wait3A_444 = tpu.memref_squeeze %dma_wait3A_443 : memref<1x80xi32, #tpu.memory_space<vmem>> -> memref<80xi32, #tpu.memory_space<vmem>>
      %dma_wait3A_445 = arith.constant 0 : i32
      %dma_wait3A_446 = arith.constant 0 : i32
      %dma_wait3A_447 = tpu.memref_slice %arg17[%dma_wait3A_445, %dma_wait3A_446] : memref<10000x16xf32, #tpu.memory_space<vmem_shared>> -> memref<10000x16xf32, #tpu.memory_space<vmem_shared>>
      tpu.wait_indirect_dma semaphore(%arg15 : memref<!tpu.dma_semaphore, #tpu.memory_space<semaphore_mem>>) src(%arg9 : memref<80x16xf32, #tpu.memory_space<vmem>>) dst(%dma_wait3A_447 : memref<10000x16xf32, #tpu.memory_space<vmem_shared>>)
      %add3A_448 = arith.constant 2 : i32
      %add3A_449 = arith.addi %add3A_368, %add3A_448 : i32
      %add3A_450 = arith.addi %add3A, %add3A_449 : i32
      %mul3A_451 = arith.constant 80 : i32
      %mul3A_452 = arith.muli %add3A_450, %mul3A_451 : i32
      %dma_start3A_453 = arith.constant 0 : i32
      %dma_start3A_454 = tpu.memref_slice %arg2[%mul3A_452, %dma_start3A_453] : memref<320000x16xf32, #tpu.memory_space<hbm>> -> memref<80x16xf32, #tpu.memory_space<hbm>>
      %dma_start3A_455 = arith.constant 0 : i32
      %dma_start3A_456 = tpu.memref_slice %arg2[%mul3A_452, %dma_start3A_455] : memref<320000x16xf32, #tpu.memory_space<hbm>> -> memref<80x16xf32, #tpu.memory_space<hbm>>
      tpu.enqueue_dma source(%dma_start3A_456 : memref<80x16xf32, #tpu.memory_space<hbm>>) target(%arg8 : memref<80x16xf32, #tpu.memory_space<vmem>>) target_semaphore(%arg11 : memref<!tpu.dma_semaphore, #tpu.memory_space<semaphore_mem>>)
      %add3A_457 = arith.constant 6 : i32
      %add3A_458 = arith.addi %add3A_182, %add3A_457 : i32
      %add3A_459 = arith.constant 1 : i32
      %add3A_460 = arith.addi %add3A_458, %add3A_459 : i32
      %add3A_461 = arith.addi %add3A, %add3A_458 : i32
      %mul3A_462 = arith.constant 80 : i32
      %mul3A_463 = arith.muli %add3A_461, %mul3A_462 : i32
      %dma_wait3A_464 = arith.constant 0 : i32
      %dma_wait3A_465 = tpu.memref_slice %arg2[%mul3A_463, %dma_wait3A_464] : memref<320000x16xf32, #tpu.memory_space<hbm>> -> memref<80x16xf32, #tpu.memory_space<hbm>>
      %dma_wait3A_466 = arith.constant 0 : i32
      %dma_wait3A_467 = tpu.memref_slice %arg2[%mul3A_463, %dma_wait3A_466] : memref<320000x16xf32, #tpu.memory_space<hbm>> -> memref<80x16xf32, #tpu.memory_space<hbm>>
      tpu.wait_dma2 semaphore(%arg10 : memref<!tpu.dma_semaphore, #tpu.memory_space<semaphore_mem>>) src(%dma_wait3A_467 : memref<80x16xf32, #tpu.memory_space<hbm>>) dst(%arg7 : memref<80x16xf32, #tpu.memory_space<vmem>>)
      %rem3A_468 = arith.constant 8 : i32
      %rem3A_469 = arith.remsi %add3A_458, %rem3A_468 : i32
      %dma_start3A_470 = arith.constant 0 : i32
      %dma_start3A_471 = tpu.memref_slice %arg6[%rem3A_469, %dma_start3A_470] : memref<8x80xi32, #tpu.memory_space<vmem>> -> memref<1x80xi32, #tpu.memory_space<vmem>>
      %dma_start3A_472 = tpu.memref_squeeze %dma_start3A_471 : memref<1x80xi32, #tpu.memory_space<vmem>> -> memref<80xi32, #tpu.memory_space<vmem>>
      %dma_start3A_473 = arith.constant 0 : i32
      %dma_start3A_474 = arith.constant 0 : i32
      %dma_start3A_475 = tpu.memref_slice %arg16[%dma_start3A_473, %dma_start3A_474] : memref<10000x16xf32, #tpu.memory_space<vmem_shared>> -> memref<10000x16xf32, #tpu.memory_space<vmem_shared>>
      tpu.enqueue_indirect_dma source(%arg7 : memref<80x16xf32, #tpu.memory_space<vmem>>) target(%dma_start3A_475 : memref<10000x16xf32, #tpu.memory_space<vmem_shared>>) offsets(%dma_start3A_472 : memref<80xi32, #tpu.memory_space<vmem>>) semaphore(%arg12 : memref<!tpu.dma_semaphore, #tpu.memory_space<semaphore_mem>>) {add = true}
      %dma_start3A_476 = arith.constant 0 : i32
      %dma_start3A_477 = tpu.memref_slice %arg6[%rem3A_469, %dma_start3A_476] : memref<8x80xi32, #tpu.memory_space<vmem>> -> memref<1x80xi32, #tpu.memory_space<vmem>>
      %dma_start3A_478 = tpu.memref_squeeze %dma_start3A_477 : memref<1x80xi32, #tpu.memory_space<vmem>> -> memref<80xi32, #tpu.memory_space<vmem>>
      %dma_start3A_479 = arith.constant 0 : i32
      %dma_start3A_480 = arith.constant 0 : i32
      %dma_start3A_481 = tpu.memref_slice %arg17[%dma_start3A_479, %dma_start3A_480] : memref<10000x16xf32, #tpu.memory_space<vmem_shared>> -> memref<10000x16xf32, #tpu.memory_space<vmem_shared>>
      tpu.enqueue_indirect_dma source(%arg9 : memref<80x16xf32, #tpu.memory_space<vmem>>) target(%dma_start3A_481 : memref<10000x16xf32, #tpu.memory_space<vmem_shared>>) offsets(%dma_start3A_478 : memref<80xi32, #tpu.memory_space<vmem>>) semaphore(%arg14 : memref<!tpu.dma_semaphore, #tpu.memory_space<semaphore_mem>>) {add = true}
      %add3A_482 = arith.addi %add3A, %add3A_460 : i32
      %mul3A_483 = arith.constant 80 : i32
      %mul3A_484 = arith.muli %add3A_482, %mul3A_483 : i32
      %dma_wait3A_485 = arith.constant 0 : i32
      %dma_wait3A_486 = tpu.memref_slice %arg2[%mul3A_484, %dma_wait3A_485] : memref<320000x16xf32, #tpu.memory_space<hbm>> -> memref<80x16xf32, #tpu.memory_space<hbm>>
      %dma_wait3A_487 = arith.constant 0 : i32
      %dma_wait3A_488 = tpu.memref_slice %arg2[%mul3A_484, %dma_wait3A_487] : memref<320000x16xf32, #tpu.memory_space<hbm>> -> memref<80x16xf32, #tpu.memory_space<hbm>>
      tpu.wait_dma2 semaphore(%arg11 : memref<!tpu.dma_semaphore, #tpu.memory_space<semaphore_mem>>) src(%dma_wait3A_488 : memref<80x16xf32, #tpu.memory_space<hbm>>) dst(%arg8 : memref<80x16xf32, #tpu.memory_space<vmem>>)
      %rem3A_489 = arith.constant 8 : i32
      %rem3A_490 = arith.remsi %add3A_460, %rem3A_489 : i32
      %dma_start3A_491 = arith.constant 0 : i32
      %dma_start3A_492 = tpu.memref_slice %arg6[%rem3A_490, %dma_start3A_491] : memref<8x80xi32, #tpu.memory_space<vmem>> -> memref<1x80xi32, #tpu.memory_space<vmem>>
      %dma_start3A_493 = tpu.memref_squeeze %dma_start3A_492 : memref<1x80xi32, #tpu.memory_space<vmem>> -> memref<80xi32, #tpu.memory_space<vmem>>
      %dma_start3A_494 = arith.constant 0 : i32
      %dma_start3A_495 = arith.constant 0 : i32
      %dma_start3A_496 = tpu.memref_slice %arg16[%dma_start3A_494, %dma_start3A_495] : memref<10000x16xf32, #tpu.memory_space<vmem_shared>> -> memref<10000x16xf32, #tpu.memory_space<vmem_shared>>
      tpu.enqueue_indirect_dma source(%arg8 : memref<80x16xf32, #tpu.memory_space<vmem>>) target(%dma_start3A_496 : memref<10000x16xf32, #tpu.memory_space<vmem_shared>>) offsets(%dma_start3A_493 : memref<80xi32, #tpu.memory_space<vmem>>) semaphore(%arg13 : memref<!tpu.dma_semaphore, #tpu.memory_space<semaphore_mem>>) {add = true}
      %dma_start3A_497 = arith.constant 0 : i32
      %dma_start3A_498 = tpu.memref_slice %arg6[%rem3A_490, %dma_start3A_497] : memref<8x80xi32, #tpu.memory_space<vmem>> -> memref<1x80xi32, #tpu.memory_space<vmem>>
      %dma_start3A_499 = tpu.memref_squeeze %dma_start3A_498 : memref<1x80xi32, #tpu.memory_space<vmem>> -> memref<80xi32, #tpu.memory_space<vmem>>
      %dma_start3A_500 = arith.constant 0 : i32
      %dma_start3A_501 = arith.constant 0 : i32
      %dma_start3A_502 = tpu.memref_slice %arg17[%dma_start3A_500, %dma_start3A_501] : memref<10000x16xf32, #tpu.memory_space<vmem_shared>> -> memref<10000x16xf32, #tpu.memory_space<vmem_shared>>
      tpu.enqueue_indirect_dma source(%arg9 : memref<80x16xf32, #tpu.memory_space<vmem>>) target(%dma_start3A_502 : memref<10000x16xf32, #tpu.memory_space<vmem_shared>>) offsets(%dma_start3A_499 : memref<80xi32, #tpu.memory_space<vmem>>) semaphore(%arg15 : memref<!tpu.dma_semaphore, #tpu.memory_space<semaphore_mem>>) {add = true}
      %rem3A_503 = arith.constant 8 : i32
      %rem3A_504 = arith.remsi %add3A_458, %rem3A_503 : i32
      %dma_wait3A_505 = arith.constant 0 : i32
      %dma_wait3A_506 = tpu.memref_slice %arg6[%rem3A_504, %dma_wait3A_505] : memref<8x80xi32, #tpu.memory_space<vmem>> -> memref<1x80xi32, #tpu.memory_space<vmem>>
      %dma_wait3A_507 = tpu.memref_squeeze %dma_wait3A_506 : memref<1x80xi32, #tpu.memory_space<vmem>> -> memref<80xi32, #tpu.memory_space<vmem>>
      %dma_wait3A_508 = arith.constant 0 : i32
      %dma_wait3A_509 = arith.constant 0 : i32
      %dma_wait3A_510 = tpu.memref_slice %arg16[%dma_wait3A_508, %dma_wait3A_509] : memref<10000x16xf32, #tpu.memory_space<vmem_shared>> -> memref<10000x16xf32, #tpu.memory_space<vmem_shared>>
      tpu.wait_indirect_dma semaphore(%arg12 : memref<!tpu.dma_semaphore, #tpu.memory_space<semaphore_mem>>) src(%arg7 : memref<80x16xf32, #tpu.memory_space<vmem>>) dst(%dma_wait3A_510 : memref<10000x16xf32, #tpu.memory_space<vmem_shared>>)
      %dma_wait3A_511 = arith.constant 0 : i32
      %dma_wait3A_512 = tpu.memref_slice %arg6[%rem3A_504, %dma_wait3A_511] : memref<8x80xi32, #tpu.memory_space<vmem>> -> memref<1x80xi32, #tpu.memory_space<vmem>>
      %dma_wait3A_513 = tpu.memref_squeeze %dma_wait3A_512 : memref<1x80xi32, #tpu.memory_space<vmem>> -> memref<80xi32, #tpu.memory_space<vmem>>
      %dma_wait3A_514 = arith.constant 0 : i32
      %dma_wait3A_515 = arith.constant 0 : i32
      %dma_wait3A_516 = tpu.memref_slice %arg17[%dma_wait3A_514, %dma_wait3A_515] : memref<10000x16xf32, #tpu.memory_space<vmem_shared>> -> memref<10000x16xf32, #tpu.memory_space<vmem_shared>>
      tpu.wait_indirect_dma semaphore(%arg14 : memref<!tpu.dma_semaphore, #tpu.memory_space<semaphore_mem>>) src(%arg9 : memref<80x16xf32, #tpu.memory_space<vmem>>) dst(%dma_wait3A_516 : memref<10000x16xf32, #tpu.memory_space<vmem_shared>>)
      %rem3A_517 = arith.constant 8 : i32
      %rem3A_518 = arith.remsi %add3A_460, %rem3A_517 : i32
      %dma_wait3A_519 = arith.constant 0 : i32
      %dma_wait3A_520 = tpu.memref_slice %arg6[%rem3A_518, %dma_wait3A_519] : memref<8x80xi32, #tpu.memory_space<vmem>> -> memref<1x80xi32, #tpu.memory_space<vmem>>
      %dma_wait3A_521 = tpu.memref_squeeze %dma_wait3A_520 : memref<1x80xi32, #tpu.memory_space<vmem>> -> memref<80xi32, #tpu.memory_space<vmem>>
      %dma_wait3A_522 = arith.constant 0 : i32
      %dma_wait3A_523 = arith.constant 0 : i32
      %dma_wait3A_524 = tpu.memref_slice %arg16[%dma_wait3A_522, %dma_wait3A_523] : memref<10000x16xf32, #tpu.memory_space<vmem_shared>> -> memref<10000x16xf32, #tpu.memory_space<vmem_shared>>
      tpu.wait_indirect_dma semaphore(%arg13 : memref<!tpu.dma_semaphore, #tpu.memory_space<semaphore_mem>>) src(%arg8 : memref<80x16xf32, #tpu.memory_space<vmem>>) dst(%dma_wait3A_524 : memref<10000x16xf32, #tpu.memory_space<vmem_shared>>)
      %dma_wait3A_525 = arith.constant 0 : i32
      %dma_wait3A_526 = tpu.memref_slice %arg6[%rem3A_518, %dma_wait3A_525] : memref<8x80xi32, #tpu.memory_space<vmem>> -> memref<1x80xi32, #tpu.memory_space<vmem>>
      %dma_wait3A_527 = tpu.memref_squeeze %dma_wait3A_526 : memref<1x80xi32, #tpu.memory_space<vmem>> -> memref<80xi32, #tpu.memory_space<vmem>>
      %dma_wait3A_528 = arith.constant 0 : i32
      %dma_wait3A_529 = arith.constant 0 : i32
      %dma_wait3A_530 = tpu.memref_slice %arg17[%dma_wait3A_528, %dma_wait3A_529] : memref<10000x16xf32, #tpu.memory_space<vmem_shared>> -> memref<10000x16xf32, #tpu.memory_space<vmem_shared>>
      tpu.wait_indirect_dma semaphore(%arg15 : memref<!tpu.dma_semaphore, #tpu.memory_space<semaphore_mem>>) src(%arg9 : memref<80x16xf32, #tpu.memory_space<vmem>>) dst(%dma_wait3A_530 : memref<10000x16xf32, #tpu.memory_space<vmem_shared>>)
      %add3A_531 = arith.constant 8 : i32
      %add3A_532 = arith.addi %add3A_182, %add3A_531 : i32
      %lt3A_533 = arith.cmpi slt, %add3A_532, %select_n3A : i32
      %convert_element_type3A_534 = arith.extui %lt3A_533 : i1 to i32
      %cond3A_535 = arith.constant 0 : i32
      %cond3A_536 = arith.cmpi ne, %convert_element_type3A_534, %cond3A_535 : i32
      scf.if %cond3A_536 {
        %add3A_537 = arith.constant 8 : i32
        %add3A_538 = arith.addi %add3A_182, %add3A_537 : i32
        %add3A_539 = arith.addi %add3A, %add3A_538 : i32
        "tpu.region"() ({
          %run_scoped3A = tpu.sem_alloc : memref<!tpu.dma_semaphore, #tpu.memory_space<semaphore_mem>>
          %dma_start3A_558 = arith.constant 0 : i32
          %dma_start3A_559 = tpu.memref_slice %arg3[%add3A_539, %dma_start3A_558] : memref<4000x80xi32, #tpu.memory_space<hbm>> -> memref<8x80xi32, #tpu.memory_space<hbm>>
          %dma_start3A_560 = arith.constant 0 : i32
          %dma_start3A_561 = tpu.memref_slice %arg3[%add3A_539, %dma_start3A_560] : memref<4000x80xi32, #tpu.memory_space<hbm>> -> memref<8x80xi32, #tpu.memory_space<hbm>>
          tpu.enqueue_dma source(%dma_start3A_561 : memref<8x80xi32, #tpu.memory_space<hbm>>) target(%arg6 : memref<8x80xi32, #tpu.memory_space<vmem>>) target_semaphore(%run_scoped3A : memref<!tpu.dma_semaphore, #tpu.memory_space<semaphore_mem>>)
          %dma_wait3A_562 = arith.constant 0 : i32
          %dma_wait3A_563 = tpu.memref_slice %arg3[%add3A_539, %dma_wait3A_562] : memref<4000x80xi32, #tpu.memory_space<hbm>> -> memref<8x80xi32, #tpu.memory_space<hbm>>
          %dma_wait3A_564 = arith.constant 0 : i32
          %dma_wait3A_565 = tpu.memref_slice %arg3[%add3A_539, %dma_wait3A_564] : memref<4000x80xi32, #tpu.memory_space<hbm>> -> memref<8x80xi32, #tpu.memory_space<hbm>>
          tpu.wait_dma2 semaphore(%run_scoped3A : memref<!tpu.dma_semaphore, #tpu.memory_space<semaphore_mem>>) src(%dma_wait3A_565 : memref<8x80xi32, #tpu.memory_space<hbm>>) dst(%arg6 : memref<8x80xi32, #tpu.memory_space<vmem>>)
          tpu.yield
        }) : () -> ()
        %add3A_540 = arith.constant 2 : i32
        %add3A_541 = arith.addi %add3A_458, %add3A_540 : i32
        %add3A_542 = arith.addi %add3A, %add3A_541 : i32
        %mul3A_543 = arith.constant 80 : i32
        %mul3A_544 = arith.muli %add3A_542, %mul3A_543 : i32
        %dma_start3A_545 = arith.constant 0 : i32
        %dma_start3A_546 = tpu.memref_slice %arg2[%mul3A_544, %dma_start3A_545] : memref<320000x16xf32, #tpu.memory_space<hbm>> -> memref<80x16xf32, #tpu.memory_space<hbm>>
        %dma_start3A_547 = arith.constant 0 : i32
        %dma_start3A_548 = tpu.memref_slice %arg2[%mul3A_544, %dma_start3A_547] : memref<320000x16xf32, #tpu.memory_space<hbm>> -> memref<80x16xf32, #tpu.memory_space<hbm>>
        tpu.enqueue_dma source(%dma_start3A_548 : memref<80x16xf32, #tpu.memory_space<hbm>>) target(%arg7 : memref<80x16xf32, #tpu.memory_space<vmem>>) target_semaphore(%arg10 : memref<!tpu.dma_semaphore, #tpu.memory_space<semaphore_mem>>)
        %add3A_549 = arith.constant 2 : i32
        %add3A_550 = arith.addi %add3A_460, %add3A_549 : i32
        %add3A_551 = arith.addi %add3A, %add3A_550 : i32
        %mul3A_552 = arith.constant 80 : i32
        %mul3A_553 = arith.muli %add3A_551, %mul3A_552 : i32
        %dma_start3A_554 = arith.constant 0 : i32
        %dma_start3A_555 = tpu.memref_slice %arg2[%mul3A_553, %dma_start3A_554] : memref<320000x16xf32, #tpu.memory_space<hbm>> -> memref<80x16xf32, #tpu.memory_space<hbm>>
        %dma_start3A_556 = arith.constant 0 : i32
        %dma_start3A_557 = tpu.memref_slice %arg2[%mul3A_553, %dma_start3A_556] : memref<320000x16xf32, #tpu.memory_space<hbm>> -> memref<80x16xf32, #tpu.memory_space<hbm>>
        tpu.enqueue_dma source(%dma_start3A_557 : memref<80x16xf32, #tpu.memory_space<hbm>>) target(%arg8 : memref<80x16xf32, #tpu.memory_space<vmem>>) target_semaphore(%arg11 : memref<!tpu.dma_semaphore, #tpu.memory_space<semaphore_mem>>)
      } else {
      }
    }
    %while3A_155 = arith.constant 1 : i32
    scf.for %while3A_180 = %while3A_153 to %while3A_149 step %while3A_155  : i32 {
      %mul3A_181 = arith.muli %while3A_180, %while3A : i32
      %add3A_182 = arith.addi %while3A_146, %mul3A_181 : i32
      %add3A_183 = arith.constant 0 : i32
      %add3A_184 = arith.addi %add3A_182, %add3A_183 : i32
      %add3A_185 = arith.constant 1 : i32
      %add3A_186 = arith.addi %add3A_184, %add3A_185 : i32
      %add3A_187 = arith.addi %add3A, %add3A_184 : i32
      %mul3A_188 = arith.constant 80 : i32
      %mul3A_189 = arith.muli %add3A_187, %mul3A_188 : i32
      %dma_wait3A = arith.constant 0 : i32
      %dma_wait3A_190 = tpu.memref_slice %arg2[%mul3A_189, %dma_wait3A] : memref<320000x16xf32, #tpu.memory_space<hbm>> -> memref<80x16xf32, #tpu.memory_space<hbm>>
      %dma_wait3A_191 = arith.constant 0 : i32
      %dma_wait3A_192 = tpu.memref_slice %arg2[%mul3A_189, %dma_wait3A_191] : memref<320000x16xf32, #tpu.memory_space<hbm>> -> memref<80x16xf32, #tpu.memory_space<hbm>>
      tpu.wait_dma2 semaphore(%arg10 : memref<!tpu.dma_semaphore, #tpu.memory_space<semaphore_mem>>) src(%dma_wait3A_192 : memref<80x16xf32, #tpu.memory_space<hbm>>) dst(%arg7 : memref<80x16xf32, #tpu.memory_space<vmem>>)
      %rem3A = arith.constant 8 : i32
      %rem3A_193 = arith.remsi %add3A_184, %rem3A : i32
      %dma_start3A_194 = arith.constant 0 : i32
      %dma_start3A_195 = tpu.memref_slice %arg6[%rem3A_193, %dma_start3A_194] : memref<8x80xi32, #tpu.memory_space<vmem>> -> memref<1x80xi32, #tpu.memory_space<vmem>>
      %dma_start3A_196 = tpu.memref_squeeze %dma_start3A_195 : memref<1x80xi32, #tpu.memory_space<vmem>> -> memref<80xi32, #tpu.memory_space<vmem>>
      %dma_start3A_197 = arith.constant 0 : i32
      %dma_start3A_198 = arith.constant 0 : i32
      %dma_start3A_199 = tpu.memref_slice %arg16[%dma_start3A_197, %dma_start3A_198] : memref<10000x16xf32, #tpu.memory_space<vmem_shared>> -> memref<10000x16xf32, #tpu.memory_space<vmem_shared>>
      tpu.enqueue_indirect_dma source(%arg7 : memref<80x16xf32, #tpu.memory_space<vmem>>) target(%dma_start3A_199 : memref<10000x16xf32, #tpu.memory_space<vmem_shared>>) offsets(%dma_start3A_196 : memref<80xi32, #tpu.memory_space<vmem>>) semaphore(%arg12 : memref<!tpu.dma_semaphore, #tpu.memory_space<semaphore_mem>>) {add = true}
      %dma_start3A_200 = arith.constant 0 : i32
      %dma_start3A_201 = tpu.memref_slice %arg6[%rem3A_193, %dma_start3A_200] : memref<8x80xi32, #tpu.memory_space<vmem>> -> memref<1x80xi32, #tpu.memory_space<vmem>>
      %dma_start3A_202 = tpu.memref_squeeze %dma_start3A_201 : memref<1x80xi32, #tpu.memory_space<vmem>> -> memref<80xi32, #tpu.memory_space<vmem>>
      %dma_start3A_203 = arith.constant 0 : i32
      %dma_start3A_204 = arith.constant 0 : i32
      %dma_start3A_205 = tpu.memref_slice %arg17[%dma_start3A_203, %dma_start3A_204] : memref<10000x16xf32, #tpu.memory_space<vmem_shared>> -> memref<10000x16xf32, #tpu.memory_space<vmem_shared>>
      tpu.enqueue_indirect_dma source(%arg9 : memref<80x16xf32, #tpu.memory_space<vmem>>) target(%dma_start3A_205 : memref<10000x16xf32, #tpu.memory_space<vmem_shared>>) offsets(%dma_start3A_202 : memref<80xi32, #tpu.memory_space<vmem>>) semaphore(%arg14 : memref<!tpu.dma_semaphore, #tpu.memory_space<semaphore_mem>>) {add = true}
      %add3A_206 = arith.addi %add3A, %add3A_186 : i32
      %mul3A_207 = arith.constant 80 : i32
      %mul3A_208 = arith.muli %add3A_206, %mul3A_207 : i32
      %dma_wait3A_209 = arith.constant 0 : i32
      %dma_wait3A_210 = tpu.memref_slice %arg2[%mul3A_208, %dma_wait3A_209] : memref<320000x16xf32, #tpu.memory_space<hbm>> -> memref<80x16xf32, #tpu.memory_space<hbm>>
      %dma_wait3A_211 = arith.constant 0 : i32
      %dma_wait3A_212 = tpu.memref_slice %arg2[%mul3A_208, %dma_wait3A_211] : memref<320000x16xf32, #tpu.memory_space<hbm>> -> memref<80x16xf32, #tpu.memory_space<hbm>>
      tpu.wait_dma2 semaphore(%arg11 : memref<!tpu.dma_semaphore, #tpu.memory_space<semaphore_mem>>) src(%dma_wait3A_212 : memref<80x16xf32, #tpu.memory_space<hbm>>) dst(%arg8 : memref<80x16xf32, #tpu.memory_space<vmem>>)
      %rem3A_213 = arith.constant 8 : i32
      %rem3A_214 = arith.remsi %add3A_186, %rem3A_213 : i32
      %dma_start3A_215 = arith.constant 0 : i32
      %dma_start3A_216 = tpu.memref_slice %arg6[%rem3A_214, %dma_start3A_215] : memref<8x80xi32, #tpu.memory_space<vmem>> -> memref<1x80xi32, #tpu.memory_space<vmem>>
      %dma_start3A_217 = tpu.memref_squeeze %dma_start3A_216 : memref<1x80xi32, #tpu.memory_space<vmem>> -> memref<80xi32, #tpu.memory_space<vmem>>
      %dma_start3A_218 = arith.constant 0 : i32
      %dma_start3A_219 = arith.constant 0 : i32
      %dma_start3A_220 = tpu.memref_slice %arg16[%dma_start3A_218, %dma_start3A_219] : memref<10000x16xf32, #tpu.memory_space<vmem_shared>> -> memref<10000x16xf32, #tpu.memory_space<vmem_shared>>
      tpu.enqueue_indirect_dma source(%arg8 : memref<80x16xf32, #tpu.memory_space<vmem>>) target(%dma_start3A_220 : memref<10000x16xf32, #tpu.memory_space<vmem_shared>>) offsets(%dma_start3A_217 : memref<80xi32, #tpu.memory_space<vmem>>) semaphore(%arg13 : memref<!tpu.dma_semaphore, #tpu.memory_space<semaphore_mem>>) {add = true}
      %dma_start3A_221 = arith.constant 0 : i32
      %dma_start3A_222 = tpu.memref_slice %arg6[%rem3A_214, %dma_start3A_221] : memref<8x80xi32, #tpu.memory_space<vmem>> -> memref<1x80xi32, #tpu.memory_space<vmem>>
      %dma_start3A_223 = tpu.memref_squeeze %dma_start3A_222 : memref<1x80xi32, #tpu.memory_space<vmem>> -> memref<80xi32, #tpu.memory_space<vmem>>
      %dma_start3A_224 = arith.constant 0 : i32
      %dma_start3A_225 = arith.constant 0 : i32
      %dma_start3A_226 = tpu.memref_slice %arg17[%dma_start3A_224, %dma_start3A_225] : memref<10000x16xf32, #tpu.memory_space<vmem_shared>> -> memref<10000x16xf32, #tpu.memory_space<vmem_shared>>
      tpu.enqueue_indirect_dma source(%arg9 : memref<80x16xf32, #tpu.memory_space<vmem>>) target(%dma_start3A_226 : memref<10000x16xf32, #tpu.memory_space<vmem_shared>>) offsets(%dma_start3A_223 : memref<80xi32, #tpu.memory_space<vmem>>) semaphore(%arg15 : memref<!tpu.dma_semaphore, #tpu.memory_space<semaphore_mem>>) {add = true}
      %rem3A_227 = arith.constant 8 : i32
      %rem3A_228 = arith.remsi %add3A_184, %rem3A_227 : i32
      %dma_wait3A_229 = arith.constant 0 : i32
      %dma_wait3A_230 = tpu.memref_slice %arg6[%rem3A_228, %dma_wait3A_229] : memref<8x80xi32, #tpu.memory_space<vmem>> -> memref<1x80xi32, #tpu.memory_space<vmem>>
      %dma_wait3A_231 = tpu.memref_squeeze %dma_wait3A_230 : memref<1x80xi32, #tpu.memory_space<vmem>> -> memref<80xi32, #tpu.memory_space<vmem>>
      %dma_wait3A_232 = arith.constant 0 : i32
      %dma_wait3A_233 = arith.constant 0 : i32
      %dma_wait3A_234 = tpu.memref_slice %arg16[%dma_wait3A_232, %dma_wait3A_233] : memref<10000x16xf32, #tpu.memory_space<vmem_shared>> -> memref<10000x16xf32, #tpu.memory_space<vmem_shared>>
      tpu.wait_indirect_dma semaphore(%arg12 : memref<!tpu.dma_semaphore, #tpu.memory_space<semaphore_mem>>) src(%arg7 : memref<80x16xf32, #tpu.memory_space<vmem>>) dst(%dma_wait3A_234 : memref<10000x16xf32, #tpu.memory_space<vmem_shared>>)
      %dma_wait3A_235 = arith.constant 0 : i32
      %dma_wait3A_236 = tpu.memref_slice %arg6[%rem3A_228, %dma_wait3A_235] : memref<8x80xi32, #tpu.memory_space<vmem>> -> memref<1x80xi32, #tpu.memory_space<vmem>>
      %dma_wait3A_237 = tpu.memref_squeeze %dma_wait3A_236 : memref<1x80xi32, #tpu.memory_space<vmem>> -> memref<80xi32, #tpu.memory_space<vmem>>
      %dma_wait3A_238 = arith.constant 0 : i32
      %dma_wait3A_239 = arith.constant 0 : i32
      %dma_wait3A_240 = tpu.memref_slice %arg17[%dma_wait3A_238, %dma_wait3A_239] : memref<10000x16xf32, #tpu.memory_space<vmem_shared>> -> memref<10000x16xf32, #tpu.memory_space<vmem_shared>>
      tpu.wait_indirect_dma semaphore(%arg14 : memref<!tpu.dma_semaphore, #tpu.memory_space<semaphore_mem>>) src(%arg9 : memref<80x16xf32, #tpu.memory_space<vmem>>) dst(%dma_wait3A_240 : memref<10000x16xf32, #tpu.memory_space<vmem_shared>>)
      %add3A_241 = arith.constant 2 : i32
      %add3A_242 = arith.addi %add3A_184, %add3A_241 : i32
      %add3A_243 = arith.addi %add3A, %add3A_242 : i32
      %mul3A_244 = arith.constant 80 : i32
      %mul3A_245 = arith.muli %add3A_243, %mul3A_244 : i32
      %dma_start3A_246 = arith.constant 0 : i32
      %dma_start3A_247 = tpu.memref_slice %arg2[%mul3A_245, %dma_start3A_246] : memref<320000x16xf32, #tpu.memory_space<hbm>> -> memref<80x16xf32, #tpu.memory_space<hbm>>
      %dma_start3A_248 = arith.constant 0 : i32
      %dma_start3A_249 = tpu.memref_slice %arg2[%mul3A_245, %dma_start3A_248] : memref<320000x16xf32, #tpu.memory_space<hbm>> -> memref<80x16xf32, #tpu.memory_space<hbm>>
      tpu.enqueue_dma source(%dma_start3A_249 : memref<80x16xf32, #tpu.memory_space<hbm>>) target(%arg7 : memref<80x16xf32, #tpu.memory_space<vmem>>) target_semaphore(%arg10 : memref<!tpu.dma_semaphore, #tpu.memory_space<semaphore_mem>>)
      %rem3A_250 = arith.constant 8 : i32
      %rem3A_251 = arith.remsi %add3A_186, %rem3A_250 : i32
      %dma_wait3A_252 = arith.constant 0 : i32
      %dma_wait3A_253 = tpu.memref_slice %arg6[%rem3A_251, %dma_wait3A_252] : memref<8x80xi32, #tpu.memory_space<vmem>> -> memref<1x80xi32, #tpu.memory_space<vmem>>
      %dma_wait3A_254 = tpu.memref_squeeze %dma_wait3A_253 : memref<1x80xi32, #tpu.memory_space<vmem>> -> memref<80xi32, #tpu.memory_space<vmem>>
      %dma_wait3A_255 = arith.constant 0 : i32
      %dma_wait3A_256 = arith.constant 0 : i32
      %dma_wait3A_257 = tpu.memref_slice %arg16[%dma_wait3A_255, %dma_wait3A_256] : memref<10000x16xf32, #tpu.memory_space<vmem_shared>> -> memref<10000x16xf32, #tpu.memory_space<vmem_shared>>
      tpu.wait_indirect_dma semaphore(%arg13 : memref<!tpu.dma_semaphore, #tpu.memory_space<semaphore_mem>>) src(%arg8 : memref<80x16xf32, #tpu.memory_space<vmem>>) dst(%dma_wait3A_257 : memref<10000x16xf32, #tpu.memory_space<vmem_shared>>)
      %dma_wait3A_258 = arith.constant 0 : i32
      %dma_wait3A_259 = tpu.memref_slice %arg6[%rem3A_251, %dma_wait3A_258] : memref<8x80xi32, #tpu.memory_space<vmem>> -> memref<1x80xi32, #tpu.memory_space<vmem>>
      %dma_wait3A_260 = tpu.memref_squeeze %dma_wait3A_259 : memref<1x80xi32, #tpu.memory_space<vmem>> -> memref<80xi32, #tpu.memory_space<vmem>>
      %dma_wait3A_261 = arith.constant 0 : i32
      %dma_wait3A_262 = arith.constant 0 : i32
      %dma_wait3A_263 = tpu.memref_slice %arg17[%dma_wait3A_261, %dma_wait3A_262] : memref<10000x16xf32, #tpu.memory_space<vmem_shared>> -> memref<10000x16xf32, #tpu.memory_space<vmem_shared>>
      tpu.wait_indirect_dma semaphore(%arg15 : memref<!tpu.dma_semaphore, #tpu.memory_space<semaphore_mem>>) src(%arg9 : memref<80x16xf32, #tpu.memory_space<vmem>>) dst(%dma_wait3A_263 : memref<10000x16xf32, #tpu.memory_space<vmem_shared>>)
      %add3A_264 = arith.constant 2 : i32
      %add3A_265 = arith.addi %add3A_186, %add3A_264 : i32
      %add3A_266 = arith.addi %add3A, %add3A_265 : i32
      %mul3A_267 = arith.constant 80 : i32
      %mul3A_268 = arith.muli %add3A_266, %mul3A_267 : i32
      %dma_start3A_269 = arith.constant 0 : i32
      %dma_start3A_270 = tpu.memref_slice %arg2[%mul3A_268, %dma_start3A_269] : memref<320000x16xf32, #tpu.memory_space<hbm>> -> memref<80x16xf32, #tpu.memory_space<hbm>>
      %dma_start3A_271 = arith.constant 0 : i32
      %dma_start3A_272 = tpu.memref_slice %arg2[%mul3A_268, %dma_start3A_271] : memref<320000x16xf32, #tpu.memory_space<hbm>> -> memref<80x16xf32, #tpu.memory_space<hbm>>
      tpu.enqueue_dma source(%dma_start3A_272 : memref<80x16xf32, #tpu.memory_space<hbm>>) target(%arg8 : memref<80x16xf32, #tpu.memory_space<vmem>>) target_semaphore(%arg11 : memref<!tpu.dma_semaphore, #tpu.memory_space<semaphore_mem>>)
      %add3A_273 = arith.constant 2 : i32
      %add3A_274 = arith.addi %add3A_182, %add3A_273 : i32
      %add3A_275 = arith.constant 1 : i32
      %add3A_276 = arith.addi %add3A_274, %add3A_275 : i32
      %add3A_277 = arith.addi %add3A, %add3A_274 : i32
      %mul3A_278 = arith.constant 80 : i32
      %mul3A_279 = arith.muli %add3A_277, %mul3A_278 : i32
      %dma_wait3A_280 = arith.constant 0 : i32
      %dma_wait3A_281 = tpu.memref_slice %arg2[%mul3A_279, %dma_wait3A_280] : memref<320000x16xf32, #tpu.memory_space<hbm>> -> memref<80x16xf32, #tpu.memory_space<hbm>>
      %dma_wait3A_282 = arith.constant 0 : i32
      %dma_wait3A_283 = tpu.memref_slice %arg2[%mul3A_279, %dma_wait3A_282] : memref<320000x16xf32, #tpu.memory_space<hbm>> -> memref<80x16xf32, #tpu.memory_space<hbm>>
      tpu.wait_dma2 semaphore(%arg10 : memref<!tpu.dma_semaphore, #tpu.memory_space<semaphore_mem>>) src(%dma_wait3A_283 : memref<80x16xf32, #tpu.memory_space<hbm>>) dst(%arg7 : memref<80x16xf32, #tpu.memory_space<vmem>>)
      %rem3A_284 = arith.constant 8 : i32
      %rem3A_285 = arith.remsi %add3A_274, %rem3A_284 : i32
      %dma_start3A_286 = arith.constant 0 : i32
      %dma_start3A_287 = tpu.memref_slice %arg6[%rem3A_285, %dma_start3A_286] : memref<8x80xi32, #tpu.memory_space<vmem>> -> memref<1x80xi32, #tpu.memory_space<vmem>>
      %dma_start3A_288 = tpu.memref_squeeze %dma_start3A_287 : memref<1x80xi32, #tpu.memory_space<vmem>> -> memref<80xi32, #tpu.memory_space<vmem>>
      %dma_start3A_289 = arith.constant 0 : i32
      %dma_start3A_290 = arith.constant 0 : i32
      %dma_start3A_291 = tpu.memref_slice %arg16[%dma_start3A_289, %dma_start3A_290] : memref<10000x16xf32, #tpu.memory_space<vmem_shared>> -> memref<10000x16xf32, #tpu.memory_space<vmem_shared>>
      tpu.enqueue_indirect_dma source(%arg7 : memref<80x16xf32, #tpu.memory_space<vmem>>) target(%dma_start3A_291 : memref<10000x16xf32, #tpu.memory_space<vmem_shared>>) offsets(%dma_start3A_288 : memref<80xi32, #tpu.memory_space<vmem>>) semaphore(%arg12 : memref<!tpu.dma_semaphore, #tpu.memory_space<semaphore_mem>>) {add = true}
      %dma_start3A_292 = arith.constant 0 : i32
      %dma_start3A_293 = tpu.memref_slice %arg6[%rem3A_285, %dma_start3A_292] : memref<8x80xi32, #tpu.memory_space<vmem>> -> memref<1x80xi32, #tpu.memory_space<vmem>>
      %dma_start3A_294 = tpu.memref_squeeze %dma_start3A_293 : memref<1x80xi32, #tpu.memory_space<vmem>> -> memref<80xi32, #tpu.memory_space<vmem>>
      %dma_start3A_295 = arith.constant 0 : i32
      %dma_start3A_296 = arith.constant 0 : i32
      %dma_start3A_297 = tpu.memref_slice %arg17[%dma_start3A_295, %dma_start3A_296] : memref<10000x16xf32, #tpu.memory_space<vmem_shared>> -> memref<10000x16xf32, #tpu.memory_space<vmem_shared>>
      tpu.enqueue_indirect_dma source(%arg9 : memref<80x16xf32, #tpu.memory_space<vmem>>) target(%dma_start3A_297 : memref<10000x16xf32, #tpu.memory_space<vmem_shared>>) offsets(%dma_start3A_294 : memref<80xi32, #tpu.memory_space<vmem>>) semaphore(%arg14 : memref<!tpu.dma_semaphore, #tpu.memory_space<semaphore_mem>>) {add = true}
      %add3A_298 = arith.addi %add3A, %add3A_276 : i32
      %mul3A_299 = arith.constant 80 : i32
      %mul3A_300 = arith.muli %add3A_298, %mul3A_299 : i32
      %dma_wait3A_301 = arith.constant 0 : i32
      %dma_wait3A_302 = tpu.memref_slice %arg2[%mul3A_300, %dma_wait3A_301] : memref<320000x16xf32, #tpu.memory_space<hbm>> -> memref<80x16xf32, #tpu.memory_space<hbm>>
      %dma_wait3A_303 = arith.constant 0 : i32
      %dma_wait3A_304 = tpu.memref_slice %arg2[%mul3A_300, %dma_wait3A_303] : memref<320000x16xf32, #tpu.memory_space<hbm>> -> memref<80x16xf32, #tpu.memory_space<hbm>>
      tpu.wait_dma2 semaphore(%arg11 : memref<!tpu.dma_semaphore, #tpu.memory_space<semaphore_mem>>) src(%dma_wait3A_304 : memref<80x16xf32, #tpu.memory_space<hbm>>) dst(%arg8 : memref<80x16xf32, #tpu.memory_space<vmem>>)
      %rem3A_305 = arith.constant 8 : i32
      %rem3A_306 = arith.remsi %add3A_276, %rem3A_305 : i32
      %dma_start3A_307 = arith.constant 0 : i32
      %dma_start3A_308 = tpu.memref_slice %arg6[%rem3A_306, %dma_start3A_307] : memref<8x80xi32, #tpu.memory_space<vmem>> -> memref<1x80xi32, #tpu.memory_space<vmem>>
      %dma_start3A_309 = tpu.memref_squeeze %dma_start3A_308 : memref<1x80xi32, #tpu.memory_space<vmem>> -> memref<80xi32, #tpu.memory_space<vmem>>
      %dma_start3A_310 = arith.constant 0 : i32
      %dma_start3A_311 = arith.constant 0 : i32
      %dma_start3A_312 = tpu.memref_slice %arg16[%dma_start3A_310, %dma_start3A_311] : memref<10000x16xf32, #tpu.memory_space<vmem_shared>> -> memref<10000x16xf32, #tpu.memory_space<vmem_shared>>
      tpu.enqueue_indirect_dma source(%arg8 : memref<80x16xf32, #tpu.memory_space<vmem>>) target(%dma_start3A_312 : memref<10000x16xf32, #tpu.memory_space<vmem_shared>>) offsets(%dma_start3A_309 : memref<80xi32, #tpu.memory_space<vmem>>) semaphore(%arg13 : memref<!tpu.dma_semaphore, #tpu.memory_space<semaphore_mem>>) {add = true}
      %dma_start3A_313 = arith.constant 0 : i32
      %dma_start3A_314 = tpu.memref_slice %arg6[%rem3A_306, %dma_start3A_313] : memref<8x80xi32, #tpu.memory_space<vmem>> -> memref<1x80xi32, #tpu.memory_space<vmem>>
      %dma_start3A_315 = tpu.memref_squeeze %dma_start3A_314 : memref<1x80xi32, #tpu.memory_space<vmem>> -> memref<80xi32, #tpu.memory_space<vmem>>
      %dma_start3A_316 = arith.constant 0 : i32
      %dma_start3A_317 = arith.constant 0 : i32
      %dma_start3A_318 = tpu.memref_slice %arg17[%dma_start3A_316, %dma_start3A_317] : memref<10000x16xf32, #tpu.memory_space<vmem_shared>> -> memref<10000x16xf32, #tpu.memory_space<vmem_shared>>
      tpu.enqueue_indirect_dma source(%arg9 : memref<80x16xf32, #tpu.memory_space<vmem>>) target(%dma_start3A_318 : memref<10000x16xf32, #tpu.memory_space<vmem_shared>>) offsets(%dma_start3A_315 : memref<80xi32, #tpu.memory_space<vmem>>) semaphore(%arg15 : memref<!tpu.dma_semaphore, #tpu.memory_space<semaphore_mem>>) {add = true}
      %rem3A_319 = arith.constant 8 : i32
      %rem3A_320 = arith.remsi %add3A_274, %rem3A_319 : i32
      %dma_wait3A_321 = arith.constant 0 : i32
      %dma_wait3A_322 = tpu.memref_slice %arg6[%rem3A_320, %dma_wait3A_321] : memref<8x80xi32, #tpu.memory_space<vmem>> -> memref<1x80xi32, #tpu.memory_space<vmem>>
      %dma_wait3A_323 = tpu.memref_squeeze %dma_wait3A_322 : memref<1x80xi32, #tpu.memory_space<vmem>> -> memref<80xi32, #tpu.memory_space<vmem>>
      %dma_wait3A_324 = arith.constant 0 : i32
      %dma_wait3A_325 = arith.constant 0 : i32
      %dma_wait3A_326 = tpu.memref_slice %arg16[%dma_wait3A_324, %dma_wait3A_325] : memref<10000x16xf32, #tpu.memory_space<vmem_shared>> -> memref<10000x16xf32, #tpu.memory_space<vmem_shared>>
      tpu.wait_indirect_dma semaphore(%arg12 : memref<!tpu.dma_semaphore, #tpu.memory_space<semaphore_mem>>) src(%arg7 : memref<80x16xf32, #tpu.memory_space<vmem>>) dst(%dma_wait3A_326 : memref<10000x16xf32, #tpu.memory_space<vmem_shared>>)
      %dma_wait3A_327 = arith.constant 0 : i32
      %dma_wait3A_328 = tpu.memref_slice %arg6[%rem3A_320, %dma_wait3A_327] : memref<8x80xi32, #tpu.memory_space<vmem>> -> memref<1x80xi32, #tpu.memory_space<vmem>>
      %dma_wait3A_329 = tpu.memref_squeeze %dma_wait3A_328 : memref<1x80xi32, #tpu.memory_space<vmem>> -> memref<80xi32, #tpu.memory_space<vmem>>
      %dma_wait3A_330 = arith.constant 0 : i32
      %dma_wait3A_331 = arith.constant 0 : i32
      %dma_wait3A_332 = tpu.memref_slice %arg17[%dma_wait3A_330, %dma_wait3A_331] : memref<10000x16xf32, #tpu.memory_space<vmem_shared>> -> memref<10000x16xf32, #tpu.memory_space<vmem_shared>>
      tpu.wait_indirect_dma semaphore(%arg14 : memref<!tpu.dma_semaphore, #tpu.memory_space<semaphore_mem>>) src(%arg9 : memref<80x16xf32, #tpu.memory_space<vmem>>) dst(%dma_wait3A_332 : memref<10000x16xf32, #tpu.memory_space<vmem_shared>>)
      %add3A_333 = arith.constant 2 : i32
      %add3A_334 = arith.addi %add3A_274, %add3A_333 : i32
      %add3A_335 = arith.addi %add3A, %add3A_334 : i32
      %mul3A_336 = arith.constant 80 : i32
      %mul3A_337 = arith.muli %add3A_335, %mul3A_336 : i32
      %dma_start3A_338 = arith.constant 0 : i32
      %dma_start3A_339 = tpu.memref_slice %arg2[%mul3A_337, %dma_start3A_338] : memref<320000x16xf32, #tpu.memory_space<hbm>> -> memref<80x16xf32, #tpu.memory_space<hbm>>
      %dma_start3A_340 = arith.constant 0 : i32
      %dma_start3A_341 = tpu.memref_slice %arg2[%mul3A_337, %dma_start3A_340] : memref<320000x16xf32, #tpu.memory_space<hbm>> -> memref<80x16xf32, #tpu.memory_space<hbm>>
      tpu.enqueue_dma source(%dma_start3A_341 : memref<80x16xf32, #tpu.memory_space<hbm>>) target(%arg7 : memref<80x16xf32, #tpu.memory_space<vmem>>) target_semaphore(%arg10 : memref<!tpu.dma_semaphore, #tpu.memory_space<semaphore_mem>>)
      %rem3A_342 = arith.constant 8 : i32
      %rem3A_343 = arith.remsi %add3A_276, %rem3A_342 : i32
      %dma_wait3A_344 = arith.constant 0 : i32
      %dma_wait3A_345 = tpu.memref_slice %arg6[%rem3A_343, %dma_wait3A_344] : memref<8x80xi32, #tpu.memory_space<vmem>> -> memref<1x80xi32, #tpu.memory_space<vmem>>
      %dma_wait3A_346 = tpu.memref_squeeze %dma_wait3A_345 : memref<1x80xi32, #tpu.memory_space<vmem>> -> memref<80xi32, #tpu.memory_space<vmem>>
      %dma_wait3A_347 = arith.constant 0 : i32
      %dma_wait3A_348 = arith.constant 0 : i32
      %dma_wait3A_349 = tpu.memref_slice %arg16[%dma_wait3A_347, %dma_wait3A_348] : memref<10000x16xf32, #tpu.memory_space<vmem_shared>> -> memref<10000x16xf32, #tpu.memory_space<vmem_shared>>
      tpu.wait_indirect_dma semaphore(%arg13 : memref<!tpu.dma_semaphore, #tpu.memory_space<semaphore_mem>>) src(%arg8 : memref<80x16xf32, #tpu.memory_space<vmem>>) dst(%dma_wait3A_349 : memref<10000x16xf32, #tpu.memory_space<vmem_shared>>)
      %dma_wait3A_350 = arith.constant 0 : i32
      %dma_wait3A_351 = tpu.memref_slice %arg6[%rem3A_343, %dma_wait3A_350] : memref<8x80xi32, #tpu.memory_space<vmem>> -> memref<1x80xi32, #tpu.memory_space<vmem>>
      %dma_wait3A_352 = tpu.memref_squeeze %dma_wait3A_351 : memref<1x80xi32, #tpu.memory_space<vmem>> -> memref<80xi32, #tpu.memory_space<vmem>>
      %dma_wait3A_353 = arith.constant 0 : i32
      %dma_wait3A_354 = arith.constant 0 : i32
      %dma_wait3A_355 = tpu.memref_slice %arg17[%dma_wait3A_353, %dma_wait3A_354] : memref<10000x16xf32, #tpu.memory_space<vmem_shared>> -> memref<10000x16xf32, #tpu.memory_space<vmem_shared>>
      tpu.wait_indirect_dma semaphore(%arg15 : memref<!tpu.dma_semaphore, #tpu.memory_space<semaphore_mem>>) src(%arg9 : memref<80x16xf32, #tpu.memory_space<vmem>>) dst(%dma_wait3A_355 : memref<10000x16xf32, #tpu.memory_space<vmem_shared>>)
      %add3A_356 = arith.constant 2 : i32
      %add3A_357 = arith.addi %add3A_276, %add3A_356 : i32
      %add3A_358 = arith.addi %add3A, %add3A_357 : i32
      %mul3A_359 = arith.constant 80 : i32
      %mul3A_360 = arith.muli %add3A_358, %mul3A_359 : i32
      %dma_start3A_361 = arith.constant 0 : i32
      %dma_start3A_362 = tpu.memref_slice %arg2[%mul3A_360, %dma_start3A_361] : memref<320000x16xf32, #tpu.memory_space<hbm>> -> memref<80x16xf32, #tpu.memory_space<hbm>>
      %dma_start3A_363 = arith.constant 0 : i32
      %dma_start3A_364 = tpu.memref_slice %arg2[%mul3A_360, %dma_start3A_363] : memref<320000x16xf32, #tpu.memory_space<hbm>> -> memref<80x16xf32, #tpu.memory_space<hbm>>
      tpu.enqueue_dma source(%dma_start3A_364 : memref<80x16xf32, #tpu.memory_space<hbm>>) target(%arg8 : memref<80x16xf32, #tpu.memory_space<vmem>>) target_semaphore(%arg11 : memref<!tpu.dma_semaphore, #tpu.memory_space<semaphore_mem>>)
      %add3A_365 = arith.constant 4 : i32
      %add3A_366 = arith.addi %add3A_182, %add3A_365 : i32
      %add3A_367 = arith.constant 1 : i32
      %add3A_368 = arith.addi %add3A_366, %add3A_367 : i32
      %add3A_369 = arith.addi %add3A, %add3A_366 : i32
      %mul3A_370 = arith.constant 80 : i32
      %mul3A_371 = arith.muli %add3A_369, %mul3A_370 : i32
      %dma_wait3A_372 = arith.constant 0 : i32
      %dma_wait3A_373 = tpu.memref_slice %arg2[%mul3A_371, %dma_wait3A_372] : memref<320000x16xf32, #tpu.memory_space<hbm>> -> memref<80x16xf32, #tpu.memory_space<hbm>>
      %dma_wait3A_374 = arith.constant 0 : i32
      %dma_wait3A_375 = tpu.memref_slice %arg2[%mul3A_371, %dma_wait3A_374] : memref<320000x16xf32, #tpu.memory_space<hbm>> -> memref<80x16xf32, #tpu.memory_space<hbm>>
      tpu.wait_dma2 semaphore(%arg10 : memref<!tpu.dma_semaphore, #tpu.memory_space<semaphore_mem>>) src(%dma_wait3A_375 : memref<80x16xf32, #tpu.memory_space<hbm>>) dst(%arg7 : memref<80x16xf32, #tpu.memory_space<vmem>>)
      %rem3A_376 = arith.constant 8 : i32
      %rem3A_377 = arith.remsi %add3A_366, %rem3A_376 : i32
      %dma_start3A_378 = arith.constant 0 : i32
      %dma_start3A_379 = tpu.memref_slice %arg6[%rem3A_377, %dma_start3A_378] : memref<8x80xi32, #tpu.memory_space<vmem>> -> memref<1x80xi32, #tpu.memory_space<vmem>>
      %dma_start3A_380 = tpu.memref_squeeze %dma_start3A_379 : memref<1x80xi32, #tpu.memory_space<vmem>> -> memref<80xi32, #tpu.memory_space<vmem>>
      %dma_start3A_381 = arith.constant 0 : i32
      %dma_start3A_382 = arith.constant 0 : i32
      %dma_start3A_383 = tpu.memref_slice %arg16[%dma_start3A_381, %dma_start3A_382] : memref<10000x16xf32, #tpu.memory_space<vmem_shared>> -> memref<10000x16xf32, #tpu.memory_space<vmem_shared>>
      tpu.enqueue_indirect_dma source(%arg7 : memref<80x16xf32, #tpu.memory_space<vmem>>) target(%dma_start3A_383 : memref<10000x16xf32, #tpu.memory_space<vmem_shared>>) offsets(%dma_start3A_380 : memref<80xi32, #tpu.memory_space<vmem>>) semaphore(%arg12 : memref<!tpu.dma_semaphore, #tpu.memory_space<semaphore_mem>>) {add = true}
      %dma_start3A_384 = arith.constant 0 : i32
      %dma_start3A_385 = tpu.memref_slice %arg6[%rem3A_377, %dma_start3A_384] : memref<8x80xi32, #tpu.memory_space<vmem>> -> memref<1x80xi32, #tpu.memory_space<vmem>>
      %dma_start3A_386 = tpu.memref_squeeze %dma_start3A_385 : memref<1x80xi32, #tpu.memory_space<vmem>> -> memref<80xi32, #tpu.memory_space<vmem>>
      %dma_start3A_387 = arith.constant 0 : i32
      %dma_start3A_388 = arith.constant 0 : i32
      %dma_start3A_389 = tpu.memref_slice %arg17[%dma_start3A_387, %dma_start3A_388] : memref<10000x16xf32, #tpu.memory_space<vmem_shared>> -> memref<10000x16xf32, #tpu.memory_space<vmem_shared>>
      tpu.enqueue_indirect_dma source(%arg9 : memref<80x16xf32, #tpu.memory_space<vmem>>) target(%dma_start3A_389 : memref<10000x16xf32, #tpu.memory_space<vmem_shared>>) offsets(%dma_start3A_386 : memref<80xi32, #tpu.memory_space<vmem>>) semaphore(%arg14 : memref<!tpu.dma_semaphore, #tpu.memory_space<semaphore_mem>>) {add = true}
      %add3A_390 = arith.addi %add3A, %add3A_368 : i32
      %mul3A_391 = arith.constant 80 : i32
      %mul3A_392 = arith.muli %add3A_390, %mul3A_391 : i32
      %dma_wait3A_393 = arith.constant 0 : i32
      %dma_wait3A_394 = tpu.memref_slice %arg2[%mul3A_392, %dma_wait3A_393] : memref<320000x16xf32, #tpu.memory_space<hbm>> -> memref<80x16xf32, #tpu.memory_space<hbm>>
      %dma_wait3A_395 = arith.constant 0 : i32
      %dma_wait3A_396 = tpu.memref_slice %arg2[%mul3A_392, %dma_wait3A_395] : memref<320000x16xf32, #tpu.memory_space<hbm>> -> memref<80x16xf32, #tpu.memory_space<hbm>>
      tpu.wait_dma2 semaphore(%arg11 : memref<!tpu.dma_semaphore, #tpu.memory_space<semaphore_mem>>) src(%dma_wait3A_396 : memref<80x16xf32, #tpu.memory_space<hbm>>) dst(%arg8 : memref<80x16xf32, #tpu.memory_space<vmem>>)
      %rem3A_397 = arith.constant 8 : i32
      %rem3A_398 = arith.remsi %add3A_368, %rem3A_397 : i32
      %dma_start3A_399 = arith.constant 0 : i32
      %dma_start3A_400 = tpu.memref_slice %arg6[%rem3A_398, %dma_start3A_399] : memref<8x80xi32, #tpu.memory_space<vmem>> -> memref<1x80xi32, #tpu.memory_space<vmem>>
      %dma_start3A_401 = tpu.memref_squeeze %dma_start3A_400 : memref<1x80xi32, #tpu.memory_space<vmem>> -> memref<80xi32, #tpu.memory_space<vmem>>
      %dma_start3A_402 = arith.constant 0 : i32
      %dma_start3A_403 = arith.constant 0 : i32
      %dma_start3A_404 = tpu.memref_slice %arg16[%dma_start3A_402, %dma_start3A_403] : memref<10000x16xf32, #tpu.memory_space<vmem_shared>> -> memref<10000x16xf32, #tpu.memory_space<vmem_shared>>
      tpu.enqueue_indirect_dma source(%arg8 : memref<80x16xf32, #tpu.memory_space<vmem>>) target(%dma_start3A_404 : memref<10000x16xf32, #tpu.memory_space<vmem_shared>>) offsets(%dma_start3A_401 : memref<80xi32, #tpu.memory_space<vmem>>) semaphore(%arg13 : memref<!tpu.dma_semaphore, #tpu.memory_space<semaphore_mem>>) {add = true}
      %dma_start3A_405 = arith.constant 0 : i32
      %dma_start3A_406 = tpu.memref_slice %arg6[%rem3A_398, %dma_start3A_405] : memref<8x80xi32, #tpu.memory_space<vmem>> -> memref<1x80xi32, #tpu.memory_space<vmem>>
      %dma_start3A_407 = tpu.memref_squeeze %dma_start3A_406 : memref<1x80xi32, #tpu.memory_space<vmem>> -> memref<80xi32, #tpu.memory_space<vmem>>
      %dma_start3A_408 = arith.constant 0 : i32
      %dma_start3A_409 = arith.constant 0 : i32
      %dma_start3A_410 = tpu.memref_slice %arg17[%dma_start3A_408, %dma_start3A_409] : memref<10000x16xf32, #tpu.memory_space<vmem_shared>> -> memref<10000x16xf32, #tpu.memory_space<vmem_shared>>
      tpu.enqueue_indirect_dma source(%arg9 : memref<80x16xf32, #tpu.memory_space<vmem>>) target(%dma_start3A_410 : memref<10000x16xf32, #tpu.memory_space<vmem_shared>>) offsets(%dma_start3A_407 : memref<80xi32, #tpu.memory_space<vmem>>) semaphore(%arg15 : memref<!tpu.dma_semaphore, #tpu.memory_space<semaphore_mem>>) {add = true}
      %rem3A_411 = arith.constant 8 : i32
      %rem3A_412 = arith.remsi %add3A_366, %rem3A_411 : i32
      %dma_wait3A_413 = arith.constant 0 : i32
      %dma_wait3A_414 = tpu.memref_slice %arg6[%rem3A_412, %dma_wait3A_413] : memref<8x80xi32, #tpu.memory_space<vmem>> -> memref<1x80xi32, #tpu.memory_space<vmem>>
      %dma_wait3A_415 = tpu.memref_squeeze %dma_wait3A_414 : memref<1x80xi32, #tpu.memory_space<vmem>> -> memref<80xi32, #tpu.memory_space<vmem>>
      %dma_wait3A_416 = arith.constant 0 : i32
      %dma_wait3A_417 = arith.constant 0 : i32
      %dma_wait3A_418 = tpu.memref_slice %arg16[%dma_wait3A_416, %dma_wait3A_417] : memref<10000x16xf32, #tpu.memory_space<vmem_shared>> -> memref<10000x16xf32, #tpu.memory_space<vmem_shared>>
      tpu.wait_indirect_dma semaphore(%arg12 : memref<!tpu.dma_semaphore, #tpu.memory_space<semaphore_mem>>) src(%arg7 : memref<80x16xf32, #tpu.memory_space<vmem>>) dst(%dma_wait3A_418 : memref<10000x16xf32, #tpu.memory_space<vmem_shared>>)
      %dma_wait3A_419 = arith.constant 0 : i32
      %dma_wait3A_420 = tpu.memref_slice %arg6[%rem3A_412, %dma_wait3A_419] : memref<8x80xi32, #tpu.memory_space<vmem>> -> memref<1x80xi32, #tpu.memory_space<vmem>>
      %dma_wait3A_421 = tpu.memref_squeeze %dma_wait3A_420 : memref<1x80xi32, #tpu.memory_space<vmem>> -> memref<80xi32, #tpu.memory_space<vmem>>
      %dma_wait3A_422 = arith.constant 0 : i32
      %dma_wait3A_423 = arith.constant 0 : i32
      %dma_wait3A_424 = tpu.memref_slice %arg17[%dma_wait3A_422, %dma_wait3A_423] : memref<10000x16xf32, #tpu.memory_space<vmem_shared>> -> memref<10000x16xf32, #tpu.memory_space<vmem_shared>>
      tpu.wait_indirect_dma semaphore(%arg14 : memref<!tpu.dma_semaphore, #tpu.memory_space<semaphore_mem>>) src(%arg9 : memref<80x16xf32, #tpu.memory_space<vmem>>) dst(%dma_wait3A_424 : memref<10000x16xf32, #tpu.memory_space<vmem_shared>>)
      %add3A_425 = arith.constant 2 : i32
      %add3A_426 = arith.addi %add3A_366, %add3A_425 : i32
      %add3A_427 = arith.addi %add3A, %add3A_426 : i32
      %mul3A_428 = arith.constant 80 : i32
      %mul3A_429 = arith.muli %add3A_427, %mul3A_428 : i32
      %dma_start3A_430 = arith.constant 0 : i32
      %dma_start3A_431 = tpu.memref_slice %arg2[%mul3A_429, %dma_start3A_430] : memref<320000x16xf32, #tpu.memory_space<hbm>> -> memref<80x16xf32, #tpu.memory_space<hbm>>
      %dma_start3A_432 = arith.constant 0 : i32
      %dma_start3A_433 = tpu.memref_slice %arg2[%mul3A_429, %dma_start3A_432] : memref<320000x16xf32, #tpu.memory_space<hbm>> -> memref<80x16xf32, #tpu.memory_space<hbm>>
      tpu.enqueue_dma source(%dma_start3A_433 : memref<80x16xf32, #tpu.memory_space<hbm>>) target(%arg7 : memref<80x16xf32, #tpu.memory_space<vmem>>) target_semaphore(%arg10 : memref<!tpu.dma_semaphore, #tpu.memory_space<semaphore_mem>>)
      %rem3A_434 = arith.constant 8 : i32
      %rem3A_435 = arith.remsi %add3A_368, %rem3A_434 : i32
      %dma_wait3A_436 = arith.constant 0 : i32
      %dma_wait3A_437 = tpu.memref_slice %arg6[%rem3A_435, %dma_wait3A_436] : memref<8x80xi32, #tpu.memory_space<vmem>> -> memref<1x80xi32, #tpu.memory_space<vmem>>
      %dma_wait3A_438 = tpu.memref_squeeze %dma_wait3A_437 : memref<1x80xi32, #tpu.memory_space<vmem>> -> memref<80xi32, #tpu.memory_space<vmem>>
      %dma_wait3A_439 = arith.constant 0 : i32
      %dma_wait3A_440 = arith.constant 0 : i32
      %dma_wait3A_441 = tpu.memref_slice %arg16[%dma_wait3A_439, %dma_wait3A_440] : memref<10000x16xf32, #tpu.memory_space<vmem_shared>> -> memref<10000x16xf32, #tpu.memory_space<vmem_shared>>
      tpu.wait_indirect_dma semaphore(%arg13 : memref<!tpu.dma_semaphore, #tpu.memory_space<semaphore_mem>>) src(%arg8 : memref<80x16xf32, #tpu.memory_space<vmem>>) dst(%dma_wait3A_441 : memref<10000x16xf32, #tpu.memory_space<vmem_shared>>)
      %dma_wait3A_442 = arith.constant 0 : i32
      %dma_wait3A_443 = tpu.memref_slice %arg6[%rem3A_435, %dma_wait3A_442] : memref<8x80xi32, #tpu.memory_space<vmem>> -> memref<1x80xi32, #tpu.memory_space<vmem>>
      %dma_wait3A_444 = tpu.memref_squeeze %dma_wait3A_443 : memref<1x80xi32, #tpu.memory_space<vmem>> -> memref<80xi32, #tpu.memory_space<vmem>>
      %dma_wait3A_445 = arith.constant 0 : i32
      %dma_wait3A_446 = arith.constant 0 : i32
      %dma_wait3A_447 = tpu.memref_slice %arg17[%dma_wait3A_445, %dma_wait3A_446] : memref<10000x16xf32, #tpu.memory_space<vmem_shared>> -> memref<10000x16xf32, #tpu.memory_space<vmem_shared>>
      tpu.wait_indirect_dma semaphore(%arg15 : memref<!tpu.dma_semaphore, #tpu.memory_space<semaphore_mem>>) src(%arg9 : memref<80x16xf32, #tpu.memory_space<vmem>>) dst(%dma_wait3A_447 : memref<10000x16xf32, #tpu.memory_space<vmem_shared>>)
      %add3A_448 = arith.constant 2 : i32
      %add3A_449 = arith.addi %add3A_368, %add3A_448 : i32
      %add3A_450 = arith.addi %add3A, %add3A_449 : i32
      %mul3A_451 = arith.constant 80 : i32
      %mul3A_452 = arith.muli %add3A_450, %mul3A_451 : i32
      %dma_start3A_453 = arith.constant 0 : i32
      %dma_start3A_454 = tpu.memref_slice %arg2[%mul3A_452, %dma_start3A_453] : memref<320000x16xf32, #tpu.memory_space<hbm>> -> memref<80x16xf32, #tpu.memory_space<hbm>>
      %dma_start3A_455 = arith.constant 0 : i32
      %dma_start3A_456 = tpu.memref_slice %arg2[%mul3A_452, %dma_start3A_455] : memref<320000x16xf32, #tpu.memory_space<hbm>> -> memref<80x16xf32, #tpu.memory_space<hbm>>
      tpu.enqueue_dma source(%dma_start3A_456 : memref<80x16xf32, #tpu.memory_space<hbm>>) target(%arg8 : memref<80x16xf32, #tpu.memory_space<vmem>>) target_semaphore(%arg11 : memref<!tpu.dma_semaphore, #tpu.memory_space<semaphore_mem>>)
      %add3A_457 = arith.constant 6 : i32
      %add3A_458 = arith.addi %add3A_182, %add3A_457 : i32
      %add3A_459 = arith.constant 1 : i32
      %add3A_460 = arith.addi %add3A_458, %add3A_459 : i32
      %add3A_461 = arith.addi %add3A, %add3A_458 : i32
      %mul3A_462 = arith.constant 80 : i32
      %mul3A_463 = arith.muli %add3A_461, %mul3A_462 : i32
      %dma_wait3A_464 = arith.constant 0 : i32
      %dma_wait3A_465 = tpu.memref_slice %arg2[%mul3A_463, %dma_wait3A_464] : memref<320000x16xf32, #tpu.memory_space<hbm>> -> memref<80x16xf32, #tpu.memory_space<hbm>>
      %dma_wait3A_466 = arith.constant 0 : i32
      %dma_wait3A_467 = tpu.memref_slice %arg2[%mul3A_463, %dma_wait3A_466] : memref<320000x16xf32, #tpu.memory_space<hbm>> -> memref<80x16xf32, #tpu.memory_space<hbm>>
      tpu.wait_dma2 semaphore(%arg10 : memref<!tpu.dma_semaphore, #tpu.memory_space<semaphore_mem>>) src(%dma_wait3A_467 : memref<80x16xf32, #tpu.memory_space<hbm>>) dst(%arg7 : memref<80x16xf32, #tpu.memory_space<vmem>>)
      %rem3A_468 = arith.constant 8 : i32
      %rem3A_469 = arith.remsi %add3A_458, %rem3A_468 : i32
      %dma_start3A_470 = arith.constant 0 : i32
      %dma_start3A_471 = tpu.memref_slice %arg6[%rem3A_469, %dma_start3A_470] : memref<8x80xi32, #tpu.memory_space<vmem>> -> memref<1x80xi32, #tpu.memory_space<vmem>>
      %dma_start3A_472 = tpu.memref_squeeze %dma_start3A_471 : memref<1x80xi32, #tpu.memory_space<vmem>> -> memref<80xi32, #tpu.memory_space<vmem>>
      %dma_start3A_473 = arith.constant 0 : i32
      %dma_start3A_474 = arith.constant 0 : i32
      %dma_start3A_475 = tpu.memref_slice %arg16[%dma_start3A_473, %dma_start3A_474] : memref<10000x16xf32, #tpu.memory_space<vmem_shared>> -> memref<10000x16xf32, #tpu.memory_space<vmem_shared>>
      tpu.enqueue_indirect_dma source(%arg7 : memref<80x16xf32, #tpu.memory_space<vmem>>) target(%dma_start3A_475 : memref<10000x16xf32, #tpu.memory_space<vmem_shared>>) offsets(%dma_start3A_472 : memref<80xi32, #tpu.memory_space<vmem>>) semaphore(%arg12 : memref<!tpu.dma_semaphore, #tpu.memory_space<semaphore_mem>>) {add = true}
      %dma_start3A_476 = arith.constant 0 : i32
      %dma_start3A_477 = tpu.memref_slice %arg6[%rem3A_469, %dma_start3A_476] : memref<8x80xi32, #tpu.memory_space<vmem>> -> memref<1x80xi32, #tpu.memory_space<vmem>>
      %dma_start3A_478 = tpu.memref_squeeze %dma_start3A_477 : memref<1x80xi32, #tpu.memory_space<vmem>> -> memref<80xi32, #tpu.memory_space<vmem>>
      %dma_start3A_479 = arith.constant 0 : i32
      %dma_start3A_480 = arith.constant 0 : i32
      %dma_start3A_481 = tpu.memref_slice %arg17[%dma_start3A_479, %dma_start3A_480] : memref<10000x16xf32, #tpu.memory_space<vmem_shared>> -> memref<10000x16xf32, #tpu.memory_space<vmem_shared>>
      tpu.enqueue_indirect_dma source(%arg9 : memref<80x16xf32, #tpu.memory_space<vmem>>) target(%dma_start3A_481 : memref<10000x16xf32, #tpu.memory_space<vmem_shared>>) offsets(%dma_start3A_478 : memref<80xi32, #tpu.memory_space<vmem>>) semaphore(%arg14 : memref<!tpu.dma_semaphore, #tpu.memory_space<semaphore_mem>>) {add = true}
      %add3A_482 = arith.addi %add3A, %add3A_460 : i32
      %mul3A_483 = arith.constant 80 : i32
      %mul3A_484 = arith.muli %add3A_482, %mul3A_483 : i32
      %dma_wait3A_485 = arith.constant 0 : i32
      %dma_wait3A_486 = tpu.memref_slice %arg2[%mul3A_484, %dma_wait3A_485] : memref<320000x16xf32, #tpu.memory_space<hbm>> -> memref<80x16xf32, #tpu.memory_space<hbm>>
      %dma_wait3A_487 = arith.constant 0 : i32
      %dma_wait3A_488 = tpu.memref_slice %arg2[%mul3A_484, %dma_wait3A_487] : memref<320000x16xf32, #tpu.memory_space<hbm>> -> memref<80x16xf32, #tpu.memory_space<hbm>>
      tpu.wait_dma2 semaphore(%arg11 : memref<!tpu.dma_semaphore, #tpu.memory_space<semaphore_mem>>) src(%dma_wait3A_488 : memref<80x16xf32, #tpu.memory_space<hbm>>) dst(%arg8 : memref<80x16xf32, #tpu.memory_space<vmem>>)
      %rem3A_489 = arith.constant 8 : i32
      %rem3A_490 = arith.remsi %add3A_460, %rem3A_489 : i32
      %dma_start3A_491 = arith.constant 0 : i32
      %dma_start3A_492 = tpu.memref_slice %arg6[%rem3A_490, %dma_start3A_491] : memref<8x80xi32, #tpu.memory_space<vmem>> -> memref<1x80xi32, #tpu.memory_space<vmem>>
      %dma_start3A_493 = tpu.memref_squeeze %dma_start3A_492 : memref<1x80xi32, #tpu.memory_space<vmem>> -> memref<80xi32, #tpu.memory_space<vmem>>
      %dma_start3A_494 = arith.constant 0 : i32
      %dma_start3A_495 = arith.constant 0 : i32
      %dma_start3A_496 = tpu.memref_slice %arg16[%dma_start3A_494, %dma_start3A_495] : memref<10000x16xf32, #tpu.memory_space<vmem_shared>> -> memref<10000x16xf32, #tpu.memory_space<vmem_shared>>
      tpu.enqueue_indirect_dma source(%arg8 : memref<80x16xf32, #tpu.memory_space<vmem>>) target(%dma_start3A_496 : memref<10000x16xf32, #tpu.memory_space<vmem_shared>>) offsets(%dma_start3A_493 : memref<80xi32, #tpu.memory_space<vmem>>) semaphore(%arg13 : memref<!tpu.dma_semaphore, #tpu.memory_space<semaphore_mem>>) {add = true}
      %dma_start3A_497 = arith.constant 0 : i32
      %dma_start3A_498 = tpu.memref_slice %arg6[%rem3A_490, %dma_start3A_497] : memref<8x80xi32, #tpu.memory_space<vmem>> -> memref<1x80xi32, #tpu.memory_space<vmem>>
      %dma_start3A_499 = tpu.memref_squeeze %dma_start3A_498 : memref<1x80xi32, #tpu.memory_space<vmem>> -> memref<80xi32, #tpu.memory_space<vmem>>
      %dma_start3A_500 = arith.constant 0 : i32
      %dma_start3A_501 = arith.constant 0 : i32
      %dma_start3A_502 = tpu.memref_slice %arg17[%dma_start3A_500, %dma_start3A_501] : memref<10000x16xf32, #tpu.memory_space<vmem_shared>> -> memref<10000x16xf32, #tpu.memory_space<vmem_shared>>
      tpu.enqueue_indirect_dma source(%arg9 : memref<80x16xf32, #tpu.memory_space<vmem>>) target(%dma_start3A_502 : memref<10000x16xf32, #tpu.memory_space<vmem_shared>>) offsets(%dma_start3A_499 : memref<80xi32, #tpu.memory_space<vmem>>) semaphore(%arg15 : memref<!tpu.dma_semaphore, #tpu.memory_space<semaphore_mem>>) {add = true}
      %rem3A_503 = arith.constant 8 : i32
      %rem3A_504 = arith.remsi %add3A_458, %rem3A_503 : i32
      %dma_wait3A_505 = arith.constant 0 : i32
      %dma_wait3A_506 = tpu.memref_slice %arg6[%rem3A_504, %dma_wait3A_505] : memref<8x80xi32, #tpu.memory_space<vmem>> -> memref<1x80xi32, #tpu.memory_space<vmem>>
      %dma_wait3A_507 = tpu.memref_squeeze %dma_wait3A_506 : memref<1x80xi32, #tpu.memory_space<vmem>> -> memref<80xi32, #tpu.memory_space<vmem>>
      %dma_wait3A_508 = arith.constant 0 : i32
      %dma_wait3A_509 = arith.constant 0 : i32
      %dma_wait3A_510 = tpu.memref_slice %arg16[%dma_wait3A_508, %dma_wait3A_509] : memref<10000x16xf32, #tpu.memory_space<vmem_shared>> -> memref<10000x16xf32, #tpu.memory_space<vmem_shared>>
      tpu.wait_indirect_dma semaphore(%arg12 : memref<!tpu.dma_semaphore, #tpu.memory_space<semaphore_mem>>) src(%arg7 : memref<80x16xf32, #tpu.memory_space<vmem>>) dst(%dma_wait3A_510 : memref<10000x16xf32, #tpu.memory_space<vmem_shared>>)
      %dma_wait3A_511 = arith.constant 0 : i32
      %dma_wait3A_512 = tpu.memref_slice %arg6[%rem3A_504, %dma_wait3A_511] : memref<8x80xi32, #tpu.memory_space<vmem>> -> memref<1x80xi32, #tpu.memory_space<vmem>>
      %dma_wait3A_513 = tpu.memref_squeeze %dma_wait3A_512 : memref<1x80xi32, #tpu.memory_space<vmem>> -> memref<80xi32, #tpu.memory_space<vmem>>
      %dma_wait3A_514 = arith.constant 0 : i32
      %dma_wait3A_515 = arith.constant 0 : i32
      %dma_wait3A_516 = tpu.memref_slice %arg17[%dma_wait3A_514, %dma_wait3A_515] : memref<10000x16xf32, #tpu.memory_space<vmem_shared>> -> memref<10000x16xf32, #tpu.memory_space<vmem_shared>>
      tpu.wait_indirect_dma semaphore(%arg14 : memref<!tpu.dma_semaphore, #tpu.memory_space<semaphore_mem>>) src(%arg9 : memref<80x16xf32, #tpu.memory_space<vmem>>) dst(%dma_wait3A_516 : memref<10000x16xf32, #tpu.memory_space<vmem_shared>>)
      %rem3A_517 = arith.constant 8 : i32
      %rem3A_518 = arith.remsi %add3A_460, %rem3A_517 : i32
      %dma_wait3A_519 = arith.constant 0 : i32
      %dma_wait3A_520 = tpu.memref_slice %arg6[%rem3A_518, %dma_wait3A_519] : memref<8x80xi32, #tpu.memory_space<vmem>> -> memref<1x80xi32, #tpu.memory_space<vmem>>
      %dma_wait3A_521 = tpu.memref_squeeze %dma_wait3A_520 : memref<1x80xi32, #tpu.memory_space<vmem>> -> memref<80xi32, #tpu.memory_space<vmem>>
      %dma_wait3A_522 = arith.constant 0 : i32
      %dma_wait3A_523 = arith.constant 0 : i32
      %dma_wait3A_524 = tpu.memref_slice %arg16[%dma_wait3A_522, %dma_wait3A_523] : memref<10000x16xf32, #tpu.memory_space<vmem_shared>> -> memref<10000x16xf32, #tpu.memory_space<vmem_shared>>
      tpu.wait_indirect_dma semaphore(%arg13 : memref<!tpu.dma_semaphore, #tpu.memory_space<semaphore_mem>>) src(%arg8 : memref<80x16xf32, #tpu.memory_space<vmem>>) dst(%dma_wait3A_524 : memref<10000x16xf32, #tpu.memory_space<vmem_shared>>)
      %dma_wait3A_525 = arith.constant 0 : i32
      %dma_wait3A_526 = tpu.memref_slice %arg6[%rem3A_518, %dma_wait3A_525] : memref<8x80xi32, #tpu.memory_space<vmem>> -> memref<1x80xi32, #tpu.memory_space<vmem>>
      %dma_wait3A_527 = tpu.memref_squeeze %dma_wait3A_526 : memref<1x80xi32, #tpu.memory_space<vmem>> -> memref<80xi32, #tpu.memory_space<vmem>>
      %dma_wait3A_528 = arith.constant 0 : i32
      %dma_wait3A_529 = arith.constant 0 : i32
      %dma_wait3A_530 = tpu.memref_slice %arg17[%dma_wait3A_528, %dma_wait3A_529] : memref<10000x16xf32, #tpu.memory_space<vmem_shared>> -> memref<10000x16xf32, #tpu.memory_space<vmem_shared>>
      tpu.wait_indirect_dma semaphore(%arg15 : memref<!tpu.dma_semaphore, #tpu.memory_space<semaphore_mem>>) src(%arg9 : memref<80x16xf32, #tpu.memory_space<vmem>>) dst(%dma_wait3A_530 : memref<10000x16xf32, #tpu.memory_space<vmem_shared>>)
      %add3A_531 = arith.constant 8 : i32
      %add3A_532 = arith.addi %add3A_182, %add3A_531 : i32
      %lt3A_533 = arith.cmpi slt, %add3A_532, %select_n3A : i32
      %convert_element_type3A_534 = arith.extui %lt3A_533 : i1 to i32
      %cond3A_535 = arith.constant 0 : i32
      %cond3A_536 = arith.cmpi ne, %convert_element_type3A_534, %cond3A_535 : i32
      scf.if %cond3A_536 {
        %add3A_537 = arith.constant 8 : i32
        %add3A_538 = arith.addi %add3A_182, %add3A_537 : i32
        %add3A_539 = arith.addi %add3A, %add3A_538 : i32
        "tpu.region"() ({
          %run_scoped3A = tpu.sem_alloc : memref<!tpu.dma_semaphore, #tpu.memory_space<semaphore_mem>>
          %dma_start3A_558 = arith.constant 0 : i32
          %dma_start3A_559 = tpu.memref_slice %arg3[%add3A_539, %dma_start3A_558] : memref<4000x80xi32, #tpu.memory_space<hbm>> -> memref<8x80xi32, #tpu.memory_space<hbm>>
          %dma_start3A_560 = arith.constant 0 : i32
          %dma_start3A_561 = tpu.memref_slice %arg3[%add3A_539, %dma_start3A_560] : memref<4000x80xi32, #tpu.memory_space<hbm>> -> memref<8x80xi32, #tpu.memory_space<hbm>>
          tpu.enqueue_dma source(%dma_start3A_561 : memref<8x80xi32, #tpu.memory_space<hbm>>) target(%arg6 : memref<8x80xi32, #tpu.memory_space<vmem>>) target_semaphore(%run_scoped3A : memref<!tpu.dma_semaphore, #tpu.memory_space<semaphore_mem>>)
          %dma_wait3A_562 = arith.constant 0 : i32
          %dma_wait3A_563 = tpu.memref_slice %arg3[%add3A_539, %dma_wait3A_562] : memref<4000x80xi32, #tpu.memory_space<hbm>> -> memref<8x80xi32, #tpu.memory_space<hbm>>
          %dma_wait3A_564 = arith.constant 0 : i32
          %dma_wait3A_565 = tpu.memref_slice %arg3[%add3A_539, %dma_wait3A_564] : memref<4000x80xi32, #tpu.memory_space<hbm>> -> memref<8x80xi32, #tpu.memory_space<hbm>>
          tpu.wait_dma2 semaphore(%run_scoped3A : memref<!tpu.dma_semaphore, #tpu.memory_space<semaphore_mem>>) src(%dma_wait3A_565 : memref<8x80xi32, #tpu.memory_space<hbm>>) dst(%arg6 : memref<8x80xi32, #tpu.memory_space<vmem>>)
          tpu.yield
        }) : () -> ()
        %add3A_540 = arith.constant 2 : i32
        %add3A_541 = arith.addi %add3A_458, %add3A_540 : i32
        %add3A_542 = arith.addi %add3A, %add3A_541 : i32
        %mul3A_543 = arith.constant 80 : i32
        %mul3A_544 = arith.muli %add3A_542, %mul3A_543 : i32
        %dma_start3A_545 = arith.constant 0 : i32
        %dma_start3A_546 = tpu.memref_slice %arg2[%mul3A_544, %dma_start3A_545] : memref<320000x16xf32, #tpu.memory_space<hbm>> -> memref<80x16xf32, #tpu.memory_space<hbm>>
        %dma_start3A_547 = arith.constant 0 : i32
        %dma_start3A_548 = tpu.memref_slice %arg2[%mul3A_544, %dma_start3A_547] : memref<320000x16xf32, #tpu.memory_space<hbm>> -> memref<80x16xf32, #tpu.memory_space<hbm>>
        tpu.enqueue_dma source(%dma_start3A_548 : memref<80x16xf32, #tpu.memory_space<hbm>>) target(%arg7 : memref<80x16xf32, #tpu.memory_space<vmem>>) target_semaphore(%arg10 : memref<!tpu.dma_semaphore, #tpu.memory_space<semaphore_mem>>)
        %add3A_549 = arith.constant 2 : i32
        %add3A_550 = arith.addi %add3A_460, %add3A_549 : i32
        %add3A_551 = arith.addi %add3A, %add3A_550 : i32
        %mul3A_552 = arith.constant 80 : i32
        %mul3A_553 = arith.muli %add3A_551, %mul3A_552 : i32
        %dma_start3A_554 = arith.constant 0 : i32
        %dma_start3A_555 = tpu.memref_slice %arg2[%mul3A_553, %dma_start3A_554] : memref<320000x16xf32, #tpu.memory_space<hbm>> -> memref<80x16xf32, #tpu.memory_space<hbm>>
        %dma_start3A_556 = arith.constant 0 : i32
        %dma_start3A_557 = tpu.memref_slice %arg2[%mul3A_553, %dma_start3A_556] : memref<320000x16xf32, #tpu.memory_space<hbm>> -> memref<80x16xf32, #tpu.memory_space<hbm>>
        tpu.enqueue_dma source(%dma_start3A_557 : memref<80x16xf32, #tpu.memory_space<hbm>>) target(%arg8 : memref<80x16xf32, #tpu.memory_space<vmem>>) target_semaphore(%arg11 : memref<!tpu.dma_semaphore, #tpu.memory_space<semaphore_mem>>)
      } else {
      }
    }
    %barrier3A_156 = arith.constant 0 : index
    tpu.barrier barrier_id(%barrier3A_156)
    %mul3A_157 = arith.constant 640 : i32
    %mul3A_158 = arith.muli %arg1, %mul3A_157 : i32
    %lt3A_159 = arith.constant 15 : i32
    %lt3A_160 = arith.cmpi slt, %arg1, %lt3A_159 : i32
    %convert_element_type3A_161 = arith.extui %lt3A_160 : i1 to i32
    %cond3A_162 = arith.constant 0 : i32
    %cond3A_163 = arith.cmpi ne, %convert_element_type3A_161, %cond3A_162 : i32
    scf.if %cond3A_163 {
      "tpu.region"() ({
        %run_scoped3A = tpu.sem_alloc : memref<!tpu.dma_semaphore, #tpu.memory_space<semaphore_mem>>
        %dma_start3A_180 = arith.constant 0 : i32
        %dma_start3A_181 = tpu.memref_slice %arg4[%arg0, %mul3A_158, %dma_start3A_180] : memref<2x10000x16xf32, #tpu.memory_space<hbm>> -> memref<1x640x16xf32, #tpu.memory_space<hbm>>
        %dma_start3A_182 = tpu.memref_squeeze %dma_start3A_181 : memref<1x640x16xf32, #tpu.memory_space<hbm>> -> memref<640x16xf32, #tpu.memory_space<hbm>>
        %dma_start3A_183 = arith.constant 0 : i32
        %dma_start3A_184 = tpu.memref_slice %arg16[%mul3A_158, %dma_start3A_183] : memref<10000x16xf32, #tpu.memory_space<vmem_shared>> -> memref<640x16xf32, #tpu.memory_space<vmem_shared>>
        tpu.enqueue_dma source(%dma_start3A_184 : memref<640x16xf32, #tpu.memory_space<vmem_shared>>) target(%dma_start3A_182 : memref<640x16xf32, #tpu.memory_space<hbm>>) target_semaphore(%run_scoped3A : memref<!tpu.dma_semaphore, #tpu.memory_space<semaphore_mem>>)
        %dma_wait3A = arith.constant 0 : i32
        %dma_wait3A_185 = tpu.memref_slice %arg4[%arg0, %mul3A_158, %dma_wait3A] : memref<2x10000x16xf32, #tpu.memory_space<hbm>> -> memref<1x640x16xf32, #tpu.memory_space<hbm>>
        %dma_wait3A_186 = tpu.memref_squeeze %dma_wait3A_185 : memref<1x640x16xf32, #tpu.memory_space<hbm>> -> memref<640x16xf32, #tpu.memory_space<hbm>>
        %dma_wait3A_187 = arith.constant 0 : i32
        %dma_wait3A_188 = tpu.memref_slice %arg16[%mul3A_158, %dma_wait3A_187] : memref<10000x16xf32, #tpu.memory_space<vmem_shared>> -> memref<640x16xf32, #tpu.memory_space<vmem_shared>>
        tpu.wait_dma2 semaphore(%run_scoped3A : memref<!tpu.dma_semaphore, #tpu.memory_space<semaphore_mem>>) src(%dma_wait3A_188 : memref<640x16xf32, #tpu.memory_space<vmem_shared>>) dst(%dma_wait3A_186 : memref<640x16xf32, #tpu.memory_space<hbm>>)
        tpu.yield
      }) : () -> ()
    } else {
    }
    %eq3A = arith.constant 15 : i32
    %eq3A_164 = arith.cmpi eq, %arg1, %eq3A : i32
    %convert_element_type3A_165 = arith.extui %eq3A_164 : i1 to i32
    %cond3A_166 = arith.constant 0 : i32
    %cond3A_167 = arith.cmpi ne, %convert_element_type3A_165, %cond3A_166 : i32
    scf.if %cond3A_167 {
      "tpu.region"() ({
        %run_scoped3A = tpu.sem_alloc : memref<!tpu.dma_semaphore, #tpu.memory_space<semaphore_mem>>
        %dma_start3A_180 = arith.constant 9600 : i32
        %dma_start3A_181 = arith.constant 0 : i32
        %dma_start3A_182 = tpu.memref_slice %arg4[%arg0, %dma_start3A_180, %dma_start3A_181] : memref<2x10000x16xf32, #tpu.memory_space<hbm>> -> memref<1x400x16xf32, #tpu.memory_space<hbm>>
        %dma_start3A_183 = tpu.memref_squeeze %dma_start3A_182 : memref<1x400x16xf32, #tpu.memory_space<hbm>> -> memref<400x16xf32, #tpu.memory_space<hbm>>
        %dma_start3A_184 = arith.constant 9600 : i32
        %dma_start3A_185 = arith.constant 0 : i32
        %dma_start3A_186 = tpu.memref_slice %arg16[%dma_start3A_184, %dma_start3A_185] : memref<10000x16xf32, #tpu.memory_space<vmem_shared>> -> memref<400x16xf32, #tpu.memory_space<vmem_shared>>
        tpu.enqueue_dma source(%dma_start3A_186 : memref<400x16xf32, #tpu.memory_space<vmem_shared>>) target(%dma_start3A_183 : memref<400x16xf32, #tpu.memory_space<hbm>>) target_semaphore(%run_scoped3A : memref<!tpu.dma_semaphore, #tpu.memory_space<semaphore_mem>>)
        %dma_wait3A = arith.constant 9600 : i32
        %dma_wait3A_187 = arith.constant 0 : i32
        %dma_wait3A_188 = tpu.memref_slice %arg4[%arg0, %dma_wait3A, %dma_wait3A_187] : memref<2x10000x16xf32, #tpu.memory_space<hbm>> -> memref<1x400x16xf32, #tpu.memory_space<hbm>>
        %dma_wait3A_189 = tpu.memref_squeeze %dma_wait3A_188 : memref<1x400x16xf32, #tpu.memory_space<hbm>> -> memref<400x16xf32, #tpu.memory_space<hbm>>
        %dma_wait3A_190 = arith.constant 9600 : i32
        %dma_wait3A_191 = arith.constant 0 : i32
        %dma_wait3A_192 = tpu.memref_slice %arg16[%dma_wait3A_190, %dma_wait3A_191] : memref<10000x16xf32, #tpu.memory_space<vmem_shared>> -> memref<400x16xf32, #tpu.memory_space<vmem_shared>>
        tpu.wait_dma2 semaphore(%run_scoped3A : memref<!tpu.dma_semaphore, #tpu.memory_space<semaphore_mem>>) src(%dma_wait3A_192 : memref<400x16xf32, #tpu.memory_space<vmem_shared>>) dst(%dma_wait3A_189 : memref<400x16xf32, #tpu.memory_space<hbm>>)
        tpu.yield
      }) : () -> ()
    } else {
    }
    %mul3A_168 = arith.constant 640 : i32
    %mul3A_169 = arith.muli %arg1, %mul3A_168 : i32
    %lt3A_170 = arith.constant 15 : i32
    %lt3A_171 = arith.cmpi slt, %arg1, %lt3A_170 : i32
    %convert_element_type3A_172 = arith.extui %lt3A_171 : i1 to i32
    %cond3A_173 = arith.constant 0 : i32
    %cond3A_174 = arith.cmpi ne, %convert_element_type3A_172, %cond3A_173 : i32
    scf.if %cond3A_174 {
      "tpu.region"() ({
        %run_scoped3A = tpu.sem_alloc : memref<!tpu.dma_semaphore, #tpu.memory_space<semaphore_mem>>
        %dma_start3A_180 = arith.constant 0 : i32
        %dma_start3A_181 = tpu.memref_slice %arg5[%arg0, %mul3A_169, %dma_start3A_180] : memref<2x10000x16xf32, #tpu.memory_space<hbm>> -> memref<1x640x16xf32, #tpu.memory_space<hbm>>
        %dma_start3A_182 = tpu.memref_squeeze %dma_start3A_181 : memref<1x640x16xf32, #tpu.memory_space<hbm>> -> memref<640x16xf32, #tpu.memory_space<hbm>>
        %dma_start3A_183 = arith.constant 0 : i32
        %dma_start3A_184 = tpu.memref_slice %arg17[%mul3A_169, %dma_start3A_183] : memref<10000x16xf32, #tpu.memory_space<vmem_shared>> -> memref<640x16xf32, #tpu.memory_space<vmem_shared>>
        tpu.enqueue_dma source(%dma_start3A_184 : memref<640x16xf32, #tpu.memory_space<vmem_shared>>) target(%dma_start3A_182 : memref<640x16xf32, #tpu.memory_space<hbm>>) target_semaphore(%run_scoped3A : memref<!tpu.dma_semaphore, #tpu.memory_space<semaphore_mem>>)
        %dma_wait3A = arith.constant 0 : i32
        %dma_wait3A_185 = tpu.memref_slice %arg5[%arg0, %mul3A_169, %dma_wait3A] : memref<2x10000x16xf32, #tpu.memory_space<hbm>> -> memref<1x640x16xf32, #tpu.memory_space<hbm>>
        %dma_wait3A_186 = tpu.memref_squeeze %dma_wait3A_185 : memref<1x640x16xf32, #tpu.memory_space<hbm>> -> memref<640x16xf32, #tpu.memory_space<hbm>>
        %dma_wait3A_187 = arith.constant 0 : i32
        %dma_wait3A_188 = tpu.memref_slice %arg17[%mul3A_169, %dma_wait3A_187] : memref<10000x16xf32, #tpu.memory_space<vmem_shared>> -> memref<640x16xf32, #tpu.memory_space<vmem_shared>>
        tpu.wait_dma2 semaphore(%run_scoped3A : memref<!tpu.dma_semaphore, #tpu.memory_space<semaphore_mem>>) src(%dma_wait3A_188 : memref<640x16xf32, #tpu.memory_space<vmem_shared>>) dst(%dma_wait3A_186 : memref<640x16xf32, #tpu.memory_space<hbm>>)
        tpu.yield
      }) : () -> ()
    } else {
    }
    %eq3A_175 = arith.constant 15 : i32
    %eq3A_176 = arith.cmpi eq, %arg1, %eq3A_175 : i32
    %convert_element_type3A_177 = arith.extui %eq3A_176 : i1 to i32
    %cond3A_178 = arith.constant 0 : i32
    %cond3A_179 = arith.cmpi ne, %convert_element_type3A_177, %cond3A_178 : i32
    scf.if %cond3A_179 {
      "tpu.region"() ({
        %run_scoped3A = tpu.sem_alloc : memref<!tpu.dma_semaphore, #tpu.memory_space<semaphore_mem>>
        %dma_start3A_180 = arith.constant 9600 : i32
        %dma_start3A_181 = arith.constant 0 : i32
        %dma_start3A_182 = tpu.memref_slice %arg5[%arg0, %dma_start3A_180, %dma_start3A_181] : memref<2x10000x16xf32, #tpu.memory_space<hbm>> -> memref<1x400x16xf32, #tpu.memory_space<hbm>>
        %dma_start3A_183 = tpu.memref_squeeze %dma_start3A_182 : memref<1x400x16xf32, #tpu.memory_space<hbm>> -> memref<400x16xf32, #tpu.memory_space<hbm>>
        %dma_start3A_184 = arith.constant 9600 : i32
        %dma_start3A_185 = arith.constant 0 : i32
        %dma_start3A_186 = tpu.memref_slice %arg17[%dma_start3A_184, %dma_start3A_185] : memref<10000x16xf32, #tpu.memory_space<vmem_shared>> -> memref<400x16xf32, #tpu.memory_space<vmem_shared>>
        tpu.enqueue_dma source(%dma_start3A_186 : memref<400x16xf32, #tpu.memory_space<vmem_shared>>) target(%dma_start3A_183 : memref<400x16xf32, #tpu.memory_space<hbm>>) target_semaphore(%run_scoped3A : memref<!tpu.dma_semaphore, #tpu.memory_space<semaphore_mem>>)
        %dma_wait3A = arith.constant 9600 : i32
        %dma_wait3A_187 = arith.constant 0 : i32
        %dma_wait3A_188 = tpu.memref_slice %arg5[%arg0, %dma_wait3A, %dma_wait3A_187] : memref<2x10000x16xf32, #tpu.memory_space<hbm>> -> memref<1x400x16xf32, #tpu.memory_space<hbm>>
        %dma_wait3A_189 = tpu.memref_squeeze %dma_wait3A_188 : memref<1x400x16xf32, #tpu.memory_space<hbm>> -> memref<400x16xf32, #tpu.memory_space<hbm>>
        %dma_wait3A_190 = arith.constant 9600 : i32
        %dma_wait3A_191 = arith.constant 0 : i32
        %dma_wait3A_192 = tpu.memref_slice %arg17[%dma_wait3A_190, %dma_wait3A_191] : memref<10000x16xf32, #tpu.memory_space<vmem_shared>> -> memref<400x16xf32, #tpu.memory_space<vmem_shared>>
        tpu.wait_dma2 semaphore(%run_scoped3A : memref<!tpu.dma_semaphore, #tpu.memory_space<semaphore_mem>>) src(%dma_wait3A_192 : memref<400x16xf32, #tpu.memory_space<vmem_shared>>) dst(%dma_wait3A_189 : memref<400x16xf32, #tpu.memory_space<hbm>>)
        tpu.yield
      }) : () -> ()
    } else {
    }
    return
  }
}

#map = affine_map<(d0, d1) -> (0, 0, 0)>
#map1 = affine_map<(d0, d1) -> (0, 0)>
module attributes {stable_mosaic.version = 14 : i64} {
  func.func @_gather_body(%arg0: i32, %arg1: i32, %arg2: memref<2x10000x64xf32, #tpu.memory_space<hbm>>, %arg3: memref<4000x80xi32, #tpu.memory_space<hbm>>, %arg4: memref<4000x80xi32, #tpu.memory_space<hbm>>, %arg5: memref<2x10000x64xf32, #tpu.memory_space<hbm>>, %arg6: memref<8x80xi32, #tpu.memory_space<vmem>>, %arg7: memref<8x80xi32, #tpu.memory_space<vmem>>, %arg8: memref<80x64xf32, #tpu.memory_space<vmem>>, %arg9: memref<80x64xf32, #tpu.memory_space<vmem>>, %arg10: memref<!tpu.dma_semaphore, #tpu.memory_space<semaphore_mem>>, %arg11: memref<!tpu.dma_semaphore, #tpu.memory_space<semaphore_mem>>, %arg12: memref<!tpu.dma_semaphore, #tpu.memory_space<semaphore_mem>>, %arg13: memref<!tpu.dma_semaphore, #tpu.memory_space<semaphore_mem>>, %arg14: memref<10000x64xf32, #tpu.memory_space<vmem_shared>>) attributes {dimension_semantics = [#tpu.dimension_semantics<core_parallel>, #tpu.dimension_semantics<subcore_parallel>], iteration_bounds = array<i64: 2, 16>, scalar_prefetch = 0 : i64, scratch_operands = 9 : i64, tpu.core_type = #tpu.core_type<sc_vector_subcore>, window_params = [{transform_indices = #map}, {transform_indices = #map1}, {transform_indices = #map1}, {transform_indices = #map}]} {
    %mul3A = arith.constant 256 : i32
    %mul3A_0 = arith.muli %arg1, %mul3A : i32
    %lt3A = arith.constant 15 : i32
    %lt3A_1 = arith.cmpi slt, %arg1, %lt3A : i32
    %jit3A = arith.constant 256 : i32
    %jit3A_2 = arith.constant 160 : i32
    %select_n3A = arith.select %lt3A_1, %jit3A, %jit3A_2 : i32
    %scan3A = arith.constant 0 : i32
    %scan3A_3 = arith.constant 80 : i32
    %scan3A_4 = arith.addi %scan3A, %scan3A_3 : i32
    %scan3A_5 = arith.constant 1 : i32
    scf.for %scan3A_118 = %scan3A to %scan3A_4 step %scan3A_5  : i32 {
      %mul3A_119 = arith.constant 1 : i32
      %mul3A_120 = arith.muli %scan3A_118, %mul3A_119 : i32
      %add3A_121 = arith.constant 0 : i32
      %add3A_122 = arith.addi %add3A_121, %mul3A_120 : i32
      %broadcast_in_dim3A = arith.constant 0.000000e+00 : f32
      %broadcast_in_dim3A_123 = vector.broadcast %broadcast_in_dim3A : f32 to vector<16xf32>
      %swap3A = arith.index_cast %add3A_122 : i32 to index
      %swap3A_124 = arith.constant 0 : index
      %swap3A_125 = tpu.vector_load %arg8[%swap3A, %swap3A_124] {strides = array<i32>} : memref<80x64xf32, #tpu.memory_space<vmem>>, vector<1x16xf32>,
      %swap3A_126 = vector.shape_cast %swap3A_125 : vector<1x16xf32> to vector<16xf32>
      %swap3A_127 = vector.shape_cast %broadcast_in_dim3A_123 : vector<16xf32> to vector<1x16xf32>
      tpu.vector_store %arg8[%swap3A, %swap3A_124], %swap3A_127 {strides = array<i32>} : memref<80x64xf32, #tpu.memory_space<vmem>>, vector<1x16xf32>,
      %broadcast_in_dim3A_128 = arith.constant 0.000000e+00 : f32
      %broadcast_in_dim3A_129 = vector.broadcast %broadcast_in_dim3A_128 : f32 to vector<16xf32>
      %swap3A_130 = arith.index_cast %add3A_122 : i32 to index
      %swap3A_131 = arith.constant 16 : index
      %swap3A_132 = tpu.vector_load %arg8[%swap3A_130, %swap3A_131] {strides = array<i32>} : memref<80x64xf32, #tpu.memory_space<vmem>>, vector<1x16xf32>,
      %swap3A_133 = vector.shape_cast %swap3A_132 : vector<1x16xf32> to vector<16xf32>
      %swap3A_134 = vector.shape_cast %broadcast_in_dim3A_129 : vector<16xf32> to vector<1x16xf32>
      tpu.vector_store %arg8[%swap3A_130, %swap3A_131], %swap3A_134 {strides = array<i32>} : memref<80x64xf32, #tpu.memory_space<vmem>>, vector<1x16xf32>,
      %broadcast_in_dim3A_135 = arith.constant 0.000000e+00 : f32
      %broadcast_in_dim3A_136 = vector.broadcast %broadcast_in_dim3A_135 : f32 to vector<16xf32>
      %swap3A_137 = arith.index_cast %add3A_122 : i32 to index
      %swap3A_138 = arith.constant 32 : index
      %swap3A_139 = tpu.vector_load %arg8[%swap3A_137, %swap3A_138] {strides = array<i32>} : memref<80x64xf32, #tpu.memory_space<vmem>>, vector<1x16xf32>,
      %swap3A_140 = vector.shape_cast %swap3A_139 : vector<1x16xf32> to vector<16xf32>
      %swap3A_141 = vector.shape_cast %broadcast_in_dim3A_136 : vector<16xf32> to vector<1x16xf32>
      tpu.vector_store %arg8[%swap3A_137, %swap3A_138], %swap3A_141 {strides = array<i32>} : memref<80x64xf32, #tpu.memory_space<vmem>>, vector<1x16xf32>,
      %broadcast_in_dim3A_142 = arith.constant 0.000000e+00 : f32
      %broadcast_in_dim3A_143 = vector.broadcast %broadcast_in_dim3A_142 : f32 to vector<16xf32>
      %swap3A_144 = arith.index_cast %add3A_122 : i32 to index
      %swap3A_145 = arith.constant 48 : index
      %swap3A_146 = tpu.vector_load %arg8[%swap3A_144, %swap3A_145] {strides = array<i32>} : memref<80x64xf32, #tpu.memory_space<vmem>>, vector<1x16xf32>,
      %swap3A_147 = vector.shape_cast %swap3A_146 : vector<1x16xf32> to vector<16xf32>
      %swap3A_148 = vector.shape_cast %broadcast_in_dim3A_143 : vector<16xf32> to vector<1x16xf32>
      tpu.vector_store %arg8[%swap3A_144, %swap3A_145], %swap3A_148 {strides = array<i32>} : memref<80x64xf32, #tpu.memory_space<vmem>>, vector<1x16xf32>,
    }
    %scan3A_6 = arith.constant 80 : i32
    %mul3A_7 = arith.constant 640 : i32
    %mul3A_8 = arith.muli %arg1, %mul3A_7 : i32
    %add3A = arith.constant 0 : i32
    %add3A_9 = arith.addi %mul3A_8, %add3A : i32
    %lt3A_10 = arith.constant 10000 : i32
    %lt3A_11 = arith.cmpi slt, %add3A_9, %lt3A_10 : i32
    %convert_element_type3A = arith.extui %lt3A_11 : i1 to i32
    %cond3A = arith.constant 0 : i32
    %cond3A_12 = arith.cmpi ne, %convert_element_type3A, %cond3A : i32
    scf.if %cond3A_12 {
      %add3A_118 = arith.constant 0 : i32
      %add3A_119 = arith.addi %mul3A_8, %add3A_118 : i32
      "tpu.region"() ({
        %run_scoped3A = tpu.sem_alloc : memref<!tpu.dma_semaphore, #tpu.memory_space<semaphore_mem>>
        %dma_start3A_120 = arith.constant 0 : i32
        %dma_start3A_121 = tpu.memref_slice %arg14[%add3A_119, %dma_start3A_120] : memref<10000x64xf32, #tpu.memory_space<vmem_shared>> -> memref<80x64xf32, #tpu.memory_space<vmem_shared>>
        %dma_start3A_122 = arith.constant 0 : i32
        %dma_start3A_123 = tpu.memref_slice %arg14[%add3A_119, %dma_start3A_122] : memref<10000x64xf32, #tpu.memory_space<vmem_shared>> -> memref<80x64xf32, #tpu.memory_space<vmem_shared>>
        tpu.enqueue_dma source(%arg8 : memref<80x64xf32, #tpu.memory_space<vmem>>) target(%dma_start3A_123 : memref<80x64xf32, #tpu.memory_space<vmem_shared>>) target_semaphore(%run_scoped3A : memref<!tpu.dma_semaphore, #tpu.memory_space<semaphore_mem>>)
        %dma_wait3A = arith.constant 0 : i32
        %dma_wait3A_124 = tpu.memref_slice %arg14[%add3A_119, %dma_wait3A] : memref<10000x64xf32, #tpu.memory_space<vmem_shared>> -> memref<80x64xf32, #tpu.memory_space<vmem_shared>>
        %dma_wait3A_125 = arith.constant 0 : i32
        %dma_wait3A_126 = tpu.memref_slice %arg14[%add3A_119, %dma_wait3A_125] : memref<10000x64xf32, #tpu.memory_space<vmem_shared>> -> memref<80x64xf32, #tpu.memory_space<vmem_shared>>
        tpu.wait_dma2 semaphore(%run_scoped3A : memref<!tpu.dma_semaphore, #tpu.memory_space<semaphore_mem>>) src(%arg8 : memref<80x64xf32, #tpu.memory_space<vmem>>) dst(%dma_wait3A_126 : memref<80x64xf32, #tpu.memory_space<vmem_shared>>)
        tpu.yield
      }) : () -> ()
    } else {
    }
    %add3A_13 = arith.constant 80 : i32
    %add3A_14 = arith.addi %mul3A_8, %add3A_13 : i32
    %lt3A_15 = arith.constant 10000 : i32
    %lt3A_16 = arith.cmpi slt, %add3A_14, %lt3A_15 : i32
    %convert_element_type3A_17 = arith.extui %lt3A_16 : i1 to i32
    %cond3A_18 = arith.constant 0 : i32
    %cond3A_19 = arith.cmpi ne, %convert_element_type3A_17, %cond3A_18 : i32
    scf.if %cond3A_19 {
      %add3A_118 = arith.constant 80 : i32
      %add3A_119 = arith.addi %mul3A_8, %add3A_118 : i32
      "tpu.region"() ({
        %run_scoped3A = tpu.sem_alloc : memref<!tpu.dma_semaphore, #tpu.memory_space<semaphore_mem>>
        %dma_start3A_120 = arith.constant 0 : i32
        %dma_start3A_121 = tpu.memref_slice %arg14[%add3A_119, %dma_start3A_120] : memref<10000x64xf32, #tpu.memory_space<vmem_shared>> -> memref<80x64xf32, #tpu.memory_space<vmem_shared>>
        %dma_start3A_122 = arith.constant 0 : i32
        %dma_start3A_123 = tpu.memref_slice %arg14[%add3A_119, %dma_start3A_122] : memref<10000x64xf32, #tpu.memory_space<vmem_shared>> -> memref<80x64xf32, #tpu.memory_space<vmem_shared>>
        tpu.enqueue_dma source(%arg8 : memref<80x64xf32, #tpu.memory_space<vmem>>) target(%dma_start3A_123 : memref<80x64xf32, #tpu.memory_space<vmem_shared>>) target_semaphore(%run_scoped3A : memref<!tpu.dma_semaphore, #tpu.memory_space<semaphore_mem>>)
        %dma_wait3A = arith.constant 0 : i32
        %dma_wait3A_124 = tpu.memref_slice %arg14[%add3A_119, %dma_wait3A] : memref<10000x64xf32, #tpu.memory_space<vmem_shared>> -> memref<80x64xf32, #tpu.memory_space<vmem_shared>>
        %dma_wait3A_125 = arith.constant 0 : i32
        %dma_wait3A_126 = tpu.memref_slice %arg14[%add3A_119, %dma_wait3A_125] : memref<10000x64xf32, #tpu.memory_space<vmem_shared>> -> memref<80x64xf32, #tpu.memory_space<vmem_shared>>
        tpu.wait_dma2 semaphore(%run_scoped3A : memref<!tpu.dma_semaphore, #tpu.memory_space<semaphore_mem>>) src(%arg8 : memref<80x64xf32, #tpu.memory_space<vmem>>) dst(%dma_wait3A_126 : memref<80x64xf32, #tpu.memory_space<vmem_shared>>)
        tpu.yield
      }) : () -> ()
    } else {
    }
    %add3A_20 = arith.constant 160 : i32
    %add3A_21 = arith.addi %mul3A_8, %add3A_20 : i32
    %lt3A_22 = arith.constant 10000 : i32
    %lt3A_23 = arith.cmpi slt, %add3A_21, %lt3A_22 : i32
    %convert_element_type3A_24 = arith.extui %lt3A_23 : i1 to i32
    %cond3A_25 = arith.constant 0 : i32
    %cond3A_26 = arith.cmpi ne, %convert_element_type3A_24, %cond3A_25 : i32
    scf.if %cond3A_26 {
      %add3A_118 = arith.constant 160 : i32
      %add3A_119 = arith.addi %mul3A_8, %add3A_118 : i32
      "tpu.region"() ({
        %run_scoped3A = tpu.sem_alloc : memref<!tpu.dma_semaphore, #tpu.memory_space<semaphore_mem>>
        %dma_start3A_120 = arith.constant 0 : i32
        %dma_start3A_121 = tpu.memref_slice %arg14[%add3A_119, %dma_start3A_120] : memref<10000x64xf32, #tpu.memory_space<vmem_shared>> -> memref<80x64xf32, #tpu.memory_space<vmem_shared>>
        %dma_start3A_122 = arith.constant 0 : i32
        %dma_start3A_123 = tpu.memref_slice %arg14[%add3A_119, %dma_start3A_122] : memref<10000x64xf32, #tpu.memory_space<vmem_shared>> -> memref<80x64xf32, #tpu.memory_space<vmem_shared>>
        tpu.enqueue_dma source(%arg8 : memref<80x64xf32, #tpu.memory_space<vmem>>) target(%dma_start3A_123 : memref<80x64xf32, #tpu.memory_space<vmem_shared>>) target_semaphore(%run_scoped3A : memref<!tpu.dma_semaphore, #tpu.memory_space<semaphore_mem>>)
        %dma_wait3A = arith.constant 0 : i32
        %dma_wait3A_124 = tpu.memref_slice %arg14[%add3A_119, %dma_wait3A] : memref<10000x64xf32, #tpu.memory_space<vmem_shared>> -> memref<80x64xf32, #tpu.memory_space<vmem_shared>>
        %dma_wait3A_125 = arith.constant 0 : i32
        %dma_wait3A_126 = tpu.memref_slice %arg14[%add3A_119, %dma_wait3A_125] : memref<10000x64xf32, #tpu.memory_space<vmem_shared>> -> memref<80x64xf32, #tpu.memory_space<vmem_shared>>
        tpu.wait_dma2 semaphore(%run_scoped3A : memref<!tpu.dma_semaphore, #tpu.memory_space<semaphore_mem>>) src(%arg8 : memref<80x64xf32, #tpu.memory_space<vmem>>) dst(%dma_wait3A_126 : memref<80x64xf32, #tpu.memory_space<vmem_shared>>)
        tpu.yield
      }) : () -> ()
    } else {
    }
    %add3A_27 = arith.constant 240 : i32
    %add3A_28 = arith.addi %mul3A_8, %add3A_27 : i32
    %lt3A_29 = arith.constant 10000 : i32
    %lt3A_30 = arith.cmpi slt, %add3A_28, %lt3A_29 : i32
    %convert_element_type3A_31 = arith.extui %lt3A_30 : i1 to i32
    %cond3A_32 = arith.constant 0 : i32
    %cond3A_33 = arith.cmpi ne, %convert_element_type3A_31, %cond3A_32 : i32
    scf.if %cond3A_33 {
      %add3A_118 = arith.constant 240 : i32
      %add3A_119 = arith.addi %mul3A_8, %add3A_118 : i32
      "tpu.region"() ({
        %run_scoped3A = tpu.sem_alloc : memref<!tpu.dma_semaphore, #tpu.memory_space<semaphore_mem>>
        %dma_start3A_120 = arith.constant 0 : i32
        %dma_start3A_121 = tpu.memref_slice %arg14[%add3A_119, %dma_start3A_120] : memref<10000x64xf32, #tpu.memory_space<vmem_shared>> -> memref<80x64xf32, #tpu.memory_space<vmem_shared>>
        %dma_start3A_122 = arith.constant 0 : i32
        %dma_start3A_123 = tpu.memref_slice %arg14[%add3A_119, %dma_start3A_122] : memref<10000x64xf32, #tpu.memory_space<vmem_shared>> -> memref<80x64xf32, #tpu.memory_space<vmem_shared>>
        tpu.enqueue_dma source(%arg8 : memref<80x64xf32, #tpu.memory_space<vmem>>) target(%dma_start3A_123 : memref<80x64xf32, #tpu.memory_space<vmem_shared>>) target_semaphore(%run_scoped3A : memref<!tpu.dma_semaphore, #tpu.memory_space<semaphore_mem>>)
        %dma_wait3A = arith.constant 0 : i32
        %dma_wait3A_124 = tpu.memref_slice %arg14[%add3A_119, %dma_wait3A] : memref<10000x64xf32, #tpu.memory_space<vmem_shared>> -> memref<80x64xf32, #tpu.memory_space<vmem_shared>>
        %dma_wait3A_125 = arith.constant 0 : i32
        %dma_wait3A_126 = tpu.memref_slice %arg14[%add3A_119, %dma_wait3A_125] : memref<10000x64xf32, #tpu.memory_space<vmem_shared>> -> memref<80x64xf32, #tpu.memory_space<vmem_shared>>
        tpu.wait_dma2 semaphore(%run_scoped3A : memref<!tpu.dma_semaphore, #tpu.memory_space<semaphore_mem>>) src(%arg8 : memref<80x64xf32, #tpu.memory_space<vmem>>) dst(%dma_wait3A_126 : memref<80x64xf32, #tpu.memory_space<vmem_shared>>)
        tpu.yield
      }) : () -> ()
    } else {
    }
    %add3A_34 = arith.constant 320 : i32
    %add3A_35 = arith.addi %mul3A_8, %add3A_34 : i32
    %lt3A_36 = arith.constant 10000 : i32
    %lt3A_37 = arith.cmpi slt, %add3A_35, %lt3A_36 : i32
    %convert_element_type3A_38 = arith.extui %lt3A_37 : i1 to i32
    %cond3A_39 = arith.constant 0 : i32
    %cond3A_40 = arith.cmpi ne, %convert_element_type3A_38, %cond3A_39 : i32
    scf.if %cond3A_40 {
      %add3A_118 = arith.constant 320 : i32
      %add3A_119 = arith.addi %mul3A_8, %add3A_118 : i32
      "tpu.region"() ({
        %run_scoped3A = tpu.sem_alloc : memref<!tpu.dma_semaphore, #tpu.memory_space<semaphore_mem>>
        %dma_start3A_120 = arith.constant 0 : i32
        %dma_start3A_121 = tpu.memref_slice %arg14[%add3A_119, %dma_start3A_120] : memref<10000x64xf32, #tpu.memory_space<vmem_shared>> -> memref<80x64xf32, #tpu.memory_space<vmem_shared>>
        %dma_start3A_122 = arith.constant 0 : i32
        %dma_start3A_123 = tpu.memref_slice %arg14[%add3A_119, %dma_start3A_122] : memref<10000x64xf32, #tpu.memory_space<vmem_shared>> -> memref<80x64xf32, #tpu.memory_space<vmem_shared>>
        tpu.enqueue_dma source(%arg8 : memref<80x64xf32, #tpu.memory_space<vmem>>) target(%dma_start3A_123 : memref<80x64xf32, #tpu.memory_space<vmem_shared>>) target_semaphore(%run_scoped3A : memref<!tpu.dma_semaphore, #tpu.memory_space<semaphore_mem>>)
        %dma_wait3A = arith.constant 0 : i32
        %dma_wait3A_124 = tpu.memref_slice %arg14[%add3A_119, %dma_wait3A] : memref<10000x64xf32, #tpu.memory_space<vmem_shared>> -> memref<80x64xf32, #tpu.memory_space<vmem_shared>>
        %dma_wait3A_125 = arith.constant 0 : i32
        %dma_wait3A_126 = tpu.memref_slice %arg14[%add3A_119, %dma_wait3A_125] : memref<10000x64xf32, #tpu.memory_space<vmem_shared>> -> memref<80x64xf32, #tpu.memory_space<vmem_shared>>
        tpu.wait_dma2 semaphore(%run_scoped3A : memref<!tpu.dma_semaphore, #tpu.memory_space<semaphore_mem>>) src(%arg8 : memref<80x64xf32, #tpu.memory_space<vmem>>) dst(%dma_wait3A_126 : memref<80x64xf32, #tpu.memory_space<vmem_shared>>)
        tpu.yield
      }) : () -> ()
    } else {
    }
    %add3A_41 = arith.constant 400 : i32
    %add3A_42 = arith.addi %mul3A_8, %add3A_41 : i32
    %lt3A_43 = arith.constant 10000 : i32
    %lt3A_44 = arith.cmpi slt, %add3A_42, %lt3A_43 : i32
    %convert_element_type3A_45 = arith.extui %lt3A_44 : i1 to i32
    %cond3A_46 = arith.constant 0 : i32
    %cond3A_47 = arith.cmpi ne, %convert_element_type3A_45, %cond3A_46 : i32
    scf.if %cond3A_47 {
      %add3A_118 = arith.constant 400 : i32
      %add3A_119 = arith.addi %mul3A_8, %add3A_118 : i32
      "tpu.region"() ({
        %run_scoped3A = tpu.sem_alloc : memref<!tpu.dma_semaphore, #tpu.memory_space<semaphore_mem>>
        %dma_start3A_120 = arith.constant 0 : i32
        %dma_start3A_121 = tpu.memref_slice %arg14[%add3A_119, %dma_start3A_120] : memref<10000x64xf32, #tpu.memory_space<vmem_shared>> -> memref<80x64xf32, #tpu.memory_space<vmem_shared>>
        %dma_start3A_122 = arith.constant 0 : i32
        %dma_start3A_123 = tpu.memref_slice %arg14[%add3A_119, %dma_start3A_122] : memref<10000x64xf32, #tpu.memory_space<vmem_shared>> -> memref<80x64xf32, #tpu.memory_space<vmem_shared>>
        tpu.enqueue_dma source(%arg8 : memref<80x64xf32, #tpu.memory_space<vmem>>) target(%dma_start3A_123 : memref<80x64xf32, #tpu.memory_space<vmem_shared>>) target_semaphore(%run_scoped3A : memref<!tpu.dma_semaphore, #tpu.memory_space<semaphore_mem>>)
        %dma_wait3A = arith.constant 0 : i32
        %dma_wait3A_124 = tpu.memref_slice %arg14[%add3A_119, %dma_wait3A] : memref<10000x64xf32, #tpu.memory_space<vmem_shared>> -> memref<80x64xf32, #tpu.memory_space<vmem_shared>>
        %dma_wait3A_125 = arith.constant 0 : i32
        %dma_wait3A_126 = tpu.memref_slice %arg14[%add3A_119, %dma_wait3A_125] : memref<10000x64xf32, #tpu.memory_space<vmem_shared>> -> memref<80x64xf32, #tpu.memory_space<vmem_shared>>
        tpu.wait_dma2 semaphore(%run_scoped3A : memref<!tpu.dma_semaphore, #tpu.memory_space<semaphore_mem>>) src(%arg8 : memref<80x64xf32, #tpu.memory_space<vmem>>) dst(%dma_wait3A_126 : memref<80x64xf32, #tpu.memory_space<vmem_shared>>)
        tpu.yield
      }) : () -> ()
    } else {
    }
    %add3A_48 = arith.constant 480 : i32
    %add3A_49 = arith.addi %mul3A_8, %add3A_48 : i32
    %lt3A_50 = arith.constant 10000 : i32
    %lt3A_51 = arith.cmpi slt, %add3A_49, %lt3A_50 : i32
    %convert_element_type3A_52 = arith.extui %lt3A_51 : i1 to i32
    %cond3A_53 = arith.constant 0 : i32
    %cond3A_54 = arith.cmpi ne, %convert_element_type3A_52, %cond3A_53 : i32
    scf.if %cond3A_54 {
      %add3A_118 = arith.constant 480 : i32
      %add3A_119 = arith.addi %mul3A_8, %add3A_118 : i32
      "tpu.region"() ({
        %run_scoped3A = tpu.sem_alloc : memref<!tpu.dma_semaphore, #tpu.memory_space<semaphore_mem>>
        %dma_start3A_120 = arith.constant 0 : i32
        %dma_start3A_121 = tpu.memref_slice %arg14[%add3A_119, %dma_start3A_120] : memref<10000x64xf32, #tpu.memory_space<vmem_shared>> -> memref<80x64xf32, #tpu.memory_space<vmem_shared>>
        %dma_start3A_122 = arith.constant 0 : i32
        %dma_start3A_123 = tpu.memref_slice %arg14[%add3A_119, %dma_start3A_122] : memref<10000x64xf32, #tpu.memory_space<vmem_shared>> -> memref<80x64xf32, #tpu.memory_space<vmem_shared>>
        tpu.enqueue_dma source(%arg8 : memref<80x64xf32, #tpu.memory_space<vmem>>) target(%dma_start3A_123 : memref<80x64xf32, #tpu.memory_space<vmem_shared>>) target_semaphore(%run_scoped3A : memref<!tpu.dma_semaphore, #tpu.memory_space<semaphore_mem>>)
        %dma_wait3A = arith.constant 0 : i32
        %dma_wait3A_124 = tpu.memref_slice %arg14[%add3A_119, %dma_wait3A] : memref<10000x64xf32, #tpu.memory_space<vmem_shared>> -> memref<80x64xf32, #tpu.memory_space<vmem_shared>>
        %dma_wait3A_125 = arith.constant 0 : i32
        %dma_wait3A_126 = tpu.memref_slice %arg14[%add3A_119, %dma_wait3A_125] : memref<10000x64xf32, #tpu.memory_space<vmem_shared>> -> memref<80x64xf32, #tpu.memory_space<vmem_shared>>
        tpu.wait_dma2 semaphore(%run_scoped3A : memref<!tpu.dma_semaphore, #tpu.memory_space<semaphore_mem>>) src(%arg8 : memref<80x64xf32, #tpu.memory_space<vmem>>) dst(%dma_wait3A_126 : memref<80x64xf32, #tpu.memory_space<vmem_shared>>)
        tpu.yield
      }) : () -> ()
    } else {
    }
    %add3A_55 = arith.constant 560 : i32
    %add3A_56 = arith.addi %mul3A_8, %add3A_55 : i32
    %lt3A_57 = arith.constant 10000 : i32
    %lt3A_58 = arith.cmpi slt, %add3A_56, %lt3A_57 : i32
    %convert_element_type3A_59 = arith.extui %lt3A_58 : i1 to i32
    %cond3A_60 = arith.constant 0 : i32
    %cond3A_61 = arith.cmpi ne, %convert_element_type3A_59, %cond3A_60 : i32
    scf.if %cond3A_61 {
      %add3A_118 = arith.constant 560 : i32
      %add3A_119 = arith.addi %mul3A_8, %add3A_118 : i32
      "tpu.region"() ({
        %run_scoped3A = tpu.sem_alloc : memref<!tpu.dma_semaphore, #tpu.memory_space<semaphore_mem>>
        %dma_start3A_120 = arith.constant 0 : i32
        %dma_start3A_121 = tpu.memref_slice %arg14[%add3A_119, %dma_start3A_120] : memref<10000x64xf32, #tpu.memory_space<vmem_shared>> -> memref<80x64xf32, #tpu.memory_space<vmem_shared>>
        %dma_start3A_122 = arith.constant 0 : i32
        %dma_start3A_123 = tpu.memref_slice %arg14[%add3A_119, %dma_start3A_122] : memref<10000x64xf32, #tpu.memory_space<vmem_shared>> -> memref<80x64xf32, #tpu.memory_space<vmem_shared>>
        tpu.enqueue_dma source(%arg8 : memref<80x64xf32, #tpu.memory_space<vmem>>) target(%dma_start3A_123 : memref<80x64xf32, #tpu.memory_space<vmem_shared>>) target_semaphore(%run_scoped3A : memref<!tpu.dma_semaphore, #tpu.memory_space<semaphore_mem>>)
        %dma_wait3A = arith.constant 0 : i32
        %dma_wait3A_124 = tpu.memref_slice %arg14[%add3A_119, %dma_wait3A] : memref<10000x64xf32, #tpu.memory_space<vmem_shared>> -> memref<80x64xf32, #tpu.memory_space<vmem_shared>>
        %dma_wait3A_125 = arith.constant 0 : i32
        %dma_wait3A_126 = tpu.memref_slice %arg14[%add3A_119, %dma_wait3A_125] : memref<10000x64xf32, #tpu.memory_space<vmem_shared>> -> memref<80x64xf32, #tpu.memory_space<vmem_shared>>
        tpu.wait_dma2 semaphore(%run_scoped3A : memref<!tpu.dma_semaphore, #tpu.memory_space<semaphore_mem>>) src(%arg8 : memref<80x64xf32, #tpu.memory_space<vmem>>) dst(%dma_wait3A_126 : memref<80x64xf32, #tpu.memory_space<vmem_shared>>)
        tpu.yield
      }) : () -> ()
    } else {
    }
    %barrier3A = arith.constant 0 : index
    tpu.barrier barrier_id(%barrier3A)
    %add3A_62 = arith.constant 0 : i32
    %add3A_63 = arith.addi %mul3A_0, %add3A_62 : i32
    "tpu.region"() ({
      %run_scoped3A = tpu.sem_alloc : memref<!tpu.dma_semaphore, #tpu.memory_space<semaphore_mem>>
      %dma_start3A_118 = arith.constant 0 : i32
      %dma_start3A_119 = tpu.memref_slice %arg3[%add3A_63, %dma_start3A_118] : memref<4000x80xi32, #tpu.memory_space<hbm>> -> memref<8x80xi32, #tpu.memory_space<hbm>>
      %dma_start3A_120 = arith.constant 0 : i32
      %dma_start3A_121 = tpu.memref_slice %arg3[%add3A_63, %dma_start3A_120] : memref<4000x80xi32, #tpu.memory_space<hbm>> -> memref<8x80xi32, #tpu.memory_space<hbm>>
      tpu.enqueue_dma source(%dma_start3A_121 : memref<8x80xi32, #tpu.memory_space<hbm>>) target(%arg6 : memref<8x80xi32, #tpu.memory_space<vmem>>) target_semaphore(%run_scoped3A : memref<!tpu.dma_semaphore, #tpu.memory_space<semaphore_mem>>)
      %dma_wait3A = arith.constant 0 : i32
      %dma_wait3A_122 = tpu.memref_slice %arg3[%add3A_63, %dma_wait3A] : memref<4000x80xi32, #tpu.memory_space<hbm>> -> memref<8x80xi32, #tpu.memory_space<hbm>>
      %dma_wait3A_123 = arith.constant 0 : i32
      %dma_wait3A_124 = tpu.memref_slice %arg3[%add3A_63, %dma_wait3A_123] : memref<4000x80xi32, #tpu.memory_space<hbm>> -> memref<8x80xi32, #tpu.memory_space<hbm>>
      tpu.wait_dma2 semaphore(%run_scoped3A : memref<!tpu.dma_semaphore, #tpu.memory_space<semaphore_mem>>) src(%dma_wait3A_124 : memref<8x80xi32, #tpu.memory_space<hbm>>) dst(%arg6 : memref<8x80xi32, #tpu.memory_space<vmem>>)
      tpu.yield
    }) : () -> ()
    %add3A_64 = arith.constant 0 : i32
    %add3A_65 = arith.addi %mul3A_0, %add3A_64 : i32
    "tpu.region"() ({
      %run_scoped3A = tpu.sem_alloc : memref<!tpu.dma_semaphore, #tpu.memory_space<semaphore_mem>>
      %dma_start3A_118 = arith.constant 0 : i32
      %dma_start3A_119 = tpu.memref_slice %arg4[%add3A_65, %dma_start3A_118] : memref<4000x80xi32, #tpu.memory_space<hbm>> -> memref<8x80xi32, #tpu.memory_space<hbm>>
      %dma_start3A_120 = arith.constant 0 : i32
      %dma_start3A_121 = tpu.memref_slice %arg4[%add3A_65, %dma_start3A_120] : memref<4000x80xi32, #tpu.memory_space<hbm>> -> memref<8x80xi32, #tpu.memory_space<hbm>>
      tpu.enqueue_dma source(%dma_start3A_121 : memref<8x80xi32, #tpu.memory_space<hbm>>) target(%arg7 : memref<8x80xi32, #tpu.memory_space<vmem>>) target_semaphore(%run_scoped3A : memref<!tpu.dma_semaphore, #tpu.memory_space<semaphore_mem>>)
      %dma_wait3A = arith.constant 0 : i32
      %dma_wait3A_122 = tpu.memref_slice %arg4[%add3A_65, %dma_wait3A] : memref<4000x80xi32, #tpu.memory_space<hbm>> -> memref<8x80xi32, #tpu.memory_space<hbm>>
      %dma_wait3A_123 = arith.constant 0 : i32
      %dma_wait3A_124 = tpu.memref_slice %arg4[%add3A_65, %dma_wait3A_123] : memref<4000x80xi32, #tpu.memory_space<hbm>> -> memref<8x80xi32, #tpu.memory_space<hbm>>
      tpu.wait_dma2 semaphore(%run_scoped3A : memref<!tpu.dma_semaphore, #tpu.memory_space<semaphore_mem>>) src(%dma_wait3A_124 : memref<8x80xi32, #tpu.memory_space<hbm>>) dst(%arg7 : memref<8x80xi32, #tpu.memory_space<vmem>>)
      tpu.yield
    }) : () -> ()
    %rem3A = arith.constant 0 : i32
    %rem3A_66 = arith.constant 8 : i32
    %rem3A_67 = arith.remsi %rem3A, %rem3A_66 : i32
    %dma_start3A = arith.constant 0 : i32
    %dma_start3A_68 = tpu.memref_slice %arg6[%rem3A_67, %dma_start3A] : memref<8x80xi32, #tpu.memory_space<vmem>> -> memref<1x80xi32, #tpu.memory_space<vmem>>
    %dma_start3A_69 = tpu.memref_squeeze %dma_start3A_68 : memref<1x80xi32, #tpu.memory_space<vmem>> -> memref<80xi32, #tpu.memory_space<vmem>>
    %dma_start3A_70 = arith.constant 0 : i32
    %dma_start3A_71 = arith.constant 0 : i32
    %dma_start3A_72 = tpu.memref_slice %arg2[%arg0, %dma_start3A_70, %dma_start3A_71] : memref<2x10000x64xf32, #tpu.memory_space<hbm>> -> memref<1x10000x64xf32, #tpu.memory_space<hbm>>
    %dma_start3A_73 = tpu.memref_squeeze %dma_start3A_72 : memref<1x10000x64xf32, #tpu.memory_space<hbm>> -> memref<10000x64xf32, #tpu.memory_space<hbm>>
    %dma_start3A_74 = arith.constant 0 : i32
    %dma_start3A_75 = arith.constant 0 : i32
    %dma_start3A_76 = tpu.memref_slice %dma_start3A_73[%dma_start3A_74, %dma_start3A_75] : memref<10000x64xf32, #tpu.memory_space<hbm>> -> memref<10000x64xf32, #tpu.memory_space<hbm>>
    tpu.enqueue_indirect_dma source(%dma_start3A_76 : memref<10000x64xf32, #tpu.memory_space<hbm>>) target(%arg8 : memref<80x64xf32, #tpu.memory_space<vmem>>) offsets(%dma_start3A_69 : memref<80xi32, #tpu.memory_space<vmem>>) semaphore(%arg10 : memref<!tpu.dma_semaphore, #tpu.memory_space<semaphore_mem>>)
    %rem3A_77 = arith.constant 1 : i32
    %rem3A_78 = arith.constant 8 : i32
    %rem3A_79 = arith.remsi %rem3A_77, %rem3A_78 : i32
    %dma_start3A_80 = arith.constant 0 : i32
    %dma_start3A_81 = tpu.memref_slice %arg6[%rem3A_79, %dma_start3A_80] : memref<8x80xi32, #tpu.memory_space<vmem>> -> memref<1x80xi32, #tpu.memory_space<vmem>>
    %dma_start3A_82 = tpu.memref_squeeze %dma_start3A_81 : memref<1x80xi32, #tpu.memory_space<vmem>> -> memref<80xi32, #tpu.memory_space<vmem>>
    %dma_start3A_83 = arith.constant 0 : i32
    %dma_start3A_84 = arith.constant 0 : i32
    %dma_start3A_85 = tpu.memref_slice %arg2[%arg0, %dma_start3A_83, %dma_start3A_84] : memref<2x10000x64xf32, #tpu.memory_space<hbm>> -> memref<1x10000x64xf32, #tpu.memory_space<hbm>>
    %dma_start3A_86 = tpu.memref_squeeze %dma_start3A_85 : memref<1x10000x64xf32, #tpu.memory_space<hbm>> -> memref<10000x64xf32, #tpu.memory_space<hbm>>
    %dma_start3A_87 = arith.constant 0 : i32
    %dma_start3A_88 = arith.constant 0 : i32
    %dma_start3A_89 = tpu.memref_slice %dma_start3A_86[%dma_start3A_87, %dma_start3A_88] : memref<10000x64xf32, #tpu.memory_space<hbm>> -> memref<10000x64xf32, #tpu.memory_space<hbm>>
    tpu.enqueue_indirect_dma source(%dma_start3A_89 : memref<10000x64xf32, #tpu.memory_space<hbm>>) target(%arg9 : memref<80x64xf32, #tpu.memory_space<vmem>>) offsets(%dma_start3A_82 : memref<80xi32, #tpu.memory_space<vmem>>) semaphore(%arg11 : memref<!tpu.dma_semaphore, #tpu.memory_space<semaphore_mem>>)
    %sub3A = arith.constant 0 : i32
    %sub3A_90 = arith.subi %select_n3A, %sub3A : i32
    %sub3A_91 = arith.constant 8 : i32
    %sub3A_92 = arith.constant 1 : i32
    %sub3A_93 = arith.subi %sub3A_91, %sub3A_92 : i32
    %add3A_94 = arith.addi %sub3A_90, %sub3A_93 : i32
    %div3A = arith.constant 8 : i32
    %div3A_95 = arith.divsi %add3A_94, %div3A : i32
    %while3A = arith.constant 8 : i32
    %while3A_96 = arith.constant 0 : i32
    %while3A_97 = arith.constant 0 : i32
    %while3A_98 = arith.subi %div3A_95, %while3A_97 : i32
    %while3A_99 = arith.addi %while3A_97, %while3A_98 : i32
    %while3A_100 = arith.constant 1 : i32
    %while3A_101 = arith.divsi %while3A_98, %while3A_100 : i32
    %while3A_102 = arith.muli %while3A_101, %while3A_100 : i32
    %while3A_103 = arith.addi %while3A_97, %while3A_102 : i32
    %while3A_104 = arith.constant 1 : i32
    scf.for %while3A_118 = %while3A_97 to %while3A_103 step %while3A_104  : i32 {
      %mul3A_119 = arith.muli %while3A_118, %while3A : i32
      %add3A_120 = arith.addi %while3A_96, %mul3A_119 : i32
      %add3A_121 = arith.constant 0 : i32
      %add3A_122 = arith.addi %add3A_120, %add3A_121 : i32
      %add3A_123 = arith.constant 1 : i32
      %add3A_124 = arith.addi %add3A_122, %add3A_123 : i32
      %rem3A_125 = arith.constant 8 : i32
      %rem3A_126 = arith.remsi %add3A_122, %rem3A_125 : i32
      %dma_wait3A = arith.constant 0 : i32
      %dma_wait3A_127 = tpu.memref_slice %arg6[%rem3A_126, %dma_wait3A] : memref<8x80xi32, #tpu.memory_space<vmem>> -> memref<1x80xi32, #tpu.memory_space<vmem>>
      %dma_wait3A_128 = tpu.memref_squeeze %dma_wait3A_127 : memref<1x80xi32, #tpu.memory_space<vmem>> -> memref<80xi32, #tpu.memory_space<vmem>>
      %dma_wait3A_129 = arith.constant 0 : i32
      %dma_wait3A_130 = arith.constant 0 : i32
      %dma_wait3A_131 = tpu.memref_slice %arg2[%arg0, %dma_wait3A_129, %dma_wait3A_130] : memref<2x10000x64xf32, #tpu.memory_space<hbm>> -> memref<1x10000x64xf32, #tpu.memory_space<hbm>>
      %dma_wait3A_132 = tpu.memref_squeeze %dma_wait3A_131 : memref<1x10000x64xf32, #tpu.memory_space<hbm>> -> memref<10000x64xf32, #tpu.memory_space<hbm>>
      %dma_wait3A_133 = arith.constant 0 : i32
      %dma_wait3A_134 = arith.constant 0 : i32
      %dma_wait3A_135 = tpu.memref_slice %dma_wait3A_132[%dma_wait3A_133, %dma_wait3A_134] : memref<10000x64xf32, #tpu.memory_space<hbm>> -> memref<10000x64xf32, #tpu.memory_space<hbm>>
      tpu.wait_indirect_dma semaphore(%arg10 : memref<!tpu.dma_semaphore, #tpu.memory_space<semaphore_mem>>) src(%dma_wait3A_135 : memref<10000x64xf32, #tpu.memory_space<hbm>>) dst(%arg8 : memref<80x64xf32, #tpu.memory_space<vmem>>)
      %rem3A_136 = arith.constant 8 : i32
      %rem3A_137 = arith.remsi %add3A_122, %rem3A_136 : i32
      %dma_start3A_138 = arith.constant 0 : i32
      %dma_start3A_139 = tpu.memref_slice %arg7[%rem3A_137, %dma_start3A_138] : memref<8x80xi32, #tpu.memory_space<vmem>> -> memref<1x80xi32, #tpu.memory_space<vmem>>
      %dma_start3A_140 = tpu.memref_squeeze %dma_start3A_139 : memref<1x80xi32, #tpu.memory_space<vmem>> -> memref<80xi32, #tpu.memory_space<vmem>>
      %dma_start3A_141 = arith.constant 0 : i32
      %dma_start3A_142 = arith.constant 0 : i32
      %dma_start3A_143 = tpu.memref_slice %arg14[%dma_start3A_141, %dma_start3A_142] : memref<10000x64xf32, #tpu.memory_space<vmem_shared>> -> memref<10000x64xf32, #tpu.memory_space<vmem_shared>>
      tpu.enqueue_indirect_dma source(%arg8 : memref<80x64xf32, #tpu.memory_space<vmem>>) target(%dma_start3A_143 : memref<10000x64xf32, #tpu.memory_space<vmem_shared>>) offsets(%dma_start3A_140 : memref<80xi32, #tpu.memory_space<vmem>>) semaphore(%arg12 : memref<!tpu.dma_semaphore, #tpu.memory_space<semaphore_mem>>) {add = true}
      %rem3A_144 = arith.constant 8 : i32
      %rem3A_145 = arith.remsi %add3A_124, %rem3A_144 : i32
      %dma_wait3A_146 = arith.constant 0 : i32
      %dma_wait3A_147 = tpu.memref_slice %arg6[%rem3A_145, %dma_wait3A_146] : memref<8x80xi32, #tpu.memory_space<vmem>> -> memref<1x80xi32, #tpu.memory_space<vmem>>
      %dma_wait3A_148 = tpu.memref_squeeze %dma_wait3A_147 : memref<1x80xi32, #tpu.memory_space<vmem>> -> memref<80xi32, #tpu.memory_space<vmem>>
      %dma_wait3A_149 = arith.constant 0 : i32
      %dma_wait3A_150 = arith.constant 0 : i32
      %dma_wait3A_151 = tpu.memref_slice %arg2[%arg0, %dma_wait3A_149, %dma_wait3A_150] : memref<2x10000x64xf32, #tpu.memory_space<hbm>> -> memref<1x10000x64xf32, #tpu.memory_space<hbm>>
      %dma_wait3A_152 = tpu.memref_squeeze %dma_wait3A_151 : memref<1x10000x64xf32, #tpu.memory_space<hbm>> -> memref<10000x64xf32, #tpu.memory_space<hbm>>
      %dma_wait3A_153 = arith.constant 0 : i32
      %dma_wait3A_154 = arith.constant 0 : i32
      %dma_wait3A_155 = tpu.memref_slice %dma_wait3A_152[%dma_wait3A_153, %dma_wait3A_154] : memref<10000x64xf32, #tpu.memory_space<hbm>> -> memref<10000x64xf32, #tpu.memory_space<hbm>>
      tpu.wait_indirect_dma semaphore(%arg11 : memref<!tpu.dma_semaphore, #tpu.memory_space<semaphore_mem>>) src(%dma_wait3A_155 : memref<10000x64xf32, #tpu.memory_space<hbm>>) dst(%arg9 : memref<80x64xf32, #tpu.memory_space<vmem>>)
      %rem3A_156 = arith.constant 8 : i32
      %rem3A_157 = arith.remsi %add3A_124, %rem3A_156 : i32
      %dma_start3A_158 = arith.constant 0 : i32
      %dma_start3A_159 = tpu.memref_slice %arg7[%rem3A_157, %dma_start3A_158] : memref<8x80xi32, #tpu.memory_space<vmem>> -> memref<1x80xi32, #tpu.memory_space<vmem>>
      %dma_start3A_160 = tpu.memref_squeeze %dma_start3A_159 : memref<1x80xi32, #tpu.memory_space<vmem>> -> memref<80xi32, #tpu.memory_space<vmem>>
      %dma_start3A_161 = arith.constant 0 : i32
      %dma_start3A_162 = arith.constant 0 : i32
      %dma_start3A_163 = tpu.memref_slice %arg14[%dma_start3A_161, %dma_start3A_162] : memref<10000x64xf32, #tpu.memory_space<vmem_shared>> -> memref<10000x64xf32, #tpu.memory_space<vmem_shared>>
      tpu.enqueue_indirect_dma source(%arg9 : memref<80x64xf32, #tpu.memory_space<vmem>>) target(%dma_start3A_163 : memref<10000x64xf32, #tpu.memory_space<vmem_shared>>) offsets(%dma_start3A_160 : memref<80xi32, #tpu.memory_space<vmem>>) semaphore(%arg13 : memref<!tpu.dma_semaphore, #tpu.memory_space<semaphore_mem>>) {add = true}
      %rem3A_164 = arith.constant 8 : i32
      %rem3A_165 = arith.remsi %add3A_122, %rem3A_164 : i32
      %dma_wait3A_166 = arith.constant 0 : i32
      %dma_wait3A_167 = tpu.memref_slice %arg7[%rem3A_165, %dma_wait3A_166] : memref<8x80xi32, #tpu.memory_space<vmem>> -> memref<1x80xi32, #tpu.memory_space<vmem>>
      %dma_wait3A_168 = tpu.memref_squeeze %dma_wait3A_167 : memref<1x80xi32, #tpu.memory_space<vmem>> -> memref<80xi32, #tpu.memory_space<vmem>>
      %dma_wait3A_169 = arith.constant 0 : i32
      %dma_wait3A_170 = arith.constant 0 : i32
      %dma_wait3A_171 = tpu.memref_slice %arg14[%dma_wait3A_169, %dma_wait3A_170] : memref<10000x64xf32, #tpu.memory_space<vmem_shared>> -> memref<10000x64xf32, #tpu.memory_space<vmem_shared>>
      tpu.wait_indirect_dma semaphore(%arg12 : memref<!tpu.dma_semaphore, #tpu.memory_space<semaphore_mem>>) src(%arg8 : memref<80x64xf32, #tpu.memory_space<vmem>>) dst(%dma_wait3A_171 : memref<10000x64xf32, #tpu.memory_space<vmem_shared>>)
      %add3A_172 = arith.constant 2 : i32
      %add3A_173 = arith.addi %add3A_122, %add3A_172 : i32
      %rem3A_174 = arith.constant 8 : i32
      %rem3A_175 = arith.remsi %add3A_173, %rem3A_174 : i32
      %dma_start3A_176 = arith.constant 0 : i32
      %dma_start3A_177 = tpu.memref_slice %arg6[%rem3A_175, %dma_start3A_176] : memref<8x80xi32, #tpu.memory_space<vmem>> -> memref<1x80xi32, #tpu.memory_space<vmem>>
      %dma_start3A_178 = tpu.memref_squeeze %dma_start3A_177 : memref<1x80xi32, #tpu.memory_space<vmem>> -> memref<80xi32, #tpu.memory_space<vmem>>
      %dma_start3A_179 = arith.constant 0 : i32
      %dma_start3A_180 = arith.constant 0 : i32
      %dma_start3A_181 = tpu.memref_slice %arg2[%arg0, %dma_start3A_179, %dma_start3A_180] : memref<2x10000x64xf32, #tpu.memory_space<hbm>> -> memref<1x10000x64xf32, #tpu.memory_space<hbm>>
      %dma_start3A_182 = tpu.memref_squeeze %dma_start3A_181 : memref<1x10000x64xf32, #tpu.memory_space<hbm>> -> memref<10000x64xf32, #tpu.memory_space<hbm>>
      %dma_start3A_183 = arith.constant 0 : i32
      %dma_start3A_184 = arith.constant 0 : i32
      %dma_start3A_185 = tpu.memref_slice %dma_start3A_182[%dma_start3A_183, %dma_start3A_184] : memref<10000x64xf32, #tpu.memory_space<hbm>> -> memref<10000x64xf32, #tpu.memory_space<hbm>>
      tpu.enqueue_indirect_dma source(%dma_start3A_185 : memref<10000x64xf32, #tpu.memory_space<hbm>>) target(%arg8 : memref<80x64xf32, #tpu.memory_space<vmem>>) offsets(%dma_start3A_178 : memref<80xi32, #tpu.memory_space<vmem>>) semaphore(%arg10 : memref<!tpu.dma_semaphore, #tpu.memory_space<semaphore_mem>>)
      %rem3A_186 = arith.constant 8 : i32
      %rem3A_187 = arith.remsi %add3A_124, %rem3A_186 : i32
      %dma_wait3A_188 = arith.constant 0 : i32
      %dma_wait3A_189 = tpu.memref_slice %arg7[%rem3A_187, %dma_wait3A_188] : memref<8x80xi32, #tpu.memory_space<vmem>> -> memref<1x80xi32, #tpu.memory_space<vmem>>
      %dma_wait3A_190 = tpu.memref_squeeze %dma_wait3A_189 : memref<1x80xi32, #tpu.memory_space<vmem>> -> memref<80xi32, #tpu.memory_space<vmem>>
      %dma_wait3A_191 = arith.constant 0 : i32
      %dma_wait3A_192 = arith.constant 0 : i32
      %dma_wait3A_193 = tpu.memref_slice %arg14[%dma_wait3A_191, %dma_wait3A_192] : memref<10000x64xf32, #tpu.memory_space<vmem_shared>> -> memref<10000x64xf32, #tpu.memory_space<vmem_shared>>
      tpu.wait_indirect_dma semaphore(%arg13 : memref<!tpu.dma_semaphore, #tpu.memory_space<semaphore_mem>>) src(%arg9 : memref<80x64xf32, #tpu.memory_space<vmem>>) dst(%dma_wait3A_193 : memref<10000x64xf32, #tpu.memory_space<vmem_shared>>)
      %add3A_194 = arith.constant 2 : i32
      %add3A_195 = arith.addi %add3A_124, %add3A_194 : i32
      %rem3A_196 = arith.constant 8 : i32
      %rem3A_197 = arith.remsi %add3A_195, %rem3A_196 : i32
      %dma_start3A_198 = arith.constant 0 : i32
      %dma_start3A_199 = tpu.memref_slice %arg6[%rem3A_197, %dma_start3A_198] : memref<8x80xi32, #tpu.memory_space<vmem>> -> memref<1x80xi32, #tpu.memory_space<vmem>>
      %dma_start3A_200 = tpu.memref_squeeze %dma_start3A_199 : memref<1x80xi32, #tpu.memory_space<vmem>> -> memref<80xi32, #tpu.memory_space<vmem>>
      %dma_start3A_201 = arith.constant 0 : i32
      %dma_start3A_202 = arith.constant 0 : i32
      %dma_start3A_203 = tpu.memref_slice %arg2[%arg0, %dma_start3A_201, %dma_start3A_202] : memref<2x10000x64xf32, #tpu.memory_space<hbm>> -> memref<1x10000x64xf32, #tpu.memory_space<hbm>>
      %dma_start3A_204 = tpu.memref_squeeze %dma_start3A_203 : memref<1x10000x64xf32, #tpu.memory_space<hbm>> -> memref<10000x64xf32, #tpu.memory_space<hbm>>
      %dma_start3A_205 = arith.constant 0 : i32
      %dma_start3A_206 = arith.constant 0 : i32
      %dma_start3A_207 = tpu.memref_slice %dma_start3A_204[%dma_start3A_205, %dma_start3A_206] : memref<10000x64xf32, #tpu.memory_space<hbm>> -> memref<10000x64xf32, #tpu.memory_space<hbm>>
      tpu.enqueue_indirect_dma source(%dma_start3A_207 : memref<10000x64xf32, #tpu.memory_space<hbm>>) target(%arg9 : memref<80x64xf32, #tpu.memory_space<vmem>>) offsets(%dma_start3A_200 : memref<80xi32, #tpu.memory_space<vmem>>) semaphore(%arg11 : memref<!tpu.dma_semaphore, #tpu.memory_space<semaphore_mem>>)
      %add3A_208 = arith.constant 2 : i32
      %add3A_209 = arith.addi %add3A_120, %add3A_208 : i32
      %add3A_210 = arith.constant 1 : i32
      %add3A_211 = arith.addi %add3A_209, %add3A_210 : i32
      %rem3A_212 = arith.constant 8 : i32
      %rem3A_213 = arith.remsi %add3A_209, %rem3A_212 : i32
      %dma_wait3A_214 = arith.constant 0 : i32
      %dma_wait3A_215 = tpu.memref_slice %arg6[%rem3A_213, %dma_wait3A_214] : memref<8x80xi32, #tpu.memory_space<vmem>> -> memref<1x80xi32, #tpu.memory_space<vmem>>
      %dma_wait3A_216 = tpu.memref_squeeze %dma_wait3A_215 : memref<1x80xi32, #tpu.memory_space<vmem>> -> memref<80xi32, #tpu.memory_space<vmem>>
      %dma_wait3A_217 = arith.constant 0 : i32
      %dma_wait3A_218 = arith.constant 0 : i32
      %dma_wait3A_219 = tpu.memref_slice %arg2[%arg0, %dma_wait3A_217, %dma_wait3A_218] : memref<2x10000x64xf32, #tpu.memory_space<hbm>> -> memref<1x10000x64xf32, #tpu.memory_space<hbm>>
      %dma_wait3A_220 = tpu.memref_squeeze %dma_wait3A_219 : memref<1x10000x64xf32, #tpu.memory_space<hbm>> -> memref<10000x64xf32, #tpu.memory_space<hbm>>
      %dma_wait3A_221 = arith.constant 0 : i32
      %dma_wait3A_222 = arith.constant 0 : i32
      %dma_wait3A_223 = tpu.memref_slice %dma_wait3A_220[%dma_wait3A_221, %dma_wait3A_222] : memref<10000x64xf32, #tpu.memory_space<hbm>> -> memref<10000x64xf32, #tpu.memory_space<hbm>>
      tpu.wait_indirect_dma semaphore(%arg10 : memref<!tpu.dma_semaphore, #tpu.memory_space<semaphore_mem>>) src(%dma_wait3A_223 : memref<10000x64xf32, #tpu.memory_space<hbm>>) dst(%arg8 : memref<80x64xf32, #tpu.memory_space<vmem>>)
      %rem3A_224 = arith.constant 8 : i32
      %rem3A_225 = arith.remsi %add3A_209, %rem3A_224 : i32
      %dma_start3A_226 = arith.constant 0 : i32
      %dma_start3A_227 = tpu.memref_slice %arg7[%rem3A_225, %dma_start3A_226] : memref<8x80xi32, #tpu.memory_space<vmem>> -> memref<1x80xi32, #tpu.memory_space<vmem>>
      %dma_start3A_228 = tpu.memref_squeeze %dma_start3A_227 : memref<1x80xi32, #tpu.memory_space<vmem>> -> memref<80xi32, #tpu.memory_space<vmem>>
      %dma_start3A_229 = arith.constant 0 : i32
      %dma_start3A_230 = arith.constant 0 : i32
      %dma_start3A_231 = tpu.memref_slice %arg14[%dma_start3A_229, %dma_start3A_230] : memref<10000x64xf32, #tpu.memory_space<vmem_shared>> -> memref<10000x64xf32, #tpu.memory_space<vmem_shared>>
      tpu.enqueue_indirect_dma source(%arg8 : memref<80x64xf32, #tpu.memory_space<vmem>>) target(%dma_start3A_231 : memref<10000x64xf32, #tpu.memory_space<vmem_shared>>) offsets(%dma_start3A_228 : memref<80xi32, #tpu.memory_space<vmem>>) semaphore(%arg12 : memref<!tpu.dma_semaphore, #tpu.memory_space<semaphore_mem>>) {add = true}
      %rem3A_232 = arith.constant 8 : i32
      %rem3A_233 = arith.remsi %add3A_211, %rem3A_232 : i32
      %dma_wait3A_234 = arith.constant 0 : i32
      %dma_wait3A_235 = tpu.memref_slice %arg6[%rem3A_233, %dma_wait3A_234] : memref<8x80xi32, #tpu.memory_space<vmem>> -> memref<1x80xi32, #tpu.memory_space<vmem>>
      %dma_wait3A_236 = tpu.memref_squeeze %dma_wait3A_235 : memref<1x80xi32, #tpu.memory_space<vmem>> -> memref<80xi32, #tpu.memory_space<vmem>>
      %dma_wait3A_237 = arith.constant 0 : i32
      %dma_wait3A_238 = arith.constant 0 : i32
      %dma_wait3A_239 = tpu.memref_slice %arg2[%arg0, %dma_wait3A_237, %dma_wait3A_238] : memref<2x10000x64xf32, #tpu.memory_space<hbm>> -> memref<1x10000x64xf32, #tpu.memory_space<hbm>>
      %dma_wait3A_240 = tpu.memref_squeeze %dma_wait3A_239 : memref<1x10000x64xf32, #tpu.memory_space<hbm>> -> memref<10000x64xf32, #tpu.memory_space<hbm>>
      %dma_wait3A_241 = arith.constant 0 : i32
      %dma_wait3A_242 = arith.constant 0 : i32
      %dma_wait3A_243 = tpu.memref_slice %dma_wait3A_240[%dma_wait3A_241, %dma_wait3A_242] : memref<10000x64xf32, #tpu.memory_space<hbm>> -> memref<10000x64xf32, #tpu.memory_space<hbm>>
      tpu.wait_indirect_dma semaphore(%arg11 : memref<!tpu.dma_semaphore, #tpu.memory_space<semaphore_mem>>) src(%dma_wait3A_243 : memref<10000x64xf32, #tpu.memory_space<hbm>>) dst(%arg9 : memref<80x64xf32, #tpu.memory_space<vmem>>)
      %rem3A_244 = arith.constant 8 : i32
      %rem3A_245 = arith.remsi %add3A_211, %rem3A_244 : i32
      %dma_start3A_246 = arith.constant 0 : i32
      %dma_start3A_247 = tpu.memref_slice %arg7[%rem3A_245, %dma_start3A_246] : memref<8x80xi32, #tpu.memory_space<vmem>> -> memref<1x80xi32, #tpu.memory_space<vmem>>
      %dma_start3A_248 = tpu.memref_squeeze %dma_start3A_247 : memref<1x80xi32, #tpu.memory_space<vmem>> -> memref<80xi32, #tpu.memory_space<vmem>>
      %dma_start3A_249 = arith.constant 0 : i32
      %dma_start3A_250 = arith.constant 0 : i32
      %dma_start3A_251 = tpu.memref_slice %arg14[%dma_start3A_249, %dma_start3A_250] : memref<10000x64xf32, #tpu.memory_space<vmem_shared>> -> memref<10000x64xf32, #tpu.memory_space<vmem_shared>>
      tpu.enqueue_indirect_dma source(%arg9 : memref<80x64xf32, #tpu.memory_space<vmem>>) target(%dma_start3A_251 : memref<10000x64xf32, #tpu.memory_space<vmem_shared>>) offsets(%dma_start3A_248 : memref<80xi32, #tpu.memory_space<vmem>>) semaphore(%arg13 : memref<!tpu.dma_semaphore, #tpu.memory_space<semaphore_mem>>) {add = true}
      %rem3A_252 = arith.constant 8 : i32
      %rem3A_253 = arith.remsi %add3A_209, %rem3A_252 : i32
      %dma_wait3A_254 = arith.constant 0 : i32
      %dma_wait3A_255 = tpu.memref_slice %arg7[%rem3A_253, %dma_wait3A_254] : memref<8x80xi32, #tpu.memory_space<vmem>> -> memref<1x80xi32, #tpu.memory_space<vmem>>
      %dma_wait3A_256 = tpu.memref_squeeze %dma_wait3A_255 : memref<1x80xi32, #tpu.memory_space<vmem>> -> memref<80xi32, #tpu.memory_space<vmem>>
      %dma_wait3A_257 = arith.constant 0 : i32
      %dma_wait3A_258 = arith.constant 0 : i32
      %dma_wait3A_259 = tpu.memref_slice %arg14[%dma_wait3A_257, %dma_wait3A_258] : memref<10000x64xf32, #tpu.memory_space<vmem_shared>> -> memref<10000x64xf32, #tpu.memory_space<vmem_shared>>
      tpu.wait_indirect_dma semaphore(%arg12 : memref<!tpu.dma_semaphore, #tpu.memory_space<semaphore_mem>>) src(%arg8 : memref<80x64xf32, #tpu.memory_space<vmem>>) dst(%dma_wait3A_259 : memref<10000x64xf32, #tpu.memory_space<vmem_shared>>)
      %add3A_260 = arith.constant 2 : i32
      %add3A_261 = arith.addi %add3A_209, %add3A_260 : i32
      %rem3A_262 = arith.constant 8 : i32
      %rem3A_263 = arith.remsi %add3A_261, %rem3A_262 : i32
      %dma_start3A_264 = arith.constant 0 : i32
      %dma_start3A_265 = tpu.memref_slice %arg6[%rem3A_263, %dma_start3A_264] : memref<8x80xi32, #tpu.memory_space<vmem>> -> memref<1x80xi32, #tpu.memory_space<vmem>>
      %dma_start3A_266 = tpu.memref_squeeze %dma_start3A_265 : memref<1x80xi32, #tpu.memory_space<vmem>> -> memref<80xi32, #tpu.memory_space<vmem>>
      %dma_start3A_267 = arith.constant 0 : i32
      %dma_start3A_268 = arith.constant 0 : i32
      %dma_start3A_269 = tpu.memref_slice %arg2[%arg0, %dma_start3A_267, %dma_start3A_268] : memref<2x10000x64xf32, #tpu.memory_space<hbm>> -> memref<1x10000x64xf32, #tpu.memory_space<hbm>>
      %dma_start3A_270 = tpu.memref_squeeze %dma_start3A_269 : memref<1x10000x64xf32, #tpu.memory_space<hbm>> -> memref<10000x64xf32, #tpu.memory_space<hbm>>
      %dma_start3A_271 = arith.constant 0 : i32
      %dma_start3A_272 = arith.constant 0 : i32
      %dma_start3A_273 = tpu.memref_slice %dma_start3A_270[%dma_start3A_271, %dma_start3A_272] : memref<10000x64xf32, #tpu.memory_space<hbm>> -> memref<10000x64xf32, #tpu.memory_space<hbm>>
      tpu.enqueue_indirect_dma source(%dma_start3A_273 : memref<10000x64xf32, #tpu.memory_space<hbm>>) target(%arg8 : memref<80x64xf32, #tpu.memory_space<vmem>>) offsets(%dma_start3A_266 : memref<80xi32, #tpu.memory_space<vmem>>) semaphore(%arg10 : memref<!tpu.dma_semaphore, #tpu.memory_space<semaphore_mem>>)
      %rem3A_274 = arith.constant 8 : i32
      %rem3A_275 = arith.remsi %add3A_211, %rem3A_274 : i32
      %dma_wait3A_276 = arith.constant 0 : i32
      %dma_wait3A_277 = tpu.memref_slice %arg7[%rem3A_275, %dma_wait3A_276] : memref<8x80xi32, #tpu.memory_space<vmem>> -> memref<1x80xi32, #tpu.memory_space<vmem>>
      %dma_wait3A_278 = tpu.memref_squeeze %dma_wait3A_277 : memref<1x80xi32, #tpu.memory_space<vmem>> -> memref<80xi32, #tpu.memory_space<vmem>>
      %dma_wait3A_279 = arith.constant 0 : i32
      %dma_wait3A_280 = arith.constant 0 : i32
      %dma_wait3A_281 = tpu.memref_slice %arg14[%dma_wait3A_279, %dma_wait3A_280] : memref<10000x64xf32, #tpu.memory_space<vmem_shared>> -> memref<10000x64xf32, #tpu.memory_space<vmem_shared>>
      tpu.wait_indirect_dma semaphore(%arg13 : memref<!tpu.dma_semaphore, #tpu.memory_space<semaphore_mem>>) src(%arg9 : memref<80x64xf32, #tpu.memory_space<vmem>>) dst(%dma_wait3A_281 : memref<10000x64xf32, #tpu.memory_space<vmem_shared>>)
      %add3A_282 = arith.constant 2 : i32
      %add3A_283 = arith.addi %add3A_211, %add3A_282 : i32
      %rem3A_284 = arith.constant 8 : i32
      %rem3A_285 = arith.remsi %add3A_283, %rem3A_284 : i32
      %dma_start3A_286 = arith.constant 0 : i32
      %dma_start3A_287 = tpu.memref_slice %arg6[%rem3A_285, %dma_start3A_286] : memref<8x80xi32, #tpu.memory_space<vmem>> -> memref<1x80xi32, #tpu.memory_space<vmem>>
      %dma_start3A_288 = tpu.memref_squeeze %dma_start3A_287 : memref<1x80xi32, #tpu.memory_space<vmem>> -> memref<80xi32, #tpu.memory_space<vmem>>
      %dma_start3A_289 = arith.constant 0 : i32
      %dma_start3A_290 = arith.constant 0 : i32
      %dma_start3A_291 = tpu.memref_slice %arg2[%arg0, %dma_start3A_289, %dma_start3A_290] : memref<2x10000x64xf32, #tpu.memory_space<hbm>> -> memref<1x10000x64xf32, #tpu.memory_space<hbm>>
      %dma_start3A_292 = tpu.memref_squeeze %dma_start3A_291 : memref<1x10000x64xf32, #tpu.memory_space<hbm>> -> memref<10000x64xf32, #tpu.memory_space<hbm>>
      %dma_start3A_293 = arith.constant 0 : i32
      %dma_start3A_294 = arith.constant 0 : i32
      %dma_start3A_295 = tpu.memref_slice %dma_start3A_292[%dma_start3A_293, %dma_start3A_294] : memref<10000x64xf32, #tpu.memory_space<hbm>> -> memref<10000x64xf32, #tpu.memory_space<hbm>>
      tpu.enqueue_indirect_dma source(%dma_start3A_295 : memref<10000x64xf32, #tpu.memory_space<hbm>>) target(%arg9 : memref<80x64xf32, #tpu.memory_space<vmem>>) offsets(%dma_start3A_288 : memref<80xi32, #tpu.memory_space<vmem>>) semaphore(%arg11 : memref<!tpu.dma_semaphore, #tpu.memory_space<semaphore_mem>>)
      %add3A_296 = arith.constant 4 : i32
      %add3A_297 = arith.addi %add3A_120, %add3A_296 : i32
      %add3A_298 = arith.constant 1 : i32
      %add3A_299 = arith.addi %add3A_297, %add3A_298 : i32
      %rem3A_300 = arith.constant 8 : i32
      %rem3A_301 = arith.remsi %add3A_297, %rem3A_300 : i32
      %dma_wait3A_302 = arith.constant 0 : i32
      %dma_wait3A_303 = tpu.memref_slice %arg6[%rem3A_301, %dma_wait3A_302] : memref<8x80xi32, #tpu.memory_space<vmem>> -> memref<1x80xi32, #tpu.memory_space<vmem>>
      %dma_wait3A_304 = tpu.memref_squeeze %dma_wait3A_303 : memref<1x80xi32, #tpu.memory_space<vmem>> -> memref<80xi32, #tpu.memory_space<vmem>>
      %dma_wait3A_305 = arith.constant 0 : i32
      %dma_wait3A_306 = arith.constant 0 : i32
      %dma_wait3A_307 = tpu.memref_slice %arg2[%arg0, %dma_wait3A_305, %dma_wait3A_306] : memref<2x10000x64xf32, #tpu.memory_space<hbm>> -> memref<1x10000x64xf32, #tpu.memory_space<hbm>>
      %dma_wait3A_308 = tpu.memref_squeeze %dma_wait3A_307 : memref<1x10000x64xf32, #tpu.memory_space<hbm>> -> memref<10000x64xf32, #tpu.memory_space<hbm>>
      %dma_wait3A_309 = arith.constant 0 : i32
      %dma_wait3A_310 = arith.constant 0 : i32
      %dma_wait3A_311 = tpu.memref_slice %dma_wait3A_308[%dma_wait3A_309, %dma_wait3A_310] : memref<10000x64xf32, #tpu.memory_space<hbm>> -> memref<10000x64xf32, #tpu.memory_space<hbm>>
      tpu.wait_indirect_dma semaphore(%arg10 : memref<!tpu.dma_semaphore, #tpu.memory_space<semaphore_mem>>) src(%dma_wait3A_311 : memref<10000x64xf32, #tpu.memory_space<hbm>>) dst(%arg8 : memref<80x64xf32, #tpu.memory_space<vmem>>)
      %rem3A_312 = arith.constant 8 : i32
      %rem3A_313 = arith.remsi %add3A_297, %rem3A_312 : i32
      %dma_start3A_314 = arith.constant 0 : i32
      %dma_start3A_315 = tpu.memref_slice %arg7[%rem3A_313, %dma_start3A_314] : memref<8x80xi32, #tpu.memory_space<vmem>> -> memref<1x80xi32, #tpu.memory_space<vmem>>
      %dma_start3A_316 = tpu.memref_squeeze %dma_start3A_315 : memref<1x80xi32, #tpu.memory_space<vmem>> -> memref<80xi32, #tpu.memory_space<vmem>>
      %dma_start3A_317 = arith.constant 0 : i32
      %dma_start3A_318 = arith.constant 0 : i32
      %dma_start3A_319 = tpu.memref_slice %arg14[%dma_start3A_317, %dma_start3A_318] : memref<10000x64xf32, #tpu.memory_space<vmem_shared>> -> memref<10000x64xf32, #tpu.memory_space<vmem_shared>>
      tpu.enqueue_indirect_dma source(%arg8 : memref<80x64xf32, #tpu.memory_space<vmem>>) target(%dma_start3A_319 : memref<10000x64xf32, #tpu.memory_space<vmem_shared>>) offsets(%dma_start3A_316 : memref<80xi32, #tpu.memory_space<vmem>>) semaphore(%arg12 : memref<!tpu.dma_semaphore, #tpu.memory_space<semaphore_mem>>) {add = true}
      %rem3A_320 = arith.constant 8 : i32
      %rem3A_321 = arith.remsi %add3A_299, %rem3A_320 : i32
      %dma_wait3A_322 = arith.constant 0 : i32
      %dma_wait3A_323 = tpu.memref_slice %arg6[%rem3A_321, %dma_wait3A_322] : memref<8x80xi32, #tpu.memory_space<vmem>> -> memref<1x80xi32, #tpu.memory_space<vmem>>
      %dma_wait3A_324 = tpu.memref_squeeze %dma_wait3A_323 : memref<1x80xi32, #tpu.memory_space<vmem>> -> memref<80xi32, #tpu.memory_space<vmem>>
      %dma_wait3A_325 = arith.constant 0 : i32
      %dma_wait3A_326 = arith.constant 0 : i32
      %dma_wait3A_327 = tpu.memref_slice %arg2[%arg0, %dma_wait3A_325, %dma_wait3A_326] : memref<2x10000x64xf32, #tpu.memory_space<hbm>> -> memref<1x10000x64xf32, #tpu.memory_space<hbm>>
      %dma_wait3A_328 = tpu.memref_squeeze %dma_wait3A_327 : memref<1x10000x64xf32, #tpu.memory_space<hbm>> -> memref<10000x64xf32, #tpu.memory_space<hbm>>
      %dma_wait3A_329 = arith.constant 0 : i32
      %dma_wait3A_330 = arith.constant 0 : i32
      %dma_wait3A_331 = tpu.memref_slice %dma_wait3A_328[%dma_wait3A_329, %dma_wait3A_330] : memref<10000x64xf32, #tpu.memory_space<hbm>> -> memref<10000x64xf32, #tpu.memory_space<hbm>>
      tpu.wait_indirect_dma semaphore(%arg11 : memref<!tpu.dma_semaphore, #tpu.memory_space<semaphore_mem>>) src(%dma_wait3A_331 : memref<10000x64xf32, #tpu.memory_space<hbm>>) dst(%arg9 : memref<80x64xf32, #tpu.memory_space<vmem>>)
      %rem3A_332 = arith.constant 8 : i32
      %rem3A_333 = arith.remsi %add3A_299, %rem3A_332 : i32
      %dma_start3A_334 = arith.constant 0 : i32
      %dma_start3A_335 = tpu.memref_slice %arg7[%rem3A_333, %dma_start3A_334] : memref<8x80xi32, #tpu.memory_space<vmem>> -> memref<1x80xi32, #tpu.memory_space<vmem>>
      %dma_start3A_336 = tpu.memref_squeeze %dma_start3A_335 : memref<1x80xi32, #tpu.memory_space<vmem>> -> memref<80xi32, #tpu.memory_space<vmem>>
      %dma_start3A_337 = arith.constant 0 : i32
      %dma_start3A_338 = arith.constant 0 : i32
      %dma_start3A_339 = tpu.memref_slice %arg14[%dma_start3A_337, %dma_start3A_338] : memref<10000x64xf32, #tpu.memory_space<vmem_shared>> -> memref<10000x64xf32, #tpu.memory_space<vmem_shared>>
      tpu.enqueue_indirect_dma source(%arg9 : memref<80x64xf32, #tpu.memory_space<vmem>>) target(%dma_start3A_339 : memref<10000x64xf32, #tpu.memory_space<vmem_shared>>) offsets(%dma_start3A_336 : memref<80xi32, #tpu.memory_space<vmem>>) semaphore(%arg13 : memref<!tpu.dma_semaphore, #tpu.memory_space<semaphore_mem>>) {add = true}
      %rem3A_340 = arith.constant 8 : i32
      %rem3A_341 = arith.remsi %add3A_297, %rem3A_340 : i32
      %dma_wait3A_342 = arith.constant 0 : i32
      %dma_wait3A_343 = tpu.memref_slice %arg7[%rem3A_341, %dma_wait3A_342] : memref<8x80xi32, #tpu.memory_space<vmem>> -> memref<1x80xi32, #tpu.memory_space<vmem>>
      %dma_wait3A_344 = tpu.memref_squeeze %dma_wait3A_343 : memref<1x80xi32, #tpu.memory_space<vmem>> -> memref<80xi32, #tpu.memory_space<vmem>>
      %dma_wait3A_345 = arith.constant 0 : i32
      %dma_wait3A_346 = arith.constant 0 : i32
      %dma_wait3A_347 = tpu.memref_slice %arg14[%dma_wait3A_345, %dma_wait3A_346] : memref<10000x64xf32, #tpu.memory_space<vmem_shared>> -> memref<10000x64xf32, #tpu.memory_space<vmem_shared>>
      tpu.wait_indirect_dma semaphore(%arg12 : memref<!tpu.dma_semaphore, #tpu.memory_space<semaphore_mem>>) src(%arg8 : memref<80x64xf32, #tpu.memory_space<vmem>>) dst(%dma_wait3A_347 : memref<10000x64xf32, #tpu.memory_space<vmem_shared>>)
      %add3A_348 = arith.constant 2 : i32
      %add3A_349 = arith.addi %add3A_297, %add3A_348 : i32
      %rem3A_350 = arith.constant 8 : i32
      %rem3A_351 = arith.remsi %add3A_349, %rem3A_350 : i32
      %dma_start3A_352 = arith.constant 0 : i32
      %dma_start3A_353 = tpu.memref_slice %arg6[%rem3A_351, %dma_start3A_352] : memref<8x80xi32, #tpu.memory_space<vmem>> -> memref<1x80xi32, #tpu.memory_space<vmem>>
      %dma_start3A_354 = tpu.memref_squeeze %dma_start3A_353 : memref<1x80xi32, #tpu.memory_space<vmem>> -> memref<80xi32, #tpu.memory_space<vmem>>
      %dma_start3A_355 = arith.constant 0 : i32
      %dma_start3A_356 = arith.constant 0 : i32
      %dma_start3A_357 = tpu.memref_slice %arg2[%arg0, %dma_start3A_355, %dma_start3A_356] : memref<2x10000x64xf32, #tpu.memory_space<hbm>> -> memref<1x10000x64xf32, #tpu.memory_space<hbm>>
      %dma_start3A_358 = tpu.memref_squeeze %dma_start3A_357 : memref<1x10000x64xf32, #tpu.memory_space<hbm>> -> memref<10000x64xf32, #tpu.memory_space<hbm>>
      %dma_start3A_359 = arith.constant 0 : i32
      %dma_start3A_360 = arith.constant 0 : i32
      %dma_start3A_361 = tpu.memref_slice %dma_start3A_358[%dma_start3A_359, %dma_start3A_360] : memref<10000x64xf32, #tpu.memory_space<hbm>> -> memref<10000x64xf32, #tpu.memory_space<hbm>>
      tpu.enqueue_indirect_dma source(%dma_start3A_361 : memref<10000x64xf32, #tpu.memory_space<hbm>>) target(%arg8 : memref<80x64xf32, #tpu.memory_space<vmem>>) offsets(%dma_start3A_354 : memref<80xi32, #tpu.memory_space<vmem>>) semaphore(%arg10 : memref<!tpu.dma_semaphore, #tpu.memory_space<semaphore_mem>>)
      %rem3A_362 = arith.constant 8 : i32
      %rem3A_363 = arith.remsi %add3A_299, %rem3A_362 : i32
      %dma_wait3A_364 = arith.constant 0 : i32
      %dma_wait3A_365 = tpu.memref_slice %arg7[%rem3A_363, %dma_wait3A_364] : memref<8x80xi32, #tpu.memory_space<vmem>> -> memref<1x80xi32, #tpu.memory_space<vmem>>
      %dma_wait3A_366 = tpu.memref_squeeze %dma_wait3A_365 : memref<1x80xi32, #tpu.memory_space<vmem>> -> memref<80xi32, #tpu.memory_space<vmem>>
      %dma_wait3A_367 = arith.constant 0 : i32
      %dma_wait3A_368 = arith.constant 0 : i32
      %dma_wait3A_369 = tpu.memref_slice %arg14[%dma_wait3A_367, %dma_wait3A_368] : memref<10000x64xf32, #tpu.memory_space<vmem_shared>> -> memref<10000x64xf32, #tpu.memory_space<vmem_shared>>
      tpu.wait_indirect_dma semaphore(%arg13 : memref<!tpu.dma_semaphore, #tpu.memory_space<semaphore_mem>>) src(%arg9 : memref<80x64xf32, #tpu.memory_space<vmem>>) dst(%dma_wait3A_369 : memref<10000x64xf32, #tpu.memory_space<vmem_shared>>)
      %add3A_370 = arith.constant 2 : i32
      %add3A_371 = arith.addi %add3A_299, %add3A_370 : i32
      %rem3A_372 = arith.constant 8 : i32
      %rem3A_373 = arith.remsi %add3A_371, %rem3A_372 : i32
      %dma_start3A_374 = arith.constant 0 : i32
      %dma_start3A_375 = tpu.memref_slice %arg6[%rem3A_373, %dma_start3A_374] : memref<8x80xi32, #tpu.memory_space<vmem>> -> memref<1x80xi32, #tpu.memory_space<vmem>>
      %dma_start3A_376 = tpu.memref_squeeze %dma_start3A_375 : memref<1x80xi32, #tpu.memory_space<vmem>> -> memref<80xi32, #tpu.memory_space<vmem>>
      %dma_start3A_377 = arith.constant 0 : i32
      %dma_start3A_378 = arith.constant 0 : i32
      %dma_start3A_379 = tpu.memref_slice %arg2[%arg0, %dma_start3A_377, %dma_start3A_378] : memref<2x10000x64xf32, #tpu.memory_space<hbm>> -> memref<1x10000x64xf32, #tpu.memory_space<hbm>>
      %dma_start3A_380 = tpu.memref_squeeze %dma_start3A_379 : memref<1x10000x64xf32, #tpu.memory_space<hbm>> -> memref<10000x64xf32, #tpu.memory_space<hbm>>
      %dma_start3A_381 = arith.constant 0 : i32
      %dma_start3A_382 = arith.constant 0 : i32
      %dma_start3A_383 = tpu.memref_slice %dma_start3A_380[%dma_start3A_381, %dma_start3A_382] : memref<10000x64xf32, #tpu.memory_space<hbm>> -> memref<10000x64xf32, #tpu.memory_space<hbm>>
      tpu.enqueue_indirect_dma source(%dma_start3A_383 : memref<10000x64xf32, #tpu.memory_space<hbm>>) target(%arg9 : memref<80x64xf32, #tpu.memory_space<vmem>>) offsets(%dma_start3A_376 : memref<80xi32, #tpu.memory_space<vmem>>) semaphore(%arg11 : memref<!tpu.dma_semaphore, #tpu.memory_space<semaphore_mem>>)
      %add3A_384 = arith.constant 6 : i32
      %add3A_385 = arith.addi %add3A_120, %add3A_384 : i32
      %add3A_386 = arith.constant 1 : i32
      %add3A_387 = arith.addi %add3A_385, %add3A_386 : i32
      %rem3A_388 = arith.constant 8 : i32
      %rem3A_389 = arith.remsi %add3A_385, %rem3A_388 : i32
      %dma_wait3A_390 = arith.constant 0 : i32
      %dma_wait3A_391 = tpu.memref_slice %arg6[%rem3A_389, %dma_wait3A_390] : memref<8x80xi32, #tpu.memory_space<vmem>> -> memref<1x80xi32, #tpu.memory_space<vmem>>
      %dma_wait3A_392 = tpu.memref_squeeze %dma_wait3A_391 : memref<1x80xi32, #tpu.memory_space<vmem>> -> memref<80xi32, #tpu.memory_space<vmem>>
      %dma_wait3A_393 = arith.constant 0 : i32
      %dma_wait3A_394 = arith.constant 0 : i32
      %dma_wait3A_395 = tpu.memref_slice %arg2[%arg0, %dma_wait3A_393, %dma_wait3A_394] : memref<2x10000x64xf32, #tpu.memory_space<hbm>> -> memref<1x10000x64xf32, #tpu.memory_space<hbm>>
      %dma_wait3A_396 = tpu.memref_squeeze %dma_wait3A_395 : memref<1x10000x64xf32, #tpu.memory_space<hbm>> -> memref<10000x64xf32, #tpu.memory_space<hbm>>
      %dma_wait3A_397 = arith.constant 0 : i32
      %dma_wait3A_398 = arith.constant 0 : i32
      %dma_wait3A_399 = tpu.memref_slice %dma_wait3A_396[%dma_wait3A_397, %dma_wait3A_398] : memref<10000x64xf32, #tpu.memory_space<hbm>> -> memref<10000x64xf32, #tpu.memory_space<hbm>>
      tpu.wait_indirect_dma semaphore(%arg10 : memref<!tpu.dma_semaphore, #tpu.memory_space<semaphore_mem>>) src(%dma_wait3A_399 : memref<10000x64xf32, #tpu.memory_space<hbm>>) dst(%arg8 : memref<80x64xf32, #tpu.memory_space<vmem>>)
      %rem3A_400 = arith.constant 8 : i32
      %rem3A_401 = arith.remsi %add3A_385, %rem3A_400 : i32
      %dma_start3A_402 = arith.constant 0 : i32
      %dma_start3A_403 = tpu.memref_slice %arg7[%rem3A_401, %dma_start3A_402] : memref<8x80xi32, #tpu.memory_space<vmem>> -> memref<1x80xi32, #tpu.memory_space<vmem>>
      %dma_start3A_404 = tpu.memref_squeeze %dma_start3A_403 : memref<1x80xi32, #tpu.memory_space<vmem>> -> memref<80xi32, #tpu.memory_space<vmem>>
      %dma_start3A_405 = arith.constant 0 : i32
      %dma_start3A_406 = arith.constant 0 : i32
      %dma_start3A_407 = tpu.memref_slice %arg14[%dma_start3A_405, %dma_start3A_406] : memref<10000x64xf32, #tpu.memory_space<vmem_shared>> -> memref<10000x64xf32, #tpu.memory_space<vmem_shared>>
      tpu.enqueue_indirect_dma source(%arg8 : memref<80x64xf32, #tpu.memory_space<vmem>>) target(%dma_start3A_407 : memref<10000x64xf32, #tpu.memory_space<vmem_shared>>) offsets(%dma_start3A_404 : memref<80xi32, #tpu.memory_space<vmem>>) semaphore(%arg12 : memref<!tpu.dma_semaphore, #tpu.memory_space<semaphore_mem>>) {add = true}
      %rem3A_408 = arith.constant 8 : i32
      %rem3A_409 = arith.remsi %add3A_387, %rem3A_408 : i32
      %dma_wait3A_410 = arith.constant 0 : i32
      %dma_wait3A_411 = tpu.memref_slice %arg6[%rem3A_409, %dma_wait3A_410] : memref<8x80xi32, #tpu.memory_space<vmem>> -> memref<1x80xi32, #tpu.memory_space<vmem>>
      %dma_wait3A_412 = tpu.memref_squeeze %dma_wait3A_411 : memref<1x80xi32, #tpu.memory_space<vmem>> -> memref<80xi32, #tpu.memory_space<vmem>>
      %dma_wait3A_413 = arith.constant 0 : i32
      %dma_wait3A_414 = arith.constant 0 : i32
      %dma_wait3A_415 = tpu.memref_slice %arg2[%arg0, %dma_wait3A_413, %dma_wait3A_414] : memref<2x10000x64xf32, #tpu.memory_space<hbm>> -> memref<1x10000x64xf32, #tpu.memory_space<hbm>>
      %dma_wait3A_416 = tpu.memref_squeeze %dma_wait3A_415 : memref<1x10000x64xf32, #tpu.memory_space<hbm>> -> memref<10000x64xf32, #tpu.memory_space<hbm>>
      %dma_wait3A_417 = arith.constant 0 : i32
      %dma_wait3A_418 = arith.constant 0 : i32
      %dma_wait3A_419 = tpu.memref_slice %dma_wait3A_416[%dma_wait3A_417, %dma_wait3A_418] : memref<10000x64xf32, #tpu.memory_space<hbm>> -> memref<10000x64xf32, #tpu.memory_space<hbm>>
      tpu.wait_indirect_dma semaphore(%arg11 : memref<!tpu.dma_semaphore, #tpu.memory_space<semaphore_mem>>) src(%dma_wait3A_419 : memref<10000x64xf32, #tpu.memory_space<hbm>>) dst(%arg9 : memref<80x64xf32, #tpu.memory_space<vmem>>)
      %rem3A_420 = arith.constant 8 : i32
      %rem3A_421 = arith.remsi %add3A_387, %rem3A_420 : i32
      %dma_start3A_422 = arith.constant 0 : i32
      %dma_start3A_423 = tpu.memref_slice %arg7[%rem3A_421, %dma_start3A_422] : memref<8x80xi32, #tpu.memory_space<vmem>> -> memref<1x80xi32, #tpu.memory_space<vmem>>
      %dma_start3A_424 = tpu.memref_squeeze %dma_start3A_423 : memref<1x80xi32, #tpu.memory_space<vmem>> -> memref<80xi32, #tpu.memory_space<vmem>>
      %dma_start3A_425 = arith.constant 0 : i32
      %dma_start3A_426 = arith.constant 0 : i32
      %dma_start3A_427 = tpu.memref_slice %arg14[%dma_start3A_425, %dma_start3A_426] : memref<10000x64xf32, #tpu.memory_space<vmem_shared>> -> memref<10000x64xf32, #tpu.memory_space<vmem_shared>>
      tpu.enqueue_indirect_dma source(%arg9 : memref<80x64xf32, #tpu.memory_space<vmem>>) target(%dma_start3A_427 : memref<10000x64xf32, #tpu.memory_space<vmem_shared>>) offsets(%dma_start3A_424 : memref<80xi32, #tpu.memory_space<vmem>>) semaphore(%arg13 : memref<!tpu.dma_semaphore, #tpu.memory_space<semaphore_mem>>) {add = true}
      %rem3A_428 = arith.constant 8 : i32
      %rem3A_429 = arith.remsi %add3A_385, %rem3A_428 : i32
      %dma_wait3A_430 = arith.constant 0 : i32
      %dma_wait3A_431 = tpu.memref_slice %arg7[%rem3A_429, %dma_wait3A_430] : memref<8x80xi32, #tpu.memory_space<vmem>> -> memref<1x80xi32, #tpu.memory_space<vmem>>
      %dma_wait3A_432 = tpu.memref_squeeze %dma_wait3A_431 : memref<1x80xi32, #tpu.memory_space<vmem>> -> memref<80xi32, #tpu.memory_space<vmem>>
      %dma_wait3A_433 = arith.constant 0 : i32
      %dma_wait3A_434 = arith.constant 0 : i32
      %dma_wait3A_435 = tpu.memref_slice %arg14[%dma_wait3A_433, %dma_wait3A_434] : memref<10000x64xf32, #tpu.memory_space<vmem_shared>> -> memref<10000x64xf32, #tpu.memory_space<vmem_shared>>
      tpu.wait_indirect_dma semaphore(%arg12 : memref<!tpu.dma_semaphore, #tpu.memory_space<semaphore_mem>>) src(%arg8 : memref<80x64xf32, #tpu.memory_space<vmem>>) dst(%dma_wait3A_435 : memref<10000x64xf32, #tpu.memory_space<vmem_shared>>)
      %rem3A_436 = arith.constant 8 : i32
      %rem3A_437 = arith.remsi %add3A_387, %rem3A_436 : i32
      %dma_wait3A_438 = arith.constant 0 : i32
      %dma_wait3A_439 = tpu.memref_slice %arg7[%rem3A_437, %dma_wait3A_438] : memref<8x80xi32, #tpu.memory_space<vmem>> -> memref<1x80xi32, #tpu.memory_space<vmem>>
      %dma_wait3A_440 = tpu.memref_squeeze %dma_wait3A_439 : memref<1x80xi32, #tpu.memory_space<vmem>> -> memref<80xi32, #tpu.memory_space<vmem>>
      %dma_wait3A_441 = arith.constant 0 : i32
      %dma_wait3A_442 = arith.constant 0 : i32
      %dma_wait3A_443 = tpu.memref_slice %arg14[%dma_wait3A_441, %dma_wait3A_442] : memref<10000x64xf32, #tpu.memory_space<vmem_shared>> -> memref<10000x64xf32, #tpu.memory_space<vmem_shared>>
      tpu.wait_indirect_dma semaphore(%arg13 : memref<!tpu.dma_semaphore, #tpu.memory_space<semaphore_mem>>) src(%arg9 : memref<80x64xf32, #tpu.memory_space<vmem>>) dst(%dma_wait3A_443 : memref<10000x64xf32, #tpu.memory_space<vmem_shared>>)
      %add3A_444 = arith.constant 8 : i32
      %add3A_445 = arith.addi %add3A_120, %add3A_444 : i32
      %lt3A_446 = arith.cmpi slt, %add3A_445, %select_n3A : i32
      %convert_element_type3A_447 = arith.extui %lt3A_446 : i1 to i32
      %cond3A_448 = arith.constant 0 : i32
      %cond3A_449 = arith.cmpi ne, %convert_element_type3A_447, %cond3A_448 : i32
      scf.if %cond3A_449 {
        %add3A_450 = arith.constant 8 : i32
        %add3A_451 = arith.addi %add3A_120, %add3A_450 : i32
        %add3A_452 = arith.addi %mul3A_0, %add3A_451 : i32
        "tpu.region"() ({
          %run_scoped3A = tpu.sem_alloc : memref<!tpu.dma_semaphore, #tpu.memory_space<semaphore_mem>>
          %dma_start3A_482 = arith.constant 0 : i32
          %dma_start3A_483 = tpu.memref_slice %arg3[%add3A_452, %dma_start3A_482] : memref<4000x80xi32, #tpu.memory_space<hbm>> -> memref<8x80xi32, #tpu.memory_space<hbm>>
          %dma_start3A_484 = arith.constant 0 : i32
          %dma_start3A_485 = tpu.memref_slice %arg3[%add3A_452, %dma_start3A_484] : memref<4000x80xi32, #tpu.memory_space<hbm>> -> memref<8x80xi32, #tpu.memory_space<hbm>>
          tpu.enqueue_dma source(%dma_start3A_485 : memref<8x80xi32, #tpu.memory_space<hbm>>) target(%arg6 : memref<8x80xi32, #tpu.memory_space<vmem>>) target_semaphore(%run_scoped3A : memref<!tpu.dma_semaphore, #tpu.memory_space<semaphore_mem>>)
          %dma_wait3A_486 = arith.constant 0 : i32
          %dma_wait3A_487 = tpu.memref_slice %arg3[%add3A_452, %dma_wait3A_486] : memref<4000x80xi32, #tpu.memory_space<hbm>> -> memref<8x80xi32, #tpu.memory_space<hbm>>
          %dma_wait3A_488 = arith.constant 0 : i32
          %dma_wait3A_489 = tpu.memref_slice %arg3[%add3A_452, %dma_wait3A_488] : memref<4000x80xi32, #tpu.memory_space<hbm>> -> memref<8x80xi32, #tpu.memory_space<hbm>>
          tpu.wait_dma2 semaphore(%run_scoped3A : memref<!tpu.dma_semaphore, #tpu.memory_space<semaphore_mem>>) src(%dma_wait3A_489 : memref<8x80xi32, #tpu.memory_space<hbm>>) dst(%arg6 : memref<8x80xi32, #tpu.memory_space<vmem>>)
          tpu.yield
        }) : () -> ()
        %add3A_453 = arith.addi %mul3A_0, %add3A_451 : i32
        "tpu.region"() ({
          %run_scoped3A = tpu.sem_alloc : memref<!tpu.dma_semaphore, #tpu.memory_space<semaphore_mem>>
          %dma_start3A_482 = arith.constant 0 : i32
          %dma_start3A_483 = tpu.memref_slice %arg4[%add3A_453, %dma_start3A_482] : memref<4000x80xi32, #tpu.memory_space<hbm>> -> memref<8x80xi32, #tpu.memory_space<hbm>>
          %dma_start3A_484 = arith.constant 0 : i32
          %dma_start3A_485 = tpu.memref_slice %arg4[%add3A_453, %dma_start3A_484] : memref<4000x80xi32, #tpu.memory_space<hbm>> -> memref<8x80xi32, #tpu.memory_space<hbm>>
          tpu.enqueue_dma source(%dma_start3A_485 : memref<8x80xi32, #tpu.memory_space<hbm>>) target(%arg7 : memref<8x80xi32, #tpu.memory_space<vmem>>) target_semaphore(%run_scoped3A : memref<!tpu.dma_semaphore, #tpu.memory_space<semaphore_mem>>)
          %dma_wait3A_486 = arith.constant 0 : i32
          %dma_wait3A_487 = tpu.memref_slice %arg4[%add3A_453, %dma_wait3A_486] : memref<4000x80xi32, #tpu.memory_space<hbm>> -> memref<8x80xi32, #tpu.memory_space<hbm>>
          %dma_wait3A_488 = arith.constant 0 : i32
          %dma_wait3A_489 = tpu.memref_slice %arg4[%add3A_453, %dma_wait3A_488] : memref<4000x80xi32, #tpu.memory_space<hbm>> -> memref<8x80xi32, #tpu.memory_space<hbm>>
          tpu.wait_dma2 semaphore(%run_scoped3A : memref<!tpu.dma_semaphore, #tpu.memory_space<semaphore_mem>>) src(%dma_wait3A_489 : memref<8x80xi32, #tpu.memory_space<hbm>>) dst(%arg7 : memref<8x80xi32, #tpu.memory_space<vmem>>)
          tpu.yield
        }) : () -> ()
        %add3A_454 = arith.constant 2 : i32
        %add3A_455 = arith.addi %add3A_385, %add3A_454 : i32
        %rem3A_456 = arith.constant 8 : i32
        %rem3A_457 = arith.remsi %add3A_455, %rem3A_456 : i32
        %dma_start3A_458 = arith.constant 0 : i32
        %dma_start3A_459 = tpu.memref_slice %arg6[%rem3A_457, %dma_start3A_458] : memref<8x80xi32, #tpu.memory_space<vmem>> -> memref<1x80xi32, #tpu.memory_space<vmem>>
        %dma_start3A_460 = tpu.memref_squeeze %dma_start3A_459 : memref<1x80xi32, #tpu.memory_space<vmem>> -> memref<80xi32, #tpu.memory_space<vmem>>
        %dma_start3A_461 = arith.constant 0 : i32
        %dma_start3A_462 = arith.constant 0 : i32
        %dma_start3A_463 = tpu.memref_slice %arg2[%arg0, %dma_start3A_461, %dma_start3A_462] : memref<2x10000x64xf32, #tpu.memory_space<hbm>> -> memref<1x10000x64xf32, #tpu.memory_space<hbm>>
        %dma_start3A_464 = tpu.memref_squeeze %dma_start3A_463 : memref<1x10000x64xf32, #tpu.memory_space<hbm>> -> memref<10000x64xf32, #tpu.memory_space<hbm>>
        %dma_start3A_465 = arith.constant 0 : i32
        %dma_start3A_466 = arith.constant 0 : i32
        %dma_start3A_467 = tpu.memref_slice %dma_start3A_464[%dma_start3A_465, %dma_start3A_466] : memref<10000x64xf32, #tpu.memory_space<hbm>> -> memref<10000x64xf32, #tpu.memory_space<hbm>>
        tpu.enqueue_indirect_dma source(%dma_start3A_467 : memref<10000x64xf32, #tpu.memory_space<hbm>>) target(%arg8 : memref<80x64xf32, #tpu.memory_space<vmem>>) offsets(%dma_start3A_460 : memref<80xi32, #tpu.memory_space<vmem>>) semaphore(%arg10 : memref<!tpu.dma_semaphore, #tpu.memory_space<semaphore_mem>>)
        %add3A_468 = arith.constant 2 : i32
        %add3A_469 = arith.addi %add3A_387, %add3A_468 : i32
        %rem3A_470 = arith.constant 8 : i32
        %rem3A_471 = arith.remsi %add3A_469, %rem3A_470 : i32
        %dma_start3A_472 = arith.constant 0 : i32
        %dma_start3A_473 = tpu.memref_slice %arg6[%rem3A_471, %dma_start3A_472] : memref<8x80xi32, #tpu.memory_space<vmem>> -> memref<1x80xi32, #tpu.memory_space<vmem>>
        %dma_start3A_474 = tpu.memref_squeeze %dma_start3A_473 : memref<1x80xi32, #tpu.memory_space<vmem>> -> memref<80xi32, #tpu.memory_space<vmem>>
        %dma_start3A_475 = arith.constant 0 : i32
        %dma_start3A_476 = arith.constant 0 : i32
        %dma_start3A_477 = tpu.memref_slice %arg2[%arg0, %dma_start3A_475, %dma_start3A_476] : memref<2x10000x64xf32, #tpu.memory_space<hbm>> -> memref<1x10000x64xf32, #tpu.memory_space<hbm>>
        %dma_start3A_478 = tpu.memref_squeeze %dma_start3A_477 : memref<1x10000x64xf32, #tpu.memory_space<hbm>> -> memref<10000x64xf32, #tpu.memory_space<hbm>>
        %dma_start3A_479 = arith.constant 0 : i32
        %dma_start3A_480 = arith.constant 0 : i32
        %dma_start3A_481 = tpu.memref_slice %dma_start3A_478[%dma_start3A_479, %dma_start3A_480] : memref<10000x64xf32, #tpu.memory_space<hbm>> -> memref<10000x64xf32, #tpu.memory_space<hbm>>
        tpu.enqueue_indirect_dma source(%dma_start3A_481 : memref<10000x64xf32, #tpu.memory_space<hbm>>) target(%arg9 : memref<80x64xf32, #tpu.memory_space<vmem>>) offsets(%dma_start3A_474 : memref<80xi32, #tpu.memory_space<vmem>>) semaphore(%arg11 : memref<!tpu.dma_semaphore, #tpu.memory_space<semaphore_mem>>)
      } else {
      }
    }
    %while3A_105 = arith.constant 1 : i32
    scf.for %while3A_118 = %while3A_103 to %while3A_99 step %while3A_105  : i32 {
      %mul3A_119 = arith.muli %while3A_118, %while3A : i32
      %add3A_120 = arith.addi %while3A_96, %mul3A_119 : i32
      %add3A_121 = arith.constant 0 : i32
      %add3A_122 = arith.addi %add3A_120, %add3A_121 : i32
      %add3A_123 = arith.constant 1 : i32
      %add3A_124 = arith.addi %add3A_122, %add3A_123 : i32
      %rem3A_125 = arith.constant 8 : i32
      %rem3A_126 = arith.remsi %add3A_122, %rem3A_125 : i32
      %dma_wait3A = arith.constant 0 : i32
      %dma_wait3A_127 = tpu.memref_slice %arg6[%rem3A_126, %dma_wait3A] : memref<8x80xi32, #tpu.memory_space<vmem>> -> memref<1x80xi32, #tpu.memory_space<vmem>>
      %dma_wait3A_128 = tpu.memref_squeeze %dma_wait3A_127 : memref<1x80xi32, #tpu.memory_space<vmem>> -> memref<80xi32, #tpu.memory_space<vmem>>
      %dma_wait3A_129 = arith.constant 0 : i32
      %dma_wait3A_130 = arith.constant 0 : i32
      %dma_wait3A_131 = tpu.memref_slice %arg2[%arg0, %dma_wait3A_129, %dma_wait3A_130] : memref<2x10000x64xf32, #tpu.memory_space<hbm>> -> memref<1x10000x64xf32, #tpu.memory_space<hbm>>
      %dma_wait3A_132 = tpu.memref_squeeze %dma_wait3A_131 : memref<1x10000x64xf32, #tpu.memory_space<hbm>> -> memref<10000x64xf32, #tpu.memory_space<hbm>>
      %dma_wait3A_133 = arith.constant 0 : i32
      %dma_wait3A_134 = arith.constant 0 : i32
      %dma_wait3A_135 = tpu.memref_slice %dma_wait3A_132[%dma_wait3A_133, %dma_wait3A_134] : memref<10000x64xf32, #tpu.memory_space<hbm>> -> memref<10000x64xf32, #tpu.memory_space<hbm>>
      tpu.wait_indirect_dma semaphore(%arg10 : memref<!tpu.dma_semaphore, #tpu.memory_space<semaphore_mem>>) src(%dma_wait3A_135 : memref<10000x64xf32, #tpu.memory_space<hbm>>) dst(%arg8 : memref<80x64xf32, #tpu.memory_space<vmem>>)
      %rem3A_136 = arith.constant 8 : i32
      %rem3A_137 = arith.remsi %add3A_122, %rem3A_136 : i32
      %dma_start3A_138 = arith.constant 0 : i32
      %dma_start3A_139 = tpu.memref_slice %arg7[%rem3A_137, %dma_start3A_138] : memref<8x80xi32, #tpu.memory_space<vmem>> -> memref<1x80xi32, #tpu.memory_space<vmem>>
      %dma_start3A_140 = tpu.memref_squeeze %dma_start3A_139 : memref<1x80xi32, #tpu.memory_space<vmem>> -> memref<80xi32, #tpu.memory_space<vmem>>
      %dma_start3A_141 = arith.constant 0 : i32
      %dma_start3A_142 = arith.constant 0 : i32
      %dma_start3A_143 = tpu.memref_slice %arg14[%dma_start3A_141, %dma_start3A_142] : memref<10000x64xf32, #tpu.memory_space<vmem_shared>> -> memref<10000x64xf32, #tpu.memory_space<vmem_shared>>
      tpu.enqueue_indirect_dma source(%arg8 : memref<80x64xf32, #tpu.memory_space<vmem>>) target(%dma_start3A_143 : memref<10000x64xf32, #tpu.memory_space<vmem_shared>>) offsets(%dma_start3A_140 : memref<80xi32, #tpu.memory_space<vmem>>) semaphore(%arg12 : memref<!tpu.dma_semaphore, #tpu.memory_space<semaphore_mem>>) {add = true}
      %rem3A_144 = arith.constant 8 : i32
      %rem3A_145 = arith.remsi %add3A_124, %rem3A_144 : i32
      %dma_wait3A_146 = arith.constant 0 : i32
      %dma_wait3A_147 = tpu.memref_slice %arg6[%rem3A_145, %dma_wait3A_146] : memref<8x80xi32, #tpu.memory_space<vmem>> -> memref<1x80xi32, #tpu.memory_space<vmem>>
      %dma_wait3A_148 = tpu.memref_squeeze %dma_wait3A_147 : memref<1x80xi32, #tpu.memory_space<vmem>> -> memref<80xi32, #tpu.memory_space<vmem>>
      %dma_wait3A_149 = arith.constant 0 : i32
      %dma_wait3A_150 = arith.constant 0 : i32
      %dma_wait3A_151 = tpu.memref_slice %arg2[%arg0, %dma_wait3A_149, %dma_wait3A_150] : memref<2x10000x64xf32, #tpu.memory_space<hbm>> -> memref<1x10000x64xf32, #tpu.memory_space<hbm>>
      %dma_wait3A_152 = tpu.memref_squeeze %dma_wait3A_151 : memref<1x10000x64xf32, #tpu.memory_space<hbm>> -> memref<10000x64xf32, #tpu.memory_space<hbm>>
      %dma_wait3A_153 = arith.constant 0 : i32
      %dma_wait3A_154 = arith.constant 0 : i32
      %dma_wait3A_155 = tpu.memref_slice %dma_wait3A_152[%dma_wait3A_153, %dma_wait3A_154] : memref<10000x64xf32, #tpu.memory_space<hbm>> -> memref<10000x64xf32, #tpu.memory_space<hbm>>
      tpu.wait_indirect_dma semaphore(%arg11 : memref<!tpu.dma_semaphore, #tpu.memory_space<semaphore_mem>>) src(%dma_wait3A_155 : memref<10000x64xf32, #tpu.memory_space<hbm>>) dst(%arg9 : memref<80x64xf32, #tpu.memory_space<vmem>>)
      %rem3A_156 = arith.constant 8 : i32
      %rem3A_157 = arith.remsi %add3A_124, %rem3A_156 : i32
      %dma_start3A_158 = arith.constant 0 : i32
      %dma_start3A_159 = tpu.memref_slice %arg7[%rem3A_157, %dma_start3A_158] : memref<8x80xi32, #tpu.memory_space<vmem>> -> memref<1x80xi32, #tpu.memory_space<vmem>>
      %dma_start3A_160 = tpu.memref_squeeze %dma_start3A_159 : memref<1x80xi32, #tpu.memory_space<vmem>> -> memref<80xi32, #tpu.memory_space<vmem>>
      %dma_start3A_161 = arith.constant 0 : i32
      %dma_start3A_162 = arith.constant 0 : i32
      %dma_start3A_163 = tpu.memref_slice %arg14[%dma_start3A_161, %dma_start3A_162] : memref<10000x64xf32, #tpu.memory_space<vmem_shared>> -> memref<10000x64xf32, #tpu.memory_space<vmem_shared>>
      tpu.enqueue_indirect_dma source(%arg9 : memref<80x64xf32, #tpu.memory_space<vmem>>) target(%dma_start3A_163 : memref<10000x64xf32, #tpu.memory_space<vmem_shared>>) offsets(%dma_start3A_160 : memref<80xi32, #tpu.memory_space<vmem>>) semaphore(%arg13 : memref<!tpu.dma_semaphore, #tpu.memory_space<semaphore_mem>>) {add = true}
      %rem3A_164 = arith.constant 8 : i32
      %rem3A_165 = arith.remsi %add3A_122, %rem3A_164 : i32
      %dma_wait3A_166 = arith.constant 0 : i32
      %dma_wait3A_167 = tpu.memref_slice %arg7[%rem3A_165, %dma_wait3A_166] : memref<8x80xi32, #tpu.memory_space<vmem>> -> memref<1x80xi32, #tpu.memory_space<vmem>>
      %dma_wait3A_168 = tpu.memref_squeeze %dma_wait3A_167 : memref<1x80xi32, #tpu.memory_space<vmem>> -> memref<80xi32, #tpu.memory_space<vmem>>
      %dma_wait3A_169 = arith.constant 0 : i32
      %dma_wait3A_170 = arith.constant 0 : i32
      %dma_wait3A_171 = tpu.memref_slice %arg14[%dma_wait3A_169, %dma_wait3A_170] : memref<10000x64xf32, #tpu.memory_space<vmem_shared>> -> memref<10000x64xf32, #tpu.memory_space<vmem_shared>>
      tpu.wait_indirect_dma semaphore(%arg12 : memref<!tpu.dma_semaphore, #tpu.memory_space<semaphore_mem>>) src(%arg8 : memref<80x64xf32, #tpu.memory_space<vmem>>) dst(%dma_wait3A_171 : memref<10000x64xf32, #tpu.memory_space<vmem_shared>>)
      %add3A_172 = arith.constant 2 : i32
      %add3A_173 = arith.addi %add3A_122, %add3A_172 : i32
      %rem3A_174 = arith.constant 8 : i32
      %rem3A_175 = arith.remsi %add3A_173, %rem3A_174 : i32
      %dma_start3A_176 = arith.constant 0 : i32
      %dma_start3A_177 = tpu.memref_slice %arg6[%rem3A_175, %dma_start3A_176] : memref<8x80xi32, #tpu.memory_space<vmem>> -> memref<1x80xi32, #tpu.memory_space<vmem>>
      %dma_start3A_178 = tpu.memref_squeeze %dma_start3A_177 : memref<1x80xi32, #tpu.memory_space<vmem>> -> memref<80xi32, #tpu.memory_space<vmem>>
      %dma_start3A_179 = arith.constant 0 : i32
      %dma_start3A_180 = arith.constant 0 : i32
      %dma_start3A_181 = tpu.memref_slice %arg2[%arg0, %dma_start3A_179, %dma_start3A_180] : memref<2x10000x64xf32, #tpu.memory_space<hbm>> -> memref<1x10000x64xf32, #tpu.memory_space<hbm>>
      %dma_start3A_182 = tpu.memref_squeeze %dma_start3A_181 : memref<1x10000x64xf32, #tpu.memory_space<hbm>> -> memref<10000x64xf32, #tpu.memory_space<hbm>>
      %dma_start3A_183 = arith.constant 0 : i32
      %dma_start3A_184 = arith.constant 0 : i32
      %dma_start3A_185 = tpu.memref_slice %dma_start3A_182[%dma_start3A_183, %dma_start3A_184] : memref<10000x64xf32, #tpu.memory_space<hbm>> -> memref<10000x64xf32, #tpu.memory_space<hbm>>
      tpu.enqueue_indirect_dma source(%dma_start3A_185 : memref<10000x64xf32, #tpu.memory_space<hbm>>) target(%arg8 : memref<80x64xf32, #tpu.memory_space<vmem>>) offsets(%dma_start3A_178 : memref<80xi32, #tpu.memory_space<vmem>>) semaphore(%arg10 : memref<!tpu.dma_semaphore, #tpu.memory_space<semaphore_mem>>)
      %rem3A_186 = arith.constant 8 : i32
      %rem3A_187 = arith.remsi %add3A_124, %rem3A_186 : i32
      %dma_wait3A_188 = arith.constant 0 : i32
      %dma_wait3A_189 = tpu.memref_slice %arg7[%rem3A_187, %dma_wait3A_188] : memref<8x80xi32, #tpu.memory_space<vmem>> -> memref<1x80xi32, #tpu.memory_space<vmem>>
      %dma_wait3A_190 = tpu.memref_squeeze %dma_wait3A_189 : memref<1x80xi32, #tpu.memory_space<vmem>> -> memref<80xi32, #tpu.memory_space<vmem>>
      %dma_wait3A_191 = arith.constant 0 : i32
      %dma_wait3A_192 = arith.constant 0 : i32
      %dma_wait3A_193 = tpu.memref_slice %arg14[%dma_wait3A_191, %dma_wait3A_192] : memref<10000x64xf32, #tpu.memory_space<vmem_shared>> -> memref<10000x64xf32, #tpu.memory_space<vmem_shared>>
      tpu.wait_indirect_dma semaphore(%arg13 : memref<!tpu.dma_semaphore, #tpu.memory_space<semaphore_mem>>) src(%arg9 : memref<80x64xf32, #tpu.memory_space<vmem>>) dst(%dma_wait3A_193 : memref<10000x64xf32, #tpu.memory_space<vmem_shared>>)
      %add3A_194 = arith.constant 2 : i32
      %add3A_195 = arith.addi %add3A_124, %add3A_194 : i32
      %rem3A_196 = arith.constant 8 : i32
      %rem3A_197 = arith.remsi %add3A_195, %rem3A_196 : i32
      %dma_start3A_198 = arith.constant 0 : i32
      %dma_start3A_199 = tpu.memref_slice %arg6[%rem3A_197, %dma_start3A_198] : memref<8x80xi32, #tpu.memory_space<vmem>> -> memref<1x80xi32, #tpu.memory_space<vmem>>
      %dma_start3A_200 = tpu.memref_squeeze %dma_start3A_199 : memref<1x80xi32, #tpu.memory_space<vmem>> -> memref<80xi32, #tpu.memory_space<vmem>>
      %dma_start3A_201 = arith.constant 0 : i32
      %dma_start3A_202 = arith.constant 0 : i32
      %dma_start3A_203 = tpu.memref_slice %arg2[%arg0, %dma_start3A_201, %dma_start3A_202] : memref<2x10000x64xf32, #tpu.memory_space<hbm>> -> memref<1x10000x64xf32, #tpu.memory_space<hbm>>
      %dma_start3A_204 = tpu.memref_squeeze %dma_start3A_203 : memref<1x10000x64xf32, #tpu.memory_space<hbm>> -> memref<10000x64xf32, #tpu.memory_space<hbm>>
      %dma_start3A_205 = arith.constant 0 : i32
      %dma_start3A_206 = arith.constant 0 : i32
      %dma_start3A_207 = tpu.memref_slice %dma_start3A_204[%dma_start3A_205, %dma_start3A_206] : memref<10000x64xf32, #tpu.memory_space<hbm>> -> memref<10000x64xf32, #tpu.memory_space<hbm>>
      tpu.enqueue_indirect_dma source(%dma_start3A_207 : memref<10000x64xf32, #tpu.memory_space<hbm>>) target(%arg9 : memref<80x64xf32, #tpu.memory_space<vmem>>) offsets(%dma_start3A_200 : memref<80xi32, #tpu.memory_space<vmem>>) semaphore(%arg11 : memref<!tpu.dma_semaphore, #tpu.memory_space<semaphore_mem>>)
      %add3A_208 = arith.constant 2 : i32
      %add3A_209 = arith.addi %add3A_120, %add3A_208 : i32
      %add3A_210 = arith.constant 1 : i32
      %add3A_211 = arith.addi %add3A_209, %add3A_210 : i32
      %rem3A_212 = arith.constant 8 : i32
      %rem3A_213 = arith.remsi %add3A_209, %rem3A_212 : i32
      %dma_wait3A_214 = arith.constant 0 : i32
      %dma_wait3A_215 = tpu.memref_slice %arg6[%rem3A_213, %dma_wait3A_214] : memref<8x80xi32, #tpu.memory_space<vmem>> -> memref<1x80xi32, #tpu.memory_space<vmem>>
      %dma_wait3A_216 = tpu.memref_squeeze %dma_wait3A_215 : memref<1x80xi32, #tpu.memory_space<vmem>> -> memref<80xi32, #tpu.memory_space<vmem>>
      %dma_wait3A_217 = arith.constant 0 : i32
      %dma_wait3A_218 = arith.constant 0 : i32
      %dma_wait3A_219 = tpu.memref_slice %arg2[%arg0, %dma_wait3A_217, %dma_wait3A_218] : memref<2x10000x64xf32, #tpu.memory_space<hbm>> -> memref<1x10000x64xf32, #tpu.memory_space<hbm>>
      %dma_wait3A_220 = tpu.memref_squeeze %dma_wait3A_219 : memref<1x10000x64xf32, #tpu.memory_space<hbm>> -> memref<10000x64xf32, #tpu.memory_space<hbm>>
      %dma_wait3A_221 = arith.constant 0 : i32
      %dma_wait3A_222 = arith.constant 0 : i32
      %dma_wait3A_223 = tpu.memref_slice %dma_wait3A_220[%dma_wait3A_221, %dma_wait3A_222] : memref<10000x64xf32, #tpu.memory_space<hbm>> -> memref<10000x64xf32, #tpu.memory_space<hbm>>
      tpu.wait_indirect_dma semaphore(%arg10 : memref<!tpu.dma_semaphore, #tpu.memory_space<semaphore_mem>>) src(%dma_wait3A_223 : memref<10000x64xf32, #tpu.memory_space<hbm>>) dst(%arg8 : memref<80x64xf32, #tpu.memory_space<vmem>>)
      %rem3A_224 = arith.constant 8 : i32
      %rem3A_225 = arith.remsi %add3A_209, %rem3A_224 : i32
      %dma_start3A_226 = arith.constant 0 : i32
      %dma_start3A_227 = tpu.memref_slice %arg7[%rem3A_225, %dma_start3A_226] : memref<8x80xi32, #tpu.memory_space<vmem>> -> memref<1x80xi32, #tpu.memory_space<vmem>>
      %dma_start3A_228 = tpu.memref_squeeze %dma_start3A_227 : memref<1x80xi32, #tpu.memory_space<vmem>> -> memref<80xi32, #tpu.memory_space<vmem>>
      %dma_start3A_229 = arith.constant 0 : i32
      %dma_start3A_230 = arith.constant 0 : i32
      %dma_start3A_231 = tpu.memref_slice %arg14[%dma_start3A_229, %dma_start3A_230] : memref<10000x64xf32, #tpu.memory_space<vmem_shared>> -> memref<10000x64xf32, #tpu.memory_space<vmem_shared>>
      tpu.enqueue_indirect_dma source(%arg8 : memref<80x64xf32, #tpu.memory_space<vmem>>) target(%dma_start3A_231 : memref<10000x64xf32, #tpu.memory_space<vmem_shared>>) offsets(%dma_start3A_228 : memref<80xi32, #tpu.memory_space<vmem>>) semaphore(%arg12 : memref<!tpu.dma_semaphore, #tpu.memory_space<semaphore_mem>>) {add = true}
      %rem3A_232 = arith.constant 8 : i32
      %rem3A_233 = arith.remsi %add3A_211, %rem3A_232 : i32
      %dma_wait3A_234 = arith.constant 0 : i32
      %dma_wait3A_235 = tpu.memref_slice %arg6[%rem3A_233, %dma_wait3A_234] : memref<8x80xi32, #tpu.memory_space<vmem>> -> memref<1x80xi32, #tpu.memory_space<vmem>>
      %dma_wait3A_236 = tpu.memref_squeeze %dma_wait3A_235 : memref<1x80xi32, #tpu.memory_space<vmem>> -> memref<80xi32, #tpu.memory_space<vmem>>
      %dma_wait3A_237 = arith.constant 0 : i32
      %dma_wait3A_238 = arith.constant 0 : i32
      %dma_wait3A_239 = tpu.memref_slice %arg2[%arg0, %dma_wait3A_237, %dma_wait3A_238] : memref<2x10000x64xf32, #tpu.memory_space<hbm>> -> memref<1x10000x64xf32, #tpu.memory_space<hbm>>
      %dma_wait3A_240 = tpu.memref_squeeze %dma_wait3A_239 : memref<1x10000x64xf32, #tpu.memory_space<hbm>> -> memref<10000x64xf32, #tpu.memory_space<hbm>>
      %dma_wait3A_241 = arith.constant 0 : i32
      %dma_wait3A_242 = arith.constant 0 : i32
      %dma_wait3A_243 = tpu.memref_slice %dma_wait3A_240[%dma_wait3A_241, %dma_wait3A_242] : memref<10000x64xf32, #tpu.memory_space<hbm>> -> memref<10000x64xf32, #tpu.memory_space<hbm>>
      tpu.wait_indirect_dma semaphore(%arg11 : memref<!tpu.dma_semaphore, #tpu.memory_space<semaphore_mem>>) src(%dma_wait3A_243 : memref<10000x64xf32, #tpu.memory_space<hbm>>) dst(%arg9 : memref<80x64xf32, #tpu.memory_space<vmem>>)
      %rem3A_244 = arith.constant 8 : i32
      %rem3A_245 = arith.remsi %add3A_211, %rem3A_244 : i32
      %dma_start3A_246 = arith.constant 0 : i32
      %dma_start3A_247 = tpu.memref_slice %arg7[%rem3A_245, %dma_start3A_246] : memref<8x80xi32, #tpu.memory_space<vmem>> -> memref<1x80xi32, #tpu.memory_space<vmem>>
      %dma_start3A_248 = tpu.memref_squeeze %dma_start3A_247 : memref<1x80xi32, #tpu.memory_space<vmem>> -> memref<80xi32, #tpu.memory_space<vmem>>
      %dma_start3A_249 = arith.constant 0 : i32
      %dma_start3A_250 = arith.constant 0 : i32
      %dma_start3A_251 = tpu.memref_slice %arg14[%dma_start3A_249, %dma_start3A_250] : memref<10000x64xf32, #tpu.memory_space<vmem_shared>> -> memref<10000x64xf32, #tpu.memory_space<vmem_shared>>
      tpu.enqueue_indirect_dma source(%arg9 : memref<80x64xf32, #tpu.memory_space<vmem>>) target(%dma_start3A_251 : memref<10000x64xf32, #tpu.memory_space<vmem_shared>>) offsets(%dma_start3A_248 : memref<80xi32, #tpu.memory_space<vmem>>) semaphore(%arg13 : memref<!tpu.dma_semaphore, #tpu.memory_space<semaphore_mem>>) {add = true}
      %rem3A_252 = arith.constant 8 : i32
      %rem3A_253 = arith.remsi %add3A_209, %rem3A_252 : i32
      %dma_wait3A_254 = arith.constant 0 : i32
      %dma_wait3A_255 = tpu.memref_slice %arg7[%rem3A_253, %dma_wait3A_254] : memref<8x80xi32, #tpu.memory_space<vmem>> -> memref<1x80xi32, #tpu.memory_space<vmem>>
      %dma_wait3A_256 = tpu.memref_squeeze %dma_wait3A_255 : memref<1x80xi32, #tpu.memory_space<vmem>> -> memref<80xi32, #tpu.memory_space<vmem>>
      %dma_wait3A_257 = arith.constant 0 : i32
      %dma_wait3A_258 = arith.constant 0 : i32
      %dma_wait3A_259 = tpu.memref_slice %arg14[%dma_wait3A_257, %dma_wait3A_258] : memref<10000x64xf32, #tpu.memory_space<vmem_shared>> -> memref<10000x64xf32, #tpu.memory_space<vmem_shared>>
      tpu.wait_indirect_dma semaphore(%arg12 : memref<!tpu.dma_semaphore, #tpu.memory_space<semaphore_mem>>) src(%arg8 : memref<80x64xf32, #tpu.memory_space<vmem>>) dst(%dma_wait3A_259 : memref<10000x64xf32, #tpu.memory_space<vmem_shared>>)
      %add3A_260 = arith.constant 2 : i32
      %add3A_261 = arith.addi %add3A_209, %add3A_260 : i32
      %rem3A_262 = arith.constant 8 : i32
      %rem3A_263 = arith.remsi %add3A_261, %rem3A_262 : i32
      %dma_start3A_264 = arith.constant 0 : i32
      %dma_start3A_265 = tpu.memref_slice %arg6[%rem3A_263, %dma_start3A_264] : memref<8x80xi32, #tpu.memory_space<vmem>> -> memref<1x80xi32, #tpu.memory_space<vmem>>
      %dma_start3A_266 = tpu.memref_squeeze %dma_start3A_265 : memref<1x80xi32, #tpu.memory_space<vmem>> -> memref<80xi32, #tpu.memory_space<vmem>>
      %dma_start3A_267 = arith.constant 0 : i32
      %dma_start3A_268 = arith.constant 0 : i32
      %dma_start3A_269 = tpu.memref_slice %arg2[%arg0, %dma_start3A_267, %dma_start3A_268] : memref<2x10000x64xf32, #tpu.memory_space<hbm>> -> memref<1x10000x64xf32, #tpu.memory_space<hbm>>
      %dma_start3A_270 = tpu.memref_squeeze %dma_start3A_269 : memref<1x10000x64xf32, #tpu.memory_space<hbm>> -> memref<10000x64xf32, #tpu.memory_space<hbm>>
      %dma_start3A_271 = arith.constant 0 : i32
      %dma_start3A_272 = arith.constant 0 : i32
      %dma_start3A_273 = tpu.memref_slice %dma_start3A_270[%dma_start3A_271, %dma_start3A_272] : memref<10000x64xf32, #tpu.memory_space<hbm>> -> memref<10000x64xf32, #tpu.memory_space<hbm>>
      tpu.enqueue_indirect_dma source(%dma_start3A_273 : memref<10000x64xf32, #tpu.memory_space<hbm>>) target(%arg8 : memref<80x64xf32, #tpu.memory_space<vmem>>) offsets(%dma_start3A_266 : memref<80xi32, #tpu.memory_space<vmem>>) semaphore(%arg10 : memref<!tpu.dma_semaphore, #tpu.memory_space<semaphore_mem>>)
      %rem3A_274 = arith.constant 8 : i32
      %rem3A_275 = arith.remsi %add3A_211, %rem3A_274 : i32
      %dma_wait3A_276 = arith.constant 0 : i32
      %dma_wait3A_277 = tpu.memref_slice %arg7[%rem3A_275, %dma_wait3A_276] : memref<8x80xi32, #tpu.memory_space<vmem>> -> memref<1x80xi32, #tpu.memory_space<vmem>>
      %dma_wait3A_278 = tpu.memref_squeeze %dma_wait3A_277 : memref<1x80xi32, #tpu.memory_space<vmem>> -> memref<80xi32, #tpu.memory_space<vmem>>
      %dma_wait3A_279 = arith.constant 0 : i32
      %dma_wait3A_280 = arith.constant 0 : i32
      %dma_wait3A_281 = tpu.memref_slice %arg14[%dma_wait3A_279, %dma_wait3A_280] : memref<10000x64xf32, #tpu.memory_space<vmem_shared>> -> memref<10000x64xf32, #tpu.memory_space<vmem_shared>>
      tpu.wait_indirect_dma semaphore(%arg13 : memref<!tpu.dma_semaphore, #tpu.memory_space<semaphore_mem>>) src(%arg9 : memref<80x64xf32, #tpu.memory_space<vmem>>) dst(%dma_wait3A_281 : memref<10000x64xf32, #tpu.memory_space<vmem_shared>>)
      %add3A_282 = arith.constant 2 : i32
      %add3A_283 = arith.addi %add3A_211, %add3A_282 : i32
      %rem3A_284 = arith.constant 8 : i32
      %rem3A_285 = arith.remsi %add3A_283, %rem3A_284 : i32
      %dma_start3A_286 = arith.constant 0 : i32
      %dma_start3A_287 = tpu.memref_slice %arg6[%rem3A_285, %dma_start3A_286] : memref<8x80xi32, #tpu.memory_space<vmem>> -> memref<1x80xi32, #tpu.memory_space<vmem>>
      %dma_start3A_288 = tpu.memref_squeeze %dma_start3A_287 : memref<1x80xi32, #tpu.memory_space<vmem>> -> memref<80xi32, #tpu.memory_space<vmem>>
      %dma_start3A_289 = arith.constant 0 : i32
      %dma_start3A_290 = arith.constant 0 : i32
      %dma_start3A_291 = tpu.memref_slice %arg2[%arg0, %dma_start3A_289, %dma_start3A_290] : memref<2x10000x64xf32, #tpu.memory_space<hbm>> -> memref<1x10000x64xf32, #tpu.memory_space<hbm>>
      %dma_start3A_292 = tpu.memref_squeeze %dma_start3A_291 : memref<1x10000x64xf32, #tpu.memory_space<hbm>> -> memref<10000x64xf32, #tpu.memory_space<hbm>>
      %dma_start3A_293 = arith.constant 0 : i32
      %dma_start3A_294 = arith.constant 0 : i32
      %dma_start3A_295 = tpu.memref_slice %dma_start3A_292[%dma_start3A_293, %dma_start3A_294] : memref<10000x64xf32, #tpu.memory_space<hbm>> -> memref<10000x64xf32, #tpu.memory_space<hbm>>
      tpu.enqueue_indirect_dma source(%dma_start3A_295 : memref<10000x64xf32, #tpu.memory_space<hbm>>) target(%arg9 : memref<80x64xf32, #tpu.memory_space<vmem>>) offsets(%dma_start3A_288 : memref<80xi32, #tpu.memory_space<vmem>>) semaphore(%arg11 : memref<!tpu.dma_semaphore, #tpu.memory_space<semaphore_mem>>)
      %add3A_296 = arith.constant 4 : i32
      %add3A_297 = arith.addi %add3A_120, %add3A_296 : i32
      %add3A_298 = arith.constant 1 : i32
      %add3A_299 = arith.addi %add3A_297, %add3A_298 : i32
      %rem3A_300 = arith.constant 8 : i32
      %rem3A_301 = arith.remsi %add3A_297, %rem3A_300 : i32
      %dma_wait3A_302 = arith.constant 0 : i32
      %dma_wait3A_303 = tpu.memref_slice %arg6[%rem3A_301, %dma_wait3A_302] : memref<8x80xi32, #tpu.memory_space<vmem>> -> memref<1x80xi32, #tpu.memory_space<vmem>>
      %dma_wait3A_304 = tpu.memref_squeeze %dma_wait3A_303 : memref<1x80xi32, #tpu.memory_space<vmem>> -> memref<80xi32, #tpu.memory_space<vmem>>
      %dma_wait3A_305 = arith.constant 0 : i32
      %dma_wait3A_306 = arith.constant 0 : i32
      %dma_wait3A_307 = tpu.memref_slice %arg2[%arg0, %dma_wait3A_305, %dma_wait3A_306] : memref<2x10000x64xf32, #tpu.memory_space<hbm>> -> memref<1x10000x64xf32, #tpu.memory_space<hbm>>
      %dma_wait3A_308 = tpu.memref_squeeze %dma_wait3A_307 : memref<1x10000x64xf32, #tpu.memory_space<hbm>> -> memref<10000x64xf32, #tpu.memory_space<hbm>>
      %dma_wait3A_309 = arith.constant 0 : i32
      %dma_wait3A_310 = arith.constant 0 : i32
      %dma_wait3A_311 = tpu.memref_slice %dma_wait3A_308[%dma_wait3A_309, %dma_wait3A_310] : memref<10000x64xf32, #tpu.memory_space<hbm>> -> memref<10000x64xf32, #tpu.memory_space<hbm>>
      tpu.wait_indirect_dma semaphore(%arg10 : memref<!tpu.dma_semaphore, #tpu.memory_space<semaphore_mem>>) src(%dma_wait3A_311 : memref<10000x64xf32, #tpu.memory_space<hbm>>) dst(%arg8 : memref<80x64xf32, #tpu.memory_space<vmem>>)
      %rem3A_312 = arith.constant 8 : i32
      %rem3A_313 = arith.remsi %add3A_297, %rem3A_312 : i32
      %dma_start3A_314 = arith.constant 0 : i32
      %dma_start3A_315 = tpu.memref_slice %arg7[%rem3A_313, %dma_start3A_314] : memref<8x80xi32, #tpu.memory_space<vmem>> -> memref<1x80xi32, #tpu.memory_space<vmem>>
      %dma_start3A_316 = tpu.memref_squeeze %dma_start3A_315 : memref<1x80xi32, #tpu.memory_space<vmem>> -> memref<80xi32, #tpu.memory_space<vmem>>
      %dma_start3A_317 = arith.constant 0 : i32
      %dma_start3A_318 = arith.constant 0 : i32
      %dma_start3A_319 = tpu.memref_slice %arg14[%dma_start3A_317, %dma_start3A_318] : memref<10000x64xf32, #tpu.memory_space<vmem_shared>> -> memref<10000x64xf32, #tpu.memory_space<vmem_shared>>
      tpu.enqueue_indirect_dma source(%arg8 : memref<80x64xf32, #tpu.memory_space<vmem>>) target(%dma_start3A_319 : memref<10000x64xf32, #tpu.memory_space<vmem_shared>>) offsets(%dma_start3A_316 : memref<80xi32, #tpu.memory_space<vmem>>) semaphore(%arg12 : memref<!tpu.dma_semaphore, #tpu.memory_space<semaphore_mem>>) {add = true}
      %rem3A_320 = arith.constant 8 : i32
      %rem3A_321 = arith.remsi %add3A_299, %rem3A_320 : i32
      %dma_wait3A_322 = arith.constant 0 : i32
      %dma_wait3A_323 = tpu.memref_slice %arg6[%rem3A_321, %dma_wait3A_322] : memref<8x80xi32, #tpu.memory_space<vmem>> -> memref<1x80xi32, #tpu.memory_space<vmem>>
      %dma_wait3A_324 = tpu.memref_squeeze %dma_wait3A_323 : memref<1x80xi32, #tpu.memory_space<vmem>> -> memref<80xi32, #tpu.memory_space<vmem>>
      %dma_wait3A_325 = arith.constant 0 : i32
      %dma_wait3A_326 = arith.constant 0 : i32
      %dma_wait3A_327 = tpu.memref_slice %arg2[%arg0, %dma_wait3A_325, %dma_wait3A_326] : memref<2x10000x64xf32, #tpu.memory_space<hbm>> -> memref<1x10000x64xf32, #tpu.memory_space<hbm>>
      %dma_wait3A_328 = tpu.memref_squeeze %dma_wait3A_327 : memref<1x10000x64xf32, #tpu.memory_space<hbm>> -> memref<10000x64xf32, #tpu.memory_space<hbm>>
      %dma_wait3A_329 = arith.constant 0 : i32
      %dma_wait3A_330 = arith.constant 0 : i32
      %dma_wait3A_331 = tpu.memref_slice %dma_wait3A_328[%dma_wait3A_329, %dma_wait3A_330] : memref<10000x64xf32, #tpu.memory_space<hbm>> -> memref<10000x64xf32, #tpu.memory_space<hbm>>
      tpu.wait_indirect_dma semaphore(%arg11 : memref<!tpu.dma_semaphore, #tpu.memory_space<semaphore_mem>>) src(%dma_wait3A_331 : memref<10000x64xf32, #tpu.memory_space<hbm>>) dst(%arg9 : memref<80x64xf32, #tpu.memory_space<vmem>>)
      %rem3A_332 = arith.constant 8 : i32
      %rem3A_333 = arith.remsi %add3A_299, %rem3A_332 : i32
      %dma_start3A_334 = arith.constant 0 : i32
      %dma_start3A_335 = tpu.memref_slice %arg7[%rem3A_333, %dma_start3A_334] : memref<8x80xi32, #tpu.memory_space<vmem>> -> memref<1x80xi32, #tpu.memory_space<vmem>>
      %dma_start3A_336 = tpu.memref_squeeze %dma_start3A_335 : memref<1x80xi32, #tpu.memory_space<vmem>> -> memref<80xi32, #tpu.memory_space<vmem>>
      %dma_start3A_337 = arith.constant 0 : i32
      %dma_start3A_338 = arith.constant 0 : i32
      %dma_start3A_339 = tpu.memref_slice %arg14[%dma_start3A_337, %dma_start3A_338] : memref<10000x64xf32, #tpu.memory_space<vmem_shared>> -> memref<10000x64xf32, #tpu.memory_space<vmem_shared>>
      tpu.enqueue_indirect_dma source(%arg9 : memref<80x64xf32, #tpu.memory_space<vmem>>) target(%dma_start3A_339 : memref<10000x64xf32, #tpu.memory_space<vmem_shared>>) offsets(%dma_start3A_336 : memref<80xi32, #tpu.memory_space<vmem>>) semaphore(%arg13 : memref<!tpu.dma_semaphore, #tpu.memory_space<semaphore_mem>>) {add = true}
      %rem3A_340 = arith.constant 8 : i32
      %rem3A_341 = arith.remsi %add3A_297, %rem3A_340 : i32
      %dma_wait3A_342 = arith.constant 0 : i32
      %dma_wait3A_343 = tpu.memref_slice %arg7[%rem3A_341, %dma_wait3A_342] : memref<8x80xi32, #tpu.memory_space<vmem>> -> memref<1x80xi32, #tpu.memory_space<vmem>>
      %dma_wait3A_344 = tpu.memref_squeeze %dma_wait3A_343 : memref<1x80xi32, #tpu.memory_space<vmem>> -> memref<80xi32, #tpu.memory_space<vmem>>
      %dma_wait3A_345 = arith.constant 0 : i32
      %dma_wait3A_346 = arith.constant 0 : i32
      %dma_wait3A_347 = tpu.memref_slice %arg14[%dma_wait3A_345, %dma_wait3A_346] : memref<10000x64xf32, #tpu.memory_space<vmem_shared>> -> memref<10000x64xf32, #tpu.memory_space<vmem_shared>>
      tpu.wait_indirect_dma semaphore(%arg12 : memref<!tpu.dma_semaphore, #tpu.memory_space<semaphore_mem>>) src(%arg8 : memref<80x64xf32, #tpu.memory_space<vmem>>) dst(%dma_wait3A_347 : memref<10000x64xf32, #tpu.memory_space<vmem_shared>>)
      %add3A_348 = arith.constant 2 : i32
      %add3A_349 = arith.addi %add3A_297, %add3A_348 : i32
      %rem3A_350 = arith.constant 8 : i32
      %rem3A_351 = arith.remsi %add3A_349, %rem3A_350 : i32
      %dma_start3A_352 = arith.constant 0 : i32
      %dma_start3A_353 = tpu.memref_slice %arg6[%rem3A_351, %dma_start3A_352] : memref<8x80xi32, #tpu.memory_space<vmem>> -> memref<1x80xi32, #tpu.memory_space<vmem>>
      %dma_start3A_354 = tpu.memref_squeeze %dma_start3A_353 : memref<1x80xi32, #tpu.memory_space<vmem>> -> memref<80xi32, #tpu.memory_space<vmem>>
      %dma_start3A_355 = arith.constant 0 : i32
      %dma_start3A_356 = arith.constant 0 : i32
      %dma_start3A_357 = tpu.memref_slice %arg2[%arg0, %dma_start3A_355, %dma_start3A_356] : memref<2x10000x64xf32, #tpu.memory_space<hbm>> -> memref<1x10000x64xf32, #tpu.memory_space<hbm>>
      %dma_start3A_358 = tpu.memref_squeeze %dma_start3A_357 : memref<1x10000x64xf32, #tpu.memory_space<hbm>> -> memref<10000x64xf32, #tpu.memory_space<hbm>>
      %dma_start3A_359 = arith.constant 0 : i32
      %dma_start3A_360 = arith.constant 0 : i32
      %dma_start3A_361 = tpu.memref_slice %dma_start3A_358[%dma_start3A_359, %dma_start3A_360] : memref<10000x64xf32, #tpu.memory_space<hbm>> -> memref<10000x64xf32, #tpu.memory_space<hbm>>
      tpu.enqueue_indirect_dma source(%dma_start3A_361 : memref<10000x64xf32, #tpu.memory_space<hbm>>) target(%arg8 : memref<80x64xf32, #tpu.memory_space<vmem>>) offsets(%dma_start3A_354 : memref<80xi32, #tpu.memory_space<vmem>>) semaphore(%arg10 : memref<!tpu.dma_semaphore, #tpu.memory_space<semaphore_mem>>)
      %rem3A_362 = arith.constant 8 : i32
      %rem3A_363 = arith.remsi %add3A_299, %rem3A_362 : i32
      %dma_wait3A_364 = arith.constant 0 : i32
      %dma_wait3A_365 = tpu.memref_slice %arg7[%rem3A_363, %dma_wait3A_364] : memref<8x80xi32, #tpu.memory_space<vmem>> -> memref<1x80xi32, #tpu.memory_space<vmem>>
      %dma_wait3A_366 = tpu.memref_squeeze %dma_wait3A_365 : memref<1x80xi32, #tpu.memory_space<vmem>> -> memref<80xi32, #tpu.memory_space<vmem>>
      %dma_wait3A_367 = arith.constant 0 : i32
      %dma_wait3A_368 = arith.constant 0 : i32
      %dma_wait3A_369 = tpu.memref_slice %arg14[%dma_wait3A_367, %dma_wait3A_368] : memref<10000x64xf32, #tpu.memory_space<vmem_shared>> -> memref<10000x64xf32, #tpu.memory_space<vmem_shared>>
      tpu.wait_indirect_dma semaphore(%arg13 : memref<!tpu.dma_semaphore, #tpu.memory_space<semaphore_mem>>) src(%arg9 : memref<80x64xf32, #tpu.memory_space<vmem>>) dst(%dma_wait3A_369 : memref<10000x64xf32, #tpu.memory_space<vmem_shared>>)
      %add3A_370 = arith.constant 2 : i32
      %add3A_371 = arith.addi %add3A_299, %add3A_370 : i32
      %rem3A_372 = arith.constant 8 : i32
      %rem3A_373 = arith.remsi %add3A_371, %rem3A_372 : i32
      %dma_start3A_374 = arith.constant 0 : i32
      %dma_start3A_375 = tpu.memref_slice %arg6[%rem3A_373, %dma_start3A_374] : memref<8x80xi32, #tpu.memory_space<vmem>> -> memref<1x80xi32, #tpu.memory_space<vmem>>
      %dma_start3A_376 = tpu.memref_squeeze %dma_start3A_375 : memref<1x80xi32, #tpu.memory_space<vmem>> -> memref<80xi32, #tpu.memory_space<vmem>>
      %dma_start3A_377 = arith.constant 0 : i32
      %dma_start3A_378 = arith.constant 0 : i32
      %dma_start3A_379 = tpu.memref_slice %arg2[%arg0, %dma_start3A_377, %dma_start3A_378] : memref<2x10000x64xf32, #tpu.memory_space<hbm>> -> memref<1x10000x64xf32, #tpu.memory_space<hbm>>
      %dma_start3A_380 = tpu.memref_squeeze %dma_start3A_379 : memref<1x10000x64xf32, #tpu.memory_space<hbm>> -> memref<10000x64xf32, #tpu.memory_space<hbm>>
      %dma_start3A_381 = arith.constant 0 : i32
      %dma_start3A_382 = arith.constant 0 : i32
      %dma_start3A_383 = tpu.memref_slice %dma_start3A_380[%dma_start3A_381, %dma_start3A_382] : memref<10000x64xf32, #tpu.memory_space<hbm>> -> memref<10000x64xf32, #tpu.memory_space<hbm>>
      tpu.enqueue_indirect_dma source(%dma_start3A_383 : memref<10000x64xf32, #tpu.memory_space<hbm>>) target(%arg9 : memref<80x64xf32, #tpu.memory_space<vmem>>) offsets(%dma_start3A_376 : memref<80xi32, #tpu.memory_space<vmem>>) semaphore(%arg11 : memref<!tpu.dma_semaphore, #tpu.memory_space<semaphore_mem>>)
      %add3A_384 = arith.constant 6 : i32
      %add3A_385 = arith.addi %add3A_120, %add3A_384 : i32
      %add3A_386 = arith.constant 1 : i32
      %add3A_387 = arith.addi %add3A_385, %add3A_386 : i32
      %rem3A_388 = arith.constant 8 : i32
      %rem3A_389 = arith.remsi %add3A_385, %rem3A_388 : i32
      %dma_wait3A_390 = arith.constant 0 : i32
      %dma_wait3A_391 = tpu.memref_slice %arg6[%rem3A_389, %dma_wait3A_390] : memref<8x80xi32, #tpu.memory_space<vmem>> -> memref<1x80xi32, #tpu.memory_space<vmem>>
      %dma_wait3A_392 = tpu.memref_squeeze %dma_wait3A_391 : memref<1x80xi32, #tpu.memory_space<vmem>> -> memref<80xi32, #tpu.memory_space<vmem>>
      %dma_wait3A_393 = arith.constant 0 : i32
      %dma_wait3A_394 = arith.constant 0 : i32
      %dma_wait3A_395 = tpu.memref_slice %arg2[%arg0, %dma_wait3A_393, %dma_wait3A_394] : memref<2x10000x64xf32, #tpu.memory_space<hbm>> -> memref<1x10000x64xf32, #tpu.memory_space<hbm>>
      %dma_wait3A_396 = tpu.memref_squeeze %dma_wait3A_395 : memref<1x10000x64xf32, #tpu.memory_space<hbm>> -> memref<10000x64xf32, #tpu.memory_space<hbm>>
      %dma_wait3A_397 = arith.constant 0 : i32
      %dma_wait3A_398 = arith.constant 0 : i32
      %dma_wait3A_399 = tpu.memref_slice %dma_wait3A_396[%dma_wait3A_397, %dma_wait3A_398] : memref<10000x64xf32, #tpu.memory_space<hbm>> -> memref<10000x64xf32, #tpu.memory_space<hbm>>
      tpu.wait_indirect_dma semaphore(%arg10 : memref<!tpu.dma_semaphore, #tpu.memory_space<semaphore_mem>>) src(%dma_wait3A_399 : memref<10000x64xf32, #tpu.memory_space<hbm>>) dst(%arg8 : memref<80x64xf32, #tpu.memory_space<vmem>>)
      %rem3A_400 = arith.constant 8 : i32
      %rem3A_401 = arith.remsi %add3A_385, %rem3A_400 : i32
      %dma_start3A_402 = arith.constant 0 : i32
      %dma_start3A_403 = tpu.memref_slice %arg7[%rem3A_401, %dma_start3A_402] : memref<8x80xi32, #tpu.memory_space<vmem>> -> memref<1x80xi32, #tpu.memory_space<vmem>>
      %dma_start3A_404 = tpu.memref_squeeze %dma_start3A_403 : memref<1x80xi32, #tpu.memory_space<vmem>> -> memref<80xi32, #tpu.memory_space<vmem>>
      %dma_start3A_405 = arith.constant 0 : i32
      %dma_start3A_406 = arith.constant 0 : i32
      %dma_start3A_407 = tpu.memref_slice %arg14[%dma_start3A_405, %dma_start3A_406] : memref<10000x64xf32, #tpu.memory_space<vmem_shared>> -> memref<10000x64xf32, #tpu.memory_space<vmem_shared>>
      tpu.enqueue_indirect_dma source(%arg8 : memref<80x64xf32, #tpu.memory_space<vmem>>) target(%dma_start3A_407 : memref<10000x64xf32, #tpu.memory_space<vmem_shared>>) offsets(%dma_start3A_404 : memref<80xi32, #tpu.memory_space<vmem>>) semaphore(%arg12 : memref<!tpu.dma_semaphore, #tpu.memory_space<semaphore_mem>>) {add = true}
      %rem3A_408 = arith.constant 8 : i32
      %rem3A_409 = arith.remsi %add3A_387, %rem3A_408 : i32
      %dma_wait3A_410 = arith.constant 0 : i32
      %dma_wait3A_411 = tpu.memref_slice %arg6[%rem3A_409, %dma_wait3A_410] : memref<8x80xi32, #tpu.memory_space<vmem>> -> memref<1x80xi32, #tpu.memory_space<vmem>>
      %dma_wait3A_412 = tpu.memref_squeeze %dma_wait3A_411 : memref<1x80xi32, #tpu.memory_space<vmem>> -> memref<80xi32, #tpu.memory_space<vmem>>
      %dma_wait3A_413 = arith.constant 0 : i32
      %dma_wait3A_414 = arith.constant 0 : i32
      %dma_wait3A_415 = tpu.memref_slice %arg2[%arg0, %dma_wait3A_413, %dma_wait3A_414] : memref<2x10000x64xf32, #tpu.memory_space<hbm>> -> memref<1x10000x64xf32, #tpu.memory_space<hbm>>
      %dma_wait3A_416 = tpu.memref_squeeze %dma_wait3A_415 : memref<1x10000x64xf32, #tpu.memory_space<hbm>> -> memref<10000x64xf32, #tpu.memory_space<hbm>>
      %dma_wait3A_417 = arith.constant 0 : i32
      %dma_wait3A_418 = arith.constant 0 : i32
      %dma_wait3A_419 = tpu.memref_slice %dma_wait3A_416[%dma_wait3A_417, %dma_wait3A_418] : memref<10000x64xf32, #tpu.memory_space<hbm>> -> memref<10000x64xf32, #tpu.memory_space<hbm>>
      tpu.wait_indirect_dma semaphore(%arg11 : memref<!tpu.dma_semaphore, #tpu.memory_space<semaphore_mem>>) src(%dma_wait3A_419 : memref<10000x64xf32, #tpu.memory_space<hbm>>) dst(%arg9 : memref<80x64xf32, #tpu.memory_space<vmem>>)
      %rem3A_420 = arith.constant 8 : i32
      %rem3A_421 = arith.remsi %add3A_387, %rem3A_420 : i32
      %dma_start3A_422 = arith.constant 0 : i32
      %dma_start3A_423 = tpu.memref_slice %arg7[%rem3A_421, %dma_start3A_422] : memref<8x80xi32, #tpu.memory_space<vmem>> -> memref<1x80xi32, #tpu.memory_space<vmem>>
      %dma_start3A_424 = tpu.memref_squeeze %dma_start3A_423 : memref<1x80xi32, #tpu.memory_space<vmem>> -> memref<80xi32, #tpu.memory_space<vmem>>
      %dma_start3A_425 = arith.constant 0 : i32
      %dma_start3A_426 = arith.constant 0 : i32
      %dma_start3A_427 = tpu.memref_slice %arg14[%dma_start3A_425, %dma_start3A_426] : memref<10000x64xf32, #tpu.memory_space<vmem_shared>> -> memref<10000x64xf32, #tpu.memory_space<vmem_shared>>
      tpu.enqueue_indirect_dma source(%arg9 : memref<80x64xf32, #tpu.memory_space<vmem>>) target(%dma_start3A_427 : memref<10000x64xf32, #tpu.memory_space<vmem_shared>>) offsets(%dma_start3A_424 : memref<80xi32, #tpu.memory_space<vmem>>) semaphore(%arg13 : memref<!tpu.dma_semaphore, #tpu.memory_space<semaphore_mem>>) {add = true}
      %rem3A_428 = arith.constant 8 : i32
      %rem3A_429 = arith.remsi %add3A_385, %rem3A_428 : i32
      %dma_wait3A_430 = arith.constant 0 : i32
      %dma_wait3A_431 = tpu.memref_slice %arg7[%rem3A_429, %dma_wait3A_430] : memref<8x80xi32, #tpu.memory_space<vmem>> -> memref<1x80xi32, #tpu.memory_space<vmem>>
      %dma_wait3A_432 = tpu.memref_squeeze %dma_wait3A_431 : memref<1x80xi32, #tpu.memory_space<vmem>> -> memref<80xi32, #tpu.memory_space<vmem>>
      %dma_wait3A_433 = arith.constant 0 : i32
      %dma_wait3A_434 = arith.constant 0 : i32
      %dma_wait3A_435 = tpu.memref_slice %arg14[%dma_wait3A_433, %dma_wait3A_434] : memref<10000x64xf32, #tpu.memory_space<vmem_shared>> -> memref<10000x64xf32, #tpu.memory_space<vmem_shared>>
      tpu.wait_indirect_dma semaphore(%arg12 : memref<!tpu.dma_semaphore, #tpu.memory_space<semaphore_mem>>) src(%arg8 : memref<80x64xf32, #tpu.memory_space<vmem>>) dst(%dma_wait3A_435 : memref<10000x64xf32, #tpu.memory_space<vmem_shared>>)
      %rem3A_436 = arith.constant 8 : i32
      %rem3A_437 = arith.remsi %add3A_387, %rem3A_436 : i32
      %dma_wait3A_438 = arith.constant 0 : i32
      %dma_wait3A_439 = tpu.memref_slice %arg7[%rem3A_437, %dma_wait3A_438] : memref<8x80xi32, #tpu.memory_space<vmem>> -> memref<1x80xi32, #tpu.memory_space<vmem>>
      %dma_wait3A_440 = tpu.memref_squeeze %dma_wait3A_439 : memref<1x80xi32, #tpu.memory_space<vmem>> -> memref<80xi32, #tpu.memory_space<vmem>>
      %dma_wait3A_441 = arith.constant 0 : i32
      %dma_wait3A_442 = arith.constant 0 : i32
      %dma_wait3A_443 = tpu.memref_slice %arg14[%dma_wait3A_441, %dma_wait3A_442] : memref<10000x64xf32, #tpu.memory_space<vmem_shared>> -> memref<10000x64xf32, #tpu.memory_space<vmem_shared>>
      tpu.wait_indirect_dma semaphore(%arg13 : memref<!tpu.dma_semaphore, #tpu.memory_space<semaphore_mem>>) src(%arg9 : memref<80x64xf32, #tpu.memory_space<vmem>>) dst(%dma_wait3A_443 : memref<10000x64xf32, #tpu.memory_space<vmem_shared>>)
      %add3A_444 = arith.constant 8 : i32
      %add3A_445 = arith.addi %add3A_120, %add3A_444 : i32
      %lt3A_446 = arith.cmpi slt, %add3A_445, %select_n3A : i32
      %convert_element_type3A_447 = arith.extui %lt3A_446 : i1 to i32
      %cond3A_448 = arith.constant 0 : i32
      %cond3A_449 = arith.cmpi ne, %convert_element_type3A_447, %cond3A_448 : i32
      scf.if %cond3A_449 {
        %add3A_450 = arith.constant 8 : i32
        %add3A_451 = arith.addi %add3A_120, %add3A_450 : i32
        %add3A_452 = arith.addi %mul3A_0, %add3A_451 : i32
        "tpu.region"() ({
          %run_scoped3A = tpu.sem_alloc : memref<!tpu.dma_semaphore, #tpu.memory_space<semaphore_mem>>
          %dma_start3A_482 = arith.constant 0 : i32
          %dma_start3A_483 = tpu.memref_slice %arg3[%add3A_452, %dma_start3A_482] : memref<4000x80xi32, #tpu.memory_space<hbm>> -> memref<8x80xi32, #tpu.memory_space<hbm>>
          %dma_start3A_484 = arith.constant 0 : i32
          %dma_start3A_485 = tpu.memref_slice %arg3[%add3A_452, %dma_start3A_484] : memref<4000x80xi32, #tpu.memory_space<hbm>> -> memref<8x80xi32, #tpu.memory_space<hbm>>
          tpu.enqueue_dma source(%dma_start3A_485 : memref<8x80xi32, #tpu.memory_space<hbm>>) target(%arg6 : memref<8x80xi32, #tpu.memory_space<vmem>>) target_semaphore(%run_scoped3A : memref<!tpu.dma_semaphore, #tpu.memory_space<semaphore_mem>>)
          %dma_wait3A_486 = arith.constant 0 : i32
          %dma_wait3A_487 = tpu.memref_slice %arg3[%add3A_452, %dma_wait3A_486] : memref<4000x80xi32, #tpu.memory_space<hbm>> -> memref<8x80xi32, #tpu.memory_space<hbm>>
          %dma_wait3A_488 = arith.constant 0 : i32
          %dma_wait3A_489 = tpu.memref_slice %arg3[%add3A_452, %dma_wait3A_488] : memref<4000x80xi32, #tpu.memory_space<hbm>> -> memref<8x80xi32, #tpu.memory_space<hbm>>
          tpu.wait_dma2 semaphore(%run_scoped3A : memref<!tpu.dma_semaphore, #tpu.memory_space<semaphore_mem>>) src(%dma_wait3A_489 : memref<8x80xi32, #tpu.memory_space<hbm>>) dst(%arg6 : memref<8x80xi32, #tpu.memory_space<vmem>>)
          tpu.yield
        }) : () -> ()
        %add3A_453 = arith.addi %mul3A_0, %add3A_451 : i32
        "tpu.region"() ({
          %run_scoped3A = tpu.sem_alloc : memref<!tpu.dma_semaphore, #tpu.memory_space<semaphore_mem>>
          %dma_start3A_482 = arith.constant 0 : i32
          %dma_start3A_483 = tpu.memref_slice %arg4[%add3A_453, %dma_start3A_482] : memref<4000x80xi32, #tpu.memory_space<hbm>> -> memref<8x80xi32, #tpu.memory_space<hbm>>
          %dma_start3A_484 = arith.constant 0 : i32
          %dma_start3A_485 = tpu.memref_slice %arg4[%add3A_453, %dma_start3A_484] : memref<4000x80xi32, #tpu.memory_space<hbm>> -> memref<8x80xi32, #tpu.memory_space<hbm>>
          tpu.enqueue_dma source(%dma_start3A_485 : memref<8x80xi32, #tpu.memory_space<hbm>>) target(%arg7 : memref<8x80xi32, #tpu.memory_space<vmem>>) target_semaphore(%run_scoped3A : memref<!tpu.dma_semaphore, #tpu.memory_space<semaphore_mem>>)
          %dma_wait3A_486 = arith.constant 0 : i32
          %dma_wait3A_487 = tpu.memref_slice %arg4[%add3A_453, %dma_wait3A_486] : memref<4000x80xi32, #tpu.memory_space<hbm>> -> memref<8x80xi32, #tpu.memory_space<hbm>>
          %dma_wait3A_488 = arith.constant 0 : i32
          %dma_wait3A_489 = tpu.memref_slice %arg4[%add3A_453, %dma_wait3A_488] : memref<4000x80xi32, #tpu.memory_space<hbm>> -> memref<8x80xi32, #tpu.memory_space<hbm>>
          tpu.wait_dma2 semaphore(%run_scoped3A : memref<!tpu.dma_semaphore, #tpu.memory_space<semaphore_mem>>) src(%dma_wait3A_489 : memref<8x80xi32, #tpu.memory_space<hbm>>) dst(%arg7 : memref<8x80xi32, #tpu.memory_space<vmem>>)
          tpu.yield
        }) : () -> ()
        %add3A_454 = arith.constant 2 : i32
        %add3A_455 = arith.addi %add3A_385, %add3A_454 : i32
        %rem3A_456 = arith.constant 8 : i32
        %rem3A_457 = arith.remsi %add3A_455, %rem3A_456 : i32
        %dma_start3A_458 = arith.constant 0 : i32
        %dma_start3A_459 = tpu.memref_slice %arg6[%rem3A_457, %dma_start3A_458] : memref<8x80xi32, #tpu.memory_space<vmem>> -> memref<1x80xi32, #tpu.memory_space<vmem>>
        %dma_start3A_460 = tpu.memref_squeeze %dma_start3A_459 : memref<1x80xi32, #tpu.memory_space<vmem>> -> memref<80xi32, #tpu.memory_space<vmem>>
        %dma_start3A_461 = arith.constant 0 : i32
        %dma_start3A_462 = arith.constant 0 : i32
        %dma_start3A_463 = tpu.memref_slice %arg2[%arg0, %dma_start3A_461, %dma_start3A_462] : memref<2x10000x64xf32, #tpu.memory_space<hbm>> -> memref<1x10000x64xf32, #tpu.memory_space<hbm>>
        %dma_start3A_464 = tpu.memref_squeeze %dma_start3A_463 : memref<1x10000x64xf32, #tpu.memory_space<hbm>> -> memref<10000x64xf32, #tpu.memory_space<hbm>>
        %dma_start3A_465 = arith.constant 0 : i32
        %dma_start3A_466 = arith.constant 0 : i32
        %dma_start3A_467 = tpu.memref_slice %dma_start3A_464[%dma_start3A_465, %dma_start3A_466] : memref<10000x64xf32, #tpu.memory_space<hbm>> -> memref<10000x64xf32, #tpu.memory_space<hbm>>
        tpu.enqueue_indirect_dma source(%dma_start3A_467 : memref<10000x64xf32, #tpu.memory_space<hbm>>) target(%arg8 : memref<80x64xf32, #tpu.memory_space<vmem>>) offsets(%dma_start3A_460 : memref<80xi32, #tpu.memory_space<vmem>>) semaphore(%arg10 : memref<!tpu.dma_semaphore, #tpu.memory_space<semaphore_mem>>)
        %add3A_468 = arith.constant 2 : i32
        %add3A_469 = arith.addi %add3A_387, %add3A_468 : i32
        %rem3A_470 = arith.constant 8 : i32
        %rem3A_471 = arith.remsi %add3A_469, %rem3A_470 : i32
        %dma_start3A_472 = arith.constant 0 : i32
        %dma_start3A_473 = tpu.memref_slice %arg6[%rem3A_471, %dma_start3A_472] : memref<8x80xi32, #tpu.memory_space<vmem>> -> memref<1x80xi32, #tpu.memory_space<vmem>>
        %dma_start3A_474 = tpu.memref_squeeze %dma_start3A_473 : memref<1x80xi32, #tpu.memory_space<vmem>> -> memref<80xi32, #tpu.memory_space<vmem>>
        %dma_start3A_475 = arith.constant 0 : i32
        %dma_start3A_476 = arith.constant 0 : i32
        %dma_start3A_477 = tpu.memref_slice %arg2[%arg0, %dma_start3A_475, %dma_start3A_476] : memref<2x10000x64xf32, #tpu.memory_space<hbm>> -> memref<1x10000x64xf32, #tpu.memory_space<hbm>>
        %dma_start3A_478 = tpu.memref_squeeze %dma_start3A_477 : memref<1x10000x64xf32, #tpu.memory_space<hbm>> -> memref<10000x64xf32, #tpu.memory_space<hbm>>
        %dma_start3A_479 = arith.constant 0 : i32
        %dma_start3A_480 = arith.constant 0 : i32
        %dma_start3A_481 = tpu.memref_slice %dma_start3A_478[%dma_start3A_479, %dma_start3A_480] : memref<10000x64xf32, #tpu.memory_space<hbm>> -> memref<10000x64xf32, #tpu.memory_space<hbm>>
        tpu.enqueue_indirect_dma source(%dma_start3A_481 : memref<10000x64xf32, #tpu.memory_space<hbm>>) target(%arg9 : memref<80x64xf32, #tpu.memory_space<vmem>>) offsets(%dma_start3A_474 : memref<80xi32, #tpu.memory_space<vmem>>) semaphore(%arg11 : memref<!tpu.dma_semaphore, #tpu.memory_space<semaphore_mem>>)
      } else {
      }
    }
    %barrier3A_106 = arith.constant 0 : index
    tpu.barrier barrier_id(%barrier3A_106)
    %mul3A_107 = arith.constant 640 : i32
    %mul3A_108 = arith.muli %arg1, %mul3A_107 : i32
    %lt3A_109 = arith.constant 15 : i32
    %lt3A_110 = arith.cmpi slt, %arg1, %lt3A_109 : i32
    %convert_element_type3A_111 = arith.extui %lt3A_110 : i1 to i32
    %cond3A_112 = arith.constant 0 : i32
    %cond3A_113 = arith.cmpi ne, %convert_element_type3A_111, %cond3A_112 : i32
    scf.if %cond3A_113 {
      "tpu.region"() ({
        %run_scoped3A = tpu.sem_alloc : memref<!tpu.dma_semaphore, #tpu.memory_space<semaphore_mem>>
        %dma_start3A_118 = arith.constant 0 : i32
        %dma_start3A_119 = tpu.memref_slice %arg5[%arg0, %mul3A_108, %dma_start3A_118] : memref<2x10000x64xf32, #tpu.memory_space<hbm>> -> memref<1x640x64xf32, #tpu.memory_space<hbm>>
        %dma_start3A_120 = tpu.memref_squeeze %dma_start3A_119 : memref<1x640x64xf32, #tpu.memory_space<hbm>> -> memref<640x64xf32, #tpu.memory_space<hbm>>
        %dma_start3A_121 = arith.constant 0 : i32
        %dma_start3A_122 = tpu.memref_slice %arg14[%mul3A_108, %dma_start3A_121] : memref<10000x64xf32, #tpu.memory_space<vmem_shared>> -> memref<640x64xf32, #tpu.memory_space<vmem_shared>>
        tpu.enqueue_dma source(%dma_start3A_122 : memref<640x64xf32, #tpu.memory_space<vmem_shared>>) target(%dma_start3A_120 : memref<640x64xf32, #tpu.memory_space<hbm>>) target_semaphore(%run_scoped3A : memref<!tpu.dma_semaphore, #tpu.memory_space<semaphore_mem>>)
        %dma_wait3A = arith.constant 0 : i32
        %dma_wait3A_123 = tpu.memref_slice %arg5[%arg0, %mul3A_108, %dma_wait3A] : memref<2x10000x64xf32, #tpu.memory_space<hbm>> -> memref<1x640x64xf32, #tpu.memory_space<hbm>>
        %dma_wait3A_124 = tpu.memref_squeeze %dma_wait3A_123 : memref<1x640x64xf32, #tpu.memory_space<hbm>> -> memref<640x64xf32, #tpu.memory_space<hbm>>
        %dma_wait3A_125 = arith.constant 0 : i32
        %dma_wait3A_126 = tpu.memref_slice %arg14[%mul3A_108, %dma_wait3A_125] : memref<10000x64xf32, #tpu.memory_space<vmem_shared>> -> memref<640x64xf32, #tpu.memory_space<vmem_shared>>
        tpu.wait_dma2 semaphore(%run_scoped3A : memref<!tpu.dma_semaphore, #tpu.memory_space<semaphore_mem>>) src(%dma_wait3A_126 : memref<640x64xf32, #tpu.memory_space<vmem_shared>>) dst(%dma_wait3A_124 : memref<640x64xf32, #tpu.memory_space<hbm>>)
        tpu.yield
      }) : () -> ()
    } else {
    }
    %eq3A = arith.constant 15 : i32
    %eq3A_114 = arith.cmpi eq, %arg1, %eq3A : i32
    %convert_element_type3A_115 = arith.extui %eq3A_114 : i1 to i32
    %cond3A_116 = arith.constant 0 : i32
    %cond3A_117 = arith.cmpi ne, %convert_element_type3A_115, %cond3A_116 : i32
    scf.if %cond3A_117 {
      "tpu.region"() ({
        %run_scoped3A = tpu.sem_alloc : memref<!tpu.dma_semaphore, #tpu.memory_space<semaphore_mem>>
        %dma_start3A_118 = arith.constant 9600 : i32
        %dma_start3A_119 = arith.constant 0 : i32
        %dma_start3A_120 = tpu.memref_slice %arg5[%arg0, %dma_start3A_118, %dma_start3A_119] : memref<2x10000x64xf32, #tpu.memory_space<hbm>> -> memref<1x400x64xf32, #tpu.memory_space<hbm>>
        %dma_start3A_121 = tpu.memref_squeeze %dma_start3A_120 : memref<1x400x64xf32, #tpu.memory_space<hbm>> -> memref<400x64xf32, #tpu.memory_space<hbm>>
        %dma_start3A_122 = arith.constant 9600 : i32
        %dma_start3A_123 = arith.constant 0 : i32
        %dma_start3A_124 = tpu.memref_slice %arg14[%dma_start3A_122, %dma_start3A_123] : memref<10000x64xf32, #tpu.memory_space<vmem_shared>> -> memref<400x64xf32, #tpu.memory_space<vmem_shared>>
        tpu.enqueue_dma source(%dma_start3A_124 : memref<400x64xf32, #tpu.memory_space<vmem_shared>>) target(%dma_start3A_121 : memref<400x64xf32, #tpu.memory_space<hbm>>) target_semaphore(%run_scoped3A : memref<!tpu.dma_semaphore, #tpu.memory_space<semaphore_mem>>)
        %dma_wait3A = arith.constant 9600 : i32
        %dma_wait3A_125 = arith.constant 0 : i32
        %dma_wait3A_126 = tpu.memref_slice %arg5[%arg0, %dma_wait3A, %dma_wait3A_125] : memref<2x10000x64xf32, #tpu.memory_space<hbm>> -> memref<1x400x64xf32, #tpu.memory_space<hbm>>
        %dma_wait3A_127 = tpu.memref_squeeze %dma_wait3A_126 : memref<1x400x64xf32, #tpu.memory_space<hbm>> -> memref<400x64xf32, #tpu.memory_space<hbm>>
        %dma_wait3A_128 = arith.constant 9600 : i32
        %dma_wait3A_129 = arith.constant 0 : i32
        %dma_wait3A_130 = tpu.memref_slice %arg14[%dma_wait3A_128, %dma_wait3A_129] : memref<10000x64xf32, #tpu.memory_space<vmem_shared>> -> memref<400x64xf32, #tpu.memory_space<vmem_shared>>
        tpu.wait_dma2 semaphore(%run_scoped3A : memref<!tpu.dma_semaphore, #tpu.memory_space<semaphore_mem>>) src(%dma_wait3A_130 : memref<400x64xf32, #tpu.memory_space<vmem_shared>>) dst(%dma_wait3A_127 : memref<400x64xf32, #tpu.memory_space<hbm>>)
        tpu.yield
      }) : () -> ()
    } else {
    }
    return
  }
}

module attributes {stable_mosaic.version = 14 : i64} {
  func.func @_tc_body(%arg0: i32, %arg1: memref<1x1xf32, #tpu.memory_space<vmem>>, %arg2: memref<1000x128xf32, #tpu.memory_space<vmem>>, %arg3: memref<1000x128xf32, #tpu.memory_space<vmem>>, %arg4: memref<1000x32xf32, #tpu.memory_space<vmem>>, %arg5: memref<32x128xf32, #tpu.memory_space<vmem>>, %arg6: memref<128x128xf32, #tpu.memory_space<vmem>>, %arg7: memref<1x128xf32, #tpu.memory_space<vmem>>, %arg8: memref<128x128xf32, #tpu.memory_space<vmem>>, %arg9: memref<1x128xf32, #tpu.memory_space<vmem>>, %arg10: memref<1000x128xf32, #tpu.memory_space<vmem>>) attributes {dimension_semantics = [#tpu.dimension_semantics<arbitrary>], iteration_bounds = array<i64: 10>, scalar_prefetch = 0 : i64, scratch_operands = 0 : i64, tpu.core_type = #tpu.core_type<tc>, window_params = [{pipeline_mode = #tpu.pipeline_mode<synchronous>, transform_indices = @transform_0, window_bounds = array<i64: 1, 1>}, {transform_indices = @transform_1, window_bounds = array<i64: 1000, 128>}, {transform_indices = @transform_2, window_bounds = array<i64: 1000, 128>}, {transform_indices = @transform_3, window_bounds = array<i64: 1000, 32>}, {pipeline_mode = #tpu.pipeline_mode<synchronous>, transform_indices = @transform_4, window_bounds = array<i64: 32, 128>}, {pipeline_mode = #tpu.pipeline_mode<synchronous>, transform_indices = @transform_5, window_bounds = array<i64: 128, 128>}, {pipeline_mode = #tpu.pipeline_mode<synchronous>, transform_indices = @transform_6, window_bounds = array<i64: 1, 128>}, {pipeline_mode = #tpu.pipeline_mode<synchronous>, transform_indices = @transform_7, window_bounds = array<i64: 128, 128>}, {pipeline_mode = #tpu.pipeline_mode<synchronous>, transform_indices = @transform_8, window_bounds = array<i64: 1, 128>}, {transform_indices = @transform_9, window_bounds = array<i64: 1000, 128>}]} {
    %get3A = arith.constant 0 : index
    %get3A_0 = arith.constant 0 : index
    %get3A_1 = vector.load %arg4[%get3A, %get3A_0] : memref<1000x32xf32, #tpu.memory_space<vmem>>, vector<1000x32xf32>
    %get3A_2 = arith.constant 0 : index
    %get3A_3 = arith.constant 0 : index
    %get3A_4 = vector.load %arg5[%get3A_2, %get3A_3] : memref<32x128xf32, #tpu.memory_space<vmem>>, vector<32x128xf32>
    %dot_general3A = arith.constant dense<0.000000e+00> : vector<1000x128xf32>
    %dot_general3A_5 = tpu.matmul %get3A_1, %get3A_4, %dot_general3A {dimension_numbers = #tpu.dot_dimension_numbers<[1], [0], [0], [1], [0, 0, 1, 1], [], []>, transpose_lhs_hint = false} : vector<1000x32xf32>, vector<32x128xf32>, vector<1000x128xf32> -> vector<1000x128xf32>
    %get3A_6 = arith.constant 0 : index
    %get3A_7 = arith.constant 0 : index
    %get3A_8 = vector.load %arg1[%get3A_6, %get3A_7] : memref<1x1xf32, #tpu.memory_space<vmem>>, vector<1x1xf32>
    %get3A_9 = vector.extract %get3A_8[0, 0] : f32 from vector<1x1xf32>
    %add3A = arith.constant 1.000000e+00 : f32
    %add3A_10 = arith.addf %add3A, %get3A_9 : f32
    %get3A_11 = arith.constant 0 : index
    %get3A_12 = arith.constant 0 : index
    %get3A_13 = vector.load %arg2[%get3A_11, %get3A_12] : memref<1000x128xf32, #tpu.memory_space<vmem>>, vector<1000x128xf32>
    %mul3A = vector.broadcast %add3A_10 : f32 to vector<1000x128xf32>
    %mul3A_14 = arith.mulf %mul3A, %get3A_13 : vector<1000x128xf32>
    %add3A_15 = arith.addf %mul3A_14, %dot_general3A_5 : vector<1000x128xf32>
    %get3A_16 = arith.constant 0 : index
    %get3A_17 = arith.constant 0 : index
    %get3A_18 = vector.load %arg3[%get3A_16, %get3A_17] : memref<1000x128xf32, #tpu.memory_space<vmem>>, vector<1000x128xf32>
    %add3A_19 = arith.addf %add3A_15, %get3A_18 : vector<1000x128xf32>
    %get3A_20 = arith.constant 0 : index
    %get3A_21 = arith.constant 0 : index
    %get3A_22 = vector.load %arg6[%get3A_20, %get3A_21] : memref<128x128xf32, #tpu.memory_space<vmem>>, vector<128x128xf32>
    %dot_general3A_23 = arith.constant dense<0.000000e+00> : vector<1000x128xf32>
    %dot_general3A_24 = tpu.matmul %add3A_19, %get3A_22, %dot_general3A_23 {dimension_numbers = #tpu.dot_dimension_numbers<[1], [0], [0], [1], [0, 0, 1, 1], [], []>, transpose_lhs_hint = false} : vector<1000x128xf32>, vector<128x128xf32>, vector<1000x128xf32> -> vector<1000x128xf32>
    %get3A_25 = arith.constant 0 : index
    %get3A_26 = arith.constant 0 : index
    %get3A_27 = vector.load %arg7[%get3A_25, %get3A_26] : memref<1x128xf32, #tpu.memory_space<vmem>>, vector<1x128xf32>
    %add3A_28 = vector.broadcast %get3A_27 : vector<1x128xf32> to vector<1000x128xf32>
    %add3A_29 = arith.addf %dot_general3A_24, %add3A_28 : vector<1000x128xf32>
    %max3A = arith.constant 0.000000e+00 : f32
    %max3A_30 = vector.broadcast %max3A : f32 to vector<1000x128xf32>
    %max3A_31 = arith.maximumf %add3A_29, %max3A_30 : vector<1000x128xf32>
    %get3A_32 = arith.constant 0 : index
    %get3A_33 = arith.constant 0 : index
    %get3A_34 = vector.load %arg8[%get3A_32, %get3A_33] : memref<128x128xf32, #tpu.memory_space<vmem>>, vector<128x128xf32>
    %dot_general3A_35 = arith.constant dense<0.000000e+00> : vector<1000x128xf32>
    %dot_general3A_36 = tpu.matmul %max3A_31, %get3A_34, %dot_general3A_35 {dimension_numbers = #tpu.dot_dimension_numbers<[1], [0], [0], [1], [0, 0, 1, 1], [], []>, transpose_lhs_hint = false} : vector<1000x128xf32>, vector<128x128xf32>, vector<1000x128xf32> -> vector<1000x128xf32>
    %get3A_37 = arith.constant 0 : index
    %get3A_38 = arith.constant 0 : index
    %get3A_39 = vector.load %arg9[%get3A_37, %get3A_38] : memref<1x128xf32, #tpu.memory_space<vmem>>, vector<1x128xf32>
    %add3A_40 = vector.broadcast %get3A_39 : vector<1x128xf32> to vector<1000x128xf32>
    %add3A_41 = arith.addf %dot_general3A_36, %add3A_40 : vector<1000x128xf32>
    %swap3A = arith.constant 0 : index
    %swap3A_42 = arith.constant 0 : index
    %swap3A_43 = vector.load %arg10[%swap3A, %swap3A_42] : memref<1000x128xf32, #tpu.memory_space<vmem>>, vector<1000x128xf32>
    tpu.vector_store %arg10[%swap3A, %swap3A_42], %add3A_41 {strides = array<i32>} : memref<1000x128xf32, #tpu.memory_space<vmem>>, vector<1000x128xf32>,
    return
  }
  func.func @transform_0(%arg0: i32) -> (i32, i32) {
    %c0_i32 = arith.constant 0 : i32
    %c0_i32_0 = arith.constant 0 : i32
    %c0_i32_1 = arith.constant 0 : i32
    return %c0_i32, %c0_i32_0 : i32, i32
  }
  func.func @transform_1(%arg0: i32) -> (i32, i32) {
    %c0_i32 = arith.constant 0 : i32
    %c0_i32_0 = arith.constant 0 : i32
    return %arg0, %c0_i32 : i32, i32
  }
  func.func @transform_2(%arg0: i32) -> (i32, i32) {
    %c0_i32 = arith.constant 0 : i32
    %c0_i32_0 = arith.constant 0 : i32
    return %arg0, %c0_i32 : i32, i32
  }
  func.func @transform_3(%arg0: i32) -> (i32, i32) {
    %c0_i32 = arith.constant 0 : i32
    %c0_i32_0 = arith.constant 0 : i32
    return %arg0, %c0_i32 : i32, i32
  }
  func.func @transform_4(%arg0: i32) -> (i32, i32) {
    %c0_i32 = arith.constant 0 : i32
    %c0_i32_0 = arith.constant 0 : i32
    %c0_i32_1 = arith.constant 0 : i32
    return %c0_i32, %c0_i32_0 : i32, i32
  }
  func.func @transform_5(%arg0: i32) -> (i32, i32) {
    %c0_i32 = arith.constant 0 : i32
    %c0_i32_0 = arith.constant 0 : i32
    %c0_i32_1 = arith.constant 0 : i32
    return %c0_i32, %c0_i32_0 : i32, i32
  }
  func.func @transform_6(%arg0: i32) -> (i32, i32) {
    %c0_i32 = arith.constant 0 : i32
    %c0_i32_0 = arith.constant 0 : i32
    %c0_i32_1 = arith.constant 0 : i32
    return %c0_i32, %c0_i32_0 : i32, i32
  }
  func.func @transform_7(%arg0: i32) -> (i32, i32) {
    %c0_i32 = arith.constant 0 : i32
    %c0_i32_0 = arith.constant 0 : i32
    %c0_i32_1 = arith.constant 0 : i32
    return %c0_i32, %c0_i32_0 : i32, i32
  }
  func.func @transform_8(%arg0: i32) -> (i32, i32) {
    %c0_i32 = arith.constant 0 : i32
    %c0_i32_0 = arith.constant 0 : i32
    %c0_i32_1 = arith.constant 0 : i32
    return %c0_i32, %c0_i32_0 : i32, i32
  }
  func.func @transform_9(%arg0: i32) -> (i32, i32) {
    %c0_i32 = arith.constant 0 : i32
    %c0_i32_0 = arith.constant 0 : i32
    return %arg0, %c0_i32 : i32, i32
  }
}

</mosaic_0001>

<sc_bundles>
// kernel: _impl.5.cloned.1.call-start
scs
__scs_entry_jumppad:
0x0: {  	(pc) =	sbr.rel $0x88, $3  }
0x1: {  	(tag) =	ssettag $0x0;
	lr =	simm.s32 $0x1  }
0x2: {  	[smem:$0x3F96] =	sst lr;
	_ =	strace $0xD0000000  }
0x3: {  	_ = 	snop  }
0x4: {  	_ = 	snop  }
0x5: {  	_ = 	snop  }
0x6: {  	_ = 	snop  }
0x7: {  	_ = 	snop  }
__scs_overlays_trampoline_lowered:
0x8: {  	[smem:$0x3FA5] =	sst s0  }
0x9: {  	[smem:$0x3FA6] =	sst s1  }
0xa: {  	[smem:$0x3FA7] =	sst s2  }
0xb: {  	[smem:$0x3FA8] =	sst s3  }
0xc: {  	[smem:$0x3FA9] =	sst s4  }
0xd: {  	[smem:$0x3FAA] =	sst s5  }
0xe: {  	[smem:$0x3FAB] =	sst s6  }
0xf: {  	[smem:$0x3FAC] =	sst s7  }
0x10: {  	[smem:$0x3FAD] =	sst s8  }
0x11: {  	[smem:$0x3FAE] =	sst s9;
	s0 =	simm.s32 @!p0 $0x0  }
0x12: {  	s1 =	sld [smem:$0x3F94];
	s0 =	simm.s32 @p0 $0x1  }
0x13: {  	[smem:$0x3FAF] =	sst s0;
	s0 =	simm.s32 @!p1 $0x0  }
0x14: {  	s2 =	sld [smem:$0x3F93];
	s0 =	simm.s32 @p1 $0x1  }
0x15: {  	[smem:$0x3FB0] =	sst s0;
	s0 =	simm.s32 @!p2 $0x0  }
0x16: {  	s3 =	sld [smem:$0x3FDB];
	s0 =	simm.s32 @p2 $0x1  }
0x17: {  	s4 =	simm.s32 $0x1BF5;
	[smem:$0x3FB2] =	sst s0  }
0x18: {  	s0 =	sld [smem:$0x3F95];
	_ =	swait.ge [sflag:s4], $0x0  }
0x19: {  	s7 =	sld [smem:$0x3F96]  }
0x1a: {  	s8 =	sadd.s32 $0xFFFFE003, lr  }
0x1b: {  	s9 =	sadd.s32 $0xFFFFFEF7, lr;
	s5 =	simm.s32 $0xFFFFFFFF;
	p2 =	slt.u32 s8, $0xFFFFF086  }
0x1c: {  	p1 =	slt.u32 s9, $0xF7A;
	s5 =	simm.s32 @!p2 $0x0  }
0x1d: {  	s5 =	simm.s32 @p1 $0x1;
	p0 =	seq.s32 s7, s2  }
0x1e: {  	s7 =	smul.u32 @!p0 $0xF7A, s2;
	p2 =	seq.s32 @!p0 s5, $0x0  }
0x1f: {  	s9 =	smul.u32 $0xF7A, s1;
	s8 =	simm.s32 @!p0 $0x1BF5;
	p2 =	por !p2, p0  }
0x20: {  	[sflag:s8] =	ssyncset.s32 @!p0 $0xFFFFF086;
	s6 =	sadd.s32 @!p0 s3, s7;
	s7 =	simm.s32 @!p0 $0x108  }
0x21: {  	s3 =	sadd.s32 s3, s9;
	s6 =	sadd.s32 @!p0 $0x88, s6;
	s7 =	simm.s32 @p2 $0x1082  }
0x22: {  	[simem:s7], [sflag:s8] =	dma.local @!p0 [hbm:s6], $0xF7A  }
0x23: {  	s9 =	sor.u32 $0xD0000000, s2;
	s6 =	simm.s32 $0x108;
	_ =	swait.ge @!p0 [sflag:s8], $0x0  }
0x24: {  	s3 =	sadd.s32 $0x88, s3;
	s6 =	simm.s32 @!p1 $0x1082;
	[sflag:s4] =	ssyncset.s32 $0xFFFFF086  }
0x25: {  	[simem:s6], [sflag:s4] =	dma.local [hbm:s3], $0xF7A  }
0x26: {  	[smem:$0x3F96] =	sst s1;
	(tag) =	ssettag s2;
	_ =	strace s9  }
0x27: {  	s1 =	sld [smem:$0x3FA6]  }
0x28: {  	s2 =	sld [smem:$0x3FA7]  }
0x29: {  	s4 =	sld [smem:$0x3FA9]  }
0x2a: {  	p0 =	seq.s32 s5, $0x0;
	s5 =	sld [smem:$0x3FAA]  }
0x2b: {  	s6 =	sld [smem:$0x3FAB]  }
0x2c: {  	s7 =	sld [smem:$0x3FAC]  }
0x2d: {  	s3 =	simm.s32 $0x108;
	s8 =	sld [smem:$0x3FAD]  }
0x2e: {  	s3 =	simm.s32 @!p0 $0x1082;
	s9 =	sld [smem:$0x3FAE]  }
0x2f: {  	lr =	sadd.s32 s0, s3;
	s0 =	sld [smem:$0x3FA5]  }
0x30: {  	s3 =	sld [smem:$0x3FA8]  }
0x31: {  	[smem:$0x3FB1] =	sst s10  }
0x32: {  	s10 =	sld [smem:$0x3FAF];
	_ =	sdelay $0x3  }
0x33: {  	p0 =	seq.s32 s10, $0x1;
	s10 =	sld [smem:$0x3FB1];
	_ =	sdelay $0x3  }
0x34: {  	[smem:$0x3FB1] =	sst s10  }
0x35: {  	s10 =	sld [smem:$0x3FB0];
	_ =	sdelay $0x3  }
0x36: {  	p1 =	seq.s32 s10, $0x1;
	s10 =	sld [smem:$0x3FB1];
	_ =	sdelay $0x3  }
0x37: {  	[smem:$0x3FB1] =	sst s10  }
0x38: {  	s10 =	sld [smem:$0x3FB2]  }
0x39: {  	_ = 	snop;
	(pc) =	sbr.ind lr, $3  }
0x3a: {  	_ = 	snop  }
0x3b: {  	_ = 	snop  }
0x3c: {  	p2 =	seq.s32 s10, $0x1;
	s10 =	sld [smem:$0x3FB1]  }
0x3d: {  	_ =	shalt  }
0x3e: {  	_ =	shalt  }
0x3f: {  	_ =	shalt  }
0x40: {  	_ =	shalt  }
0x41: {  	_ =	shalt  }
0x42: {  	_ =	shalt  }
0x43: {  	_ =	shalt  }
0x44: {  	_ =	shalt  }
0x45: {  	_ =	shalt  }
0x46: {  	_ =	shalt  }
0x47: {  	_ =	shalt  }
0x48: {  	_ =	shalt  }
0x49: {  	_ =	shalt  }
0x4a: {  	_ =	shalt  }
0x4b: {  	_ =	shalt  }
0x4c: {  	_ =	shalt  }
0x4d: {  	_ =	shalt  }
0x4e: {  	_ =	shalt  }
0x4f: {  	_ =	shalt  }
0x50: {  	_ =	shalt  }
0x51: {  	_ =	shalt  }
0x52: {  	_ =	shalt  }
0x53: {  	_ =	shalt  }
0x54: {  	_ =	shalt  }
0x55: {  	_ =	shalt  }
0x56: {  	_ =	shalt  }
0x57: {  	_ =	shalt  }
0x58: {  	_ =	shalt  }
0x59: {  	_ =	shalt  }
0x5a: {  	_ =	shalt  }
0x5b: {  	_ =	shalt  }
0x5c: {  	_ =	shalt  }
0x5d: {  	_ =	shalt  }
0x5e: {  	_ =	shalt  }
0x5f: {  	_ =	shalt  }
0x60: {  	_ =	shalt  }
0x61: {  	_ =	shalt  }
0x62: {  	_ =	shalt  }
0x63: {  	_ =	shalt  }
0x64: {  	_ =	shalt  }
0x65: {  	_ =	shalt  }
0x66: {  	_ =	shalt  }
0x67: {  	_ =	shalt  }
0x68: {  	_ =	shalt  }
0x69: {  	_ =	shalt  }
0x6a: {  	_ =	shalt  }
0x6b: {  	_ =	shalt  }
0x6c: {  	_ =	shalt  }
0x6d: {  	_ =	shalt  }
0x6e: {  	_ =	shalt  }
0x6f: {  	_ =	shalt  }
0x70: {  	_ =	shalt  }
0x71: {  	_ =	shalt  }
0x72: {  	_ =	shalt  }
0x73: {  	_ =	shalt  }
0x74: {  	_ =	shalt  }
0x75: {  	_ =	shalt  }
0x76: {  	_ =	shalt  }
0x77: {  	_ =	shalt  }
0x78: {  	_ =	shalt  }
0x79: {  	_ =	shalt  }
0x7a: {  	_ =	shalt  }
0x7b: {  	_ =	shalt  }
0x7c: {  	_ =	shalt  }
0x7d: {  	_ =	shalt  }
0x7e: {  	_ =	shalt  }
0x7f: {  	_ =	shalt  }
0x80: {  	_ =	shalt  }
0x81: {  	_ =	shalt  }
0x82: {  	_ =	shalt  }
0x83: {  	_ =	shalt  }
0x84: {  	_ =	shalt  }
0x85: {  	_ =	shalt  }
0x86: {  	_ =	shalt  }
0x87: {  	_ =	shalt  }
.Lfunc_end0:
.L_simem_size_0:
called_computation_lowered:
.L_overlay_start_0:
0x88: {  	s2 =	sld [smem:$0x3FD9]  }
0x89: {  	s3 =	sld [smem:$0x3FFE];
	_ =	sdelay $0x1  }
0x8a: {  	s1 =	srdreg.scid  }
0x8b: {  	s0 =	sand.u32 $0x1, s1  }
0x8c: {  	s17 =	sshll.u32 s0, $0xA;
	s2 =	sadd.s32 s3, s2  }
0x8d: {  	s2 =	sadd.s32 s2, s17  }
0x8e: {  	[smem:$0x3FBD] =	sst s2  }
0x8f: {  	_ = 	snop  }
0x90: {  	s18 =	sld [smem:$0x3FC7]  }
0x91: {  	s4 =	sld [smem:$0x3FC6]  }
0x92: {  	s5 =	sld [smem:$0x3FD0];
	(tm) =	ssettm $0x1  }
0x93: {  	s19 =	sld [smem:$0x3FFB];
	_ =	sdelay $0x3  }
0x94: {  	_ =	strace s19  }
0x95: {  	s2 =	sld [smem:$0x3FFC];
	_ =	sdelay $0x3  }
0x96: {  	_ =	strace s2  }
0x97: {  	s2 =	sld [smem:$0x3FFD];
	_ =	sdelay $0x3  }
0x98: {  	_ =	strace s2  }
0x99: {  	_ =	strace $0x8FFFFFFF  }
0x9a: {  	s20 =	sld [smem:$0x3FDB];
	_ =	sdelay $0x1  }
0x9b: {  	s6 =	simm.s32 $_scs_section_size  }
0x9c: {  	s7 =	simm.s32 $_size__tile_overlayer_lowered;
	s8 =	simm.s32 $_tile_overlayer_lowered  }
0x9d: {  	s9 =	simm.s32 $0x1BFF;
	s21 =	sshll.u32 s8, $0x1;
	s6 =	sadd.s32 s6, s20  }
0x9e: {  	s22 =	simm.s32 $0x0;
	s7 =	sshll.u32 s7, $0x1;
	s8 =	sadd.s32 s21, s6  }
0x9f: {  	[timem:s22], [sflag:s9] =	dma.local [hbm:s8], s7  }
0xa0: {  	_ =	swait.ge [sflag:s9], s7  }
0xa1: {  	s7 =	ssub.s32 $0x0, s7;
	[sflag:s9] =	ssyncset.done $0x0  }
0xa2: {  	[sflag:s9] =	ssyncadd.s32 s7;
	_ =	sdelay $0x1  }
0xa3: {  	s23 =	simm.s32 $0x1B8B  }
0xa4: {  	_ =	swait.ge [sflag:s23], $0x1  }
0xa5: {  	[sflag:s23] =	ssyncset.done $0x0  }
0xa6: {  	[sflag:s23] =	ssyncadd.s32 $0xFFFFFFFF  }
0xa7: {  	s7 =	sld [smem:$0x0]  }
0xa8: {  	s8 =	sand.u32 $0xFFFFFFFE, s1  }
0xa9: {  	p0 =	sne.s32 s1, s8  }
0xaa: {  	s8 =	sshll.u32 @p0 s8, $0xE  }
0xab: {  	s8 =	sadd.s32 @p0 $0x11B8D, s8;
	s9 =	sshll.u32 @p0 s7, $0x11  }
0xac: {  	s8 =	sor.u32 @p0 s9, s8  }
0xad: {  	[sflag:s8] =	ssyncadd.remote.s32 @p0 $0x1;
	_ =	sdelay $0x1  }
0xae: {  	s8 =	simm.s32 @p0 $0x1B8D  }
0xaf: {  	_ =	swait.eq @p0 [sflag:s8], $0x1  }
0xb0: {  	[sflag:s8] =	ssyncadd.s32 @p0 $0xFFFFFFFF  }
0xb1: {  	s9 =	sshll.u32 @!p0 s1, $0xE  }
0xb2: {  	s9 =	sor.u32 @!p0 $0x4000, s9;
	s8 =	simm.s32 @!p0 $0x1B8D  }
0xb3: {  	s7 =	sshll.u32 @!p0 s7, $0x11;
	s9 =	sadd.s32 @!p0 $0x11B8D, s9;
	_ =	swait.eq @!p0 [sflag:s8], $0x1  }
0xb4: {  	s7 =	sor.u32 @!p0 s7, s9;
	[sflag:s8] =	ssyncadd.s32 @!p0 $0xFFFFFFFF  }
0xb5: {  	s25 =	simm.s32 $0x1B8E;
	s24 =	sld [smem:$0x3FFE];
	[sflag:s7] =	ssyncadd.remote.s32 @!p0 $0x1  }
0xb6: {  	s26 =	simm.s32 $execute0_lowered;
	[smem:$0x3FD2] =	sst s25  }
0xb7: {  	s8 =	sshll.u32 s26, $0x1;
	_ =	strace $0x80000049;
	[dreg:$0x1] =	wrdreg $0xFFFFFFFF  }
0xb8: {  	s28 =	simm.s32 $_size_execute0_lowered;
	s6 =	sadd.s32 s6, s8;
	[dreg:$0x0] =	wrdreg $0x0  }
0xb9: {  	s8 =	sshll.u32 s28, $0x1;
	[dreg:$0x2] =	wrdreg s6  }
0xba: {  	[dreg:$0x3] =	wrdreg s8  }
0xbb: {  	[dreg:$0x4] =	wrdreg $0xC0  }
0xbc: {  	_ =	task [dreg:s22], $0x5FFFF  }
0xbd: {  	[dreg:$0x1] =	wrdreg $0xFFFFFFFF  }
0xbe: {  	[dreg:$0x0] =	wrdreg $0x60  }
0xbf: {  	[dreg:$0x2] =	wrdreg s5  }
0xc0: {  	[dreg:$0x3] =	wrdreg s18  }
0xc1: {  	[dreg:$0x4] =	wrdreg s4  }
0xc2: {  	[dreg:$0x5] =	wrdreg s24  }
0xc3: {  	[dreg:$0x6] =	wrdreg $0x2D000  }
0xc4: {  	[dreg:$0x7] =	wrdreg $0x9  }
0xc5: {  	_ =	task.clear_ibuf [dreg:s22], $0x8FFFF;
	_ =	strace $0x90000049  }
0xc6: {  	s29 =	simm.s32 $0x9;
	_ =	strace $0x8000004B  }
0xc7: {  	_ =	swait.ge [sflag:s29], $0x1  }
0xc8: {  	[sflag:s29] =	ssyncadd.s32 $0xFFFFFFFF  }
0xc9: {  	_ =	strace $0x9000004B  }
0xca: {  	_ =	sfence  }
0xcb: {  	s30 =	sld [smem:$0x0];
	_ =	sdelay $0x2  }
0xcc: {  	s31 =	sshll.u32 s1, $0xD;
	s1 =	sshrl.u32 s1, $0x2  }
0xcd: {  	s4 =	sand.u32 $0x4000, s31;
	s1 =	sadd.s32 s1, s30  }
0xce: {  	s0 =	sor.u32 s4, s0;
	s1 =	sshll.u32 s1, $0x11  }
0xcf: {  	s0 =	sor.u32 s1, s0  }
0xd0: {  	s0 =	sadd.s32 $0x8F2B, s0  }
0xd1: {  	[sflag:s0] =	ssyncadd.remote.s32 $0x1  }
0xd2: {  	_ =	sfence.sel $0xFFFF  }
0xd3: {  	[dreg:$0x0] =	wrdreg $0xFFFFFFFF;
	(pc) =	sbr.abs _section_cstart, $3  }
0xd4: {  	[dreg:$0x1] =	wrdreg $0xFFFFFFFF  }
0xd5: {  	_ =	task.clear_ibuf [dreg:s22], $0x2FFFF;
	_ =	strace $0x9FFFFFFF  }
0xd6: {  	(tm) =	ssettm $0x7FFFFFFF  }
0xd7: {  	_ =	shalt  }
tec
execute0_lowered:
.L_overlay_start_1:
0x0: {  	(tag) =	ssettag $0x1  }
0x1: {  	s0 =	rddreg [dreg:$0x0]  }
0x2: {  	s2 =	rddreg [dreg:$0x1]  }
0x3: {  	s7 =	rddreg [dreg:$0x2]  }
0x4: {  	s4 =	rddreg [dreg:$0x3]  }
0x5: {  	s1 =	rddreg [dreg:$0x4];
	s5 =	srdreg.scid  }
0x6: {  	s3 =	simm.s32 $0x0;
	s12 =	stileid.u32;
	s20 =	simm.s32 $0x2D0  }
0x7: {  	s28 =	simm.s32 $0x280;
	s29 =	simm.s32 $0x50;
	s30 =	simm.s32 $0x1900  }
0x8: {  	s31 =	simm.s32 $0x1;
	s8 =	sand.u32 $0x1, s5;
	s9 =	smul.u32 $0x28000, s12  }
0x9: {  	[smem:$0x7FF] =	sst s3;
	s10 =	sadd.s32 $0x16E00, s4;
	s22 =	smul.u32 $0xA00, s12  }
0xa: {  	p0 =	seq.s32 s12, $0xF;
	s4 =	simm.s32 $0xA0;
	s12 =	smul.u32 $0xA000, s12  }
0xb: {  	_ =	strace $0x8000004A;
	[dreg:$0x6] =	wrdreg s20;
	s21 =	sshrl.u32 s9, $0x2  }
0xc: {  	s15 =	sadd.s32 s2, s22;
	s9 =	sadd.s32 s7, s22;
	s22 =	simm.s32 $0x320  }
0xd: {  	s5 =	ssub.s32 $0x2, s8;
	s8 =	smul.u32 $0x9C400, s8;
	[dreg:$0x8] =	wrdreg s22  }
0xe: {  	s6 =	sshrl.u32 s5, $0x1;
	s7 =	sadd.s32 s12, s1;
	[dreg:$0x14] =	wrdreg s15  }
0xf: {  	s11 =	ssub.s32 s5, s6;
	s6 =	sadd.s32 s21, s1;
	[dreg:$0x15] =	wrdreg s9  }
0x10: {  	s5 =	simm.s32 $0xA0;
	s21 =	simm.s32 $0xF0;
	[dreg:$0xc] =	wrdreg s6  }
0x11: {  	s17 =	sshrl.u32 s8, $0x3;
	s13 =	sadd.s32 $0x1400, s6;
	[dreg:$0x7] =	wrdreg s21  }
0x12: {  	s8 =	sadd.s32 s12, s8;
	s23 =	sadd.s32 $0x2800, s6;
	[dreg:$0xd] =	wrdreg s13  }
0x13: {  	s22 =	sadd.s32 $0x50, s9;
	s24 =	sadd.s32 $0x3C00, s6;
	[dreg:$0xe] =	wrdreg s23  }
0x14: {  	s9 =	simm.s32 $0x410;
	s25 =	sadd.s32 $0x5000, s6;
	[dreg:$0xf] =	wrdreg s24  }
0x15: {  	s12 =	simm.s32 $0x460;
	s26 =	sadd.s32 $0x6400, s6;
	[dreg:$0x10] =	wrdreg s25  }
0x16: {  	s5 =	simm.s32 @!p0 $0x100;
	s14 =	sadd.s32 $0x7800, s6;
	[dreg:$0x11] =	wrdreg s26  }
0x17: {  	s6 =	sadd.s32 $0x8C00, s6;
	s16 =	sadd.s32 s0, s17;
	[dreg:$0x12] =	wrdreg s14  }
0x18: {  	s18 =	sshrl.u32 s8, $0x3;
	[dreg:$0x13] =	wrdreg s6;
	s19 =	sshrl.u32 s5, $0x3  }
0x19: {  	s2 =	sadd.s32 s10, s17;
	s0 =	sadd.s32 s10, s18;
	[dreg:$0x16] =	wrdreg s19  }
0x1a: {  	s21 =	sadd.s32 $0x50, s15;
	s2 =	sadd.s32 $0x12C00, s2;
	[dreg:$0x17] =	wrdreg s0  }
0x1b: {  	s8 =	simm.s32 $0x3C0;
	s23 =	simm.s32 $0x370;
	[dreg:$0x18] =	wrdreg s2  }
0x1c: {  	s17 =	simm.s32 $0x0;
	s25 =	smax.u32 s11, $0x1;
	[dreg:$0x9] =	wrdreg s23  }
0x1d: {  	s24 =	simm.s32 $0x140;
	s26 =	simm.s32 $0x190;
	[dreg:$0x19] =	wrdreg s25  }
0x1e: {  	s10 =	simm.s32 $0x1E0;
	s11 =	simm.s32 $0x230;
	[dreg:$0xa] =	wrdreg s24  }
0x1f: {  	s13 =	simm.s32 $0x4B0;
	s2 =	sadd.s32 $0x96000, s1;
	[dreg:$0xb] =	wrdreg s26  }
0x20: {  	s23 =	simm.s32 $0x500;
	s26 =	simm.s32 $0x5;
	s0 =	sshrl.u32 @p0 s2, $0x3  }
0x21: {  	s2 =	simm.s32 $0x3;
	[dreg:$0x1a] =	wrdreg s0;
	s0 =	sshrl.u32 @!p0 s7, $0x3  }
0x22: {  	v0 =	vimm.f32 $0.0e+00;
	s7 =	simm.s32 $0x4;
	[dreg:$0x1b] =	wrdreg s0;
	s0 =	simm.s32 $0x2  }
.LBB2_1:
0x23: {  	s15 =	simm.s32 $0x100;
	s14 =	simm.s32 $0x0  }
.LBB2_2:
0x24: {  	p1 =	sne.s32 s15, $0x4F00;
	[tilespmem:s14+$0x530] =	vst v0;
	s18 =	smov.u32 s15;
	s15 =	sadd.s32 $0x100, s15  }
.Ltmp0:
0x25: {  	[tilespmem:s14+$0x520] =	vst v0;
	(pc) =	sbr.rel @p1 .LBB2_2-.Ltmp0, $3  }
0x26: {  	[tilespmem:s14+$0x500] =	vst v0  }
0x27: {  	[tilespmem:s14+$0x510] =	vst v0;
	_ =	sdelay $0x1  }
0x28: {  	s14 =	sshra.s32 s18, $0x2  }
0x29: {  	[tilespmem:s14+$0x530] =	vst v0  }
0x2a: {  	[tilespmem:s14+$0x520] =	vst v0  }
0x2b: {  	[tilespmem:s14+$0x500] =	vst v0  }
0x2c: {  	[tilespmem:s14+$0x510] =	vst v0;
	s6 =	rddreg [dreg:$0xc]  }
0x2d: {  	[spmem:s6] =	stream.linear.scatter [tilespmem:s23], [sflag:$0x5], $0x1400, $0x38;
	[tilespmem:$0xC940] =	vst v63  }
0x2e: {  	_ =	swait.ge [sflag:s26], $0x1400  }
0x2f: {  	[sflag:s26] =	ssyncset.done $0x0  }
0x30: {  	s14 =	rddreg [dreg:$0xd];
	[sflag:s26] =	ssyncadd.s32 $0xFFFFEC00  }
0x31: {  	[spmem:s14] =	stream.linear.scatter [tilespmem:s23], [sflag:$0x5], $0x1400, $0x38;
	[tilespmem:$0xC940] =	vst v63  }
0x32: {  	_ =	swait.ge [sflag:s26], $0x1400  }
0x33: {  	[sflag:s26] =	ssyncset.done $0x0  }
0x34: {  	s15 =	rddreg [dreg:$0xe];
	[sflag:s26] =	ssyncadd.s32 $0xFFFFEC00  }
0x35: {  	[spmem:s15] =	stream.linear.scatter [tilespmem:s23], [sflag:$0x5], $0x1400, $0x38;
	[tilespmem:$0xC940] =	vst v63  }
0x36: {  	_ =	swait.ge [sflag:s26], $0x1400  }
0x37: {  	[sflag:s26] =	ssyncset.done $0x0  }
0x38: {  	s18 =	rddreg [dreg:$0xf];
	[sflag:s26] =	ssyncadd.s32 $0xFFFFEC00  }
0x39: {  	[spmem:s18] =	stream.linear.scatter [tilespmem:s23], [sflag:$0x5], $0x1400, $0x38;
	[tilespmem:$0xC940] =	vst v63  }
0x3a: {  	_ =	swait.ge [sflag:s26], $0x1400  }
0x3b: {  	[sflag:s26] =	ssyncset.done $0x0  }
0x3c: {  	s19 =	rddreg [dreg:$0x10];
	[sflag:s26] =	ssyncadd.s32 $0xFFFFEC00  }
0x3d: {  	[spmem:s19] =	stream.linear.scatter [tilespmem:s23], [sflag:$0x5], $0x1400, $0x38;
	[tilespmem:$0xC940] =	vst v63  }
0x3e: {  	_ =	swait.ge [sflag:s26], $0x1400  }
0x3f: {  	s14 =	simm.s32 @!p0 $0x500;
	[sflag:s26] =	ssyncset.done $0x0  }
0x40: {  	s18 =	simm.s32 @!p0 $0x5;
	s6 =	rddreg [dreg:$0x11];
	[sflag:s26] =	ssyncadd.s32 $0xFFFFEC00  }
0x41: {  	[spmem:s6] =	stream.linear.scatter @!p0 [tilespmem:s14], [sflag:$0x5], $0x1400, $0x38;
	[tilespmem:$0xC940] =	vst v63  }
0x42: {  	_ =	swait.ge @!p0 [sflag:s18], $0x1400  }
0x43: {  	[sflag:s18] =	ssyncset.done @!p0 $0x0  }
0x44: {  	s6 =	rddreg [dreg:$0x12];
	[sflag:s18] =	ssyncadd.s32 @!p0 $0xFFFFEC00  }
0x45: {  	[spmem:s6] =	stream.linear.scatter @!p0 [tilespmem:s14], [sflag:$0x5], $0x1400, $0x38;
	[tilespmem:$0xC940] =	vst v63  }
0x46: {  	_ =	swait.ge @!p0 [sflag:s18], $0x1400  }
0x47: {  	[sflag:s18] =	ssyncset.done @!p0 $0x0  }
0x48: {  	s6 =	rddreg [dreg:$0x13];
	[sflag:s18] =	ssyncadd.s32 @!p0 $0xFFFFEC00  }
0x49: {  	[spmem:s6] =	stream.linear.scatter @!p0 [tilespmem:s14], [sflag:$0x5], $0x1400, $0x38;
	[tilespmem:$0xC940] =	vst v63  }
0x4a: {  	_ =	swait.ge @!p0 [sflag:s18], $0x1400  }
0x4b: {  	[sflag:s18] =	ssyncset.done @!p0 $0x0  }
0x4c: {  	[sflag:s18] =	ssyncadd.s32 @!p0 $0xFFFFEC00  }
0x4d: {  	[bflag:$0x0] =	sbarrier.arrive $0xFFFF  }
0x4e: {  	s20 =	rddreg [dreg:$0x14]  }
0x4f: {  	[tilespmem:s3], [sflag:$0x5] =	stream.linear.gather [hbm4b:s20+s3], $0x280, $0x38;
	[tilespmem:$0xC940] =	vst v63  }
0x50: {  	_ =	swait.ge [sflag:s26], $0x280  }
0x51: {  	[sflag:s26] =	ssyncset.done $0x0  }
0x52: {  	s24 =	rddreg [dreg:$0x15];
	[sflag:s26] =	ssyncadd.s32 $0xFFFFFD80  }
0x53: {  	[tilespmem:s28], [sflag:$0x5] =	stream.linear.gather [hbm4b:s24+s3], $0x280, $0x38;
	[tilespmem:$0xC940] =	vst v63  }
0x54: {  	_ =	swait.ge [sflag:s26], $0x280  }
0x55: {  	[sflag:s26] =	ssyncset.done $0x0  }
0x56: {  	[sflag:s26] =	ssyncadd.s32 $0xFFFFFD80  }
0x57: {  	[tilespmem:s23], [sflag:$0x1] =	stream.indirect.gather [hbm4b:s16+s29], $0x40, s3, s29, $0xb8;
	[tilespmem:$0xC940] =	vst v63  }
0x58: {  	_ = 	snop  }
0x59: {  	[tilespmem:s30], [sflag:$0x2] =	stream.indirect.gather [hbm4b:s16+s29], $0x40, s29, s29, $0xb8;
	[tilespmem:$0xC940] =	vst v63  }
0x5a: {  	_ =	swait.ge [sflag:s31], $0x1400  }
0x5b: {  	[sflag:s31] =	ssyncset.done $0x0  }
0x5c: {  	[sflag:s31] =	ssyncadd.s32 $0xFFFFEC00  }
0x5d: {  	[spmem:s1] =	stream.indirect.scatter.add.f32 [tilespmem:s23], [sflag:$0x3], $0x40, s28, s29, $0xb8;
	[tilespmem:$0xC940] =	vst v63  }
0x5e: {  	_ =	swait.ge [sflag:s0], $0x1400  }
0x5f: {  	[sflag:s0] =	ssyncset.done $0x0  }
0x60: {  	s25 =	rddreg [dreg:$0x6];
	[sflag:s0] =	ssyncadd.s32 $0xFFFFEC00  }
0x61: {  	[spmem:s1] =	stream.indirect.scatter.add.f32 [tilespmem:s30], [sflag:$0x4], $0x40, s25, s29, $0xb8;
	[tilespmem:$0xC940] =	vst v63  }
0x62: {  	_ =	swait.ge [sflag:s2], $0x1400  }
0x63: {  	[sflag:s2] =	ssyncset.done $0x0  }
0x64: {  	[sflag:s2] =	ssyncadd.s32 $0xFFFFEC00  }
0x65: {  	[tilespmem:s23], [sflag:$0x1] =	stream.indirect.gather [hbm4b:s16+s29], $0x40, s4, s29, $0xb8;
	[tilespmem:$0xC940] =	vst v63  }
0x66: {  	_ =	swait.ge [sflag:s7], $0x1400  }
0x67: {  	[sflag:s7] =	ssyncset.done $0x0  }
0x68: {  	s6 =	rddreg [dreg:$0x7];
	[sflag:s7] =	ssyncadd.s32 $0xFFFFEC00  }
0x69: {  	[tilespmem:s30], [sflag:$0x2] =	stream.indirect.gather [hbm4b:s16+s29], $0x40, s6, s29, $0xb8;
	[tilespmem:$0xC940] =	vst v63  }
0x6a: {  	_ =	swait.ge [sflag:s31], $0x1400  }
0x6b: {  	[sflag:s31] =	ssyncset.done $0x0  }
0x6c: {  	s15 =	rddreg [dreg:$0x8];
	[sflag:s31] =	ssyncadd.s32 $0xFFFFEC00  }
0x6d: {  	[spmem:s1] =	stream.indirect.scatter.add.f32 [tilespmem:s23], [sflag:$0x3], $0x40, s15, s29, $0xb8;
	[tilespmem:$0xC940] =	vst v63  }
0x6e: {  	_ =	swait.ge [sflag:s0], $0x1400  }
0x6f: {  	[sflag:s0] =	ssyncset.done $0x0  }
0x70: {  	s19 =	rddreg [dreg:$0x9];
	[sflag:s0] =	ssyncadd.s32 $0xFFFFEC00  }
0x71: {  	[spmem:s1] =	stream.indirect.scatter.add.f32 [tilespmem:s30], [sflag:$0x4], $0x40, s19, s29, $0xb8;
	[tilespmem:$0xC940] =	vst v63  }
0x72: {  	_ =	swait.ge [sflag:s2], $0x1400  }
0x73: {  	[sflag:s2] =	ssyncset.done $0x0  }
0x74: {  	s20 =	rddreg [dreg:$0xa];
	[sflag:s2] =	ssyncadd.s32 $0xFFFFEC00  }
0x75: {  	[tilespmem:s23], [sflag:$0x1] =	stream.indirect.gather [hbm4b:s16+s29], $0x40, s20, s29, $0xb8;
	[tilespmem:$0xC940] =	vst v63  }
0x76: {  	_ =	swait.ge [sflag:s7], $0x1400  }
0x77: {  	[sflag:s7] =	ssyncset.done $0x0  }
0x78: {  	s24 =	rddreg [dreg:$0xb];
	[sflag:s7] =	ssyncadd.s32 $0xFFFFEC00  }
0x79: {  	[tilespmem:s30], [sflag:$0x2] =	stream.indirect.gather [hbm4b:s16+s29], $0x40, s24, s29, $0xb8;
	[tilespmem:$0xC940] =	vst v63  }
0x7a: {  	_ =	swait.ge [sflag:s31], $0x1400  }
0x7b: {  	[sflag:s31] =	ssyncset.done $0x0  }
0x7c: {  	[sflag:s31] =	ssyncadd.s32 $0xFFFFEC00  }
0x7d: {  	[spmem:s1] =	stream.indirect.scatter.add.f32 [tilespmem:s23], [sflag:$0x3], $0x40, s8, s29, $0xb8;
	[tilespmem:$0xC940] =	vst v63  }
0x7e: {  	_ =	swait.ge [sflag:s0], $0x1400  }
0x7f: {  	[sflag:s0] =	ssyncset.done $0x0  }
0x80: {  	[sflag:s0] =	ssyncadd.s32 $0xFFFFEC00  }
0x81: {  	[spmem:s1] =	stream.indirect.scatter.add.f32 [tilespmem:s30], [sflag:$0x4], $0x40, s9, s29, $0xb8;
	[tilespmem:$0xC940] =	vst v63  }
0x82: {  	_ =	swait.ge [sflag:s2], $0x1400  }
0x83: {  	[sflag:s2] =	ssyncset.done $0x0  }
0x84: {  	[sflag:s2] =	ssyncadd.s32 $0xFFFFEC00  }
0x85: {  	[tilespmem:s23], [sflag:$0x1] =	stream.indirect.gather [hbm4b:s16+s29], $0x40, s10, s29, $0xb8;
	[tilespmem:$0xC940] =	vst v63  }
0x86: {  	_ =	swait.ge [sflag:s7], $0x1400  }
0x87: {  	[sflag:s7] =	ssyncset.done $0x0  }
0x88: {  	[sflag:s7] =	ssyncadd.s32 $0xFFFFEC00  }
0x89: {  	[tilespmem:s30], [sflag:$0x2] =	stream.indirect.gather [hbm4b:s16+s29], $0x40, s11, s29, $0xb8;
	[tilespmem:$0xC940] =	vst v63  }
0x8a: {  	_ =	swait.ge [sflag:s31], $0x1400  }
0x8b: {  	[sflag:s31] =	ssyncset.done $0x0  }
0x8c: {  	[sflag:s31] =	ssyncadd.s32 $0xFFFFEC00  }
0x8d: {  	[spmem:s1] =	stream.indirect.scatter.add.f32 [tilespmem:s23], [sflag:$0x3], $0x40, s12, s29, $0xb8;
	[tilespmem:$0xC940] =	vst v63  }
0x8e: {  	_ =	swait.ge [sflag:s0], $0x1400  }
0x8f: {  	[sflag:s0] =	ssyncset.done $0x0  }
0x90: {  	[sflag:s0] =	ssyncadd.s32 $0xFFFFEC00  }
0x91: {  	[spmem:s1] =	stream.indirect.scatter.add.f32 [tilespmem:s30], [sflag:$0x4], $0x40, s13, s29, $0xb8;
	[tilespmem:$0xC940] =	vst v63  }
0x92: {  	_ =	swait.ge [sflag:s2], $0x1400  }
0x93: {  	[sflag:s2] =	ssyncset.done $0x0  }
0x94: {  	[sflag:s2] =	ssyncadd.s32 $0xFFFFEC00  }
0x95: {  	_ =	swait.ge [sflag:s7], $0x1400  }
0x96: {  	p2 =	sle.u32 s5, $0x8;
	[sflag:s7] =	ssyncset.done $0x0  }
0x97: {  	s15 =	simm.s32 @!p2 $0x0;
	s19 =	simm.s32 @!p2 $0x5;
	[sflag:s7] =	ssyncadd.s32 $0xFFFFEC00  }
0x98: {  	[tilespmem:s15], [sflag:$0x5] =	stream.linear.gather @!p2 [hbm4b:s21+s15], $0x280, $0x38;
	[tilespmem:$0xC940] =	vst v63  }
0x99: {  	_ =	swait.ge @!p2 [sflag:s19], $0x280  }
0x9a: {  	[sflag:s19] =	ssyncset.done @!p2 $0x0  }
0x9b: {  	s14 =	simm.s32 @!p2 $0x280;
	[sflag:s19] =	ssyncadd.s32 @!p2 $0xFFFFFD80  }
0x9c: {  	[tilespmem:s14], [sflag:$0x5] =	stream.linear.gather @!p2 [hbm4b:s22+s15], $0x280, $0x38;
	[tilespmem:$0xC940] =	vst v63  }
0x9d: {  	_ =	swait.ge @!p2 [sflag:s19], $0x280  }
0x9e: {  	s25 =	rddreg [dreg:$0x16]  }
0x9f: {  	s14 =	sadd.s32 $0xFFFFFFFF, s25  }
0xa0: {  	p1 =	sne.s32 s14, $0x0  }
.Ltmp1:
0xa1: {  	_ = 	snop;
	(pc) =	sbr.rel @!p1 .LBB2_5-.Ltmp1, $4  }
0xa2: {  	s20 =	sadd.s32 $0x50, s22;
	[sflag:s19] =	ssyncset.done @!p2 $0x0  }
0xa3: {  	s24 =	simm.s32 @!p2 $0x50;
	[sflag:s19] =	ssyncadd.s32 @!p2 $0xFFFFFD80;
	s19 =	simm.s32 @!p2 $0x500  }
0xa4: {  	[tilespmem:s19], [sflag:$0x1] =	stream.indirect.gather @!p2 [hbm4b:s16+s24], $0x40, s15, s24, $0xb8;
	[tilespmem:$0xC940] =	vst v63  }
0xa5: {  	s25 =	simm.s32 @!p2 $0x1900;
	s19 =	simm.s32 $0x10;
	s15 =	sadd.s32 $0x50, s21  }
.LBB2_4:
0xa6: {  	[tilespmem:s25], [sflag:$0x2] =	stream.indirect.gather @!p2 [hbm4b:s16+s24], $0x40, s24, s24, $0xb8;
	[tilespmem:$0xC940] =	vst v63  }
0xa7: {  	_ =	swait.ge [sflag:s31], $0x1400  }
0xa8: {  	[sflag:s31] =	ssyncset.done $0x0  }
0xa9: {  	[sflag:s31] =	ssyncadd.s32 $0xFFFFEC00  }
0xaa: {  	[spmem:s1] =	stream.indirect.scatter.add.f32 [tilespmem:s23], [sflag:$0x3], $0x40, s28, s29, $0xb8;
	[tilespmem:$0xC940] =	vst v63  }
0xab: {  	_ =	swait.ge [sflag:s0], $0x1400  }
0xac: {  	[sflag:s0] =	ssyncset.done $0x0  }
0xad: {  	s6 =	rddreg [dreg:$0x6];
	[sflag:s0] =	ssyncadd.s32 $0xFFFFEC00  }
0xae: {  	[spmem:s1] =	stream.indirect.scatter.add.f32 [tilespmem:s30], [sflag:$0x4], $0x40, s6, s29, $0xb8;
	[tilespmem:$0xC940] =	vst v63  }
0xaf: {  	_ =	swait.ge [sflag:s2], $0x1400  }
0xb0: {  	[sflag:s2] =	ssyncset.done $0x0  }
0xb1: {  	[sflag:s2] =	ssyncadd.s32 $0xFFFFEC00  }
0xb2: {  	[tilespmem:s23], [sflag:$0x1] =	stream.indirect.gather [hbm4b:s16+s29], $0x40, s4, s29, $0xb8;
	[tilespmem:$0xC940] =	vst v63  }
0xb3: {  	_ =	swait.ge [sflag:s7], $0x1400  }
0xb4: {  	[sflag:s7] =	ssyncset.done $0x0  }
0xb5: {  	s25 =	rddreg [dreg:$0x7];
	[sflag:s7] =	ssyncadd.s32 $0xFFFFEC00  }
0xb6: {  	[tilespmem:s30], [sflag:$0x2] =	stream.indirect.gather [hbm4b:s16+s29], $0x40, s25, s29, $0xb8;
	[tilespmem:$0xC940] =	vst v63  }
0xb7: {  	_ =	swait.ge [sflag:s31], $0x1400  }
0xb8: {  	[sflag:s31] =	ssyncset.done $0x0  }
0xb9: {  	s6 =	rddreg [dreg:$0x8];
	[sflag:s31] =	ssyncadd.s32 $0xFFFFEC00  }
0xba: {  	[spmem:s1] =	stream.indirect.scatter.add.f32 [tilespmem:s23], [sflag:$0x3], $0x40, s6, s29, $0xb8;
	[tilespmem:$0xC940] =	vst v63  }
0xbb: {  	_ =	swait.ge [sflag:s0], $0x1400  }
0xbc: {  	[sflag:s0] =	ssyncset.done $0x0  }
0xbd: {  	s25 =	rddreg [dreg:$0x9];
	[sflag:s0] =	ssyncadd.s32 $0xFFFFEC00  }
0xbe: {  	[spmem:s1] =	stream.indirect.scatter.add.f32 [tilespmem:s30], [sflag:$0x4], $0x40, s25, s29, $0xb8;
	[tilespmem:$0xC940] =	vst v63  }
0xbf: {  	_ =	swait.ge [sflag:s2], $0x1400  }
0xc0: {  	[sflag:s2] =	ssyncset.done $0x0  }
0xc1: {  	s6 =	rddreg [dreg:$0xa];
	[sflag:s2] =	ssyncadd.s32 $0xFFFFEC00  }
0xc2: {  	[tilespmem:s23], [sflag:$0x1] =	stream.indirect.gather [hbm4b:s16+s29], $0x40, s6, s29, $0xb8;
	[tilespmem:$0xC940] =	vst v63  }
0xc3: {  	_ =	swait.ge [sflag:s7], $0x1400  }
0xc4: {  	[sflag:s7] =	ssyncset.done $0x0  }
0xc5: {  	s25 =	rddreg [dreg:$0xb];
	[sflag:s7] =	ssyncadd.s32 $0xFFFFEC00  }
0xc6: {  	[tilespmem:s30], [sflag:$0x2] =	stream.indirect.gather [hbm4b:s16+s29], $0x40, s25, s29, $0xb8;
	[tilespmem:$0xC940] =	vst v63  }
0xc7: {  	_ =	swait.ge [sflag:s31], $0x1400  }
0xc8: {  	[sflag:s31] =	ssyncset.done $0x0  }
0xc9: {  	[sflag:s31] =	ssyncadd.s32 $0xFFFFEC00  }
0xca: {  	[spmem:s1] =	stream.indirect.scatter.add.f32 [tilespmem:s23], [sflag:$0x3], $0x40, s8, s29, $0xb8;
	[tilespmem:$0xC940] =	vst v63  }
0xcb: {  	_ =	swait.ge [sflag:s0], $0x1400  }
0xcc: {  	[sflag:s0] =	ssyncset.done $0x0  }
0xcd: {  	[sflag:s0] =	ssyncadd.s32 $0xFFFFEC00  }
0xce: {  	[spmem:s1] =	stream.indirect.scatter.add.f32 [tilespmem:s30], [sflag:$0x4], $0x40, s9, s29, $0xb8;
	[tilespmem:$0xC940] =	vst v63  }
0xcf: {  	_ =	swait.ge [sflag:s2], $0x1400  }
0xd0: {  	[sflag:s2] =	ssyncset.done $0x0  }
0xd1: {  	[sflag:s2] =	ssyncadd.s32 $0xFFFFEC00  }
0xd2: {  	[tilespmem:s23], [sflag:$0x1] =	stream.indirect.gather [hbm4b:s16+s29], $0x40, s10, s29, $0xb8;
	[tilespmem:$0xC940] =	vst v63  }
0xd3: {  	_ =	swait.ge [sflag:s7], $0x1400  }
0xd4: {  	[sflag:s7] =	ssyncset.done $0x0  }
0xd5: {  	[sflag:s7] =	ssyncadd.s32 $0xFFFFEC00  }
0xd6: {  	[tilespmem:s30], [sflag:$0x2] =	stream.indirect.gather [hbm4b:s16+s29], $0x40, s11, s29, $0xb8;
	[tilespmem:$0xC940] =	vst v63  }
0xd7: {  	_ =	swait.ge [sflag:s31], $0x1400  }
0xd8: {  	[sflag:s31] =	ssyncset.done $0x0  }
0xd9: {  	[sflag:s31] =	ssyncadd.s32 $0xFFFFEC00  }
0xda: {  	[spmem:s1] =	stream.indirect.scatter.add.f32 [tilespmem:s23], [sflag:$0x3], $0x40, s12, s29, $0xb8;
	[tilespmem:$0xC940] =	vst v63  }
0xdb: {  	_ =	swait.ge [sflag:s0], $0x1400  }
0xdc: {  	[sflag:s0] =	ssyncset.done $0x0  }
0xdd: {  	[sflag:s0] =	ssyncadd.s32 $0xFFFFEC00  }
0xde: {  	[spmem:s1] =	stream.indirect.scatter.add.f32 [tilespmem:s30], [sflag:$0x4], $0x40, s13, s29, $0xb8;
	[tilespmem:$0xC940] =	vst v63  }
0xdf: {  	_ =	swait.ge [sflag:s2], $0x1400  }
0xe0: {  	[sflag:s2] =	ssyncset.done $0x0  }
0xe1: {  	[sflag:s2] =	ssyncadd.s32 $0xFFFFEC00  }
0xe2: {  	_ =	swait.ge [sflag:s7], $0x1400  }
0xe3: {  	p2 =	sge.u32 s19, s5;
	[sflag:s7] =	ssyncset.done $0x0  }
0xe4: {  	s24 =	simm.s32 @!p2 $0x5;
	s25 =	simm.s32 @!p2 $0x0;
	[sflag:s7] =	ssyncadd.s32 $0xFFFFEC00  }
0xe5: {  	[tilespmem:s25], [sflag:$0x5] =	stream.linear.gather @!p2 [hbm4b:s15+s25], $0x280, $0x38;
	[tilespmem:$0xC940] =	vst v63  }
0xe6: {  	_ =	swait.ge @!p2 [sflag:s24], $0x280  }
0xe7: {  	s14 =	sadd.s32 $0xFFFFFFFF, s14;
	[sflag:s24] =	ssyncset.done @!p2 $0x0  }
0xe8: {  	p1 =	sne.s32 s14, $0x0;
	s6 =	simm.s32 @!p2 $0x280;
	[sflag:s24] =	ssyncadd.s32 @!p2 $0xFFFFFD80  }
0xe9: {  	[tilespmem:s6], [sflag:$0x5] =	stream.linear.gather @!p2 [hbm4b:s20+s25], $0x280, $0x38;
	[tilespmem:$0xC940] =	vst v63  }
.Ltmp2:
0xea: {  	_ =	swait.ge @!p2 [sflag:s24], $0x280;
	(pc) =	sbr.rel @p1 .LBB2_4-.Ltmp2, $4  }
0xeb: {  	s19 =	sadd.s32 $0x8, s19;
	[sflag:s24] =	ssyncset.done @!p2 $0x0  }
0xec: {  	s6 =	simm.s32 @!p2 $0x500;
	[sflag:s24] =	ssyncadd.s32 @!p2 $0xFFFFFD80;
	s24 =	simm.s32 @!p2 $0x50  }
0xed: {  	[tilespmem:s6], [sflag:$0x1] =	stream.indirect.gather @!p2 [hbm4b:s16+s24], $0x40, s25, s24, $0xb8;
	[tilespmem:$0xC940] =	vst v63  }
0xee: {  	s15 =	sadd.s32 $0x50, s15;
	s20 =	sadd.s32 $0x50, s20;
	s25 =	simm.s32 @!p2 $0x1900  }
.LBB2_5:
0xef: {  	[tilespmem:s25], [sflag:$0x2] =	stream.indirect.gather @!p2 [hbm4b:s16+s24], $0x40, s24, s24, $0xb8;
	[tilespmem:$0xC940] =	vst v63  }
0xf0: {  	[bflag:$0x0] =	sbarrier.arrive $0xFFFF  }
0xf1: {  	s14 =	rddreg [dreg:$0x18]  }
0xf2: {  	s6 =	simm.s32 @p0 $0x1FC5;
	s15 =	rddreg [dreg:$0x1a]  }
0xf3: {  	[hbm:s14], [sflag:s6] =	dma.local @p0 [spmem:s15], $0xC80  }
0xf4: {  	s6 =	simm.s32 @p0 $0x5  }
0xf5: {  	s14 =	stileid.u32;
	_ =	swait.ge @p0 [sflag:s6], $0xC80  }
0xf6: {  	s14 =	sshll.u32 @!p0 s14, $0x6;
	[sflag:s6] =	ssyncset.done @p0 $0x0;
	s15 =	rddreg [dreg:$0x1b]  }
0xf7: {  	[sflag:s6] =	ssyncadd.s32 @p0 $0xFFFFF380;
	s6 =	sor.u32 @!p0 $0x1C05, s14;
	s14 =	rddreg [dreg:$0x17]  }
0xf8: {  	[hbm:s14], [sflag:s6] =	dma.local @!p0 [spmem:s15], $0x1400  }
0xf9: {  	_ =	swait.ge @!p0 [sflag:s18], $0x1400  }
0xfa: {  	s17 =	sadd.s32 $0x1, s17;
	s25 =	rddreg [dreg:$0x19]  }
0xfb: {  	p1 =	sne.s32 s17, s25  }
.Ltmp3:
0xfc: {  	_ = 	snop;
	(pc) =	sbr.rel @p1 .LBB2_1-.Ltmp3, $3  }
0xfd: {  	_ =	sdelay $0x1  }
0xfe: {  	[sflag:s18] =	ssyncset.done @!p0 $0x0  }
0xff: {  	[sflag:s18] =	ssyncadd.s32 @!p0 $0xFFFFEC00  }
0x100: {  	_ =	sfence.sel $0x180000  }
0x101: {  	[bflag:$0x0] =	sbarrier.arrive $0xFFFF  }
0x102: {  	_ =	strace $0x9000004A  }
0x103: {  	s0 =	stileid.u32;
	[bflag:$0x2] =	sbarrier.arrive $0xFFFF  }
0x104: {  	p0 =	sne.s32 s0, $0x0;
	s0 =	rddreg [dreg:$0x5]  }
0x105: {  	s0 =	sadd.s32 @!p0 $0x100000, s0  }
0x106: {  	[sflag:s0] =	ssyncadd.tile.s32 @!p0 $0x1;
	_ =	shalt  }
.Lfunc_end2:
_tile_overlayer_lowered:
.L_overlay_start_2:
0x107: {  	(tag) =	ssettag $0x2  }
0x108: {  	s0 =	rddreg [dreg:$0x0];
	s2 =	stileid.u32  }
0x109: {  	s1 =	rddreg [dreg:$0x1];
	p0 =	sne.s32 s2, $0x0  }
0x10a: {  	s3 =	rddreg [dreg:$0x2];
	[bflag:$0x3] =	sbarrier.arrive $0xFFFF;
	s2 =	simm.s32 @!p0 $0x1C05  }
0x10b: {  	[timem:s3], [sflag:s2] =	dma.local @!p0 [hbm:s0], s1  }
0x10c: {  	s0 =	simm.s32 @!p0 $0x5  }
0x10d: {  	_ =	swait.ge @!p0 [sflag:s0], s1  }
0x10e: {  	s1 =	ssub.s32 @!p0 $0x0, s1;
	[sflag:s0] =	ssyncset.done @!p0 $0x0  }
0x10f: {  	[sflag:s0] =	ssyncadd.s32 @!p0 s1  }
0x110: {  	[bflag:$0x3] =	sbarrier.arrive $0xFFFF  }
0x111: {  	_ =	shalt  }

// kernel: _impl.8.cloned.1.call-start
scs
__scs_entry_jumppad:
0x0: {  	(pc) =	sbr.rel $0x88, $3  }
0x1: {  	(tag) =	ssettag $0x0;
	lr =	simm.s32 $0x1  }
0x2: {  	[smem:$0x3F96] =	sst lr;
	_ =	strace $0xD0000000  }
0x3: {  	_ = 	snop  }
0x4: {  	_ = 	snop  }
0x5: {  	_ = 	snop  }
0x6: {  	_ = 	snop  }
0x7: {  	_ = 	snop  }
__scs_overlays_trampoline_lowered:
0x8: {  	[smem:$0x3FA5] =	sst s0  }
0x9: {  	[smem:$0x3FA6] =	sst s1  }
0xa: {  	[smem:$0x3FA7] =	sst s2  }
0xb: {  	[smem:$0x3FA8] =	sst s3  }
0xc: {  	[smem:$0x3FA9] =	sst s4  }
0xd: {  	[smem:$0x3FAA] =	sst s5  }
0xe: {  	[smem:$0x3FAB] =	sst s6  }
0xf: {  	[smem:$0x3FAC] =	sst s7  }
0x10: {  	[smem:$0x3FAD] =	sst s8  }
0x11: {  	[smem:$0x3FAE] =	sst s9;
	s0 =	simm.s32 @!p0 $0x0  }
0x12: {  	s1 =	sld [smem:$0x3F94];
	s0 =	simm.s32 @p0 $0x1  }
0x13: {  	[smem:$0x3FAF] =	sst s0;
	s0 =	simm.s32 @!p1 $0x0  }
0x14: {  	s2 =	sld [smem:$0x3F93];
	s0 =	simm.s32 @p1 $0x1  }
0x15: {  	[smem:$0x3FB0] =	sst s0;
	s0 =	simm.s32 @!p2 $0x0  }
0x16: {  	s3 =	sld [smem:$0x3FDB];
	s0 =	simm.s32 @p2 $0x1  }
0x17: {  	s4 =	simm.s32 $0x1BF5;
	[smem:$0x3FB2] =	sst s0  }
0x18: {  	s0 =	sld [smem:$0x3F95];
	_ =	swait.ge [sflag:s4], $0x0  }
0x19: {  	s7 =	sld [smem:$0x3F96]  }
0x1a: {  	s8 =	sadd.s32 $0xFFFFE003, lr  }
0x1b: {  	s9 =	sadd.s32 $0xFFFFFEF7, lr;
	s5 =	simm.s32 $0xFFFFFFFF;
	p2 =	slt.u32 s8, $0xFFFFF086  }
0x1c: {  	p1 =	slt.u32 s9, $0xF7A;
	s5 =	simm.s32 @!p2 $0x0  }
0x1d: {  	s5 =	simm.s32 @p1 $0x1;
	p0 =	seq.s32 s7, s2  }
0x1e: {  	s7 =	smul.u32 @!p0 $0xF7A, s2;
	p2 =	seq.s32 @!p0 s5, $0x0  }
0x1f: {  	s9 =	smul.u32 $0xF7A, s1;
	s8 =	simm.s32 @!p0 $0x1BF5;
	p2 =	por !p2, p0  }
0x20: {  	[sflag:s8] =	ssyncset.s32 @!p0 $0xFFFFF086;
	s6 =	sadd.s32 @!p0 s3, s7;
	s7 =	simm.s32 @!p0 $0x108  }
0x21: {  	s3 =	sadd.s32 s3, s9;
	s6 =	sadd.s32 @!p0 $0x88, s6;
	s7 =	simm.s32 @p2 $0x1082  }
0x22: {  	[simem:s7], [sflag:s8] =	dma.local @!p0 [hbm:s6], $0xF7A  }
0x23: {  	s9 =	sor.u32 $0xD0000000, s2;
	s6 =	simm.s32 $0x108;
	_ =	swait.ge @!p0 [sflag:s8], $0x0  }
0x24: {  	s3 =	sadd.s32 $0x88, s3;
	s6 =	simm.s32 @!p1 $0x1082;
	[sflag:s4] =	ssyncset.s32 $0xFFFFF086  }
0x25: {  	[simem:s6], [sflag:s4] =	dma.local [hbm:s3], $0xF7A  }
0x26: {  	[smem:$0x3F96] =	sst s1;
	(tag) =	ssettag s2;
	_ =	strace s9  }
0x27: {  	s1 =	sld [smem:$0x3FA6]  }
0x28: {  	s2 =	sld [smem:$0x3FA7]  }
0x29: {  	s4 =	sld [smem:$0x3FA9]  }
0x2a: {  	p0 =	seq.s32 s5, $0x0;
	s5 =	sld [smem:$0x3FAA]  }
0x2b: {  	s6 =	sld [smem:$0x3FAB]  }
0x2c: {  	s7 =	sld [smem:$0x3FAC]  }
0x2d: {  	s3 =	simm.s32 $0x108;
	s8 =	sld [smem:$0x3FAD]  }
0x2e: {  	s3 =	simm.s32 @!p0 $0x1082;
	s9 =	sld [smem:$0x3FAE]  }
0x2f: {  	lr =	sadd.s32 s0, s3;
	s0 =	sld [smem:$0x3FA5]  }
0x30: {  	s3 =	sld [smem:$0x3FA8]  }
0x31: {  	[smem:$0x3FB1] =	sst s10  }
0x32: {  	s10 =	sld [smem:$0x3FAF];
	_ =	sdelay $0x3  }
0x33: {  	p0 =	seq.s32 s10, $0x1;
	s10 =	sld [smem:$0x3FB1];
	_ =	sdelay $0x3  }
0x34: {  	[smem:$0x3FB1] =	sst s10  }
0x35: {  	s10 =	sld [smem:$0x3FB0];
	_ =	sdelay $0x3  }
0x36: {  	p1 =	seq.s32 s10, $0x1;
	s10 =	sld [smem:$0x3FB1];
	_ =	sdelay $0x3  }
0x37: {  	[smem:$0x3FB1] =	sst s10  }
0x38: {  	s10 =	sld [smem:$0x3FB2]  }
0x39: {  	_ = 	snop;
	(pc) =	sbr.ind lr, $3  }
0x3a: {  	_ = 	snop  }
0x3b: {  	_ = 	snop  }
0x3c: {  	p2 =	seq.s32 s10, $0x1;
	s10 =	sld [smem:$0x3FB1]  }
0x3d: {  	_ =	shalt  }
0x3e: {  	_ =	shalt  }
0x3f: {  	_ =	shalt  }
0x40: {  	_ =	shalt  }
0x41: {  	_ =	shalt  }
0x42: {  	_ =	shalt  }
0x43: {  	_ =	shalt  }
0x44: {  	_ =	shalt  }
0x45: {  	_ =	shalt  }
0x46: {  	_ =	shalt  }
0x47: {  	_ =	shalt  }
0x48: {  	_ =	shalt  }
0x49: {  	_ =	shalt  }
0x4a: {  	_ =	shalt  }
0x4b: {  	_ =	shalt  }
0x4c: {  	_ =	shalt  }
0x4d: {  	_ =	shalt  }
0x4e: {  	_ =	shalt  }
0x4f: {  	_ =	shalt  }
0x50: {  	_ =	shalt  }
0x51: {  	_ =	shalt  }
0x52: {  	_ =	shalt  }
0x53: {  	_ =	shalt  }
0x54: {  	_ =	shalt  }
0x55: {  	_ =	shalt  }
0x56: {  	_ =	shalt  }
0x57: {  	_ =	shalt  }
0x58: {  	_ =	shalt  }
0x59: {  	_ =	shalt  }
0x5a: {  	_ =	shalt  }
0x5b: {  	_ =	shalt  }
0x5c: {  	_ =	shalt  }
0x5d: {  	_ =	shalt  }
0x5e: {  	_ =	shalt  }
0x5f: {  	_ =	shalt  }
0x60: {  	_ =	shalt  }
0x61: {  	_ =	shalt  }
0x62: {  	_ =	shalt  }
0x63: {  	_ =	shalt  }
0x64: {  	_ =	shalt  }
0x65: {  	_ =	shalt  }
0x66: {  	_ =	shalt  }
0x67: {  	_ =	shalt  }
0x68: {  	_ =	shalt  }
0x69: {  	_ =	shalt  }
0x6a: {  	_ =	shalt  }
0x6b: {  	_ =	shalt  }
0x6c: {  	_ =	shalt  }
0x6d: {  	_ =	shalt  }
0x6e: {  	_ =	shalt  }
0x6f: {  	_ =	shalt  }
0x70: {  	_ =	shalt  }
0x71: {  	_ =	shalt  }
0x72: {  	_ =	shalt  }
0x73: {  	_ =	shalt  }
0x74: {  	_ =	shalt  }
0x75: {  	_ =	shalt  }
0x76: {  	_ =	shalt  }
0x77: {  	_ =	shalt  }
0x78: {  	_ =	shalt  }
0x79: {  	_ =	shalt  }
0x7a: {  	_ =	shalt  }
0x7b: {  	_ =	shalt  }
0x7c: {  	_ =	shalt  }
0x7d: {  	_ =	shalt  }
0x7e: {  	_ =	shalt  }
0x7f: {  	_ =	shalt  }
0x80: {  	_ =	shalt  }
0x81: {  	_ =	shalt  }
0x82: {  	_ =	shalt  }
0x83: {  	_ =	shalt  }
0x84: {  	_ =	shalt  }
0x85: {  	_ =	shalt  }
0x86: {  	_ =	shalt  }
0x87: {  	_ =	shalt  }
.Lfunc_end0:
.L_simem_size_0:
called_computation.1_lowered:
.L_overlay_start_0:
0x88: {  	s2 =	sld [smem:$0x3FD9]  }
0x89: {  	s3 =	sld [smem:$0x3FFE];
	_ =	sdelay $0x1  }
0x8a: {  	s1 =	srdreg.scid  }
0x8b: {  	s0 =	sand.u32 $0x1, s1  }
0x8c: {  	s17 =	sshll.u32 s0, $0xA;
	s2 =	sadd.s32 s3, s2  }
0x8d: {  	s2 =	sadd.s32 s2, s17  }
0x8e: {  	[smem:$0x3FBD] =	sst s2  }
0x8f: {  	_ = 	snop  }
0x90: {  	s2 =	sld [smem:$0x3FC6];
	(tm) =	ssettm $0x1  }
0x91: {  	s18 =	sld [smem:$0x3FFB];
	_ =	sdelay $0x3  }
0x92: {  	_ =	strace s18  }
0x93: {  	s3 =	sld [smem:$0x3FFC];
	_ =	sdelay $0x3  }
0x94: {  	_ =	strace s3  }
0x95: {  	s3 =	sld [smem:$0x3FFD];
	_ =	sdelay $0x3  }
0x96: {  	_ =	strace s3  }
0x97: {  	_ =	strace $0x8FFFFFFF  }
0x98: {  	s19 =	sld [smem:$0x3FDB];
	_ =	sdelay $0x1  }
0x99: {  	s4 =	simm.s32 $_scs_section_size  }
0x9a: {  	s5 =	simm.s32 $_size__tile_overlayer_lowered;
	s6 =	simm.s32 $_tile_overlayer_lowered  }
0x9b: {  	s22 =	simm.s32 $0x1BFF;
	s21 =	sshll.u32 s6, $0x1;
	s3 =	sadd.s32 s4, s19  }
0x9c: {  	s7 =	simm.s32 $0x0;
	s20 =	sshll.u32 s5, $0x1;
	s5 =	sadd.s32 s21, s3  }
0x9d: {  	[timem:s7], [sflag:s22] =	dma.local [hbm:s5], s20  }
0x9e: {  	_ =	swait.ge [sflag:s22], s20  }
0x9f: {  	s4 =	ssub.s32 $0x0, s20;
	[sflag:s22] =	ssyncset.done $0x0  }
0xa0: {  	[sflag:s22] =	ssyncadd.s32 s4;
	_ =	sdelay $0x1  }
0xa1: {  	s23 =	simm.s32 $0x1B8B  }
0xa2: {  	_ =	swait.ge [sflag:s23], $0x1  }
0xa3: {  	[sflag:s23] =	ssyncset.done $0x0  }
0xa4: {  	s25 =	simm.s32 $0x1B8E;
	s24 =	sld [smem:$0x3FFE];
	[sflag:s23] =	ssyncadd.s32 $0xFFFFFFFF  }
0xa5: {  	s26 =	simm.s32 $execute0_lowered;
	[smem:$0x3FD2] =	sst s25  }
0xa6: {  	s5 =	sshll.u32 s26, $0x1;
	_ =	strace $0x80000046;
	[dreg:$0x1] =	wrdreg $0xFFFFFFFF  }
0xa7: {  	s28 =	simm.s32 $_size_execute0_lowered;
	s3 =	sadd.s32 s3, s5;
	[dreg:$0x0] =	wrdreg $0x0  }
0xa8: {  	s5 =	sshll.u32 s28, $0x1;
	[dreg:$0x2] =	wrdreg s3  }
0xa9: {  	[dreg:$0x3] =	wrdreg s5  }
0xaa: {  	[dreg:$0x4] =	wrdreg $0xC0  }
0xab: {  	_ =	task [dreg:s7], $0x5FFFF  }
0xac: {  	[dreg:$0x1] =	wrdreg $0xFFFFFFFF  }
0xad: {  	[dreg:$0x0] =	wrdreg $0x60  }
0xae: {  	[dreg:$0x2] =	wrdreg s24  }
0xaf: {  	[dreg:$0x3] =	wrdreg s2  }
0xb0: {  	[dreg:$0x4] =	wrdreg $0x11800  }
0xb1: {  	[dreg:$0x5] =	wrdreg $0x38900  }
0xb2: {  	[dreg:$0x6] =	wrdreg $0xA  }
0xb3: {  	_ =	task.clear_ibuf [dreg:s7], $0x7FFFF;
	_ =	strace $0x90000046  }
0xb4: {  	s29 =	simm.s32 $0xA;
	_ =	strace $0x80000048  }
0xb5: {  	_ =	swait.ge [sflag:s29], $0x1  }
0xb6: {  	[sflag:s29] =	ssyncadd.s32 $0xFFFFFFFF  }
0xb7: {  	_ =	strace $0x90000048  }
0xb8: {  	_ =	sfence  }
0xb9: {  	s30 =	sld [smem:$0x0];
	_ =	sdelay $0x2  }
0xba: {  	s31 =	sshll.u32 s1, $0xD;
	s1 =	sshrl.u32 s1, $0x2  }
0xbb: {  	s3 =	sand.u32 $0x4000, s31;
	s1 =	sadd.s32 s1, s30  }
0xbc: {  	s0 =	sor.u32 s3, s0;
	s1 =	sshll.u32 s1, $0x11  }
0xbd: {  	s0 =	sor.u32 s1, s0  }
0xbe: {  	s0 =	sadd.s32 $0x8F2B, s0  }
0xbf: {  	[sflag:s0] =	ssyncadd.remote.s32 $0x1  }
0xc0: {  	_ =	sfence.sel $0xFFFF  }
0xc1: {  	[dreg:$0x0] =	wrdreg $0xFFFFFFFF;
	(pc) =	sbr.abs _section_cstart, $3  }
0xc2: {  	[dreg:$0x1] =	wrdreg $0xFFFFFFFF  }
0xc3: {  	_ =	task.clear_ibuf [dreg:s7], $0x2FFFF;
	_ =	strace $0x9FFFFFFF  }
0xc4: {  	(tm) =	ssettm $0x7FFFFFFF  }
0xc5: {  	_ =	shalt  }
tec
execute0_lowered:
.L_overlay_start_1:
0x0: {  	(tag) =	ssettag $0x1  }
0x1: {  	s0 =	rddreg [dreg:$0x0]  }
0x2: {  	s4 =	rddreg [dreg:$0x1]  }
0x3: {  	s1 =	rddreg [dreg:$0x2];
	s21 =	stileid.u32  }
0x4: {  	s2 =	rddreg [dreg:$0x3];
	s31 =	smul.u32 $0xA000, s21  }
0x5: {  	s3 =	simm.s32 $0x0;
	s5 =	srdreg.scid;
	s15 =	smul.u32 $0x2800, s21  }
0x6: {  	[smem:$0x7FF] =	sst s3;
	s25 =	smul.u32 $0x5000, s21  }
0x7: {  	s6 =	sadd.s32 $0x4E5200, s0;
	s8 =	sand.u32 $0x1, s5;
	s28 =	smul.u32 $0x500, s21  }
0x8: {  	s7 =	sadd.s32 $0xD000, s0;
	s0 =	sadd.s32 $0x3200, s0;
	s9 =	smul.u32 $0x7D0, s8  }
0x9: {  	s11 =	sshll.u32 s21, $0x7;
	p0 =	seq.s32 s21, $0xF;
	s12 =	smul.u32 $0x27100, s8  }
0xa: {  	_ =	strace $0x80000047;
	s5 =	ssub.s32 $0x2, s8;
	s24 =	smul.u32 $0x4E200, s8  }
0xb: {  	s26 =	smul.u32 $0x4E20, s8;
	s10 =	sshrl.u32 s5, $0x1;
	s13 =	sshrl.u32 s31, $0x2  }
0xc: {  	s14 =	sor.u32 $0x1400, s31;
	s8 =	sadd.s32 $0x7800, s31;
	s10 =	ssub.s32 s5, s10  }
0xd: {  	s9 =	sadd.s32 s11, s9;
	s5 =	simm.s32 $0x50;
	s16 =	sadd.s32 s13, s1  }
0xe: {  	s14 =	sshrl.u32 s14, $0x2;
	s23 =	sadd.s32 $0xA00, s13;
	s17 =	sadd.s32 $0xF00, s13  }
0xf: {  	s18 =	sadd.s32 s15, s12;
	s19 =	sadd.s32 $0x1400, s13;
	s12 =	sshrl.u32 s12, $0x3  }
0x10: {  	s11 =	sadd.s32 $0x8C00, s31;
	s30 =	sshrl.u32 s8, $0x2;
	s8 =	simm.s32 @p0 $0x9D800  }
0x11: {  	s5 =	simm.s32 @!p0 $0x80;
	[dreg:$0x5] =	wrdreg s16;
	s20 =	smul.u32 $0xA, s9  }
0x12: {  	s18 =	sshrl.u32 s18, $0x3;
	s9 =	smul.u32 $0xA0, s9;
	s21 =	sadd.s32 s23, s1  }
0x13: {  	s12 =	sadd.s32 $0x4B00, s12;
	s22 =	sadd.s32 s7, s18;
	[dreg:$0x11] =	wrdreg s21  }
0x14: {  	s31 =	sshrl.u32 s11, $0x2;
	s18 =	sadd.s32 s0, s18;
	[dreg:$0x6] =	wrdreg s22  }
0x15: {  	s11 =	simm.s32 @p0 $0x9EC00;
	s7 =	sadd.s32 s7, s12;
	[dreg:$0x7] =	wrdreg s18  }
0x16: {  	s16 =	simm.s32 $0xC80;
	s0 =	sadd.s32 s0, s12;
	[dreg:$0x8] =	wrdreg s7  }
0x17: {  	s21 =	simm.s32 $0xA0;
	[dreg:$0x9] =	wrdreg s0;
	s29 =	sadd.s32 s4, s20  }
0x18: {  	s12 =	sadd.s32 s6, s9;
	s7 =	sadd.s32 s30, s1;
	[dreg:$0xb] =	wrdreg s29  }
0x19: {  	s9 =	sadd.s32 $0x1900, s13;
	s13 =	sadd.s32 s13, s2;
	[dreg:$0xc] =	wrdreg s7  }
0x1a: {  	s6 =	sadd.s32 s24, s6;
	s18 =	sadd.s32 s14, s1;
	[dreg:$0xe] =	wrdreg s13  }
0x1b: {  	s4 =	sadd.s32 s26, s4;
	s20 =	sadd.s32 s14, s2;
	[dreg:$0xf] =	wrdreg s18  }
0x1c: {  	s22 =	sadd.s32 s23, s2;
	s23 =	sadd.s32 s17, s1;
	[dreg:$0x10] =	wrdreg s20  }
0x1d: {  	s24 =	sadd.s32 s17, s2;
	s26 =	sadd.s32 s19, s2;
	[dreg:$0x12] =	wrdreg s22  }
0x1e: {  	s14 =	simm.s32 $0x780;
	s17 =	simm.s32 $0x3;
	[dreg:$0x13] =	wrdreg s23  }
0x1f: {  	s0 =	sadd.s32 s25, s6;
	s4 =	sadd.s32 s28, s4;
	[dreg:$0x14] =	wrdreg s24  }
0x20: {  	s6 =	sadd.s32 s31, s1;
	s25 =	sadd.s32 s19, s1;
	[dreg:$0x16] =	wrdreg s26  }
0x21: {  	s28 =	sadd.s32 s9, s1;
	s7 =	sadd.s32 s15, s2;
	s29 =	smax.u32 s10, $0x1  }
0x22: {  	[dreg:$0xa] =	wrdreg s12;
	s30 =	sadd.s32 $0xA0, s12;
	s31 =	sshrl.u32 s5, $0x3  }
0x23: {  	s12 =	simm.s32 $0x280;
	s13 =	simm.s32 $0x7;
	[dreg:$0xd] =	wrdreg s6  }
0x24: {  	s18 =	simm.s32 $0x5;
	s19 =	simm.s32 $0x4;
	[dreg:$0x15] =	wrdreg s25  }
0x25: {  	s20 =	simm.s32 $0x6;
	s22 =	simm.s32 $0xF0;
	[dreg:$0x17] =	wrdreg s28  }
0x26: {  	s23 =	simm.s32 $0x140;
	s6 =	sadd.s32 s9, s2;
	[dreg:$0x19] =	wrdreg s29  }
0x27: {  	s9 =	sadd.s32 $0x5A0, s0;
	s0 =	sshrl.u32 @!p0 s8, $0x2;
	[smem:$0x7FC] =	sst s30  }
0x28: {  	s24 =	simm.s32 $0x190;
	[smem:$0x7FD] =	sst s31;
	s0 =	sadd.s32 @!p0 s0, s2  }
0x29: {  	s26 =	simm.s32 $0x230;
	[dreg:$0x1b] =	wrdreg s0;
	s0 =	sshrl.u32 @!p0 s11, $0x2  }
0x2a: {  	s4 =	sadd.s32 $0x50, s4;
	[dreg:$0x18] =	wrdreg s6;
	s0 =	sadd.s32 @!p0 s0, s2  }
0x2b: {  	s8 =	simm.s32 $0x50;
	[dreg:$0x1c] =	wrdreg s0;
	s0 =	sadd.s32 $0x25800, s1  }
0x2c: {  	[dreg:$0x1a] =	wrdreg s4;
	s4 =	sadd.s32 $0x25800, s2;
	s0 =	sshrl.u32 @p0 s0, $0x3  }
0x2d: {  	s6 =	sadd.s32 s15, s1;
	[dreg:$0x1d] =	wrdreg s0;
	s0 =	sshrl.u32 @p0 s4, $0x3  }
0x2e: {  	s25 =	simm.s32 $0x1E0;
	[dreg:$0x1e] =	wrdreg s0;
	s0 =	sshrl.u32 @!p0 s6, $0x3  }
0x2f: {  	s15 =	simm.s32 $0x1;
	[dreg:$0x1f] =	wrdreg s0;
	s0 =	sshrl.u32 @!p0 s7, $0x3  }
0x30: {  	v0 =	vimm.f32 $0.0e+00;
	v1 =	vimm.f32 $1.000000000e+00;
	s11 =	simm.s32 $0x2;
	s4 =	simm.s32 $0x0;
	[smem:$0x7FB] =	sst s0  }
.LBB2_1:
0x31: {  	[smem:$0x7FA] =	sst s4;
	s0 =	simm.s32 $0x40;
	s4 =	simm.s32 $0x0  }
.LBB2_2:
0x32: {  	p1 =	sne.s32 s0, $0x13C0;
	[tilespmem:s4+$0x280] =	vst v0;
	s6 =	smov.u32 s0;
	s0 =	sadd.s32 $0x40, s0  }
.Ltmp0:
0x33: {  	[tilespmem:s4+$0xC80] =	vst v1;
	(pc) =	sbr.rel @p1 .LBB2_2-.Ltmp0, $2  }
0x34: {  	_ =	sdelay $0x2  }
0x35: {  	s4 =	sshra.s32 s6, $0x2  }
0x36: {  	[tilespmem:s4+$0x280] =	vst v0  }
0x37: {  	[tilespmem:s4+$0xC80] =	vst v1;
	s0 =	rddreg [dreg:$0x5]  }
0x38: {  	[spmem:s0] =	stream.linear.scatter [tilespmem:s12], [sflag:$0x7], $0x500, $0x38;
	[tilespmem:$0x5FA0] =	vst v63  }
0x39: {  	_ =	swait.ge [sflag:s13], $0x500  }
0x3a: {  	[sflag:s13] =	ssyncset.done $0x0  }
0x3b: {  	s4 =	rddreg [dreg:$0xf];
	[sflag:s13] =	ssyncadd.s32 $0xFFFFFB00  }
0x3c: {  	[spmem:s4] =	stream.linear.scatter [tilespmem:s12], [sflag:$0x7], $0x500, $0x38;
	[tilespmem:$0x5FA0] =	vst v63  }
0x3d: {  	_ =	swait.ge [sflag:s13], $0x500  }
0x3e: {  	[sflag:s13] =	ssyncset.done $0x0  }
0x3f: {  	s6 =	rddreg [dreg:$0x11];
	[sflag:s13] =	ssyncadd.s32 $0xFFFFFB00  }
0x40: {  	[spmem:s6] =	stream.linear.scatter [tilespmem:s12], [sflag:$0x7], $0x500, $0x38;
	[tilespmem:$0x5FA0] =	vst v63  }
0x41: {  	_ =	swait.ge [sflag:s13], $0x500  }
0x42: {  	[sflag:s13] =	ssyncset.done $0x0  }
0x43: {  	s7 =	rddreg [dreg:$0x13];
	[sflag:s13] =	ssyncadd.s32 $0xFFFFFB00  }
0x44: {  	[spmem:s7] =	stream.linear.scatter [tilespmem:s12], [sflag:$0x7], $0x500, $0x38;
	[tilespmem:$0x5FA0] =	vst v63  }
0x45: {  	_ =	swait.ge [sflag:s13], $0x500  }
0x46: {  	[sflag:s13] =	ssyncset.done $0x0  }
0x47: {  	s10 =	rddreg [dreg:$0x15];
	[sflag:s13] =	ssyncadd.s32 $0xFFFFFB00  }
0x48: {  	[spmem:s10] =	stream.linear.scatter [tilespmem:s12], [sflag:$0x7], $0x500, $0x38;
	[tilespmem:$0x5FA0] =	vst v63  }
0x49: {  	_ =	swait.ge [sflag:s13], $0x500  }
0x4a: {  	s31 =	simm.s32 @!p0 $0x7;
	[sflag:s13] =	ssyncset.done $0x0  }
0x4b: {  	s0 =	simm.s32 @!p0 $0x280;
	s4 =	rddreg [dreg:$0x17];
	[sflag:s13] =	ssyncadd.s32 $0xFFFFFB00  }
0x4c: {  	[spmem:s4] =	stream.linear.scatter @!p0 [tilespmem:s0], [sflag:$0x7], $0x500, $0x38;
	[tilespmem:$0x5FA0] =	vst v63  }
0x4d: {  	_ =	swait.ge @!p0 [sflag:s31], $0x500  }
0x4e: {  	[sflag:s31] =	ssyncset.done @!p0 $0x0  }
0x4f: {  	s4 =	rddreg [dreg:$0xc];
	[sflag:s31] =	ssyncadd.s32 @!p0 $0xFFFFFB00  }
0x50: {  	[spmem:s4] =	stream.linear.scatter @!p0 [tilespmem:s0], [sflag:$0x7], $0x500, $0x38;
	[tilespmem:$0x5FA0] =	vst v63  }
0x51: {  	_ =	swait.ge @!p0 [sflag:s31], $0x500  }
0x52: {  	[sflag:s31] =	ssyncset.done @!p0 $0x0  }
0x53: {  	s4 =	rddreg [dreg:$0xd];
	[sflag:s31] =	ssyncadd.s32 @!p0 $0xFFFFFB00  }
0x54: {  	[spmem:s4] =	stream.linear.scatter @!p0 [tilespmem:s0], [sflag:$0x7], $0x500, $0x38;
	[tilespmem:$0x5FA0] =	vst v63  }
0x55: {  	_ =	swait.ge @!p0 [sflag:s31], $0x500  }
0x56: {  	[sflag:s31] =	ssyncset.done @!p0 $0x0  }
0x57: {  	s30 =	rddreg [dreg:$0xe];
	[sflag:s31] =	ssyncadd.s32 @!p0 $0xFFFFFB00  }
0x58: {  	[spmem:s30] =	stream.linear.scatter [tilespmem:s12], [sflag:$0x7], $0x500, $0x38;
	[tilespmem:$0x5FA0] =	vst v63  }
0x59: {  	_ =	swait.ge [sflag:s13], $0x500  }
0x5a: {  	[sflag:s13] =	ssyncset.done $0x0  }
0x5b: {  	s6 =	rddreg [dreg:$0x10];
	[sflag:s13] =	ssyncadd.s32 $0xFFFFFB00  }
0x5c: {  	[spmem:s6] =	stream.linear.scatter [tilespmem:s12], [sflag:$0x7], $0x500, $0x38;
	[tilespmem:$0x5FA0] =	vst v63  }
0x5d: {  	_ =	swait.ge [sflag:s13], $0x500  }
0x5e: {  	[sflag:s13] =	ssyncset.done $0x0  }
0x5f: {  	s7 =	rddreg [dreg:$0x12];
	[sflag:s13] =	ssyncadd.s32 $0xFFFFFB00  }
0x60: {  	[spmem:s7] =	stream.linear.scatter [tilespmem:s12], [sflag:$0x7], $0x500, $0x38;
	[tilespmem:$0x5FA0] =	vst v63  }
0x61: {  	_ =	swait.ge [sflag:s13], $0x500  }
0x62: {  	[sflag:s13] =	ssyncset.done $0x0  }
0x63: {  	s10 =	rddreg [dreg:$0x14];
	[sflag:s13] =	ssyncadd.s32 $0xFFFFFB00  }
0x64: {  	[spmem:s10] =	stream.linear.scatter [tilespmem:s12], [sflag:$0x7], $0x500, $0x38;
	[tilespmem:$0x5FA0] =	vst v63  }
0x65: {  	_ =	swait.ge [sflag:s13], $0x500  }
0x66: {  	[sflag:s13] =	ssyncset.done $0x0  }
0x67: {  	s30 =	rddreg [dreg:$0x16];
	[sflag:s13] =	ssyncadd.s32 $0xFFFFFB00  }
0x68: {  	[spmem:s30] =	stream.linear.scatter [tilespmem:s12], [sflag:$0x7], $0x500, $0x38;
	[tilespmem:$0x5FA0] =	vst v63  }
0x69: {  	_ =	swait.ge [sflag:s13], $0x500  }
0x6a: {  	[sflag:s13] =	ssyncset.done $0x0  }
0x6b: {  	s4 =	rddreg [dreg:$0x18];
	[sflag:s13] =	ssyncadd.s32 $0xFFFFFB00  }
0x6c: {  	[spmem:s4] =	stream.linear.scatter @!p0 [tilespmem:s0], [sflag:$0x7], $0x500, $0x38;
	[tilespmem:$0x5FA0] =	vst v63  }
0x6d: {  	_ =	swait.ge @!p0 [sflag:s31], $0x500  }
0x6e: {  	[sflag:s31] =	ssyncset.done @!p0 $0x0  }
0x6f: {  	s4 =	rddreg [dreg:$0x1b];
	[sflag:s31] =	ssyncadd.s32 @!p0 $0xFFFFFB00  }
0x70: {  	[spmem:s4] =	stream.linear.scatter @!p0 [tilespmem:s0], [sflag:$0x7], $0x500, $0x38;
	[tilespmem:$0x5FA0] =	vst v63  }
0x71: {  	_ =	swait.ge @!p0 [sflag:s31], $0x500  }
0x72: {  	[sflag:s31] =	ssyncset.done @!p0 $0x0  }
0x73: {  	s4 =	rddreg [dreg:$0x1c];
	[sflag:s31] =	ssyncadd.s32 @!p0 $0xFFFFFB00  }
0x74: {  	[spmem:s4] =	stream.linear.scatter @!p0 [tilespmem:s0], [sflag:$0x7], $0x500, $0x38;
	[tilespmem:$0x5FA0] =	vst v63  }
0x75: {  	_ =	swait.ge @!p0 [sflag:s31], $0x500  }
0x76: {  	[sflag:s31] =	ssyncset.done @!p0 $0x0  }
0x77: {  	[sflag:s31] =	ssyncadd.s32 @!p0 $0xFFFFFB00  }
0x78: {  	[bflag:$0x0] =	sbarrier.arrive $0xFFFF  }
0x79: {  	s4 =	rddreg [dreg:$0xb]  }
0x7a: {  	[tilespmem:s3], [sflag:$0x7] =	stream.linear.gather [hbm4b:s4+s3], $0x280, $0x38;
	[tilespmem:$0x5FA0] =	vst v63  }
0x7b: {  	_ =	swait.ge [sflag:s13], $0x280  }
0x7c: {  	[sflag:s13] =	ssyncset.done $0x0;
	s6 =	rddreg [dreg:$0xa]  }
0x7d: {  	s7 =	sld [smem:$0x7FC];
	[sflag:s13] =	ssyncadd.s32 $0xFFFFFD80  }
0x7e: {  	[tilespmem:s12], [sflag:$0x1] =	stream.linear.gather [hbm4b:s6+s3], $0x500, $0x38;
	[tilespmem:$0x5FA0] =	vst v63  }
0x7f: {  	_ = 	snop  }
0x80: {  	[tilespmem:s14], [sflag:$0x2] =	stream.linear.gather [hbm4b:s7+s3], $0x500, $0x38;
	[tilespmem:$0x5FA0] =	vst v63  }
0x81: {  	_ =	swait.ge [sflag:s15], $0x500  }
0x82: {  	[sflag:s15] =	ssyncset.done $0x0  }
0x83: {  	[sflag:s15] =	ssyncadd.s32 $0xFFFFFB00  }
0x84: {  	[spmem:s1] =	stream.indirect.scatter.add.f32 [tilespmem:s12], [sflag:$0x3], $0x10, s3, s8, $0xb8;
	[tilespmem:$0x5FA0] =	vst v63  }
0x85: {  	_ = 	snop  }
0x86: {  	[spmem:s2] =	stream.indirect.scatter.add.f32 [tilespmem:s16], [sflag:$0x5], $0x10, s3, s8, $0xb8;
	[tilespmem:$0x5FA0] =	vst v63  }
0x87: {  	_ =	swait.ge [sflag:s11], $0x500  }
0x88: {  	[sflag:s11] =	ssyncset.done $0x0  }
0x89: {  	[sflag:s11] =	ssyncadd.s32 $0xFFFFFB00  }
0x8a: {  	[spmem:s1] =	stream.indirect.scatter.add.f32 [tilespmem:s14], [sflag:$0x4], $0x10, s8, s8, $0xb8;
	[tilespmem:$0x5FA0] =	vst v63  }
0x8b: {  	_ = 	snop  }
0x8c: {  	[spmem:s2] =	stream.indirect.scatter.add.f32 [tilespmem:s16], [sflag:$0x6], $0x10, s8, s8, $0xb8;
	[tilespmem:$0x5FA0] =	vst v63  }
0x8d: {  	_ =	swait.ge [sflag:s17], $0x500  }
0x8e: {  	[sflag:s17] =	ssyncset.done $0x0  }
0x8f: {  	[sflag:s17] =	ssyncadd.s32 $0xFFFFFB00  }
0x90: {  	_ =	swait.ge [sflag:s18], $0x500  }
0x91: {  	[sflag:s18] =	ssyncset.done $0x0  }
0x92: {  	s10 =	sadd.s32 $0xFFFFFBA0, s9;
	[sflag:s18] =	ssyncadd.s32 $0xFFFFFB00  }
0x93: {  	[tilespmem:s12], [sflag:$0x1] =	stream.linear.gather [hbm4b:s10+s3], $0x500, $0x38;
	[tilespmem:$0x5FA0] =	vst v63  }
0x94: {  	_ =	swait.ge [sflag:s19], $0x500  }
0x95: {  	[sflag:s19] =	ssyncset.done $0x0  }
0x96: {  	[sflag:s19] =	ssyncadd.s32 $0xFFFFFB00  }
0x97: {  	_ =	swait.ge [sflag:s20], $0x500  }
0x98: {  	[sflag:s20] =	ssyncset.done $0x0  }
0x99: {  	s30 =	sadd.s32 $0xFFFFFC40, s9;
	[sflag:s20] =	ssyncadd.s32 $0xFFFFFB00  }
0x9a: {  	[tilespmem:s14], [sflag:$0x2] =	stream.linear.gather [hbm4b:s30+s3], $0x500, $0x38;
	[tilespmem:$0x5FA0] =	vst v63  }
0x9b: {  	_ =	swait.ge [sflag:s15], $0x500  }
0x9c: {  	[sflag:s15] =	ssyncset.done $0x0  }
0x9d: {  	[sflag:s15] =	ssyncadd.s32 $0xFFFFFB00  }
0x9e: {  	[spmem:s1] =	stream.indirect.scatter.add.f32 [tilespmem:s12], [sflag:$0x3], $0x10, s21, s8, $0xb8;
	[tilespmem:$0x5FA0] =	vst v63  }
0x9f: {  	_ = 	snop  }
0xa0: {  	[spmem:s2] =	stream.indirect.scatter.add.f32 [tilespmem:s16], [sflag:$0x5], $0x10, s21, s8, $0xb8;
	[tilespmem:$0x5FA0] =	vst v63  }
0xa1: {  	_ =	swait.ge [sflag:s11], $0x500  }
0xa2: {  	[sflag:s11] =	ssyncset.done $0x0  }
0xa3: {  	[sflag:s11] =	ssyncadd.s32 $0xFFFFFB00  }
0xa4: {  	[spmem:s1] =	stream.indirect.scatter.add.f32 [tilespmem:s14], [sflag:$0x4], $0x10, s22, s8, $0xb8;
	[tilespmem:$0x5FA0] =	vst v63  }
0xa5: {  	_ = 	snop  }
0xa6: {  	[spmem:s2] =	stream.indirect.scatter.add.f32 [tilespmem:s16], [sflag:$0x6], $0x10, s22, s8, $0xb8;
	[tilespmem:$0x5FA0] =	vst v63  }
0xa7: {  	_ =	swait.ge [sflag:s17], $0x500  }
0xa8: {  	[sflag:s17] =	ssyncset.done $0x0  }
0xa9: {  	[sflag:s17] =	ssyncadd.s32 $0xFFFFFB00  }
0xaa: {  	_ =	swait.ge [sflag:s18], $0x500  }
0xab: {  	[sflag:s18] =	ssyncset.done $0x0  }
0xac: {  	s4 =	sadd.s32 $0xFFFFFCE0, s9;
	[sflag:s18] =	ssyncadd.s32 $0xFFFFFB00  }
0xad: {  	[tilespmem:s12], [sflag:$0x1] =	stream.linear.gather [hbm4b:s4+s3], $0x500, $0x38;
	[tilespmem:$0x5FA0] =	vst v63  }
0xae: {  	_ =	swait.ge [sflag:s19], $0x500  }
0xaf: {  	[sflag:s19] =	ssyncset.done $0x0  }
0xb0: {  	[sflag:s19] =	ssyncadd.s32 $0xFFFFFB00  }
0xb1: {  	_ =	swait.ge [sflag:s20], $0x500  }
0xb2: {  	[sflag:s20] =	ssyncset.done $0x0  }
0xb3: {  	s6 =	sadd.s32 $0xFFFFFD80, s9;
	[sflag:s20] =	ssyncadd.s32 $0xFFFFFB00  }
0xb4: {  	[tilespmem:s14], [sflag:$0x2] =	stream.linear.gather [hbm4b:s6+s3], $0x500, $0x38;
	[tilespmem:$0x5FA0] =	vst v63  }
0xb5: {  	_ =	swait.ge [sflag:s15], $0x500  }
0xb6: {  	[sflag:s15] =	ssyncset.done $0x0  }
0xb7: {  	[sflag:s15] =	ssyncadd.s32 $0xFFFFFB00  }
0xb8: {  	[spmem:s1] =	stream.indirect.scatter.add.f32 [tilespmem:s12], [sflag:$0x3], $0x10, s23, s8, $0xb8;
	[tilespmem:$0x5FA0] =	vst v63  }
0xb9: {  	_ = 	snop  }
0xba: {  	[spmem:s2] =	stream.indirect.scatter.add.f32 [tilespmem:s16], [sflag:$0x5], $0x10, s23, s8, $0xb8;
	[tilespmem:$0x5FA0] =	vst v63  }
0xbb: {  	_ =	swait.ge [sflag:s11], $0x500  }
0xbc: {  	[sflag:s11] =	ssyncset.done $0x0  }
0xbd: {  	[sflag:s11] =	ssyncadd.s32 $0xFFFFFB00  }
0xbe: {  	[spmem:s1] =	stream.indirect.scatter.add.f32 [tilespmem:s14], [sflag:$0x4], $0x10, s24, s8, $0xb8;
	[tilespmem:$0x5FA0] =	vst v63  }
0xbf: {  	_ = 	snop  }
0xc0: {  	[spmem:s2] =	stream.indirect.scatter.add.f32 [tilespmem:s16], [sflag:$0x6], $0x10, s24, s8, $0xb8;
	[tilespmem:$0x5FA0] =	vst v63  }
0xc1: {  	_ =	swait.ge [sflag:s17], $0x500  }
0xc2: {  	[sflag:s17] =	ssyncset.done $0x0  }
0xc3: {  	[sflag:s17] =	ssyncadd.s32 $0xFFFFFB00  }
0xc4: {  	_ =	swait.ge [sflag:s18], $0x500  }
0xc5: {  	[sflag:s18] =	ssyncset.done $0x0  }
0xc6: {  	s7 =	sadd.s32 $0xFFFFFE20, s9;
	[sflag:s18] =	ssyncadd.s32 $0xFFFFFB00  }
0xc7: {  	[tilespmem:s12], [sflag:$0x1] =	stream.linear.gather [hbm4b:s7+s3], $0x500, $0x38;
	[tilespmem:$0x5FA0] =	vst v63  }
0xc8: {  	_ =	swait.ge [sflag:s19], $0x500  }
0xc9: {  	[sflag:s19] =	ssyncset.done $0x0  }
0xca: {  	[sflag:s19] =	ssyncadd.s32 $0xFFFFFB00  }
0xcb: {  	_ =	swait.ge [sflag:s20], $0x500  }
0xcc: {  	[sflag:s20] =	ssyncset.done $0x0  }
0xcd: {  	s10 =	sadd.s32 $0xFFFFFEC0, s9;
	[sflag:s20] =	ssyncadd.s32 $0xFFFFFB00  }
0xce: {  	[tilespmem:s14], [sflag:$0x2] =	stream.linear.gather [hbm4b:s10+s3], $0x500, $0x38;
	[tilespmem:$0x5FA0] =	vst v63  }
0xcf: {  	_ =	swait.ge [sflag:s15], $0x500  }
0xd0: {  	[sflag:s15] =	ssyncset.done $0x0  }
0xd1: {  	[sflag:s15] =	ssyncadd.s32 $0xFFFFFB00  }
0xd2: {  	[spmem:s1] =	stream.indirect.scatter.add.f32 [tilespmem:s12], [sflag:$0x3], $0x10, s25, s8, $0xb8;
	[tilespmem:$0x5FA0] =	vst v63  }
0xd3: {  	_ = 	snop  }
0xd4: {  	[spmem:s2] =	stream.indirect.scatter.add.f32 [tilespmem:s16], [sflag:$0x5], $0x10, s25, s8, $0xb8;
	[tilespmem:$0x5FA0] =	vst v63  }
0xd5: {  	_ =	swait.ge [sflag:s11], $0x500  }
0xd6: {  	[sflag:s11] =	ssyncset.done $0x0  }
0xd7: {  	[sflag:s11] =	ssyncadd.s32 $0xFFFFFB00  }
0xd8: {  	[spmem:s1] =	stream.indirect.scatter.add.f32 [tilespmem:s14], [sflag:$0x4], $0x10, s26, s8, $0xb8;
	[tilespmem:$0x5FA0] =	vst v63  }
0xd9: {  	_ = 	snop  }
0xda: {  	[spmem:s2] =	stream.indirect.scatter.add.f32 [tilespmem:s16], [sflag:$0x6], $0x10, s26, s8, $0xb8;
	[tilespmem:$0x5FA0] =	vst v63  }
0xdb: {  	_ =	swait.ge [sflag:s17], $0x500  }
0xdc: {  	[sflag:s17] =	ssyncset.done $0x0  }
0xdd: {  	[sflag:s17] =	ssyncadd.s32 $0xFFFFFB00  }
0xde: {  	_ =	swait.ge [sflag:s18], $0x500  }
0xdf: {  	[sflag:s18] =	ssyncset.done $0x0  }
0xe0: {  	[sflag:s18] =	ssyncadd.s32 $0xFFFFFB00  }
0xe1: {  	_ =	swait.ge [sflag:s19], $0x500  }
0xe2: {  	[sflag:s19] =	ssyncset.done $0x0  }
0xe3: {  	[sflag:s19] =	ssyncadd.s32 $0xFFFFFB00  }
0xe4: {  	p2 =	sle.u32 s5, $0x8;
	_ =	swait.ge [sflag:s20], $0x500  }
0xe5: {  	s4 =	simm.s32 @!p2 $0x7;
	[sflag:s20] =	ssyncset.done $0x0  }
0xe6: {  	s10 =	simm.s32 @!p2 $0x0;
	s7 =	rddreg [dreg:$0x1a];
	[sflag:s20] =	ssyncadd.s32 $0xFFFFFB00  }
0xe7: {  	[tilespmem:s10], [sflag:$0x7] =	stream.linear.gather @!p2 [hbm4b:s7+s10], $0x280, $0x38;
	[tilespmem:$0x5FA0] =	vst v63  }
0xe8: {  	_ =	swait.ge @!p2 [sflag:s4], $0x280  }
0xe9: {  	s30 =	sld [smem:$0x7FD];
	_ =	sdelay $0x2  }
0xea: {  	s0 =	sadd.s32 $0xFFFFFFFF, s30  }
0xeb: {  	p1 =	sne.s32 s0, $0x0  }
.Ltmp1:
0xec: {  	_ = 	snop;
	(pc) =	sbr.rel @!p1 .LBB2_5-.Ltmp1, $4  }
0xed: {  	s28 =	smov.u32 s9;
	s29 =	simm.s32 @!p2 $0x780;
	[sflag:s4] =	ssyncset.done @!p2 $0x0  }
0xee: {  	s6 =	simm.s32 @!p2 $0x280;
	[sflag:s4] =	ssyncadd.s32 @!p2 $0xFFFFFD80;
	s4 =	sadd.s32 @!p2 $0xFFFFFF60, s9  }
0xef: {  	[tilespmem:s6], [sflag:$0x1] =	stream.linear.gather @!p2 [hbm4b:s4+s10], $0x500, $0x38;
	[tilespmem:$0x5FA0] =	vst v63  }
0xf0: {  	s7 =	sadd.s32 $0x50, s7;
	s4 =	simm.s32 $0x10;
	s6 =	sadd.s32 $0x500, s9  }
.LBB2_4:
0xf1: {  	[tilespmem:s29], [sflag:$0x2] =	stream.linear.gather @!p2 [hbm4b:s28+s10], $0x500, $0x38;
	[tilespmem:$0x5FA0] =	vst v63  }
0xf2: {  	s0 =	sadd.s32 $0xFFFFFFFF, s0;
	s28 =	smov.u32 s6;
	_ =	swait.ge [sflag:s15], $0x500  }
0xf3: {  	p1 =	sne.s32 s0, $0x0;
	[sflag:s15] =	ssyncset.done $0x0  }
0xf4: {  	[sflag:s15] =	ssyncadd.s32 $0xFFFFFB00  }
0xf5: {  	[spmem:s1] =	stream.indirect.scatter.add.f32 [tilespmem:s12], [sflag:$0x3], $0x10, s3, s8, $0xb8;
	[tilespmem:$0x5FA0] =	vst v63  }
0xf6: {  	_ = 	snop  }
0xf7: {  	[spmem:s2] =	stream.indirect.scatter.add.f32 [tilespmem:s16], [sflag:$0x5], $0x10, s3, s8, $0xb8;
	[tilespmem:$0x5FA0] =	vst v63  }
0xf8: {  	_ =	swait.ge [sflag:s11], $0x500  }
0xf9: {  	[sflag:s11] =	ssyncset.done $0x0  }
0xfa: {  	[sflag:s11] =	ssyncadd.s32 $0xFFFFFB00  }
0xfb: {  	[spmem:s1] =	stream.indirect.scatter.add.f32 [tilespmem:s14], [sflag:$0x4], $0x10, s8, s8, $0xb8;
	[tilespmem:$0x5FA0] =	vst v63  }
0xfc: {  	_ = 	snop  }
0xfd: {  	[spmem:s2] =	stream.indirect.scatter.add.f32 [tilespmem:s16], [sflag:$0x6], $0x10, s8, s8, $0xb8;
	[tilespmem:$0x5FA0] =	vst v63  }
0xfe: {  	_ =	swait.ge [sflag:s17], $0x500  }
0xff: {  	[sflag:s17] =	ssyncset.done $0x0  }
0x100: {  	[sflag:s17] =	ssyncadd.s32 $0xFFFFFB00  }
0x101: {  	_ =	swait.ge [sflag:s18], $0x500  }
0x102: {  	[sflag:s18] =	ssyncset.done $0x0  }
0x103: {  	s10 =	sadd.s32 $0xFFFFFBA0, s6;
	[sflag:s18] =	ssyncadd.s32 $0xFFFFFB00  }
0x104: {  	[tilespmem:s12], [sflag:$0x1] =	stream.linear.gather [hbm4b:s10+s3], $0x500, $0x38;
	[tilespmem:$0x5FA0] =	vst v63  }
0x105: {  	_ =	swait.ge [sflag:s19], $0x500  }
0x106: {  	[sflag:s19] =	ssyncset.done $0x0  }
0x107: {  	[sflag:s19] =	ssyncadd.s32 $0xFFFFFB00  }
0x108: {  	_ =	swait.ge [sflag:s20], $0x500  }
0x109: {  	[sflag:s20] =	ssyncset.done $0x0  }
0x10a: {  	s10 =	sadd.s32 $0xFFFFFC40, s6;
	[sflag:s20] =	ssyncadd.s32 $0xFFFFFB00  }
0x10b: {  	[tilespmem:s14], [sflag:$0x2] =	stream.linear.gather [hbm4b:s10+s3], $0x500, $0x38;
	[tilespmem:$0x5FA0] =	vst v63  }
0x10c: {  	_ =	swait.ge [sflag:s15], $0x500  }
0x10d: {  	[sflag:s15] =	ssyncset.done $0x0  }
0x10e: {  	[sflag:s15] =	ssyncadd.s32 $0xFFFFFB00  }
0x10f: {  	[spmem:s1] =	stream.indirect.scatter.add.f32 [tilespmem:s12], [sflag:$0x3], $0x10, s21, s8, $0xb8;
	[tilespmem:$0x5FA0] =	vst v63  }
0x110: {  	_ = 	snop  }
0x111: {  	[spmem:s2] =	stream.indirect.scatter.add.f32 [tilespmem:s16], [sflag:$0x5], $0x10, s21, s8, $0xb8;
	[tilespmem:$0x5FA0] =	vst v63  }
0x112: {  	_ =	swait.ge [sflag:s11], $0x500  }
0x113: {  	[sflag:s11] =	ssyncset.done $0x0  }
0x114: {  	[sflag:s11] =	ssyncadd.s32 $0xFFFFFB00  }
0x115: {  	[spmem:s1] =	stream.indirect.scatter.add.f32 [tilespmem:s14], [sflag:$0x4], $0x10, s22, s8, $0xb8;
	[tilespmem:$0x5FA0] =	vst v63  }
0x116: {  	_ = 	snop  }
0x117: {  	[spmem:s2] =	stream.indirect.scatter.add.f32 [tilespmem:s16], [sflag:$0x6], $0x10, s22, s8, $0xb8;
	[tilespmem:$0x5FA0] =	vst v63  }
0x118: {  	_ =	swait.ge [sflag:s17], $0x500  }
0x119: {  	[sflag:s17] =	ssyncset.done $0x0  }
0x11a: {  	[sflag:s17] =	ssyncadd.s32 $0xFFFFFB00  }
0x11b: {  	_ =	swait.ge [sflag:s18], $0x500  }
0x11c: {  	[sflag:s18] =	ssyncset.done $0x0  }
0x11d: {  	s10 =	sadd.s32 $0xFFFFFCE0, s6;
	[sflag:s18] =	ssyncadd.s32 $0xFFFFFB00  }
0x11e: {  	[tilespmem:s12], [sflag:$0x1] =	stream.linear.gather [hbm4b:s10+s3], $0x500, $0x38;
	[tilespmem:$0x5FA0] =	vst v63  }
0x11f: {  	_ =	swait.ge [sflag:s19], $0x500  }
0x120: {  	[sflag:s19] =	ssyncset.done $0x0  }
0x121: {  	[sflag:s19] =	ssyncadd.s32 $0xFFFFFB00  }
0x122: {  	_ =	swait.ge [sflag:s20], $0x500  }
0x123: {  	[sflag:s20] =	ssyncset.done $0x0  }
0x124: {  	s10 =	sadd.s32 $0xFFFFFD80, s6;
	[sflag:s20] =	ssyncadd.s32 $0xFFFFFB00  }
0x125: {  	[tilespmem:s14], [sflag:$0x2] =	stream.linear.gather [hbm4b:s10+s3], $0x500, $0x38;
	[tilespmem:$0x5FA0] =	vst v63  }
0x126: {  	_ =	swait.ge [sflag:s15], $0x500  }
0x127: {  	[sflag:s15] =	ssyncset.done $0x0  }
0x128: {  	[sflag:s15] =	ssyncadd.s32 $0xFFFFFB00  }
0x129: {  	[spmem:s1] =	stream.indirect.scatter.add.f32 [tilespmem:s12], [sflag:$0x3], $0x10, s23, s8, $0xb8;
	[tilespmem:$0x5FA0] =	vst v63  }
0x12a: {  	_ = 	snop  }
0x12b: {  	[spmem:s2] =	stream.indirect.scatter.add.f32 [tilespmem:s16], [sflag:$0x5], $0x10, s23, s8, $0xb8;
	[tilespmem:$0x5FA0] =	vst v63  }
0x12c: {  	_ =	swait.ge [sflag:s11], $0x500  }
0x12d: {  	[sflag:s11] =	ssyncset.done $0x0  }
0x12e: {  	[sflag:s11] =	ssyncadd.s32 $0xFFFFFB00  }
0x12f: {  	[spmem:s1] =	stream.indirect.scatter.add.f32 [tilespmem:s14], [sflag:$0x4], $0x10, s24, s8, $0xb8;
	[tilespmem:$0x5FA0] =	vst v63  }
0x130: {  	_ = 	snop  }
0x131: {  	[spmem:s2] =	stream.indirect.scatter.add.f32 [tilespmem:s16], [sflag:$0x6], $0x10, s24, s8, $0xb8;
	[tilespmem:$0x5FA0] =	vst v63  }
0x132: {  	_ =	swait.ge [sflag:s17], $0x500  }
0x133: {  	[sflag:s17] =	ssyncset.done $0x0  }
0x134: {  	[sflag:s17] =	ssyncadd.s32 $0xFFFFFB00  }
0x135: {  	_ =	swait.ge [sflag:s18], $0x500  }
0x136: {  	[sflag:s18] =	ssyncset.done $0x0  }
0x137: {  	s10 =	sadd.s32 $0xFFFFFE20, s6;
	[sflag:s18] =	ssyncadd.s32 $0xFFFFFB00  }
0x138: {  	[tilespmem:s12], [sflag:$0x1] =	stream.linear.gather [hbm4b:s10+s3], $0x500, $0x38;
	[tilespmem:$0x5FA0] =	vst v63  }
0x139: {  	_ =	swait.ge [sflag:s19], $0x500  }
0x13a: {  	[sflag:s19] =	ssyncset.done $0x0  }
0x13b: {  	[sflag:s19] =	ssyncadd.s32 $0xFFFFFB00  }
0x13c: {  	_ =	swait.ge [sflag:s20], $0x500  }
0x13d: {  	[sflag:s20] =	ssyncset.done $0x0  }
0x13e: {  	s10 =	sadd.s32 $0xFFFFFEC0, s6;
	[sflag:s20] =	ssyncadd.s32 $0xFFFFFB00  }
0x13f: {  	[tilespmem:s14], [sflag:$0x2] =	stream.linear.gather [hbm4b:s10+s3], $0x500, $0x38;
	[tilespmem:$0x5FA0] =	vst v63  }
0x140: {  	_ =	swait.ge [sflag:s15], $0x500  }
0x141: {  	[sflag:s15] =	ssyncset.done $0x0  }
0x142: {  	[sflag:s15] =	ssyncadd.s32 $0xFFFFFB00  }
0x143: {  	[spmem:s1] =	stream.indirect.scatter.add.f32 [tilespmem:s12], [sflag:$0x3], $0x10, s25, s8, $0xb8;
	[tilespmem:$0x5FA0] =	vst v63  }
0x144: {  	_ = 	snop  }
0x145: {  	[spmem:s2] =	stream.indirect.scatter.add.f32 [tilespmem:s16], [sflag:$0x5], $0x10, s25, s8, $0xb8;
	[tilespmem:$0x5FA0] =	vst v63  }
0x146: {  	_ =	swait.ge [sflag:s11], $0x500  }
0x147: {  	[sflag:s11] =	ssyncset.done $0x0  }
0x148: {  	[sflag:s11] =	ssyncadd.s32 $0xFFFFFB00  }
0x149: {  	[spmem:s1] =	stream.indirect.scatter.add.f32 [tilespmem:s14], [sflag:$0x4], $0x10, s26, s8, $0xb8;
	[tilespmem:$0x5FA0] =	vst v63  }
0x14a: {  	_ = 	snop  }
0x14b: {  	[spmem:s2] =	stream.indirect.scatter.add.f32 [tilespmem:s16], [sflag:$0x6], $0x10, s26, s8, $0xb8;
	[tilespmem:$0x5FA0] =	vst v63  }
0x14c: {  	_ =	swait.ge [sflag:s17], $0x500  }
0x14d: {  	[sflag:s17] =	ssyncset.done $0x0  }
0x14e: {  	[sflag:s17] =	ssyncadd.s32 $0xFFFFFB00  }
0x14f: {  	_ =	swait.ge [sflag:s18], $0x500  }
0x150: {  	[sflag:s18] =	ssyncset.done $0x0  }
0x151: {  	[sflag:s18] =	ssyncadd.s32 $0xFFFFFB00  }
0x152: {  	_ =	swait.ge [sflag:s19], $0x500  }
0x153: {  	[sflag:s19] =	ssyncset.done $0x0  }
0x154: {  	[sflag:s19] =	ssyncadd.s32 $0xFFFFFB00  }
0x155: {  	_ =	swait.ge [sflag:s20], $0x500  }
0x156: {  	p2 =	sge.u32 s4, s5;
	[sflag:s20] =	ssyncset.done $0x0  }
0x157: {  	s29 =	simm.s32 @!p2 $0x7;
	s10 =	simm.s32 @!p2 $0x0;
	[sflag:s20] =	ssyncadd.s32 $0xFFFFFB00  }
0x158: {  	[tilespmem:s10], [sflag:$0x7] =	stream.linear.gather @!p2 [hbm4b:s7+s10], $0x280, $0x38;
	[tilespmem:$0x5FA0] =	vst v63  }
.Ltmp2:
0x159: {  	_ =	swait.ge @!p2 [sflag:s29], $0x280;
	(pc) =	sbr.rel @p1 .LBB2_4-.Ltmp2, $4  }
0x15a: {  	s4 =	sadd.s32 $0x8, s4;
	[sflag:s29] =	ssyncset.done @!p2 $0x0  }
0x15b: {  	s30 =	simm.s32 @!p2 $0x280;
	[sflag:s29] =	ssyncadd.s32 @!p2 $0xFFFFFD80;
	s29 =	sadd.s32 @!p2 $0xFFFFFF60, s6  }
0x15c: {  	[tilespmem:s30], [sflag:$0x1] =	stream.linear.gather @!p2 [hbm4b:s29+s10], $0x500, $0x38;
	[tilespmem:$0x5FA0] =	vst v63  }
0x15d: {  	s7 =	sadd.s32 $0x50, s7;
	s6 =	sadd.s32 $0x500, s6;
	s29 =	simm.s32 @!p2 $0x780  }
.LBB2_5:
0x15e: {  	[tilespmem:s29], [sflag:$0x2] =	stream.linear.gather @!p2 [hbm4b:s28+s10], $0x500, $0x38;
	[tilespmem:$0x5FA0] =	vst v63  }
0x15f: {  	[bflag:$0x0] =	sbarrier.arrive $0xFFFF  }
0x160: {  	s4 =	rddreg [dreg:$0x8]  }
0x161: {  	s0 =	simm.s32 @p0 $0x1FC7;
	s6 =	rddreg [dreg:$0x1d]  }
0x162: {  	[hbm:s4], [sflag:s0] =	dma.local @p0 [spmem:s6], $0x320  }
0x163: {  	s4 =	simm.s32 @p0 $0x7  }
0x164: {  	_ =	swait.ge @p0 [sflag:s4], $0x320  }
0x165: {  	[sflag:s4] =	ssyncset.done @p0 $0x0;
	s6 =	rddreg [dreg:$0x9]  }
0x166: {  	s7 =	rddreg [dreg:$0x1e];
	[sflag:s4] =	ssyncadd.s32 @p0 $0xFFFFFCE0  }
0x167: {  	[hbm:s6], [sflag:s0] =	dma.local @p0 [spmem:s7], $0x320  }
0x168: {  	s0 =	stileid.u32;
	_ =	swait.ge @p0 [sflag:s4], $0x320  }
0x169: {  	s0 =	sshll.u32 @!p0 s0, $0x6;
	[sflag:s4] =	ssyncset.done @p0 $0x0;
	s6 =	rddreg [dreg:$0x1f]  }
0x16a: {  	s0 =	sor.u32 @!p0 $0x1C07, s0;
	[sflag:s4] =	ssyncadd.s32 @p0 $0xFFFFFCE0;
	s4 =	rddreg [dreg:$0x6]  }
0x16b: {  	[hbm:s4], [sflag:s0] =	dma.local @!p0 [spmem:s6], $0x500  }
0x16c: {  	_ =	swait.ge @!p0 [sflag:s31], $0x500  }
0x16d: {  	s6 =	sld [smem:$0x7FB]  }
0x16e: {  	[sflag:s31] =	ssyncset.done @!p0 $0x0  }
0x16f: {  	s4 =	rddreg [dreg:$0x7];
	[sflag:s31] =	ssyncadd.s32 @!p0 $0xFFFFFB00  }
0x170: {  	[hbm:s4], [sflag:s0] =	dma.local @!p0 [spmem:s6], $0x500  }
0x171: {  	_ =	swait.ge @!p0 [sflag:s31], $0x500  }
0x172: {  	s29 =	sld [smem:$0x7FA];
	_ =	sdelay $0x2  }
0x173: {  	s30 =	rddreg [dreg:$0x19];
	s4 =	sadd.s32 $0x1, s29  }
0x174: {  	p1 =	sne.s32 s4, s30  }
.Ltmp3:
0x175: {  	_ = 	snop;
	(pc) =	sbr.rel @p1 .LBB2_1-.Ltmp3, $3  }
0x176: {  	_ =	sdelay $0x1  }
0x177: {  	[sflag:s31] =	ssyncset.done @!p0 $0x0  }
0x178: {  	[sflag:s31] =	ssyncadd.s32 @!p0 $0xFFFFFB00  }
0x179: {  	_ =	sfence.sel $0x180000  }
0x17a: {  	[bflag:$0x0] =	sbarrier.arrive $0xFFFF  }
0x17b: {  	_ =	strace $0x90000047  }
0x17c: {  	s0 =	stileid.u32;
	[bflag:$0x2] =	sbarrier.arrive $0xFFFF  }
0x17d: {  	p0 =	sne.s32 s0, $0x0;
	s0 =	rddreg [dreg:$0x4]  }
0x17e: {  	s0 =	sadd.s32 @!p0 $0x100000, s0  }
0x17f: {  	[sflag:s0] =	ssyncadd.tile.s32 @!p0 $0x1;
	_ =	shalt  }
.Lfunc_end2:
_tile_overlayer_lowered:
.L_overlay_start_2:
0x180: {  	(tag) =	ssettag $0x2  }
0x181: {  	s0 =	rddreg [dreg:$0x0];
	s2 =	stileid.u32  }
0x182: {  	s1 =	rddreg [dreg:$0x1];
	p0 =	sne.s32 s2, $0x0  }
0x183: {  	s3 =	rddreg [dreg:$0x2];
	[bflag:$0x3] =	sbarrier.arrive $0xFFFF;
	s2 =	simm.s32 @!p0 $0x1C07  }
0x184: {  	[timem:s3], [sflag:s2] =	dma.local @!p0 [hbm:s0], s1  }
0x185: {  	s0 =	simm.s32 @!p0 $0x7  }
0x186: {  	_ =	swait.ge @!p0 [sflag:s0], s1  }
0x187: {  	s1 =	ssub.s32 @!p0 $0x0, s1;
	[sflag:s0] =	ssyncset.done @!p0 $0x0  }
0x188: {  	[sflag:s0] =	ssyncadd.s32 @!p0 s1  }
0x189: {  	[bflag:$0x3] =	sbarrier.arrive $0xFFFF  }
0x18a: {  	_ =	shalt  }

</sc_bundles>
